<compile_context>
chip_gen: v7x
topology: tpu7x:2x2x1
jax: 0.10.2.dev20260603
libtpu: 0.0.44.dev20260713+nightly
codegen_flags: <defaults>
</compile_context>

<pallas_src>
import jax
import jax.numpy as jnp
from jax import lax
from jax.experimental import pallas as pl
from jax.experimental.pallas import tpu as pltpu
from jax.experimental.pallas import tpu_sc as plsc

_NC = 2
_NS = 16
_NW = _NC * _NS
_C = 128
_PAD = 248


def _edge_layout(E):
  e_per_tile = -(-E // _NW)
  n_chunks = -(-e_per_tile // _C)
  n_chunks = ((n_chunks + 7) // 8) * 8
  if n_chunks % 2:
    n_chunks += 1
  return n_chunks, _NW * n_chunks * _C


def _stripes(NP):
  RS = 8 * ((NP + 8 * _NS - 1) // (8 * _NS))
  RS_LAST = NP - RS * (_NS - 1)
  assert 0 < RS_LAST <= RS
  return RS, RS_LAST


def _make_agg(N, E, W):
  NP = N + _PAD
  n_chunks, EP = _edge_layout(E)
  C = _C
  RS, RS_LAST = _stripes(NP)

  mesh = plsc.VectorSubcoreMesh(core_axis_name="c", subcore_axis_name="s")

  def body(x_hbm, srcr_hbm, dst_hbm, z_hbm, out_hbm, acc,
           src_i, d0, d1, d2, d3, rows0, rows1,
           sem0, sem1, semd0, semd1, semd2, semd3, sems0, sems1):
    cid = lax.axis_index("c")
    sid = lax.axis_index("s")
    wid = sid * _NC + cid
    r0 = sid * RS
    ebase = wid * n_chunks * C

    def stripe_chunks(L, fn):
      off = 0
      while off < L:
        ln = min(C, L - off)
        fn(off, ln)
        off += ln

    def per_stripe(fn):
      @pl.when(sid != _NS - 1)
      def _():
        fn(RS)

      @pl.when(sid == _NS - 1)
      def _():
        fn(RS_LAST)

    pltpu.sync_copy(srcr_hbm.at[pl.ds(wid * n_chunks, n_chunks)], src_i)

    pltpu.sync_copy(z_hbm, rows0)
    per_stripe(lambda L: stripe_chunks(L, lambda off, ln: pltpu.sync_copy(
        rows0.at[pl.ds(0, ln)], acc.at[pl.ds(r0 + off, ln)])))
    plsc.subcore_barrier()

    dbufs = [d0, d1, d2, d3]
    dsems = [semd0, semd1, semd2, semd3]
    rbufs = [rows0, rows1]
    gsems = [sem0, sem1]
    ssems = [sems0, sems1]
    n4 = n_chunks // 4
    assert n4 * 4 == n_chunks

    def fire_dst(i, slot):
      pltpu.async_copy(dst_hbm.at[pl.ds(ebase + i * C, C)], dbufs[slot],
                       dsems[slot])

    def fire_gather(i, b):
      pltpu.async_copy(x_hbm.at[src_i.at[i]], rbufs[b], gsems[b])

    def drain_scatter(b, slot):
      pltpu.make_async_copy(rbufs[b], acc.at[dbufs[slot]], ssems[b]).wait()

    for p in range(3):
      fire_dst(p, p)
    fire_gather(0, 0)

    def body2(j, carry):
      for k in range(4):
        b = k % 2
        s4 = k % 4
        i = 4 * j + k
        pltpu.make_async_copy(x_hbm.at[pl.ds(0, C)], rbufs[b],
                              gsems[b]).wait()
        pltpu.make_async_copy(dst_hbm.at[pl.ds(0, C)], dbufs[s4],
                              dsems[s4]).wait()
        pltpu.async_copy(rbufs[b], acc.at[dbufs[s4]], ssems[b], add=True)
        if k == 0:
          @pl.when(j > 0)
          def _():
            drain_scatter(1 - b, (s4 - 1) % 4)
        else:
          drain_scatter(1 - b, (s4 - 1) % 4)
        if k < 3:
          fire_gather(i + 1, 1 - b)
        else:
          @pl.when(j < n4 - 1)
          def _():
            fire_gather(i + 1, 1 - b)
        if k == 0:
          fire_dst(i + 3, (s4 + 3) % 4)
        else:
          @pl.when(j < n4 - 1)
          def _():
            fire_dst(i + 3, (s4 + 3) % 4)
      return carry

    lax.fori_loop(0, n4, body2, 0)
    drain_scatter((n_chunks - 1) % 2, (n_chunks - 1) % 4)
    plsc.subcore_barrier()

    h0 = cid * NP + r0

    def wb(L):
      def piece(off, ln):
        pltpu.sync_copy(acc.at[pl.ds(r0 + off, ln)], rows0.at[pl.ds(0, ln)])
        pltpu.sync_copy(rows0.at[pl.ds(0, ln)], out_hbm.at[pl.ds(h0 + off, ln)])
      stripe_chunks(L, piece)

    per_stripe(wb)

  return pl.kernel(
      body,
      out_type=[jax.ShapeDtypeStruct((_NC * NP, W), jnp.float32)],
      mesh=mesh,
      scratch_types=[
          pltpu.VMEM_SHARED((NP, W), jnp.float32),
          pltpu.VMEM((n_chunks, C), jnp.int32),
          pltpu.VMEM((C,), jnp.int32),
          pltpu.VMEM((C,), jnp.int32),
          pltpu.VMEM((C,), jnp.int32),
          pltpu.VMEM((C,), jnp.int32),
          pltpu.VMEM((C, W), jnp.float32),
          pltpu.VMEM((C, W), jnp.float32),
          pltpu.SemaphoreType.DMA,
          pltpu.SemaphoreType.DMA,
          pltpu.SemaphoreType.DMA,
          pltpu.SemaphoreType.DMA,
          pltpu.SemaphoreType.DMA,
          pltpu.SemaphoreType.DMA,
          pltpu.SemaphoreType.DMA,
          pltpu.SemaphoreType.DMA,
      ],
  )


def _make_cnt(N, E, W):
  NP = N + _PAD
  n_chunks, EP = _edge_layout(E)
  C = _C
  RS, RS_LAST = _stripes(NP)

  mesh = plsc.VectorSubcoreMesh(core_axis_name="c", subcore_axis_name="s")

  def body(dst_hbm, z_hbm, ones_hbm, out_hbm, acc,
           d0, d1, d2, d3, d4, d5, d6, d7, rows, ones_v,
           semd0, semd1, semd2, semd3, semd4, semd5, semd6, semd7, sems):
    cid = lax.axis_index("c")
    sid = lax.axis_index("s")
    wid = sid * _NC + cid
    r0 = sid * RS
    ebase = wid * n_chunks * C

    def stripe_chunks(L, fn):
      off = 0
      while off < L:
        ln = min(C, L - off)
        fn(off, ln)
        off += ln

    def per_stripe(fn):
      @pl.when(sid != _NS - 1)
      def _():
        fn(RS)

      @pl.when(sid == _NS - 1)
      def _():
        fn(RS_LAST)

    pltpu.sync_copy(z_hbm, rows)
    pltpu.sync_copy(ones_hbm, ones_v)
    per_stripe(lambda L: stripe_chunks(L, lambda off, ln: pltpu.sync_copy(
        rows.at[pl.ds(0, ln)], acc.at[pl.ds(r0 + off, ln)])))
    plsc.subcore_barrier()

    dbufs = [d0, d1, d2, d3, d4, d5, d6, d7]
    dsems = [semd0, semd1, semd2, semd3, semd4, semd5, semd6, semd7]
    n8 = n_chunks // 8
    assert n8 * 8 == n_chunks

    def load_dst(i, k):
      pltpu.async_copy(dst_hbm.at[pl.ds(ebase + i * C, C)], dbufs[k],
                       dsems[k])

    for k in range(8):
      load_dst(k, k)

    def body2(j, carry):
      for k in range(8):
        pltpu.make_async_copy(dst_hbm.at[pl.ds(0, C)], dbufs[k],
                              dsems[k]).wait()
        pltpu.async_copy(ones_v, acc.at[dbufs[k]], sems, add=True)
      for k in range(8):
        pltpu.make_async_copy(ones_v, acc.at[dbufs[k]], sems).wait()

      @pl.when(j < n8 - 1)
      def _():
        for k in range(8):
          load_dst(8 * (j + 1) + k, k)

      return carry

    lax.fori_loop(0, n8, body2, 0)
    plsc.subcore_barrier()

    h0 = cid * NP + r0

    def wb(L):
      def piece(off, ln):
        pltpu.sync_copy(acc.at[pl.ds(r0 + off, ln)], rows.at[pl.ds(0, ln)])
        pltpu.sync_copy(rows.at[pl.ds(0, ln)], out_hbm.at[pl.ds(h0 + off, ln)])
      stripe_chunks(L, piece)

    per_stripe(wb)

  return pl.kernel(
      body,
      out_type=[jax.ShapeDtypeStruct((_NC * NP, W), jnp.float32)],
      mesh=mesh,
      scratch_types=[
          pltpu.VMEM_SHARED((NP, W), jnp.float32),
          pltpu.VMEM((C,), jnp.int32),
          pltpu.VMEM((C,), jnp.int32),
          pltpu.VMEM((C,), jnp.int32),
          pltpu.VMEM((C,), jnp.int32),
          pltpu.VMEM((C,), jnp.int32),
          pltpu.VMEM((C,), jnp.int32),
          pltpu.VMEM((C,), jnp.int32),
          pltpu.VMEM((C,), jnp.int32),
          pltpu.VMEM((C, W), jnp.float32),
          pltpu.VMEM((C, W), jnp.float32),
          pltpu.SemaphoreType.DMA,
          pltpu.SemaphoreType.DMA,
          pltpu.SemaphoreType.DMA,
          pltpu.SemaphoreType.DMA,
          pltpu.SemaphoreType.DMA,
          pltpu.SemaphoreType.DMA,
          pltpu.SemaphoreType.DMA,
          pltpu.SemaphoreType.DMA,
          pltpu.SemaphoreType.DMA,
      ],
  )


def _mm_t(a, w):
  return lax.dot_general(a, w, (((1,), (1,)), ((), ())),
                         preferred_element_type=jnp.float32)


def _tc_layer1(acc2, cnt2, x, Wl, bl, Wr):
  N, D = x.shape
  H = Wl.shape[0]

  def body(acc_ref, cnt_ref, x_ref, wl_ref, bl_ref, wr_ref, o_ref):
    s = acc_ref[0, :N] + acc_ref[1, :N]
    c = cnt_ref[0, :N, 0:1] + cnt_ref[1, :N, 0:1]
    mean = s / jnp.maximum(c, 1.0)
    t = _mm_t(mean, wl_ref[...]) + bl_ref[...] + _mm_t(x_ref[...], wr_ref[...])
    o_ref[...] = jnp.maximum(t, 0.0)

  return pl.pallas_call(
      body,
      out_shape=jax.ShapeDtypeStruct((N, H), jnp.float32),
  )(acc2, cnt2, x, Wl, bl.reshape(1, -1), Wr)


def _tc_layer2(acc2, cnt2, h, Wl, bl, Wr, Wlin, blin):
  N, H = h.shape
  O = Wlin.shape[0]

  def body(acc_ref, cnt_ref, h_ref, wl_ref, bl_ref, wr_ref, wlin_ref,
           blin_ref, h2_ref, xp_ref):
    s = acc_ref[0, :N] + acc_ref[1, :N]
    c = cnt_ref[0, :N, 0:1] + cnt_ref[1, :N, 0:1]
    mean = s / jnp.maximum(c, 1.0)
    h2 = _mm_t(mean, wl_ref[...]) + bl_ref[...] + _mm_t(h_ref[...], wr_ref[...])
    h2_ref[...] = h2
    xp_ref[...] = _mm_t(jnp.maximum(h2, 0.0), wlin_ref[...]) + blin_ref[...]

  return pl.pallas_call(
      body,
      out_shape=[
          jax.ShapeDtypeStruct((N, H), jnp.float32),
          jax.ShapeDtypeStruct((N, O), jnp.float32),
      ],
  )(acc2, cnt2, h, Wl, bl.reshape(1, -1), Wr, Wlin, blin.reshape(1, -1))


def kernel(x, edge_index, Wl1, bl1, Wr1, Wl2, bl2, Wr2, Wlin, blin):
  N, D = x.shape
  H = Wl1.shape[0]
  E = edge_index.shape[1]
  NP = N + _PAD
  n_chunks, EP = _edge_layout(E)

  src = edge_index[0]
  dst = edge_index[1]
  e_real = -(-E // _NW)
  fpad = _NW * e_real - E
  if fpad:
    src = jnp.concatenate([src, jnp.zeros((fpad,), jnp.int32)])
    dst = jnp.concatenate(
        [dst, N + (jnp.arange(fpad, dtype=jnp.int32) % _PAD)])
  ppt = n_chunks * _C - e_real
  iota_p = jnp.arange(ppt, dtype=jnp.int32)[None, :]
  tile_i = jnp.arange(_NW, dtype=jnp.int32)[:, None]
  src_pad = (iota_p + tile_i * ppt) % N
  dst_pad = N + (iota_p + tile_i * 7) % _PAD
  src_p = jnp.concatenate([src.reshape(_NW, e_real), src_pad], axis=1)
  dst_p = jnp.concatenate([dst.reshape(_NW, e_real), dst_pad],
                          axis=1).reshape(-1)
  srcr = src_p.reshape(_NW * n_chunks, _C)

  z_d = jnp.zeros((_C, D), jnp.float32)
  z_h = jnp.zeros((_C, H), jnp.float32)
  ones_d = jnp.ones((_C, D), jnp.float32)

  (acc1,) = _make_agg(N, E, D)(x, srcr, dst_p, z_d)
  acc1 = acc1.reshape(_NC, NP, D)
  (cnts,) = _make_cnt(N, E, D)(dst_p, z_d, ones_d)
  cnts = cnts.reshape(_NC, NP, D)
  h = _tc_layer1(acc1, cnts, x, Wl1, bl1, Wr1)
  (acc2,) = _make_agg(N, E, H)(h, srcr, dst_p, z_h)
  acc2 = acc2.reshape(_NC, NP, H)
  h2, x_post = _tc_layer2(acc2, cnts, h, Wl2, bl2, Wr2, Wlin, blin)
  return (h2, x_post)

# --- scband reference (transcript-rebuilt; emitter-appended) ---
"""Pipeline reference for scband-gnn-77567109365975 (READ-ONLY COPY).

The authoritative reference and input builder live on the scoring server;
editing this copy changes nothing except your own understanding.
"""

import jax, jax.numpy as jnp
import numpy as np

N = 10000
E = 320000
D = 128
H = 128
O = 128


def setup_inputs(seed: int = 0) -> dict:
    key = jax.random.key(seed)
    ks = jax.random.split(key, 12)
    x = jax.random.normal(ks[0], (N, D), dtype=jnp.float32)
    edge_index = jax.random.randint(ks[1], (2, E), 0, N, dtype=jnp.int32)
    s = 0.05
    Wl1 = jax.random.normal(ks[2], (H, D), dtype=jnp.float32) * s
    bl1 = jnp.zeros((H,), dtype=jnp.float32)
    Wr1 = jax.random.normal(ks[3], (H, D), dtype=jnp.float32) * s
    Wl2 = jax.random.normal(ks[4], (H, H), dtype=jnp.float32) * s
    bl2 = jnp.zeros((H,), dtype=jnp.float32)
    Wr2 = jax.random.normal(ks[5], (H, H), dtype=jnp.float32) * s
    Wlin = jax.random.normal(ks[6], (O, H), dtype=jnp.float32) * s
    blin = jnp.zeros((O,), dtype=jnp.float32)
    return {"x": x, "edge_index": edge_index, "Wl1": Wl1, "bl1": bl1, "Wr1": Wr1,
            "Wl2": Wl2, "bl2": bl2, "Wr2": Wr2, "Wlin": Wlin, "blin": blin}


def sage_conv(x, edge_index, Wl, bl, Wr):
    # PyG SAGEConv (mean aggregation): lin_l(mean_{j in N(i)} x_j) + lin_r(x_i)
    src = edge_index[0]
    dst = edge_index[1]
    msgs = jnp.take(x, src, axis=0)
    summed = jax.ops.segment_sum(msgs, dst, num_segments=N)
    cnt = jax.ops.segment_sum(jnp.ones((msgs.shape[0], 1), x.dtype), dst, num_segments=N)
    mean = summed / jnp.clip(cnt, 1.0, None)
    return mean @ Wl.T + bl + x @ Wr.T


def reference(x, edge_index, Wl1, bl1, Wr1, Wl2, bl2, Wr2, Wlin, blin):
    h = jax.nn.relu(sage_conv(x, edge_index, Wl1, bl1, Wr1))
    h2 = sage_conv(h, edge_index, Wl2, bl2, Wr2)
    x_post = jax.nn.relu(h2) @ Wlin.T + blin
    return (h2, x_post)

if __name__ == "__main__":
    import jax
    _d = setup_inputs()
    print(jax.jit(kernel)(*tuple(_d.values())))

</pallas_src>

<mosaic_0001>
#map = affine_map<(d0, d1) -> (0, 0)>
#map1 = affine_map<(d0, d1) -> (0)>
module attributes {stable_mosaic.version = 14 : i64} {
  func.func @body(%arg0: i32, %arg1: i32, %arg2: memref<10000x128xf32, #tpu.memory_space<hbm>>, %arg3: memref<2560x128xi32, #tpu.memory_space<hbm>>, %arg4: memref<327680xi32, #tpu.memory_space<hbm>>, %arg5: memref<128x128xf32, #tpu.memory_space<hbm>>, %arg6: memref<20496x128xf32, #tpu.memory_space<hbm>>, %arg7: memref<10248x128xf32, #tpu.memory_space<vmem_shared>>, %arg8: memref<80x128xi32, #tpu.memory_space<vmem>>, %arg9: memref<128xi32, #tpu.memory_space<vmem>>, %arg10: memref<128xi32, #tpu.memory_space<vmem>>, %arg11: memref<128xi32, #tpu.memory_space<vmem>>, %arg12: memref<128xi32, #tpu.memory_space<vmem>>, %arg13: memref<128x128xf32, #tpu.memory_space<vmem>>, %arg14: memref<128x128xf32, #tpu.memory_space<vmem>>, %arg15: memref<!tpu.dma_semaphore, #tpu.memory_space<semaphore_mem>>, %arg16: memref<!tpu.dma_semaphore, #tpu.memory_space<semaphore_mem>>, %arg17: memref<!tpu.dma_semaphore, #tpu.memory_space<semaphore_mem>>, %arg18: memref<!tpu.dma_semaphore, #tpu.memory_space<semaphore_mem>>, %arg19: memref<!tpu.dma_semaphore, #tpu.memory_space<semaphore_mem>>, %arg20: memref<!tpu.dma_semaphore, #tpu.memory_space<semaphore_mem>>, %arg21: memref<!tpu.dma_semaphore, #tpu.memory_space<semaphore_mem>>, %arg22: memref<!tpu.dma_semaphore, #tpu.memory_space<semaphore_mem>>) attributes {dimension_semantics = [#tpu.dimension_semantics<core_parallel>, #tpu.dimension_semantics<subcore_parallel>], iteration_bounds = array<i64: 2, 16>, scalar_prefetch = 0 : i64, scratch_operands = 16 : i64, tpu.core_type = #tpu.core_type<sc_vector_subcore>, window_params = [{transform_indices = #map}, {transform_indices = #map}, {transform_indices = #map1}, {transform_indices = #map}, {transform_indices = #map}]} {
    %mul3A = arith.constant 2 : i32
    %mul3A_0 = arith.muli %arg1, %mul3A : i32
    %add3A = arith.addi %mul3A_0, %arg0 : i32
    %mul3A_1 = arith.constant 648 : i32
    %mul3A_2 = arith.muli %arg1, %mul3A_1 : i32
    %mul3A_3 = arith.constant 80 : i32
    %mul3A_4 = arith.muli %add3A, %mul3A_3 : i32
    %mul3A_5 = arith.constant 128 : i32
    %mul3A_6 = arith.muli %mul3A_4, %mul3A_5 : i32
    %mul3A_7 = arith.constant 80 : i32
    %mul3A_8 = arith.muli %add3A, %mul3A_7 : i32
    "tpu.region"() ({
      %run_scoped3A = tpu.sem_alloc : memref<!tpu.dma_semaphore, #tpu.memory_space<semaphore_mem>>
      %dma_start3A_54 = arith.constant 0 : i32
      %dma_start3A_55 = tpu.memref_slice %arg3[%mul3A_8, %dma_start3A_54] : memref<2560x128xi32, #tpu.memory_space<hbm>> -> memref<80x128xi32, #tpu.memory_space<hbm>>
      %dma_start3A_56 = arith.constant 0 : i32
      %dma_start3A_57 = tpu.memref_slice %arg3[%mul3A_8, %dma_start3A_56] : memref<2560x128xi32, #tpu.memory_space<hbm>> -> memref<80x128xi32, #tpu.memory_space<hbm>>
      tpu.enqueue_dma source(%dma_start3A_57 : memref<80x128xi32, #tpu.memory_space<hbm>>) target(%arg8 : memref<80x128xi32, #tpu.memory_space<vmem>>) target_semaphore(%run_scoped3A : memref<!tpu.dma_semaphore, #tpu.memory_space<semaphore_mem>>)
      %dma_wait3A_58 = arith.constant 0 : i32
      %dma_wait3A_59 = tpu.memref_slice %arg3[%mul3A_8, %dma_wait3A_58] : memref<2560x128xi32, #tpu.memory_space<hbm>> -> memref<80x128xi32, #tpu.memory_space<hbm>>
      %dma_wait3A_60 = arith.constant 0 : i32
      %dma_wait3A_61 = tpu.memref_slice %arg3[%mul3A_8, %dma_wait3A_60] : memref<2560x128xi32, #tpu.memory_space<hbm>> -> memref<80x128xi32, #tpu.memory_space<hbm>>
      tpu.wait_dma2 semaphore(%run_scoped3A : memref<!tpu.dma_semaphore, #tpu.memory_space<semaphore_mem>>) src(%dma_wait3A_61 : memref<80x128xi32, #tpu.memory_space<hbm>>) dst(%arg8 : memref<80x128xi32, #tpu.memory_space<vmem>>)
      tpu.yield
    }) : () -> ()
    "tpu.region"() ({
      %run_scoped3A = tpu.sem_alloc : memref<!tpu.dma_semaphore, #tpu.memory_space<semaphore_mem>>
      tpu.enqueue_dma source(%arg5 : memref<128x128xf32, #tpu.memory_space<hbm>>) target(%arg13 : memref<128x128xf32, #tpu.memory_space<vmem>>) target_semaphore(%run_scoped3A : memref<!tpu.dma_semaphore, #tpu.memory_space<semaphore_mem>>)
      tpu.wait_dma2 semaphore(%run_scoped3A : memref<!tpu.dma_semaphore, #tpu.memory_space<semaphore_mem>>) src(%arg5 : memref<128x128xf32, #tpu.memory_space<hbm>>) dst(%arg13 : memref<128x128xf32, #tpu.memory_space<vmem>>)
      tpu.yield
    }) : () -> ()
    %ne3A = arith.constant 15 : i32
    %ne3A_9 = arith.cmpi ne, %arg1, %ne3A : i32
    %convert_element_type3A = arith.extui %ne3A_9 : i1 to i32
    %cond3A = arith.constant 0 : i32
    %cond3A_10 = arith.cmpi ne, %convert_element_type3A, %cond3A : i32
    scf.if %cond3A_10 {
      %add3A_54 = arith.constant 0 : i32
      %add3A_55 = arith.addi %mul3A_2, %add3A_54 : i32
      "tpu.region"() ({
        %run_scoped3A = tpu.sem_alloc : memref<!tpu.dma_semaphore, #tpu.memory_space<semaphore_mem>>
        %dma_start3A_66 = arith.constant 0 : i32
        %dma_start3A_67 = arith.constant 0 : i32
        %dma_start3A_68 = tpu.memref_slice %arg13[%dma_start3A_66, %dma_start3A_67] : memref<128x128xf32, #tpu.memory_space<vmem>> -> memref<128x128xf32, #tpu.memory_space<vmem>>
        %dma_start3A_69 = arith.constant 0 : i32
        %dma_start3A_70 = tpu.memref_slice %arg7[%add3A_55, %dma_start3A_69] : memref<10248x128xf32, #tpu.memory_space<vmem_shared>> -> memref<128x128xf32, #tpu.memory_space<vmem_shared>>
        %dma_start3A_71 = arith.constant 0 : i32
        %dma_start3A_72 = tpu.memref_slice %arg7[%add3A_55, %dma_start3A_71] : memref<10248x128xf32, #tpu.memory_space<vmem_shared>> -> memref<128x128xf32, #tpu.memory_space<vmem_shared>>
        %dma_start3A_73 = arith.constant 0 : i32
        %dma_start3A_74 = arith.constant 0 : i32
        %dma_start3A_75 = tpu.memref_slice %arg13[%dma_start3A_73, %dma_start3A_74] : memref<128x128xf32, #tpu.memory_space<vmem>> -> memref<128x128xf32, #tpu.memory_space<vmem>>
        tpu.enqueue_dma source(%dma_start3A_75 : memref<128x128xf32, #tpu.memory_space<vmem>>) target(%dma_start3A_72 : memref<128x128xf32, #tpu.memory_space<vmem_shared>>) target_semaphore(%run_scoped3A : memref<!tpu.dma_semaphore, #tpu.memory_space<semaphore_mem>>)
        %dma_wait3A_76 = arith.constant 0 : i32
        %dma_wait3A_77 = arith.constant 0 : i32
        %dma_wait3A_78 = tpu.memref_slice %arg13[%dma_wait3A_76, %dma_wait3A_77] : memref<128x128xf32, #tpu.memory_space<vmem>> -> memref<128x128xf32, #tpu.memory_space<vmem>>
        %dma_wait3A_79 = arith.constant 0 : i32
        %dma_wait3A_80 = tpu.memref_slice %arg7[%add3A_55, %dma_wait3A_79] : memref<10248x128xf32, #tpu.memory_space<vmem_shared>> -> memref<128x128xf32, #tpu.memory_space<vmem_shared>>
        %dma_wait3A_81 = arith.constant 0 : i32
        %dma_wait3A_82 = tpu.memref_slice %arg7[%add3A_55, %dma_wait3A_81] : memref<10248x128xf32, #tpu.memory_space<vmem_shared>> -> memref<128x128xf32, #tpu.memory_space<vmem_shared>>
        %dma_wait3A_83 = arith.constant 0 : i32
        %dma_wait3A_84 = arith.constant 0 : i32
        %dma_wait3A_85 = tpu.memref_slice %arg13[%dma_wait3A_83, %dma_wait3A_84] : memref<128x128xf32, #tpu.memory_space<vmem>> -> memref<128x128xf32, #tpu.memory_space<vmem>>
        tpu.wait_dma2 semaphore(%run_scoped3A : memref<!tpu.dma_semaphore, #tpu.memory_space<semaphore_mem>>) src(%dma_wait3A_85 : memref<128x128xf32, #tpu.memory_space<vmem>>) dst(%dma_wait3A_82 : memref<128x128xf32, #tpu.memory_space<vmem_shared>>)
        tpu.yield
      }) : () -> ()
      %add3A_56 = arith.constant 128 : i32
      %add3A_57 = arith.addi %mul3A_2, %add3A_56 : i32
      "tpu.region"() ({
        %run_scoped3A = tpu.sem_alloc : memref<!tpu.dma_semaphore, #tpu.memory_space<semaphore_mem>>
        %dma_start3A_66 = arith.constant 0 : i32
        %dma_start3A_67 = arith.constant 0 : i32
        %dma_start3A_68 = tpu.memref_slice %arg13[%dma_start3A_66, %dma_start3A_67] : memref<128x128xf32, #tpu.memory_space<vmem>> -> memref<128x128xf32, #tpu.memory_space<vmem>>
        %dma_start3A_69 = arith.constant 0 : i32
        %dma_start3A_70 = tpu.memref_slice %arg7[%add3A_57, %dma_start3A_69] : memref<10248x128xf32, #tpu.memory_space<vmem_shared>> -> memref<128x128xf32, #tpu.memory_space<vmem_shared>>
        %dma_start3A_71 = arith.constant 0 : i32
        %dma_start3A_72 = tpu.memref_slice %arg7[%add3A_57, %dma_start3A_71] : memref<10248x128xf32, #tpu.memory_space<vmem_shared>> -> memref<128x128xf32, #tpu.memory_space<vmem_shared>>
        %dma_start3A_73 = arith.constant 0 : i32
        %dma_start3A_74 = arith.constant 0 : i32
        %dma_start3A_75 = tpu.memref_slice %arg13[%dma_start3A_73, %dma_start3A_74] : memref<128x128xf32, #tpu.memory_space<vmem>> -> memref<128x128xf32, #tpu.memory_space<vmem>>
        tpu.enqueue_dma source(%dma_start3A_75 : memref<128x128xf32, #tpu.memory_space<vmem>>) target(%dma_start3A_72 : memref<128x128xf32, #tpu.memory_space<vmem_shared>>) target_semaphore(%run_scoped3A : memref<!tpu.dma_semaphore, #tpu.memory_space<semaphore_mem>>)
        %dma_wait3A_76 = arith.constant 0 : i32
        %dma_wait3A_77 = arith.constant 0 : i32
        %dma_wait3A_78 = tpu.memref_slice %arg13[%dma_wait3A_76, %dma_wait3A_77] : memref<128x128xf32, #tpu.memory_space<vmem>> -> memref<128x128xf32, #tpu.memory_space<vmem>>
        %dma_wait3A_79 = arith.constant 0 : i32
        %dma_wait3A_80 = tpu.memref_slice %arg7[%add3A_57, %dma_wait3A_79] : memref<10248x128xf32, #tpu.memory_space<vmem_shared>> -> memref<128x128xf32, #tpu.memory_space<vmem_shared>>
        %dma_wait3A_81 = arith.constant 0 : i32
        %dma_wait3A_82 = tpu.memref_slice %arg7[%add3A_57, %dma_wait3A_81] : memref<10248x128xf32, #tpu.memory_space<vmem_shared>> -> memref<128x128xf32, #tpu.memory_space<vmem_shared>>
        %dma_wait3A_83 = arith.constant 0 : i32
        %dma_wait3A_84 = arith.constant 0 : i32
        %dma_wait3A_85 = tpu.memref_slice %arg13[%dma_wait3A_83, %dma_wait3A_84] : memref<128x128xf32, #tpu.memory_space<vmem>> -> memref<128x128xf32, #tpu.memory_space<vmem>>
        tpu.wait_dma2 semaphore(%run_scoped3A : memref<!tpu.dma_semaphore, #tpu.memory_space<semaphore_mem>>) src(%dma_wait3A_85 : memref<128x128xf32, #tpu.memory_space<vmem>>) dst(%dma_wait3A_82 : memref<128x128xf32, #tpu.memory_space<vmem_shared>>)
        tpu.yield
      }) : () -> ()
      %add3A_58 = arith.constant 256 : i32
      %add3A_59 = arith.addi %mul3A_2, %add3A_58 : i32
      "tpu.region"() ({
        %run_scoped3A = tpu.sem_alloc : memref<!tpu.dma_semaphore, #tpu.memory_space<semaphore_mem>>
        %dma_start3A_66 = arith.constant 0 : i32
        %dma_start3A_67 = arith.constant 0 : i32
        %dma_start3A_68 = tpu.memref_slice %arg13[%dma_start3A_66, %dma_start3A_67] : memref<128x128xf32, #tpu.memory_space<vmem>> -> memref<128x128xf32, #tpu.memory_space<vmem>>
        %dma_start3A_69 = arith.constant 0 : i32
        %dma_start3A_70 = tpu.memref_slice %arg7[%add3A_59, %dma_start3A_69] : memref<10248x128xf32, #tpu.memory_space<vmem_shared>> -> memref<128x128xf32, #tpu.memory_space<vmem_shared>>
        %dma_start3A_71 = arith.constant 0 : i32
        %dma_start3A_72 = tpu.memref_slice %arg7[%add3A_59, %dma_start3A_71] : memref<10248x128xf32, #tpu.memory_space<vmem_shared>> -> memref<128x128xf32, #tpu.memory_space<vmem_shared>>
        %dma_start3A_73 = arith.constant 0 : i32
        %dma_start3A_74 = arith.constant 0 : i32
        %dma_start3A_75 = tpu.memref_slice %arg13[%dma_start3A_73, %dma_start3A_74] : memref<128x128xf32, #tpu.memory_space<vmem>> -> memref<128x128xf32, #tpu.memory_space<vmem>>
        tpu.enqueue_dma source(%dma_start3A_75 : memref<128x128xf32, #tpu.memory_space<vmem>>) target(%dma_start3A_72 : memref<128x128xf32, #tpu.memory_space<vmem_shared>>) target_semaphore(%run_scoped3A : memref<!tpu.dma_semaphore, #tpu.memory_space<semaphore_mem>>)
        %dma_wait3A_76 = arith.constant 0 : i32
        %dma_wait3A_77 = arith.constant 0 : i32
        %dma_wait3A_78 = tpu.memref_slice %arg13[%dma_wait3A_76, %dma_wait3A_77] : memref<128x128xf32, #tpu.memory_space<vmem>> -> memref<128x128xf32, #tpu.memory_space<vmem>>
        %dma_wait3A_79 = arith.constant 0 : i32
        %dma_wait3A_80 = tpu.memref_slice %arg7[%add3A_59, %dma_wait3A_79] : memref<10248x128xf32, #tpu.memory_space<vmem_shared>> -> memref<128x128xf32, #tpu.memory_space<vmem_shared>>
        %dma_wait3A_81 = arith.constant 0 : i32
        %dma_wait3A_82 = tpu.memref_slice %arg7[%add3A_59, %dma_wait3A_81] : memref<10248x128xf32, #tpu.memory_space<vmem_shared>> -> memref<128x128xf32, #tpu.memory_space<vmem_shared>>
        %dma_wait3A_83 = arith.constant 0 : i32
        %dma_wait3A_84 = arith.constant 0 : i32
        %dma_wait3A_85 = tpu.memref_slice %arg13[%dma_wait3A_83, %dma_wait3A_84] : memref<128x128xf32, #tpu.memory_space<vmem>> -> memref<128x128xf32, #tpu.memory_space<vmem>>
        tpu.wait_dma2 semaphore(%run_scoped3A : memref<!tpu.dma_semaphore, #tpu.memory_space<semaphore_mem>>) src(%dma_wait3A_85 : memref<128x128xf32, #tpu.memory_space<vmem>>) dst(%dma_wait3A_82 : memref<128x128xf32, #tpu.memory_space<vmem_shared>>)
        tpu.yield
      }) : () -> ()
      %add3A_60 = arith.constant 384 : i32
      %add3A_61 = arith.addi %mul3A_2, %add3A_60 : i32
      "tpu.region"() ({
        %run_scoped3A = tpu.sem_alloc : memref<!tpu.dma_semaphore, #tpu.memory_space<semaphore_mem>>
        %dma_start3A_66 = arith.constant 0 : i32
        %dma_start3A_67 = arith.constant 0 : i32
        %dma_start3A_68 = tpu.memref_slice %arg13[%dma_start3A_66, %dma_start3A_67] : memref<128x128xf32, #tpu.memory_space<vmem>> -> memref<128x128xf32, #tpu.memory_space<vmem>>
        %dma_start3A_69 = arith.constant 0 : i32
        %dma_start3A_70 = tpu.memref_slice %arg7[%add3A_61, %dma_start3A_69] : memref<10248x128xf32, #tpu.memory_space<vmem_shared>> -> memref<128x128xf32, #tpu.memory_space<vmem_shared>>
        %dma_start3A_71 = arith.constant 0 : i32
        %dma_start3A_72 = tpu.memref_slice %arg7[%add3A_61, %dma_start3A_71] : memref<10248x128xf32, #tpu.memory_space<vmem_shared>> -> memref<128x128xf32, #tpu.memory_space<vmem_shared>>
        %dma_start3A_73 = arith.constant 0 : i32
        %dma_start3A_74 = arith.constant 0 : i32
        %dma_start3A_75 = tpu.memref_slice %arg13[%dma_start3A_73, %dma_start3A_74] : memref<128x128xf32, #tpu.memory_space<vmem>> -> memref<128x128xf32, #tpu.memory_space<vmem>>
        tpu.enqueue_dma source(%dma_start3A_75 : memref<128x128xf32, #tpu.memory_space<vmem>>) target(%dma_start3A_72 : memref<128x128xf32, #tpu.memory_space<vmem_shared>>) target_semaphore(%run_scoped3A : memref<!tpu.dma_semaphore, #tpu.memory_space<semaphore_mem>>)
        %dma_wait3A_76 = arith.constant 0 : i32
        %dma_wait3A_77 = arith.constant 0 : i32
        %dma_wait3A_78 = tpu.memref_slice %arg13[%dma_wait3A_76, %dma_wait3A_77] : memref<128x128xf32, #tpu.memory_space<vmem>> -> memref<128x128xf32, #tpu.memory_space<vmem>>
        %dma_wait3A_79 = arith.constant 0 : i32
        %dma_wait3A_80 = tpu.memref_slice %arg7[%add3A_61, %dma_wait3A_79] : memref<10248x128xf32, #tpu.memory_space<vmem_shared>> -> memref<128x128xf32, #tpu.memory_space<vmem_shared>>
        %dma_wait3A_81 = arith.constant 0 : i32
        %dma_wait3A_82 = tpu.memref_slice %arg7[%add3A_61, %dma_wait3A_81] : memref<10248x128xf32, #tpu.memory_space<vmem_shared>> -> memref<128x128xf32, #tpu.memory_space<vmem_shared>>
        %dma_wait3A_83 = arith.constant 0 : i32
        %dma_wait3A_84 = arith.constant 0 : i32
        %dma_wait3A_85 = tpu.memref_slice %arg13[%dma_wait3A_83, %dma_wait3A_84] : memref<128x128xf32, #tpu.memory_space<vmem>> -> memref<128x128xf32, #tpu.memory_space<vmem>>
        tpu.wait_dma2 semaphore(%run_scoped3A : memref<!tpu.dma_semaphore, #tpu.memory_space<semaphore_mem>>) src(%dma_wait3A_85 : memref<128x128xf32, #tpu.memory_space<vmem>>) dst(%dma_wait3A_82 : memref<128x128xf32, #tpu.memory_space<vmem_shared>>)
        tpu.yield
      }) : () -> ()
      %add3A_62 = arith.constant 512 : i32
      %add3A_63 = arith.addi %mul3A_2, %add3A_62 : i32
      "tpu.region"() ({
        %run_scoped3A = tpu.sem_alloc : memref<!tpu.dma_semaphore, #tpu.memory_space<semaphore_mem>>
        %dma_start3A_66 = arith.constant 0 : i32
        %dma_start3A_67 = arith.constant 0 : i32
        %dma_start3A_68 = tpu.memref_slice %arg13[%dma_start3A_66, %dma_start3A_67] : memref<128x128xf32, #tpu.memory_space<vmem>> -> memref<128x128xf32, #tpu.memory_space<vmem>>
        %dma_start3A_69 = arith.constant 0 : i32
        %dma_start3A_70 = tpu.memref_slice %arg7[%add3A_63, %dma_start3A_69] : memref<10248x128xf32, #tpu.memory_space<vmem_shared>> -> memref<128x128xf32, #tpu.memory_space<vmem_shared>>
        %dma_start3A_71 = arith.constant 0 : i32
        %dma_start3A_72 = tpu.memref_slice %arg7[%add3A_63, %dma_start3A_71] : memref<10248x128xf32, #tpu.memory_space<vmem_shared>> -> memref<128x128xf32, #tpu.memory_space<vmem_shared>>
        %dma_start3A_73 = arith.constant 0 : i32
        %dma_start3A_74 = arith.constant 0 : i32
        %dma_start3A_75 = tpu.memref_slice %arg13[%dma_start3A_73, %dma_start3A_74] : memref<128x128xf32, #tpu.memory_space<vmem>> -> memref<128x128xf32, #tpu.memory_space<vmem>>
        tpu.enqueue_dma source(%dma_start3A_75 : memref<128x128xf32, #tpu.memory_space<vmem>>) target(%dma_start3A_72 : memref<128x128xf32, #tpu.memory_space<vmem_shared>>) target_semaphore(%run_scoped3A : memref<!tpu.dma_semaphore, #tpu.memory_space<semaphore_mem>>)
        %dma_wait3A_76 = arith.constant 0 : i32
        %dma_wait3A_77 = arith.constant 0 : i32
        %dma_wait3A_78 = tpu.memref_slice %arg13[%dma_wait3A_76, %dma_wait3A_77] : memref<128x128xf32, #tpu.memory_space<vmem>> -> memref<128x128xf32, #tpu.memory_space<vmem>>
        %dma_wait3A_79 = arith.constant 0 : i32
        %dma_wait3A_80 = tpu.memref_slice %arg7[%add3A_63, %dma_wait3A_79] : memref<10248x128xf32, #tpu.memory_space<vmem_shared>> -> memref<128x128xf32, #tpu.memory_space<vmem_shared>>
        %dma_wait3A_81 = arith.constant 0 : i32
        %dma_wait3A_82 = tpu.memref_slice %arg7[%add3A_63, %dma_wait3A_81] : memref<10248x128xf32, #tpu.memory_space<vmem_shared>> -> memref<128x128xf32, #tpu.memory_space<vmem_shared>>
        %dma_wait3A_83 = arith.constant 0 : i32
        %dma_wait3A_84 = arith.constant 0 : i32
        %dma_wait3A_85 = tpu.memref_slice %arg13[%dma_wait3A_83, %dma_wait3A_84] : memref<128x128xf32, #tpu.memory_space<vmem>> -> memref<128x128xf32, #tpu.memory_space<vmem>>
        tpu.wait_dma2 semaphore(%run_scoped3A : memref<!tpu.dma_semaphore, #tpu.memory_space<semaphore_mem>>) src(%dma_wait3A_85 : memref<128x128xf32, #tpu.memory_space<vmem>>) dst(%dma_wait3A_82 : memref<128x128xf32, #tpu.memory_space<vmem_shared>>)
        tpu.yield
      }) : () -> ()
      %add3A_64 = arith.constant 640 : i32
      %add3A_65 = arith.addi %mul3A_2, %add3A_64 : i32
      "tpu.region"() ({
        %run_scoped3A = tpu.sem_alloc : memref<!tpu.dma_semaphore, #tpu.memory_space<semaphore_mem>>
        %dma_start3A_66 = arith.constant 0 : i32
        %dma_start3A_67 = arith.constant 0 : i32
        %dma_start3A_68 = tpu.memref_slice %arg13[%dma_start3A_66, %dma_start3A_67] : memref<128x128xf32, #tpu.memory_space<vmem>> -> memref<8x128xf32, #tpu.memory_space<vmem>>
        %dma_start3A_69 = arith.constant 0 : i32
        %dma_start3A_70 = tpu.memref_slice %arg7[%add3A_65, %dma_start3A_69] : memref<10248x128xf32, #tpu.memory_space<vmem_shared>> -> memref<8x128xf32, #tpu.memory_space<vmem_shared>>
        %dma_start3A_71 = arith.constant 0 : i32
        %dma_start3A_72 = tpu.memref_slice %arg7[%add3A_65, %dma_start3A_71] : memref<10248x128xf32, #tpu.memory_space<vmem_shared>> -> memref<8x128xf32, #tpu.memory_space<vmem_shared>>
        %dma_start3A_73 = arith.constant 0 : i32
        %dma_start3A_74 = arith.constant 0 : i32
        %dma_start3A_75 = tpu.memref_slice %arg13[%dma_start3A_73, %dma_start3A_74] : memref<128x128xf32, #tpu.memory_space<vmem>> -> memref<8x128xf32, #tpu.memory_space<vmem>>
        tpu.enqueue_dma source(%dma_start3A_75 : memref<8x128xf32, #tpu.memory_space<vmem>>) target(%dma_start3A_72 : memref<8x128xf32, #tpu.memory_space<vmem_shared>>) target_semaphore(%run_scoped3A : memref<!tpu.dma_semaphore, #tpu.memory_space<semaphore_mem>>)
        %dma_wait3A_76 = arith.constant 0 : i32
        %dma_wait3A_77 = arith.constant 0 : i32
        %dma_wait3A_78 = tpu.memref_slice %arg13[%dma_wait3A_76, %dma_wait3A_77] : memref<128x128xf32, #tpu.memory_space<vmem>> -> memref<8x128xf32, #tpu.memory_space<vmem>>
        %dma_wait3A_79 = arith.constant 0 : i32
        %dma_wait3A_80 = tpu.memref_slice %arg7[%add3A_65, %dma_wait3A_79] : memref<10248x128xf32, #tpu.memory_space<vmem_shared>> -> memref<8x128xf32, #tpu.memory_space<vmem_shared>>
        %dma_wait3A_81 = arith.constant 0 : i32
        %dma_wait3A_82 = tpu.memref_slice %arg7[%add3A_65, %dma_wait3A_81] : memref<10248x128xf32, #tpu.memory_space<vmem_shared>> -> memref<8x128xf32, #tpu.memory_space<vmem_shared>>
        %dma_wait3A_83 = arith.constant 0 : i32
        %dma_wait3A_84 = arith.constant 0 : i32
        %dma_wait3A_85 = tpu.memref_slice %arg13[%dma_wait3A_83, %dma_wait3A_84] : memref<128x128xf32, #tpu.memory_space<vmem>> -> memref<8x128xf32, #tpu.memory_space<vmem>>
        tpu.wait_dma2 semaphore(%run_scoped3A : memref<!tpu.dma_semaphore, #tpu.memory_space<semaphore_mem>>) src(%dma_wait3A_85 : memref<8x128xf32, #tpu.memory_space<vmem>>) dst(%dma_wait3A_82 : memref<8x128xf32, #tpu.memory_space<vmem_shared>>)
        tpu.yield
      }) : () -> ()
    } else {
    }
    %eq3A = arith.constant 15 : i32
    %eq3A_11 = arith.cmpi eq, %arg1, %eq3A : i32
    %convert_element_type3A_12 = arith.extui %eq3A_11 : i1 to i32
    %cond3A_13 = arith.constant 0 : i32
    %cond3A_14 = arith.cmpi ne, %convert_element_type3A_12, %cond3A_13 : i32
    scf.if %cond3A_14 {
      %add3A_54 = arith.constant 0 : i32
      %add3A_55 = arith.addi %mul3A_2, %add3A_54 : i32
      "tpu.region"() ({
        %run_scoped3A = tpu.sem_alloc : memref<!tpu.dma_semaphore, #tpu.memory_space<semaphore_mem>>
        %dma_start3A_64 = arith.constant 0 : i32
        %dma_start3A_65 = arith.constant 0 : i32
        %dma_start3A_66 = tpu.memref_slice %arg13[%dma_start3A_64, %dma_start3A_65] : memref<128x128xf32, #tpu.memory_space<vmem>> -> memref<128x128xf32, #tpu.memory_space<vmem>>
        %dma_start3A_67 = arith.constant 0 : i32
        %dma_start3A_68 = tpu.memref_slice %arg7[%add3A_55, %dma_start3A_67] : memref<10248x128xf32, #tpu.memory_space<vmem_shared>> -> memref<128x128xf32, #tpu.memory_space<vmem_shared>>
        %dma_start3A_69 = arith.constant 0 : i32
        %dma_start3A_70 = tpu.memref_slice %arg7[%add3A_55, %dma_start3A_69] : memref<10248x128xf32, #tpu.memory_space<vmem_shared>> -> memref<128x128xf32, #tpu.memory_space<vmem_shared>>
        %dma_start3A_71 = arith.constant 0 : i32
        %dma_start3A_72 = arith.constant 0 : i32
        %dma_start3A_73 = tpu.memref_slice %arg13[%dma_start3A_71, %dma_start3A_72] : memref<128x128xf32, #tpu.memory_space<vmem>> -> memref<128x128xf32, #tpu.memory_space<vmem>>
        tpu.enqueue_dma source(%dma_start3A_73 : memref<128x128xf32, #tpu.memory_space<vmem>>) target(%dma_start3A_70 : memref<128x128xf32, #tpu.memory_space<vmem_shared>>) target_semaphore(%run_scoped3A : memref<!tpu.dma_semaphore, #tpu.memory_space<semaphore_mem>>)
        %dma_wait3A_74 = arith.constant 0 : i32
        %dma_wait3A_75 = arith.constant 0 : i32
        %dma_wait3A_76 = tpu.memref_slice %arg13[%dma_wait3A_74, %dma_wait3A_75] : memref<128x128xf32, #tpu.memory_space<vmem>> -> memref<128x128xf32, #tpu.memory_space<vmem>>
        %dma_wait3A_77 = arith.constant 0 : i32
        %dma_wait3A_78 = tpu.memref_slice %arg7[%add3A_55, %dma_wait3A_77] : memref<10248x128xf32, #tpu.memory_space<vmem_shared>> -> memref<128x128xf32, #tpu.memory_space<vmem_shared>>
        %dma_wait3A_79 = arith.constant 0 : i32
        %dma_wait3A_80 = tpu.memref_slice %arg7[%add3A_55, %dma_wait3A_79] : memref<10248x128xf32, #tpu.memory_space<vmem_shared>> -> memref<128x128xf32, #tpu.memory_space<vmem_shared>>
        %dma_wait3A_81 = arith.constant 0 : i32
        %dma_wait3A_82 = arith.constant 0 : i32
        %dma_wait3A_83 = tpu.memref_slice %arg13[%dma_wait3A_81, %dma_wait3A_82] : memref<128x128xf32, #tpu.memory_space<vmem>> -> memref<128x128xf32, #tpu.memory_space<vmem>>
        tpu.wait_dma2 semaphore(%run_scoped3A : memref<!tpu.dma_semaphore, #tpu.memory_space<semaphore_mem>>) src(%dma_wait3A_83 : memref<128x128xf32, #tpu.memory_space<vmem>>) dst(%dma_wait3A_80 : memref<128x128xf32, #tpu.memory_space<vmem_shared>>)
        tpu.yield
      }) : () -> ()
      %add3A_56 = arith.constant 128 : i32
      %add3A_57 = arith.addi %mul3A_2, %add3A_56 : i32
      "tpu.region"() ({
        %run_scoped3A = tpu.sem_alloc : memref<!tpu.dma_semaphore, #tpu.memory_space<semaphore_mem>>
        %dma_start3A_64 = arith.constant 0 : i32
        %dma_start3A_65 = arith.constant 0 : i32
        %dma_start3A_66 = tpu.memref_slice %arg13[%dma_start3A_64, %dma_start3A_65] : memref<128x128xf32, #tpu.memory_space<vmem>> -> memref<128x128xf32, #tpu.memory_space<vmem>>
        %dma_start3A_67 = arith.constant 0 : i32
        %dma_start3A_68 = tpu.memref_slice %arg7[%add3A_57, %dma_start3A_67] : memref<10248x128xf32, #tpu.memory_space<vmem_shared>> -> memref<128x128xf32, #tpu.memory_space<vmem_shared>>
        %dma_start3A_69 = arith.constant 0 : i32
        %dma_start3A_70 = tpu.memref_slice %arg7[%add3A_57, %dma_start3A_69] : memref<10248x128xf32, #tpu.memory_space<vmem_shared>> -> memref<128x128xf32, #tpu.memory_space<vmem_shared>>
        %dma_start3A_71 = arith.constant 0 : i32
        %dma_start3A_72 = arith.constant 0 : i32
        %dma_start3A_73 = tpu.memref_slice %arg13[%dma_start3A_71, %dma_start3A_72] : memref<128x128xf32, #tpu.memory_space<vmem>> -> memref<128x128xf32, #tpu.memory_space<vmem>>
        tpu.enqueue_dma source(%dma_start3A_73 : memref<128x128xf32, #tpu.memory_space<vmem>>) target(%dma_start3A_70 : memref<128x128xf32, #tpu.memory_space<vmem_shared>>) target_semaphore(%run_scoped3A : memref<!tpu.dma_semaphore, #tpu.memory_space<semaphore_mem>>)
        %dma_wait3A_74 = arith.constant 0 : i32
        %dma_wait3A_75 = arith.constant 0 : i32
        %dma_wait3A_76 = tpu.memref_slice %arg13[%dma_wait3A_74, %dma_wait3A_75] : memref<128x128xf32, #tpu.memory_space<vmem>> -> memref<128x128xf32, #tpu.memory_space<vmem>>
        %dma_wait3A_77 = arith.constant 0 : i32
        %dma_wait3A_78 = tpu.memref_slice %arg7[%add3A_57, %dma_wait3A_77] : memref<10248x128xf32, #tpu.memory_space<vmem_shared>> -> memref<128x128xf32, #tpu.memory_space<vmem_shared>>
        %dma_wait3A_79 = arith.constant 0 : i32
        %dma_wait3A_80 = tpu.memref_slice %arg7[%add3A_57, %dma_wait3A_79] : memref<10248x128xf32, #tpu.memory_space<vmem_shared>> -> memref<128x128xf32, #tpu.memory_space<vmem_shared>>
        %dma_wait3A_81 = arith.constant 0 : i32
        %dma_wait3A_82 = arith.constant 0 : i32
        %dma_wait3A_83 = tpu.memref_slice %arg13[%dma_wait3A_81, %dma_wait3A_82] : memref<128x128xf32, #tpu.memory_space<vmem>> -> memref<128x128xf32, #tpu.memory_space<vmem>>
        tpu.wait_dma2 semaphore(%run_scoped3A : memref<!tpu.dma_semaphore, #tpu.memory_space<semaphore_mem>>) src(%dma_wait3A_83 : memref<128x128xf32, #tpu.memory_space<vmem>>) dst(%dma_wait3A_80 : memref<128x128xf32, #tpu.memory_space<vmem_shared>>)
        tpu.yield
      }) : () -> ()
      %add3A_58 = arith.constant 256 : i32
      %add3A_59 = arith.addi %mul3A_2, %add3A_58 : i32
      "tpu.region"() ({
        %run_scoped3A = tpu.sem_alloc : memref<!tpu.dma_semaphore, #tpu.memory_space<semaphore_mem>>
        %dma_start3A_64 = arith.constant 0 : i32
        %dma_start3A_65 = arith.constant 0 : i32
        %dma_start3A_66 = tpu.memref_slice %arg13[%dma_start3A_64, %dma_start3A_65] : memref<128x128xf32, #tpu.memory_space<vmem>> -> memref<128x128xf32, #tpu.memory_space<vmem>>
        %dma_start3A_67 = arith.constant 0 : i32
        %dma_start3A_68 = tpu.memref_slice %arg7[%add3A_59, %dma_start3A_67] : memref<10248x128xf32, #tpu.memory_space<vmem_shared>> -> memref<128x128xf32, #tpu.memory_space<vmem_shared>>
        %dma_start3A_69 = arith.constant 0 : i32
        %dma_start3A_70 = tpu.memref_slice %arg7[%add3A_59, %dma_start3A_69] : memref<10248x128xf32, #tpu.memory_space<vmem_shared>> -> memref<128x128xf32, #tpu.memory_space<vmem_shared>>
        %dma_start3A_71 = arith.constant 0 : i32
        %dma_start3A_72 = arith.constant 0 : i32
        %dma_start3A_73 = tpu.memref_slice %arg13[%dma_start3A_71, %dma_start3A_72] : memref<128x128xf32, #tpu.memory_space<vmem>> -> memref<128x128xf32, #tpu.memory_space<vmem>>
        tpu.enqueue_dma source(%dma_start3A_73 : memref<128x128xf32, #tpu.memory_space<vmem>>) target(%dma_start3A_70 : memref<128x128xf32, #tpu.memory_space<vmem_shared>>) target_semaphore(%run_scoped3A : memref<!tpu.dma_semaphore, #tpu.memory_space<semaphore_mem>>)
        %dma_wait3A_74 = arith.constant 0 : i32
        %dma_wait3A_75 = arith.constant 0 : i32
        %dma_wait3A_76 = tpu.memref_slice %arg13[%dma_wait3A_74, %dma_wait3A_75] : memref<128x128xf32, #tpu.memory_space<vmem>> -> memref<128x128xf32, #tpu.memory_space<vmem>>
        %dma_wait3A_77 = arith.constant 0 : i32
        %dma_wait3A_78 = tpu.memref_slice %arg7[%add3A_59, %dma_wait3A_77] : memref<10248x128xf32, #tpu.memory_space<vmem_shared>> -> memref<128x128xf32, #tpu.memory_space<vmem_shared>>
        %dma_wait3A_79 = arith.constant 0 : i32
        %dma_wait3A_80 = tpu.memref_slice %arg7[%add3A_59, %dma_wait3A_79] : memref<10248x128xf32, #tpu.memory_space<vmem_shared>> -> memref<128x128xf32, #tpu.memory_space<vmem_shared>>
        %dma_wait3A_81 = arith.constant 0 : i32
        %dma_wait3A_82 = arith.constant 0 : i32
        %dma_wait3A_83 = tpu.memref_slice %arg13[%dma_wait3A_81, %dma_wait3A_82] : memref<128x128xf32, #tpu.memory_space<vmem>> -> memref<128x128xf32, #tpu.memory_space<vmem>>
        tpu.wait_dma2 semaphore(%run_scoped3A : memref<!tpu.dma_semaphore, #tpu.memory_space<semaphore_mem>>) src(%dma_wait3A_83 : memref<128x128xf32, #tpu.memory_space<vmem>>) dst(%dma_wait3A_80 : memref<128x128xf32, #tpu.memory_space<vmem_shared>>)
        tpu.yield
      }) : () -> ()
      %add3A_60 = arith.constant 384 : i32
      %add3A_61 = arith.addi %mul3A_2, %add3A_60 : i32
      "tpu.region"() ({
        %run_scoped3A = tpu.sem_alloc : memref<!tpu.dma_semaphore, #tpu.memory_space<semaphore_mem>>
        %dma_start3A_64 = arith.constant 0 : i32
        %dma_start3A_65 = arith.constant 0 : i32
        %dma_start3A_66 = tpu.memref_slice %arg13[%dma_start3A_64, %dma_start3A_65] : memref<128x128xf32, #tpu.memory_space<vmem>> -> memref<128x128xf32, #tpu.memory_space<vmem>>
        %dma_start3A_67 = arith.constant 0 : i32
        %dma_start3A_68 = tpu.memref_slice %arg7[%add3A_61, %dma_start3A_67] : memref<10248x128xf32, #tpu.memory_space<vmem_shared>> -> memref<128x128xf32, #tpu.memory_space<vmem_shared>>
        %dma_start3A_69 = arith.constant 0 : i32
        %dma_start3A_70 = tpu.memref_slice %arg7[%add3A_61, %dma_start3A_69] : memref<10248x128xf32, #tpu.memory_space<vmem_shared>> -> memref<128x128xf32, #tpu.memory_space<vmem_shared>>
        %dma_start3A_71 = arith.constant 0 : i32
        %dma_start3A_72 = arith.constant 0 : i32
        %dma_start3A_73 = tpu.memref_slice %arg13[%dma_start3A_71, %dma_start3A_72] : memref<128x128xf32, #tpu.memory_space<vmem>> -> memref<128x128xf32, #tpu.memory_space<vmem>>
        tpu.enqueue_dma source(%dma_start3A_73 : memref<128x128xf32, #tpu.memory_space<vmem>>) target(%dma_start3A_70 : memref<128x128xf32, #tpu.memory_space<vmem_shared>>) target_semaphore(%run_scoped3A : memref<!tpu.dma_semaphore, #tpu.memory_space<semaphore_mem>>)
        %dma_wait3A_74 = arith.constant 0 : i32
        %dma_wait3A_75 = arith.constant 0 : i32
        %dma_wait3A_76 = tpu.memref_slice %arg13[%dma_wait3A_74, %dma_wait3A_75] : memref<128x128xf32, #tpu.memory_space<vmem>> -> memref<128x128xf32, #tpu.memory_space<vmem>>
        %dma_wait3A_77 = arith.constant 0 : i32
        %dma_wait3A_78 = tpu.memref_slice %arg7[%add3A_61, %dma_wait3A_77] : memref<10248x128xf32, #tpu.memory_space<vmem_shared>> -> memref<128x128xf32, #tpu.memory_space<vmem_shared>>
        %dma_wait3A_79 = arith.constant 0 : i32
        %dma_wait3A_80 = tpu.memref_slice %arg7[%add3A_61, %dma_wait3A_79] : memref<10248x128xf32, #tpu.memory_space<vmem_shared>> -> memref<128x128xf32, #tpu.memory_space<vmem_shared>>
        %dma_wait3A_81 = arith.constant 0 : i32
        %dma_wait3A_82 = arith.constant 0 : i32
        %dma_wait3A_83 = tpu.memref_slice %arg13[%dma_wait3A_81, %dma_wait3A_82] : memref<128x128xf32, #tpu.memory_space<vmem>> -> memref<128x128xf32, #tpu.memory_space<vmem>>
        tpu.wait_dma2 semaphore(%run_scoped3A : memref<!tpu.dma_semaphore, #tpu.memory_space<semaphore_mem>>) src(%dma_wait3A_83 : memref<128x128xf32, #tpu.memory_space<vmem>>) dst(%dma_wait3A_80 : memref<128x128xf32, #tpu.memory_space<vmem_shared>>)
        tpu.yield
      }) : () -> ()
      %add3A_62 = arith.constant 512 : i32
      %add3A_63 = arith.addi %mul3A_2, %add3A_62 : i32
      "tpu.region"() ({
        %run_scoped3A = tpu.sem_alloc : memref<!tpu.dma_semaphore, #tpu.memory_space<semaphore_mem>>
        %dma_start3A_64 = arith.constant 0 : i32
        %dma_start3A_65 = arith.constant 0 : i32
        %dma_start3A_66 = tpu.memref_slice %arg13[%dma_start3A_64, %dma_start3A_65] : memref<128x128xf32, #tpu.memory_space<vmem>> -> memref<16x128xf32, #tpu.memory_space<vmem>>
        %dma_start3A_67 = arith.constant 0 : i32
        %dma_start3A_68 = tpu.memref_slice %arg7[%add3A_63, %dma_start3A_67] : memref<10248x128xf32, #tpu.memory_space<vmem_shared>> -> memref<16x128xf32, #tpu.memory_space<vmem_shared>>
        %dma_start3A_69 = arith.constant 0 : i32
        %dma_start3A_70 = tpu.memref_slice %arg7[%add3A_63, %dma_start3A_69] : memref<10248x128xf32, #tpu.memory_space<vmem_shared>> -> memref<16x128xf32, #tpu.memory_space<vmem_shared>>
        %dma_start3A_71 = arith.constant 0 : i32
        %dma_start3A_72 = arith.constant 0 : i32
        %dma_start3A_73 = tpu.memref_slice %arg13[%dma_start3A_71, %dma_start3A_72] : memref<128x128xf32, #tpu.memory_space<vmem>> -> memref<16x128xf32, #tpu.memory_space<vmem>>
        tpu.enqueue_dma source(%dma_start3A_73 : memref<16x128xf32, #tpu.memory_space<vmem>>) target(%dma_start3A_70 : memref<16x128xf32, #tpu.memory_space<vmem_shared>>) target_semaphore(%run_scoped3A : memref<!tpu.dma_semaphore, #tpu.memory_space<semaphore_mem>>)
        %dma_wait3A_74 = arith.constant 0 : i32
        %dma_wait3A_75 = arith.constant 0 : i32
        %dma_wait3A_76 = tpu.memref_slice %arg13[%dma_wait3A_74, %dma_wait3A_75] : memref<128x128xf32, #tpu.memory_space<vmem>> -> memref<16x128xf32, #tpu.memory_space<vmem>>
        %dma_wait3A_77 = arith.constant 0 : i32
        %dma_wait3A_78 = tpu.memref_slice %arg7[%add3A_63, %dma_wait3A_77] : memref<10248x128xf32, #tpu.memory_space<vmem_shared>> -> memref<16x128xf32, #tpu.memory_space<vmem_shared>>
        %dma_wait3A_79 = arith.constant 0 : i32
        %dma_wait3A_80 = tpu.memref_slice %arg7[%add3A_63, %dma_wait3A_79] : memref<10248x128xf32, #tpu.memory_space<vmem_shared>> -> memref<16x128xf32, #tpu.memory_space<vmem_shared>>
        %dma_wait3A_81 = arith.constant 0 : i32
        %dma_wait3A_82 = arith.constant 0 : i32
        %dma_wait3A_83 = tpu.memref_slice %arg13[%dma_wait3A_81, %dma_wait3A_82] : memref<128x128xf32, #tpu.memory_space<vmem>> -> memref<16x128xf32, #tpu.memory_space<vmem>>
        tpu.wait_dma2 semaphore(%run_scoped3A : memref<!tpu.dma_semaphore, #tpu.memory_space<semaphore_mem>>) src(%dma_wait3A_83 : memref<16x128xf32, #tpu.memory_space<vmem>>) dst(%dma_wait3A_80 : memref<16x128xf32, #tpu.memory_space<vmem_shared>>)
        tpu.yield
      }) : () -> ()
    } else {
    }
    %barrier3A = arith.constant 0 : index
    tpu.barrier barrier_id(%barrier3A)
    %add3A_15 = arith.constant 0 : i32
    %add3A_16 = arith.addi %mul3A_6, %add3A_15 : i32
    %dma_start3A = tpu.memref_slice %arg4[%add3A_16] : memref<327680xi32, #tpu.memory_space<hbm>> -> memref<128xi32, #tpu.memory_space<hbm>>
    %dma_start3A_17 = tpu.memref_slice %arg4[%add3A_16] : memref<327680xi32, #tpu.memory_space<hbm>> -> memref<128xi32, #tpu.memory_space<hbm>>
    tpu.enqueue_dma source(%dma_start3A_17 : memref<128xi32, #tpu.memory_space<hbm>>) target(%arg9 : memref<128xi32, #tpu.memory_space<vmem>>) target_semaphore(%arg17 : memref<!tpu.dma_semaphore, #tpu.memory_space<semaphore_mem>>)
    %add3A_18 = arith.constant 128 : i32
    %add3A_19 = arith.addi %mul3A_6, %add3A_18 : i32
    %dma_start3A_20 = tpu.memref_slice %arg4[%add3A_19] : memref<327680xi32, #tpu.memory_space<hbm>> -> memref<128xi32, #tpu.memory_space<hbm>>
    %dma_start3A_21 = tpu.memref_slice %arg4[%add3A_19] : memref<327680xi32, #tpu.memory_space<hbm>> -> memref<128xi32, #tpu.memory_space<hbm>>
    tpu.enqueue_dma source(%dma_start3A_21 : memref<128xi32, #tpu.memory_space<hbm>>) target(%arg10 : memref<128xi32, #tpu.memory_space<vmem>>) target_semaphore(%arg18 : memref<!tpu.dma_semaphore, #tpu.memory_space<semaphore_mem>>)
    %add3A_22 = arith.constant 256 : i32
    %add3A_23 = arith.addi %mul3A_6, %add3A_22 : i32
    %dma_start3A_24 = tpu.memref_slice %arg4[%add3A_23] : memref<327680xi32, #tpu.memory_space<hbm>> -> memref<128xi32, #tpu.memory_space<hbm>>
    %dma_start3A_25 = tpu.memref_slice %arg4[%add3A_23] : memref<327680xi32, #tpu.memory_space<hbm>> -> memref<128xi32, #tpu.memory_space<hbm>>
    tpu.enqueue_dma source(%dma_start3A_25 : memref<128xi32, #tpu.memory_space<hbm>>) target(%arg11 : memref<128xi32, #tpu.memory_space<vmem>>) target_semaphore(%arg19 : memref<!tpu.dma_semaphore, #tpu.memory_space<semaphore_mem>>)
    %dma_start3A_26 = arith.constant 0 : i32
    %dma_start3A_27 = arith.constant 0 : i32
    %dma_start3A_28 = tpu.memref_slice %arg8[%dma_start3A_26, %dma_start3A_27] : memref<80x128xi32, #tpu.memory_space<vmem>> -> memref<1x128xi32, #tpu.memory_space<vmem>>
    %dma_start3A_29 = tpu.memref_squeeze %dma_start3A_28 : memref<1x128xi32, #tpu.memory_space<vmem>> -> memref<128xi32, #tpu.memory_space<vmem>>
    %dma_start3A_30 = arith.constant 0 : i32
    %dma_start3A_31 = arith.constant 0 : i32
    %dma_start3A_32 = tpu.memref_slice %arg2[%dma_start3A_30, %dma_start3A_31] : memref<10000x128xf32, #tpu.memory_space<hbm>> -> memref<10000x128xf32, #tpu.memory_space<hbm>>
    tpu.enqueue_indirect_dma source(%dma_start3A_32 : memref<10000x128xf32, #tpu.memory_space<hbm>>) target(%arg13 : memref<128x128xf32, #tpu.memory_space<vmem>>) offsets(%dma_start3A_29 : memref<128xi32, #tpu.memory_space<vmem>>) semaphore(%arg15 : memref<!tpu.dma_semaphore, #tpu.memory_space<semaphore_mem>>)
    %scan3A = arith.constant 0 : i32
    %scan3A_33 = arith.constant 0 : i32
    %scan3A_34 = arith.constant 20 : i32
    %scan3A_35 = arith.addi %scan3A_33, %scan3A_34 : i32
    %scan3A_36 = arith.constant 1 : i32
    scf.for %scan3A_54 = %scan3A_33 to %scan3A_35 step %scan3A_36  : i32 {
      %mul3A_55 = arith.constant 4 : i32
      %mul3A_56 = arith.muli %mul3A_55, %scan3A_54 : i32
      %add3A_57 = arith.constant 0 : i32
      %add3A_58 = arith.addi %mul3A_56, %add3A_57 : i32
      %dma_wait3A_59 = arith.constant 0 : i32
      %dma_wait3A_60 = arith.constant 0 : i32
      %dma_wait3A_61 = tpu.memref_slice %arg2[%dma_wait3A_59, %dma_wait3A_60] : memref<10000x128xf32, #tpu.memory_space<hbm>> -> memref<128x128xf32, #tpu.memory_space<hbm>>
      %dma_wait3A_62 = arith.constant 0 : i32
      %dma_wait3A_63 = arith.constant 0 : i32
      %dma_wait3A_64 = tpu.memref_slice %arg2[%dma_wait3A_62, %dma_wait3A_63] : memref<10000x128xf32, #tpu.memory_space<hbm>> -> memref<128x128xf32, #tpu.memory_space<hbm>>
      tpu.wait_dma2 semaphore(%arg15 : memref<!tpu.dma_semaphore, #tpu.memory_space<semaphore_mem>>) src(%dma_wait3A_64 : memref<128x128xf32, #tpu.memory_space<hbm>>) dst(%arg13 : memref<128x128xf32, #tpu.memory_space<vmem>>)
      %dma_wait3A_65 = arith.constant 0 : i32
      %dma_wait3A_66 = tpu.memref_slice %arg4[%dma_wait3A_65] : memref<327680xi32, #tpu.memory_space<hbm>> -> memref<128xi32, #tpu.memory_space<hbm>>
      %dma_wait3A_67 = arith.constant 0 : i32
      %dma_wait3A_68 = tpu.memref_slice %arg4[%dma_wait3A_67] : memref<327680xi32, #tpu.memory_space<hbm>> -> memref<128xi32, #tpu.memory_space<hbm>>
      tpu.wait_dma2 semaphore(%arg17 : memref<!tpu.dma_semaphore, #tpu.memory_space<semaphore_mem>>) src(%dma_wait3A_68 : memref<128xi32, #tpu.memory_space<hbm>>) dst(%arg9 : memref<128xi32, #tpu.memory_space<vmem>>)
      %dma_start3A_69 = arith.constant 0 : i32
      %dma_start3A_70 = arith.constant 0 : i32
      %dma_start3A_71 = tpu.memref_slice %arg7[%dma_start3A_69, %dma_start3A_70] : memref<10248x128xf32, #tpu.memory_space<vmem_shared>> -> memref<10248x128xf32, #tpu.memory_space<vmem_shared>>
      tpu.enqueue_indirect_dma source(%arg13 : memref<128x128xf32, #tpu.memory_space<vmem>>) target(%dma_start3A_71 : memref<10248x128xf32, #tpu.memory_space<vmem_shared>>) offsets(%arg9 : memref<128xi32, #tpu.memory_space<vmem>>) semaphore(%arg21 : memref<!tpu.dma_semaphore, #tpu.memory_space<semaphore_mem>>) {add = true}
      %gt3A = arith.constant 0 : i32
      %gt3A_72 = arith.cmpi sgt, %scan3A_54, %gt3A : i32
      %convert_element_type3A_73 = arith.extui %gt3A_72 : i1 to i32
      %cond3A_74 = arith.constant 0 : i32
      %cond3A_75 = arith.cmpi ne, %convert_element_type3A_73, %cond3A_74 : i32
      scf.if %cond3A_75 {
        %dma_wait3A_186 = arith.constant 0 : i32
        %dma_wait3A_187 = arith.constant 0 : i32
        %dma_wait3A_188 = tpu.memref_slice %arg7[%dma_wait3A_186, %dma_wait3A_187] : memref<10248x128xf32, #tpu.memory_space<vmem_shared>> -> memref<10248x128xf32, #tpu.memory_space<vmem_shared>>
        tpu.wait_indirect_dma semaphore(%arg22 : memref<!tpu.dma_semaphore, #tpu.memory_space<semaphore_mem>>) src(%arg14 : memref<128x128xf32, #tpu.memory_space<vmem>>) dst(%dma_wait3A_188 : memref<10248x128xf32, #tpu.memory_space<vmem_shared>>)
      } else {
      }
      %add3A_76 = arith.constant 1 : i32
      %add3A_77 = arith.addi %add3A_58, %add3A_76 : i32
      %dma_start3A_78 = arith.constant 0 : i32
      %dma_start3A_79 = tpu.memref_slice %arg8[%add3A_77, %dma_start3A_78] : memref<80x128xi32, #tpu.memory_space<vmem>> -> memref<1x128xi32, #tpu.memory_space<vmem>>
      %dma_start3A_80 = tpu.memref_squeeze %dma_start3A_79 : memref<1x128xi32, #tpu.memory_space<vmem>> -> memref<128xi32, #tpu.memory_space<vmem>>
      %dma_start3A_81 = arith.constant 0 : i32
      %dma_start3A_82 = arith.constant 0 : i32
      %dma_start3A_83 = tpu.memref_slice %arg2[%dma_start3A_81, %dma_start3A_82] : memref<10000x128xf32, #tpu.memory_space<hbm>> -> memref<10000x128xf32, #tpu.memory_space<hbm>>
      tpu.enqueue_indirect_dma source(%dma_start3A_83 : memref<10000x128xf32, #tpu.memory_space<hbm>>) target(%arg14 : memref<128x128xf32, #tpu.memory_space<vmem>>) offsets(%dma_start3A_80 : memref<128xi32, #tpu.memory_space<vmem>>) semaphore(%arg16 : memref<!tpu.dma_semaphore, #tpu.memory_space<semaphore_mem>>)
      %add3A_84 = arith.constant 3 : i32
      %add3A_85 = arith.addi %add3A_58, %add3A_84 : i32
      %mul3A_86 = arith.constant 128 : i32
      %mul3A_87 = arith.muli %add3A_85, %mul3A_86 : i32
      %add3A_88 = arith.addi %mul3A_6, %mul3A_87 : i32
      %dma_start3A_89 = tpu.memref_slice %arg4[%add3A_88] : memref<327680xi32, #tpu.memory_space<hbm>> -> memref<128xi32, #tpu.memory_space<hbm>>
      %dma_start3A_90 = tpu.memref_slice %arg4[%add3A_88] : memref<327680xi32, #tpu.memory_space<hbm>> -> memref<128xi32, #tpu.memory_space<hbm>>
      tpu.enqueue_dma source(%dma_start3A_90 : memref<128xi32, #tpu.memory_space<hbm>>) target(%arg12 : memref<128xi32, #tpu.memory_space<vmem>>) target_semaphore(%arg20 : memref<!tpu.dma_semaphore, #tpu.memory_space<semaphore_mem>>)
      %mul3A_91 = arith.constant 4 : i32
      %mul3A_92 = arith.muli %mul3A_91, %scan3A_54 : i32
      %add3A_93 = arith.constant 1 : i32
      %add3A_94 = arith.addi %mul3A_92, %add3A_93 : i32
      %dma_wait3A_95 = arith.constant 0 : i32
      %dma_wait3A_96 = arith.constant 0 : i32
      %dma_wait3A_97 = tpu.memref_slice %arg2[%dma_wait3A_95, %dma_wait3A_96] : memref<10000x128xf32, #tpu.memory_space<hbm>> -> memref<128x128xf32, #tpu.memory_space<hbm>>
      %dma_wait3A_98 = arith.constant 0 : i32
      %dma_wait3A_99 = arith.constant 0 : i32
      %dma_wait3A_100 = tpu.memref_slice %arg2[%dma_wait3A_98, %dma_wait3A_99] : memref<10000x128xf32, #tpu.memory_space<hbm>> -> memref<128x128xf32, #tpu.memory_space<hbm>>
      tpu.wait_dma2 semaphore(%arg16 : memref<!tpu.dma_semaphore, #tpu.memory_space<semaphore_mem>>) src(%dma_wait3A_100 : memref<128x128xf32, #tpu.memory_space<hbm>>) dst(%arg14 : memref<128x128xf32, #tpu.memory_space<vmem>>)
      %dma_wait3A_101 = arith.constant 0 : i32
      %dma_wait3A_102 = tpu.memref_slice %arg4[%dma_wait3A_101] : memref<327680xi32, #tpu.memory_space<hbm>> -> memref<128xi32, #tpu.memory_space<hbm>>
      %dma_wait3A_103 = arith.constant 0 : i32
      %dma_wait3A_104 = tpu.memref_slice %arg4[%dma_wait3A_103] : memref<327680xi32, #tpu.memory_space<hbm>> -> memref<128xi32, #tpu.memory_space<hbm>>
      tpu.wait_dma2 semaphore(%arg18 : memref<!tpu.dma_semaphore, #tpu.memory_space<semaphore_mem>>) src(%dma_wait3A_104 : memref<128xi32, #tpu.memory_space<hbm>>) dst(%arg10 : memref<128xi32, #tpu.memory_space<vmem>>)
      %dma_start3A_105 = arith.constant 0 : i32
      %dma_start3A_106 = arith.constant 0 : i32
      %dma_start3A_107 = tpu.memref_slice %arg7[%dma_start3A_105, %dma_start3A_106] : memref<10248x128xf32, #tpu.memory_space<vmem_shared>> -> memref<10248x128xf32, #tpu.memory_space<vmem_shared>>
      tpu.enqueue_indirect_dma source(%arg14 : memref<128x128xf32, #tpu.memory_space<vmem>>) target(%dma_start3A_107 : memref<10248x128xf32, #tpu.memory_space<vmem_shared>>) offsets(%arg10 : memref<128xi32, #tpu.memory_space<vmem>>) semaphore(%arg22 : memref<!tpu.dma_semaphore, #tpu.memory_space<semaphore_mem>>) {add = true}
      %dma_wait3A_108 = arith.constant 0 : i32
      %dma_wait3A_109 = arith.constant 0 : i32
      %dma_wait3A_110 = tpu.memref_slice %arg7[%dma_wait3A_108, %dma_wait3A_109] : memref<10248x128xf32, #tpu.memory_space<vmem_shared>> -> memref<10248x128xf32, #tpu.memory_space<vmem_shared>>
      tpu.wait_indirect_dma semaphore(%arg21 : memref<!tpu.dma_semaphore, #tpu.memory_space<semaphore_mem>>) src(%arg13 : memref<128x128xf32, #tpu.memory_space<vmem>>) dst(%dma_wait3A_110 : memref<10248x128xf32, #tpu.memory_space<vmem_shared>>)
      %add3A_111 = arith.constant 1 : i32
      %add3A_112 = arith.addi %add3A_94, %add3A_111 : i32
      %dma_start3A_113 = arith.constant 0 : i32
      %dma_start3A_114 = tpu.memref_slice %arg8[%add3A_112, %dma_start3A_113] : memref<80x128xi32, #tpu.memory_space<vmem>> -> memref<1x128xi32, #tpu.memory_space<vmem>>
      %dma_start3A_115 = tpu.memref_squeeze %dma_start3A_114 : memref<1x128xi32, #tpu.memory_space<vmem>> -> memref<128xi32, #tpu.memory_space<vmem>>
      %dma_start3A_116 = arith.constant 0 : i32
      %dma_start3A_117 = arith.constant 0 : i32
      %dma_start3A_118 = tpu.memref_slice %arg2[%dma_start3A_116, %dma_start3A_117] : memref<10000x128xf32, #tpu.memory_space<hbm>> -> memref<10000x128xf32, #tpu.memory_space<hbm>>
      tpu.enqueue_indirect_dma source(%dma_start3A_118 : memref<10000x128xf32, #tpu.memory_space<hbm>>) target(%arg13 : memref<128x128xf32, #tpu.memory_space<vmem>>) offsets(%dma_start3A_115 : memref<128xi32, #tpu.memory_space<vmem>>) semaphore(%arg15 : memref<!tpu.dma_semaphore, #tpu.memory_space<semaphore_mem>>)
      %lt3A = arith.constant 19 : i32
      %lt3A_119 = arith.cmpi slt, %scan3A_54, %lt3A : i32
      %convert_element_type3A_120 = arith.extui %lt3A_119 : i1 to i32
      %cond3A_121 = arith.constant 0 : i32
      %cond3A_122 = arith.cmpi ne, %convert_element_type3A_120, %cond3A_121 : i32
      scf.if %cond3A_122 {
        %add3A_186 = arith.constant 3 : i32
        %add3A_187 = arith.addi %add3A_94, %add3A_186 : i32
        %mul3A_188 = arith.constant 128 : i32
        %mul3A_189 = arith.muli %add3A_187, %mul3A_188 : i32
        %add3A_190 = arith.addi %mul3A_6, %mul3A_189 : i32
        %dma_start3A_191 = tpu.memref_slice %arg4[%add3A_190] : memref<327680xi32, #tpu.memory_space<hbm>> -> memref<128xi32, #tpu.memory_space<hbm>>
        %dma_start3A_192 = tpu.memref_slice %arg4[%add3A_190] : memref<327680xi32, #tpu.memory_space<hbm>> -> memref<128xi32, #tpu.memory_space<hbm>>
        tpu.enqueue_dma source(%dma_start3A_192 : memref<128xi32, #tpu.memory_space<hbm>>) target(%arg9 : memref<128xi32, #tpu.memory_space<vmem>>) target_semaphore(%arg17 : memref<!tpu.dma_semaphore, #tpu.memory_space<semaphore_mem>>)
      } else {
      }
      %mul3A_123 = arith.constant 4 : i32
      %mul3A_124 = arith.muli %mul3A_123, %scan3A_54 : i32
      %add3A_125 = arith.constant 2 : i32
      %add3A_126 = arith.addi %mul3A_124, %add3A_125 : i32
      %dma_wait3A_127 = arith.constant 0 : i32
      %dma_wait3A_128 = arith.constant 0 : i32
      %dma_wait3A_129 = tpu.memref_slice %arg2[%dma_wait3A_127, %dma_wait3A_128] : memref<10000x128xf32, #tpu.memory_space<hbm>> -> memref<128x128xf32, #tpu.memory_space<hbm>>
      %dma_wait3A_130 = arith.constant 0 : i32
      %dma_wait3A_131 = arith.constant 0 : i32
      %dma_wait3A_132 = tpu.memref_slice %arg2[%dma_wait3A_130, %dma_wait3A_131] : memref<10000x128xf32, #tpu.memory_space<hbm>> -> memref<128x128xf32, #tpu.memory_space<hbm>>
      tpu.wait_dma2 semaphore(%arg15 : memref<!tpu.dma_semaphore, #tpu.memory_space<semaphore_mem>>) src(%dma_wait3A_132 : memref<128x128xf32, #tpu.memory_space<hbm>>) dst(%arg13 : memref<128x128xf32, #tpu.memory_space<vmem>>)
      %dma_wait3A_133 = arith.constant 0 : i32
      %dma_wait3A_134 = tpu.memref_slice %arg4[%dma_wait3A_133] : memref<327680xi32, #tpu.memory_space<hbm>> -> memref<128xi32, #tpu.memory_space<hbm>>
      %dma_wait3A_135 = arith.constant 0 : i32
      %dma_wait3A_136 = tpu.memref_slice %arg4[%dma_wait3A_135] : memref<327680xi32, #tpu.memory_space<hbm>> -> memref<128xi32, #tpu.memory_space<hbm>>
      tpu.wait_dma2 semaphore(%arg19 : memref<!tpu.dma_semaphore, #tpu.memory_space<semaphore_mem>>) src(%dma_wait3A_136 : memref<128xi32, #tpu.memory_space<hbm>>) dst(%arg11 : memref<128xi32, #tpu.memory_space<vmem>>)
      %dma_start3A_137 = arith.constant 0 : i32
      %dma_start3A_138 = arith.constant 0 : i32
      %dma_start3A_139 = tpu.memref_slice %arg7[%dma_start3A_137, %dma_start3A_138] : memref<10248x128xf32, #tpu.memory_space<vmem_shared>> -> memref<10248x128xf32, #tpu.memory_space<vmem_shared>>
      tpu.enqueue_indirect_dma source(%arg13 : memref<128x128xf32, #tpu.memory_space<vmem>>) target(%dma_start3A_139 : memref<10248x128xf32, #tpu.memory_space<vmem_shared>>) offsets(%arg11 : memref<128xi32, #tpu.memory_space<vmem>>) semaphore(%arg21 : memref<!tpu.dma_semaphore, #tpu.memory_space<semaphore_mem>>) {add = true}
      %dma_wait3A_140 = arith.constant 0 : i32
      %dma_wait3A_141 = arith.constant 0 : i32
      %dma_wait3A_142 = tpu.memref_slice %arg7[%dma_wait3A_140, %dma_wait3A_141] : memref<10248x128xf32, #tpu.memory_space<vmem_shared>> -> memref<10248x128xf32, #tpu.memory_space<vmem_shared>>
      tpu.wait_indirect_dma semaphore(%arg22 : memref<!tpu.dma_semaphore, #tpu.memory_space<semaphore_mem>>) src(%arg14 : memref<128x128xf32, #tpu.memory_space<vmem>>) dst(%dma_wait3A_142 : memref<10248x128xf32, #tpu.memory_space<vmem_shared>>)
      %add3A_143 = arith.constant 1 : i32
      %add3A_144 = arith.addi %add3A_126, %add3A_143 : i32
      %dma_start3A_145 = arith.constant 0 : i32
      %dma_start3A_146 = tpu.memref_slice %arg8[%add3A_144, %dma_start3A_145] : memref<80x128xi32, #tpu.memory_space<vmem>> -> memref<1x128xi32, #tpu.memory_space<vmem>>
      %dma_start3A_147 = tpu.memref_squeeze %dma_start3A_146 : memref<1x128xi32, #tpu.memory_space<vmem>> -> memref<128xi32, #tpu.memory_space<vmem>>
      %dma_start3A_148 = arith.constant 0 : i32
      %dma_start3A_149 = arith.constant 0 : i32
      %dma_start3A_150 = tpu.memref_slice %arg2[%dma_start3A_148, %dma_start3A_149] : memref<10000x128xf32, #tpu.memory_space<hbm>> -> memref<10000x128xf32, #tpu.memory_space<hbm>>
      tpu.enqueue_indirect_dma source(%dma_start3A_150 : memref<10000x128xf32, #tpu.memory_space<hbm>>) target(%arg14 : memref<128x128xf32, #tpu.memory_space<vmem>>) offsets(%dma_start3A_147 : memref<128xi32, #tpu.memory_space<vmem>>) semaphore(%arg16 : memref<!tpu.dma_semaphore, #tpu.memory_space<semaphore_mem>>)
      %lt3A_151 = arith.constant 19 : i32
      %lt3A_152 = arith.cmpi slt, %scan3A_54, %lt3A_151 : i32
      %convert_element_type3A_153 = arith.extui %lt3A_152 : i1 to i32
      %cond3A_154 = arith.constant 0 : i32
      %cond3A_155 = arith.cmpi ne, %convert_element_type3A_153, %cond3A_154 : i32
      scf.if %cond3A_155 {
        %add3A_186 = arith.constant 3 : i32
        %add3A_187 = arith.addi %add3A_126, %add3A_186 : i32
        %mul3A_188 = arith.constant 128 : i32
        %mul3A_189 = arith.muli %add3A_187, %mul3A_188 : i32
        %add3A_190 = arith.addi %mul3A_6, %mul3A_189 : i32
        %dma_start3A_191 = tpu.memref_slice %arg4[%add3A_190] : memref<327680xi32, #tpu.memory_space<hbm>> -> memref<128xi32, #tpu.memory_space<hbm>>
        %dma_start3A_192 = tpu.memref_slice %arg4[%add3A_190] : memref<327680xi32, #tpu.memory_space<hbm>> -> memref<128xi32, #tpu.memory_space<hbm>>
        tpu.enqueue_dma source(%dma_start3A_192 : memref<128xi32, #tpu.memory_space<hbm>>) target(%arg10 : memref<128xi32, #tpu.memory_space<vmem>>) target_semaphore(%arg18 : memref<!tpu.dma_semaphore, #tpu.memory_space<semaphore_mem>>)
      } else {
      }
      %mul3A_156 = arith.constant 4 : i32
      %mul3A_157 = arith.muli %mul3A_156, %scan3A_54 : i32
      %add3A_158 = arith.constant 3 : i32
      %add3A_159 = arith.addi %mul3A_157, %add3A_158 : i32
      %dma_wait3A_160 = arith.constant 0 : i32
      %dma_wait3A_161 = arith.constant 0 : i32
      %dma_wait3A_162 = tpu.memref_slice %arg2[%dma_wait3A_160, %dma_wait3A_161] : memref<10000x128xf32, #tpu.memory_space<hbm>> -> memref<128x128xf32, #tpu.memory_space<hbm>>
      %dma_wait3A_163 = arith.constant 0 : i32
      %dma_wait3A_164 = arith.constant 0 : i32
      %dma_wait3A_165 = tpu.memref_slice %arg2[%dma_wait3A_163, %dma_wait3A_164] : memref<10000x128xf32, #tpu.memory_space<hbm>> -> memref<128x128xf32, #tpu.memory_space<hbm>>
      tpu.wait_dma2 semaphore(%arg16 : memref<!tpu.dma_semaphore, #tpu.memory_space<semaphore_mem>>) src(%dma_wait3A_165 : memref<128x128xf32, #tpu.memory_space<hbm>>) dst(%arg14 : memref<128x128xf32, #tpu.memory_space<vmem>>)
      %dma_wait3A_166 = arith.constant 0 : i32
      %dma_wait3A_167 = tpu.memref_slice %arg4[%dma_wait3A_166] : memref<327680xi32, #tpu.memory_space<hbm>> -> memref<128xi32, #tpu.memory_space<hbm>>
      %dma_wait3A_168 = arith.constant 0 : i32
      %dma_wait3A_169 = tpu.memref_slice %arg4[%dma_wait3A_168] : memref<327680xi32, #tpu.memory_space<hbm>> -> memref<128xi32, #tpu.memory_space<hbm>>
      tpu.wait_dma2 semaphore(%arg20 : memref<!tpu.dma_semaphore, #tpu.memory_space<semaphore_mem>>) src(%dma_wait3A_169 : memref<128xi32, #tpu.memory_space<hbm>>) dst(%arg12 : memref<128xi32, #tpu.memory_space<vmem>>)
      %dma_start3A_170 = arith.constant 0 : i32
      %dma_start3A_171 = arith.constant 0 : i32
      %dma_start3A_172 = tpu.memref_slice %arg7[%dma_start3A_170, %dma_start3A_171] : memref<10248x128xf32, #tpu.memory_space<vmem_shared>> -> memref<10248x128xf32, #tpu.memory_space<vmem_shared>>
      tpu.enqueue_indirect_dma source(%arg14 : memref<128x128xf32, #tpu.memory_space<vmem>>) target(%dma_start3A_172 : memref<10248x128xf32, #tpu.memory_space<vmem_shared>>) offsets(%arg12 : memref<128xi32, #tpu.memory_space<vmem>>) semaphore(%arg22 : memref<!tpu.dma_semaphore, #tpu.memory_space<semaphore_mem>>) {add = true}
      %dma_wait3A_173 = arith.constant 0 : i32
      %dma_wait3A_174 = arith.constant 0 : i32
      %dma_wait3A_175 = tpu.memref_slice %arg7[%dma_wait3A_173, %dma_wait3A_174] : memref<10248x128xf32, #tpu.memory_space<vmem_shared>> -> memref<10248x128xf32, #tpu.memory_space<vmem_shared>>
      tpu.wait_indirect_dma semaphore(%arg21 : memref<!tpu.dma_semaphore, #tpu.memory_space<semaphore_mem>>) src(%arg13 : memref<128x128xf32, #tpu.memory_space<vmem>>) dst(%dma_wait3A_175 : memref<10248x128xf32, #tpu.memory_space<vmem_shared>>)
      %lt3A_176 = arith.constant 19 : i32
      %lt3A_177 = arith.cmpi slt, %scan3A_54, %lt3A_176 : i32
      %convert_element_type3A_178 = arith.extui %lt3A_177 : i1 to i32
      %cond3A_179 = arith.constant 0 : i32
      %cond3A_180 = arith.cmpi ne, %convert_element_type3A_178, %cond3A_179 : i32
      scf.if %cond3A_180 {
        %add3A_186 = arith.constant 1 : i32
        %add3A_187 = arith.addi %add3A_159, %add3A_186 : i32
        %dma_start3A_188 = arith.constant 0 : i32
        %dma_start3A_189 = tpu.memref_slice %arg8[%add3A_187, %dma_start3A_188] : memref<80x128xi32, #tpu.memory_space<vmem>> -> memref<1x128xi32, #tpu.memory_space<vmem>>
        %dma_start3A_190 = tpu.memref_squeeze %dma_start3A_189 : memref<1x128xi32, #tpu.memory_space<vmem>> -> memref<128xi32, #tpu.memory_space<vmem>>
        %dma_start3A_191 = arith.constant 0 : i32
        %dma_start3A_192 = arith.constant 0 : i32
        %dma_start3A_193 = tpu.memref_slice %arg2[%dma_start3A_191, %dma_start3A_192] : memref<10000x128xf32, #tpu.memory_space<hbm>> -> memref<10000x128xf32, #tpu.memory_space<hbm>>
        tpu.enqueue_indirect_dma source(%dma_start3A_193 : memref<10000x128xf32, #tpu.memory_space<hbm>>) target(%arg13 : memref<128x128xf32, #tpu.memory_space<vmem>>) offsets(%dma_start3A_190 : memref<128xi32, #tpu.memory_space<vmem>>) semaphore(%arg15 : memref<!tpu.dma_semaphore, #tpu.memory_space<semaphore_mem>>)
      } else {
      }
      %lt3A_181 = arith.constant 19 : i32
      %lt3A_182 = arith.cmpi slt, %scan3A_54, %lt3A_181 : i32
      %convert_element_type3A_183 = arith.extui %lt3A_182 : i1 to i32
      %cond3A_184 = arith.constant 0 : i32
      %cond3A_185 = arith.cmpi ne, %convert_element_type3A_183, %cond3A_184 : i32
      scf.if %cond3A_185 {
        %add3A_186 = arith.constant 3 : i32
        %add3A_187 = arith.addi %add3A_159, %add3A_186 : i32
        %mul3A_188 = arith.constant 128 : i32
        %mul3A_189 = arith.muli %add3A_187, %mul3A_188 : i32
        %add3A_190 = arith.addi %mul3A_6, %mul3A_189 : i32
        %dma_start3A_191 = tpu.memref_slice %arg4[%add3A_190] : memref<327680xi32, #tpu.memory_space<hbm>> -> memref<128xi32, #tpu.memory_space<hbm>>
        %dma_start3A_192 = tpu.memref_slice %arg4[%add3A_190] : memref<327680xi32, #tpu.memory_space<hbm>> -> memref<128xi32, #tpu.memory_space<hbm>>
        tpu.enqueue_dma source(%dma_start3A_192 : memref<128xi32, #tpu.memory_space<hbm>>) target(%arg11 : memref<128xi32, #tpu.memory_space<vmem>>) target_semaphore(%arg19 : memref<!tpu.dma_semaphore, #tpu.memory_space<semaphore_mem>>)
      } else {
      }
    }
    %scan3A_37 = arith.constant 20 : i32
    %dma_wait3A = arith.constant 0 : i32
    %dma_wait3A_38 = arith.constant 0 : i32
    %dma_wait3A_39 = tpu.memref_slice %arg7[%dma_wait3A, %dma_wait3A_38] : memref<10248x128xf32, #tpu.memory_space<vmem_shared>> -> memref<10248x128xf32, #tpu.memory_space<vmem_shared>>
    tpu.wait_indirect_dma semaphore(%arg22 : memref<!tpu.dma_semaphore, #tpu.memory_space<semaphore_mem>>) src(%arg14 : memref<128x128xf32, #tpu.memory_space<vmem>>) dst(%dma_wait3A_39 : memref<10248x128xf32, #tpu.memory_space<vmem_shared>>)
    %barrier3A_40 = arith.constant 0 : index
    tpu.barrier barrier_id(%barrier3A_40)
    %mul3A_41 = arith.constant 10248 : i32
    %mul3A_42 = arith.muli %arg0, %mul3A_41 : i32
    %add3A_43 = arith.addi %mul3A_42, %mul3A_2 : i32
    %ne3A_44 = arith.constant 15 : i32
    %ne3A_45 = arith.cmpi ne, %arg1, %ne3A_44 : i32
    %convert_element_type3A_46 = arith.extui %ne3A_45 : i1 to i32
    %cond3A_47 = arith.constant 0 : i32
    %cond3A_48 = arith.cmpi ne, %convert_element_type3A_46, %cond3A_47 : i32
    scf.if %cond3A_48 {
      %add3A_54 = arith.constant 0 : i32
      %add3A_55 = arith.addi %mul3A_2, %add3A_54 : i32
      "tpu.region"() ({
        %run_scoped3A = tpu.sem_alloc : memref<!tpu.dma_semaphore, #tpu.memory_space<semaphore_mem>>
        %dma_start3A_78 = arith.constant 0 : i32
        %dma_start3A_79 = arith.constant 0 : i32
        %dma_start3A_80 = tpu.memref_slice %arg13[%dma_start3A_78, %dma_start3A_79] : memref<128x128xf32, #tpu.memory_space<vmem>> -> memref<128x128xf32, #tpu.memory_space<vmem>>
        %dma_start3A_81 = arith.constant 0 : i32
        %dma_start3A_82 = tpu.memref_slice %arg7[%add3A_55, %dma_start3A_81] : memref<10248x128xf32, #tpu.memory_space<vmem_shared>> -> memref<128x128xf32, #tpu.memory_space<vmem_shared>>
        %dma_start3A_83 = arith.constant 0 : i32
        %dma_start3A_84 = arith.constant 0 : i32
        %dma_start3A_85 = tpu.memref_slice %arg13[%dma_start3A_83, %dma_start3A_84] : memref<128x128xf32, #tpu.memory_space<vmem>> -> memref<128x128xf32, #tpu.memory_space<vmem>>
        %dma_start3A_86 = arith.constant 0 : i32
        %dma_start3A_87 = tpu.memref_slice %arg7[%add3A_55, %dma_start3A_86] : memref<10248x128xf32, #tpu.memory_space<vmem_shared>> -> memref<128x128xf32, #tpu.memory_space<vmem_shared>>
        tpu.enqueue_dma source(%dma_start3A_87 : memref<128x128xf32, #tpu.memory_space<vmem_shared>>) target(%dma_start3A_85 : memref<128x128xf32, #tpu.memory_space<vmem>>) target_semaphore(%run_scoped3A : memref<!tpu.dma_semaphore, #tpu.memory_space<semaphore_mem>>)
        %dma_wait3A_88 = arith.constant 0 : i32
        %dma_wait3A_89 = arith.constant 0 : i32
        %dma_wait3A_90 = tpu.memref_slice %arg13[%dma_wait3A_88, %dma_wait3A_89] : memref<128x128xf32, #tpu.memory_space<vmem>> -> memref<128x128xf32, #tpu.memory_space<vmem>>
        %dma_wait3A_91 = arith.constant 0 : i32
        %dma_wait3A_92 = tpu.memref_slice %arg7[%add3A_55, %dma_wait3A_91] : memref<10248x128xf32, #tpu.memory_space<vmem_shared>> -> memref<128x128xf32, #tpu.memory_space<vmem_shared>>
        %dma_wait3A_93 = arith.constant 0 : i32
        %dma_wait3A_94 = arith.constant 0 : i32
        %dma_wait3A_95 = tpu.memref_slice %arg13[%dma_wait3A_93, %dma_wait3A_94] : memref<128x128xf32, #tpu.memory_space<vmem>> -> memref<128x128xf32, #tpu.memory_space<vmem>>
        %dma_wait3A_96 = arith.constant 0 : i32
        %dma_wait3A_97 = tpu.memref_slice %arg7[%add3A_55, %dma_wait3A_96] : memref<10248x128xf32, #tpu.memory_space<vmem_shared>> -> memref<128x128xf32, #tpu.memory_space<vmem_shared>>
        tpu.wait_dma2 semaphore(%run_scoped3A : memref<!tpu.dma_semaphore, #tpu.memory_space<semaphore_mem>>) src(%dma_wait3A_97 : memref<128x128xf32, #tpu.memory_space<vmem_shared>>) dst(%dma_wait3A_95 : memref<128x128xf32, #tpu.memory_space<vmem>>)
        tpu.yield
      }) : () -> ()
      %add3A_56 = arith.constant 0 : i32
      %add3A_57 = arith.addi %add3A_43, %add3A_56 : i32
      "tpu.region"() ({
        %run_scoped3A = tpu.sem_alloc : memref<!tpu.dma_semaphore, #tpu.memory_space<semaphore_mem>>
        %dma_start3A_78 = arith.constant 0 : i32
        %dma_start3A_79 = arith.constant 0 : i32
        %dma_start3A_80 = tpu.memref_slice %arg13[%dma_start3A_78, %dma_start3A_79] : memref<128x128xf32, #tpu.memory_space<vmem>> -> memref<128x128xf32, #tpu.memory_space<vmem>>
        %dma_start3A_81 = arith.constant 0 : i32
        %dma_start3A_82 = tpu.memref_slice %arg6[%add3A_57, %dma_start3A_81] : memref<20496x128xf32, #tpu.memory_space<hbm>> -> memref<128x128xf32, #tpu.memory_space<hbm>>
        %dma_start3A_83 = arith.constant 0 : i32
        %dma_start3A_84 = tpu.memref_slice %arg6[%add3A_57, %dma_start3A_83] : memref<20496x128xf32, #tpu.memory_space<hbm>> -> memref<128x128xf32, #tpu.memory_space<hbm>>
        %dma_start3A_85 = arith.constant 0 : i32
        %dma_start3A_86 = arith.constant 0 : i32
        %dma_start3A_87 = tpu.memref_slice %arg13[%dma_start3A_85, %dma_start3A_86] : memref<128x128xf32, #tpu.memory_space<vmem>> -> memref<128x128xf32, #tpu.memory_space<vmem>>
        tpu.enqueue_dma source(%dma_start3A_87 : memref<128x128xf32, #tpu.memory_space<vmem>>) target(%dma_start3A_84 : memref<128x128xf32, #tpu.memory_space<hbm>>) target_semaphore(%run_scoped3A : memref<!tpu.dma_semaphore, #tpu.memory_space<semaphore_mem>>)
        %dma_wait3A_88 = arith.constant 0 : i32
        %dma_wait3A_89 = arith.constant 0 : i32
        %dma_wait3A_90 = tpu.memref_slice %arg13[%dma_wait3A_88, %dma_wait3A_89] : memref<128x128xf32, #tpu.memory_space<vmem>> -> memref<128x128xf32, #tpu.memory_space<vmem>>
        %dma_wait3A_91 = arith.constant 0 : i32
        %dma_wait3A_92 = tpu.memref_slice %arg6[%add3A_57, %dma_wait3A_91] : memref<20496x128xf32, #tpu.memory_space<hbm>> -> memref<128x128xf32, #tpu.memory_space<hbm>>
        %dma_wait3A_93 = arith.constant 0 : i32
        %dma_wait3A_94 = tpu.memref_slice %arg6[%add3A_57, %dma_wait3A_93] : memref<20496x128xf32, #tpu.memory_space<hbm>> -> memref<128x128xf32, #tpu.memory_space<hbm>>
        %dma_wait3A_95 = arith.constant 0 : i32
        %dma_wait3A_96 = arith.constant 0 : i32
        %dma_wait3A_97 = tpu.memref_slice %arg13[%dma_wait3A_95, %dma_wait3A_96] : memref<128x128xf32, #tpu.memory_space<vmem>> -> memref<128x128xf32, #tpu.memory_space<vmem>>
        tpu.wait_dma2 semaphore(%run_scoped3A : memref<!tpu.dma_semaphore, #tpu.memory_space<semaphore_mem>>) src(%dma_wait3A_97 : memref<128x128xf32, #tpu.memory_space<vmem>>) dst(%dma_wait3A_94 : memref<128x128xf32, #tpu.memory_space<hbm>>)
        tpu.yield
      }) : () -> ()
      %add3A_58 = arith.constant 128 : i32
      %add3A_59 = arith.addi %mul3A_2, %add3A_58 : i32
      "tpu.region"() ({
        %run_scoped3A = tpu.sem_alloc : memref<!tpu.dma_semaphore, #tpu.memory_space<semaphore_mem>>
        %dma_start3A_78 = arith.constant 0 : i32
        %dma_start3A_79 = arith.constant 0 : i32
        %dma_start3A_80 = tpu.memref_slice %arg13[%dma_start3A_78, %dma_start3A_79] : memref<128x128xf32, #tpu.memory_space<vmem>> -> memref<128x128xf32, #tpu.memory_space<vmem>>
        %dma_start3A_81 = arith.constant 0 : i32
        %dma_start3A_82 = tpu.memref_slice %arg7[%add3A_59, %dma_start3A_81] : memref<10248x128xf32, #tpu.memory_space<vmem_shared>> -> memref<128x128xf32, #tpu.memory_space<vmem_shared>>
        %dma_start3A_83 = arith.constant 0 : i32
        %dma_start3A_84 = arith.constant 0 : i32
        %dma_start3A_85 = tpu.memref_slice %arg13[%dma_start3A_83, %dma_start3A_84] : memref<128x128xf32, #tpu.memory_space<vmem>> -> memref<128x128xf32, #tpu.memory_space<vmem>>
        %dma_start3A_86 = arith.constant 0 : i32
        %dma_start3A_87 = tpu.memref_slice %arg7[%add3A_59, %dma_start3A_86] : memref<10248x128xf32, #tpu.memory_space<vmem_shared>> -> memref<128x128xf32, #tpu.memory_space<vmem_shared>>
        tpu.enqueue_dma source(%dma_start3A_87 : memref<128x128xf32, #tpu.memory_space<vmem_shared>>) target(%dma_start3A_85 : memref<128x128xf32, #tpu.memory_space<vmem>>) target_semaphore(%run_scoped3A : memref<!tpu.dma_semaphore, #tpu.memory_space<semaphore_mem>>)
        %dma_wait3A_88 = arith.constant 0 : i32
        %dma_wait3A_89 = arith.constant 0 : i32
        %dma_wait3A_90 = tpu.memref_slice %arg13[%dma_wait3A_88, %dma_wait3A_89] : memref<128x128xf32, #tpu.memory_space<vmem>> -> memref<128x128xf32, #tpu.memory_space<vmem>>
        %dma_wait3A_91 = arith.constant 0 : i32
        %dma_wait3A_92 = tpu.memref_slice %arg7[%add3A_59, %dma_wait3A_91] : memref<10248x128xf32, #tpu.memory_space<vmem_shared>> -> memref<128x128xf32, #tpu.memory_space<vmem_shared>>
        %dma_wait3A_93 = arith.constant 0 : i32
        %dma_wait3A_94 = arith.constant 0 : i32
        %dma_wait3A_95 = tpu.memref_slice %arg13[%dma_wait3A_93, %dma_wait3A_94] : memref<128x128xf32, #tpu.memory_space<vmem>> -> memref<128x128xf32, #tpu.memory_space<vmem>>
        %dma_wait3A_96 = arith.constant 0 : i32
        %dma_wait3A_97 = tpu.memref_slice %arg7[%add3A_59, %dma_wait3A_96] : memref<10248x128xf32, #tpu.memory_space<vmem_shared>> -> memref<128x128xf32, #tpu.memory_space<vmem_shared>>
        tpu.wait_dma2 semaphore(%run_scoped3A : memref<!tpu.dma_semaphore, #tpu.memory_space<semaphore_mem>>) src(%dma_wait3A_97 : memref<128x128xf32, #tpu.memory_space<vmem_shared>>) dst(%dma_wait3A_95 : memref<128x128xf32, #tpu.memory_space<vmem>>)
        tpu.yield
      }) : () -> ()
      %add3A_60 = arith.constant 128 : i32
      %add3A_61 = arith.addi %add3A_43, %add3A_60 : i32
      "tpu.region"() ({
        %run_scoped3A = tpu.sem_alloc : memref<!tpu.dma_semaphore, #tpu.memory_space<semaphore_mem>>
        %dma_start3A_78 = arith.constant 0 : i32
        %dma_start3A_79 = arith.constant 0 : i32
        %dma_start3A_80 = tpu.memref_slice %arg13[%dma_start3A_78, %dma_start3A_79] : memref<128x128xf32, #tpu.memory_space<vmem>> -> memref<128x128xf32, #tpu.memory_space<vmem>>
        %dma_start3A_81 = arith.constant 0 : i32
        %dma_start3A_82 = tpu.memref_slice %arg6[%add3A_61, %dma_start3A_81] : memref<20496x128xf32, #tpu.memory_space<hbm>> -> memref<128x128xf32, #tpu.memory_space<hbm>>
        %dma_start3A_83 = arith.constant 0 : i32
        %dma_start3A_84 = tpu.memref_slice %arg6[%add3A_61, %dma_start3A_83] : memref<20496x128xf32, #tpu.memory_space<hbm>> -> memref<128x128xf32, #tpu.memory_space<hbm>>
        %dma_start3A_85 = arith.constant 0 : i32
        %dma_start3A_86 = arith.constant 0 : i32
        %dma_start3A_87 = tpu.memref_slice %arg13[%dma_start3A_85, %dma_start3A_86] : memref<128x128xf32, #tpu.memory_space<vmem>> -> memref<128x128xf32, #tpu.memory_space<vmem>>
        tpu.enqueue_dma source(%dma_start3A_87 : memref<128x128xf32, #tpu.memory_space<vmem>>) target(%dma_start3A_84 : memref<128x128xf32, #tpu.memory_space<hbm>>) target_semaphore(%run_scoped3A : memref<!tpu.dma_semaphore, #tpu.memory_space<semaphore_mem>>)
        %dma_wait3A_88 = arith.constant 0 : i32
        %dma_wait3A_89 = arith.constant 0 : i32
        %dma_wait3A_90 = tpu.memref_slice %arg13[%dma_wait3A_88, %dma_wait3A_89] : memref<128x128xf32, #tpu.memory_space<vmem>> -> memref<128x128xf32, #tpu.memory_space<vmem>>
        %dma_wait3A_91 = arith.constant 0 : i32
        %dma_wait3A_92 = tpu.memref_slice %arg6[%add3A_61, %dma_wait3A_91] : memref<20496x128xf32, #tpu.memory_space<hbm>> -> memref<128x128xf32, #tpu.memory_space<hbm>>
        %dma_wait3A_93 = arith.constant 0 : i32
        %dma_wait3A_94 = tpu.memref_slice %arg6[%add3A_61, %dma_wait3A_93] : memref<20496x128xf32, #tpu.memory_space<hbm>> -> memref<128x128xf32, #tpu.memory_space<hbm>>
        %dma_wait3A_95 = arith.constant 0 : i32
        %dma_wait3A_96 = arith.constant 0 : i32
        %dma_wait3A_97 = tpu.memref_slice %arg13[%dma_wait3A_95, %dma_wait3A_96] : memref<128x128xf32, #tpu.memory_space<vmem>> -> memref<128x128xf32, #tpu.memory_space<vmem>>
        tpu.wait_dma2 semaphore(%run_scoped3A : memref<!tpu.dma_semaphore, #tpu.memory_space<semaphore_mem>>) src(%dma_wait3A_97 : memref<128x128xf32, #tpu.memory_space<vmem>>) dst(%dma_wait3A_94 : memref<128x128xf32, #tpu.memory_space<hbm>>)
        tpu.yield
      }) : () -> ()
      %add3A_62 = arith.constant 256 : i32
      %add3A_63 = arith.addi %mul3A_2, %add3A_62 : i32
      "tpu.region"() ({
        %run_scoped3A = tpu.sem_alloc : memref<!tpu.dma_semaphore, #tpu.memory_space<semaphore_mem>>
        %dma_start3A_78 = arith.constant 0 : i32
        %dma_start3A_79 = arith.constant 0 : i32
        %dma_start3A_80 = tpu.memref_slice %arg13[%dma_start3A_78, %dma_start3A_79] : memref<128x128xf32, #tpu.memory_space<vmem>> -> memref<128x128xf32, #tpu.memory_space<vmem>>
        %dma_start3A_81 = arith.constant 0 : i32
        %dma_start3A_82 = tpu.memref_slice %arg7[%add3A_63, %dma_start3A_81] : memref<10248x128xf32, #tpu.memory_space<vmem_shared>> -> memref<128x128xf32, #tpu.memory_space<vmem_shared>>
        %dma_start3A_83 = arith.constant 0 : i32
        %dma_start3A_84 = arith.constant 0 : i32
        %dma_start3A_85 = tpu.memref_slice %arg13[%dma_start3A_83, %dma_start3A_84] : memref<128x128xf32, #tpu.memory_space<vmem>> -> memref<128x128xf32, #tpu.memory_space<vmem>>
        %dma_start3A_86 = arith.constant 0 : i32
        %dma_start3A_87 = tpu.memref_slice %arg7[%add3A_63, %dma_start3A_86] : memref<10248x128xf32, #tpu.memory_space<vmem_shared>> -> memref<128x128xf32, #tpu.memory_space<vmem_shared>>
        tpu.enqueue_dma source(%dma_start3A_87 : memref<128x128xf32, #tpu.memory_space<vmem_shared>>) target(%dma_start3A_85 : memref<128x128xf32, #tpu.memory_space<vmem>>) target_semaphore(%run_scoped3A : memref<!tpu.dma_semaphore, #tpu.memory_space<semaphore_mem>>)
        %dma_wait3A_88 = arith.constant 0 : i32
        %dma_wait3A_89 = arith.constant 0 : i32
        %dma_wait3A_90 = tpu.memref_slice %arg13[%dma_wait3A_88, %dma_wait3A_89] : memref<128x128xf32, #tpu.memory_space<vmem>> -> memref<128x128xf32, #tpu.memory_space<vmem>>
        %dma_wait3A_91 = arith.constant 0 : i32
        %dma_wait3A_92 = tpu.memref_slice %arg7[%add3A_63, %dma_wait3A_91] : memref<10248x128xf32, #tpu.memory_space<vmem_shared>> -> memref<128x128xf32, #tpu.memory_space<vmem_shared>>
        %dma_wait3A_93 = arith.constant 0 : i32
        %dma_wait3A_94 = arith.constant 0 : i32
        %dma_wait3A_95 = tpu.memref_slice %arg13[%dma_wait3A_93, %dma_wait3A_94] : memref<128x128xf32, #tpu.memory_space<vmem>> -> memref<128x128xf32, #tpu.memory_space<vmem>>
        %dma_wait3A_96 = arith.constant 0 : i32
        %dma_wait3A_97 = tpu.memref_slice %arg7[%add3A_63, %dma_wait3A_96] : memref<10248x128xf32, #tpu.memory_space<vmem_shared>> -> memref<128x128xf32, #tpu.memory_space<vmem_shared>>
        tpu.wait_dma2 semaphore(%run_scoped3A : memref<!tpu.dma_semaphore, #tpu.memory_space<semaphore_mem>>) src(%dma_wait3A_97 : memref<128x128xf32, #tpu.memory_space<vmem_shared>>) dst(%dma_wait3A_95 : memref<128x128xf32, #tpu.memory_space<vmem>>)
        tpu.yield
      }) : () -> ()
      %add3A_64 = arith.constant 256 : i32
      %add3A_65 = arith.addi %add3A_43, %add3A_64 : i32
      "tpu.region"() ({
        %run_scoped3A = tpu.sem_alloc : memref<!tpu.dma_semaphore, #tpu.memory_space<semaphore_mem>>
        %dma_start3A_78 = arith.constant 0 : i32
        %dma_start3A_79 = arith.constant 0 : i32
        %dma_start3A_80 = tpu.memref_slice %arg13[%dma_start3A_78, %dma_start3A_79] : memref<128x128xf32, #tpu.memory_space<vmem>> -> memref<128x128xf32, #tpu.memory_space<vmem>>
        %dma_start3A_81 = arith.constant 0 : i32
        %dma_start3A_82 = tpu.memref_slice %arg6[%add3A_65, %dma_start3A_81] : memref<20496x128xf32, #tpu.memory_space<hbm>> -> memref<128x128xf32, #tpu.memory_space<hbm>>
        %dma_start3A_83 = arith.constant 0 : i32
        %dma_start3A_84 = tpu.memref_slice %arg6[%add3A_65, %dma_start3A_83] : memref<20496x128xf32, #tpu.memory_space<hbm>> -> memref<128x128xf32, #tpu.memory_space<hbm>>
        %dma_start3A_85 = arith.constant 0 : i32
        %dma_start3A_86 = arith.constant 0 : i32
        %dma_start3A_87 = tpu.memref_slice %arg13[%dma_start3A_85, %dma_start3A_86] : memref<128x128xf32, #tpu.memory_space<vmem>> -> memref<128x128xf32, #tpu.memory_space<vmem>>
        tpu.enqueue_dma source(%dma_start3A_87 : memref<128x128xf32, #tpu.memory_space<vmem>>) target(%dma_start3A_84 : memref<128x128xf32, #tpu.memory_space<hbm>>) target_semaphore(%run_scoped3A : memref<!tpu.dma_semaphore, #tpu.memory_space<semaphore_mem>>)
        %dma_wait3A_88 = arith.constant 0 : i32
        %dma_wait3A_89 = arith.constant 0 : i32
        %dma_wait3A_90 = tpu.memref_slice %arg13[%dma_wait3A_88, %dma_wait3A_89] : memref<128x128xf32, #tpu.memory_space<vmem>> -> memref<128x128xf32, #tpu.memory_space<vmem>>
        %dma_wait3A_91 = arith.constant 0 : i32
        %dma_wait3A_92 = tpu.memref_slice %arg6[%add3A_65, %dma_wait3A_91] : memref<20496x128xf32, #tpu.memory_space<hbm>> -> memref<128x128xf32, #tpu.memory_space<hbm>>
        %dma_wait3A_93 = arith.constant 0 : i32
        %dma_wait3A_94 = tpu.memref_slice %arg6[%add3A_65, %dma_wait3A_93] : memref<20496x128xf32, #tpu.memory_space<hbm>> -> memref<128x128xf32, #tpu.memory_space<hbm>>
        %dma_wait3A_95 = arith.constant 0 : i32
        %dma_wait3A_96 = arith.constant 0 : i32
        %dma_wait3A_97 = tpu.memref_slice %arg13[%dma_wait3A_95, %dma_wait3A_96] : memref<128x128xf32, #tpu.memory_space<vmem>> -> memref<128x128xf32, #tpu.memory_space<vmem>>
        tpu.wait_dma2 semaphore(%run_scoped3A : memref<!tpu.dma_semaphore, #tpu.memory_space<semaphore_mem>>) src(%dma_wait3A_97 : memref<128x128xf32, #tpu.memory_space<vmem>>) dst(%dma_wait3A_94 : memref<128x128xf32, #tpu.memory_space<hbm>>)
        tpu.yield
      }) : () -> ()
      %add3A_66 = arith.constant 384 : i32
      %add3A_67 = arith.addi %mul3A_2, %add3A_66 : i32
      "tpu.region"() ({
        %run_scoped3A = tpu.sem_alloc : memref<!tpu.dma_semaphore, #tpu.memory_space<semaphore_mem>>
        %dma_start3A_78 = arith.constant 0 : i32
        %dma_start3A_79 = arith.constant 0 : i32
        %dma_start3A_80 = tpu.memref_slice %arg13[%dma_start3A_78, %dma_start3A_79] : memref<128x128xf32, #tpu.memory_space<vmem>> -> memref<128x128xf32, #tpu.memory_space<vmem>>
        %dma_start3A_81 = arith.constant 0 : i32
        %dma_start3A_82 = tpu.memref_slice %arg7[%add3A_67, %dma_start3A_81] : memref<10248x128xf32, #tpu.memory_space<vmem_shared>> -> memref<128x128xf32, #tpu.memory_space<vmem_shared>>
        %dma_start3A_83 = arith.constant 0 : i32
        %dma_start3A_84 = arith.constant 0 : i32
        %dma_start3A_85 = tpu.memref_slice %arg13[%dma_start3A_83, %dma_start3A_84] : memref<128x128xf32, #tpu.memory_space<vmem>> -> memref<128x128xf32, #tpu.memory_space<vmem>>
        %dma_start3A_86 = arith.constant 0 : i32
        %dma_start3A_87 = tpu.memref_slice %arg7[%add3A_67, %dma_start3A_86] : memref<10248x128xf32, #tpu.memory_space<vmem_shared>> -> memref<128x128xf32, #tpu.memory_space<vmem_shared>>
        tpu.enqueue_dma source(%dma_start3A_87 : memref<128x128xf32, #tpu.memory_space<vmem_shared>>) target(%dma_start3A_85 : memref<128x128xf32, #tpu.memory_space<vmem>>) target_semaphore(%run_scoped3A : memref<!tpu.dma_semaphore, #tpu.memory_space<semaphore_mem>>)
        %dma_wait3A_88 = arith.constant 0 : i32
        %dma_wait3A_89 = arith.constant 0 : i32
        %dma_wait3A_90 = tpu.memref_slice %arg13[%dma_wait3A_88, %dma_wait3A_89] : memref<128x128xf32, #tpu.memory_space<vmem>> -> memref<128x128xf32, #tpu.memory_space<vmem>>
        %dma_wait3A_91 = arith.constant 0 : i32
        %dma_wait3A_92 = tpu.memref_slice %arg7[%add3A_67, %dma_wait3A_91] : memref<10248x128xf32, #tpu.memory_space<vmem_shared>> -> memref<128x128xf32, #tpu.memory_space<vmem_shared>>
        %dma_wait3A_93 = arith.constant 0 : i32
        %dma_wait3A_94 = arith.constant 0 : i32
        %dma_wait3A_95 = tpu.memref_slice %arg13[%dma_wait3A_93, %dma_wait3A_94] : memref<128x128xf32, #tpu.memory_space<vmem>> -> memref<128x128xf32, #tpu.memory_space<vmem>>
        %dma_wait3A_96 = arith.constant 0 : i32
        %dma_wait3A_97 = tpu.memref_slice %arg7[%add3A_67, %dma_wait3A_96] : memref<10248x128xf32, #tpu.memory_space<vmem_shared>> -> memref<128x128xf32, #tpu.memory_space<vmem_shared>>
        tpu.wait_dma2 semaphore(%run_scoped3A : memref<!tpu.dma_semaphore, #tpu.memory_space<semaphore_mem>>) src(%dma_wait3A_97 : memref<128x128xf32, #tpu.memory_space<vmem_shared>>) dst(%dma_wait3A_95 : memref<128x128xf32, #tpu.memory_space<vmem>>)
        tpu.yield
      }) : () -> ()
      %add3A_68 = arith.constant 384 : i32
      %add3A_69 = arith.addi %add3A_43, %add3A_68 : i32
      "tpu.region"() ({
        %run_scoped3A = tpu.sem_alloc : memref<!tpu.dma_semaphore, #tpu.memory_space<semaphore_mem>>
        %dma_start3A_78 = arith.constant 0 : i32
        %dma_start3A_79 = arith.constant 0 : i32
        %dma_start3A_80 = tpu.memref_slice %arg13[%dma_start3A_78, %dma_start3A_79] : memref<128x128xf32, #tpu.memory_space<vmem>> -> memref<128x128xf32, #tpu.memory_space<vmem>>
        %dma_start3A_81 = arith.constant 0 : i32
        %dma_start3A_82 = tpu.memref_slice %arg6[%add3A_69, %dma_start3A_81] : memref<20496x128xf32, #tpu.memory_space<hbm>> -> memref<128x128xf32, #tpu.memory_space<hbm>>
        %dma_start3A_83 = arith.constant 0 : i32
        %dma_start3A_84 = tpu.memref_slice %arg6[%add3A_69, %dma_start3A_83] : memref<20496x128xf32, #tpu.memory_space<hbm>> -> memref<128x128xf32, #tpu.memory_space<hbm>>
        %dma_start3A_85 = arith.constant 0 : i32
        %dma_start3A_86 = arith.constant 0 : i32
        %dma_start3A_87 = tpu.memref_slice %arg13[%dma_start3A_85, %dma_start3A_86] : memref<128x128xf32, #tpu.memory_space<vmem>> -> memref<128x128xf32, #tpu.memory_space<vmem>>
        tpu.enqueue_dma source(%dma_start3A_87 : memref<128x128xf32, #tpu.memory_space<vmem>>) target(%dma_start3A_84 : memref<128x128xf32, #tpu.memory_space<hbm>>) target_semaphore(%run_scoped3A : memref<!tpu.dma_semaphore, #tpu.memory_space<semaphore_mem>>)
        %dma_wait3A_88 = arith.constant 0 : i32
        %dma_wait3A_89 = arith.constant 0 : i32
        %dma_wait3A_90 = tpu.memref_slice %arg13[%dma_wait3A_88, %dma_wait3A_89] : memref<128x128xf32, #tpu.memory_space<vmem>> -> memref<128x128xf32, #tpu.memory_space<vmem>>
        %dma_wait3A_91 = arith.constant 0 : i32
        %dma_wait3A_92 = tpu.memref_slice %arg6[%add3A_69, %dma_wait3A_91] : memref<20496x128xf32, #tpu.memory_space<hbm>> -> memref<128x128xf32, #tpu.memory_space<hbm>>
        %dma_wait3A_93 = arith.constant 0 : i32
        %dma_wait3A_94 = tpu.memref_slice %arg6[%add3A_69, %dma_wait3A_93] : memref<20496x128xf32, #tpu.memory_space<hbm>> -> memref<128x128xf32, #tpu.memory_space<hbm>>
        %dma_wait3A_95 = arith.constant 0 : i32
        %dma_wait3A_96 = arith.constant 0 : i32
        %dma_wait3A_97 = tpu.memref_slice %arg13[%dma_wait3A_95, %dma_wait3A_96] : memref<128x128xf32, #tpu.memory_space<vmem>> -> memref<128x128xf32, #tpu.memory_space<vmem>>
        tpu.wait_dma2 semaphore(%run_scoped3A : memref<!tpu.dma_semaphore, #tpu.memory_space<semaphore_mem>>) src(%dma_wait3A_97 : memref<128x128xf32, #tpu.memory_space<vmem>>) dst(%dma_wait3A_94 : memref<128x128xf32, #tpu.memory_space<hbm>>)
        tpu.yield
      }) : () -> ()
      %add3A_70 = arith.constant 512 : i32
      %add3A_71 = arith.addi %mul3A_2, %add3A_70 : i32
      "tpu.region"() ({
        %run_scoped3A = tpu.sem_alloc : memref<!tpu.dma_semaphore, #tpu.memory_space<semaphore_mem>>
        %dma_start3A_78 = arith.constant 0 : i32
        %dma_start3A_79 = arith.constant 0 : i32
        %dma_start3A_80 = tpu.memref_slice %arg13[%dma_start3A_78, %dma_start3A_79] : memref<128x128xf32, #tpu.memory_space<vmem>> -> memref<128x128xf32, #tpu.memory_space<vmem>>
        %dma_start3A_81 = arith.constant 0 : i32
        %dma_start3A_82 = tpu.memref_slice %arg7[%add3A_71, %dma_start3A_81] : memref<10248x128xf32, #tpu.memory_space<vmem_shared>> -> memref<128x128xf32, #tpu.memory_space<vmem_shared>>
        %dma_start3A_83 = arith.constant 0 : i32
        %dma_start3A_84 = arith.constant 0 : i32
        %dma_start3A_85 = tpu.memref_slice %arg13[%dma_start3A_83, %dma_start3A_84] : memref<128x128xf32, #tpu.memory_space<vmem>> -> memref<128x128xf32, #tpu.memory_space<vmem>>
        %dma_start3A_86 = arith.constant 0 : i32
        %dma_start3A_87 = tpu.memref_slice %arg7[%add3A_71, %dma_start3A_86] : memref<10248x128xf32, #tpu.memory_space<vmem_shared>> -> memref<128x128xf32, #tpu.memory_space<vmem_shared>>
        tpu.enqueue_dma source(%dma_start3A_87 : memref<128x128xf32, #tpu.memory_space<vmem_shared>>) target(%dma_start3A_85 : memref<128x128xf32, #tpu.memory_space<vmem>>) target_semaphore(%run_scoped3A : memref<!tpu.dma_semaphore, #tpu.memory_space<semaphore_mem>>)
        %dma_wait3A_88 = arith.constant 0 : i32
        %dma_wait3A_89 = arith.constant 0 : i32
        %dma_wait3A_90 = tpu.memref_slice %arg13[%dma_wait3A_88, %dma_wait3A_89] : memref<128x128xf32, #tpu.memory_space<vmem>> -> memref<128x128xf32, #tpu.memory_space<vmem>>
        %dma_wait3A_91 = arith.constant 0 : i32
        %dma_wait3A_92 = tpu.memref_slice %arg7[%add3A_71, %dma_wait3A_91] : memref<10248x128xf32, #tpu.memory_space<vmem_shared>> -> memref<128x128xf32, #tpu.memory_space<vmem_shared>>
        %dma_wait3A_93 = arith.constant 0 : i32
        %dma_wait3A_94 = arith.constant 0 : i32
        %dma_wait3A_95 = tpu.memref_slice %arg13[%dma_wait3A_93, %dma_wait3A_94] : memref<128x128xf32, #tpu.memory_space<vmem>> -> memref<128x128xf32, #tpu.memory_space<vmem>>
        %dma_wait3A_96 = arith.constant 0 : i32
        %dma_wait3A_97 = tpu.memref_slice %arg7[%add3A_71, %dma_wait3A_96] : memref<10248x128xf32, #tpu.memory_space<vmem_shared>> -> memref<128x128xf32, #tpu.memory_space<vmem_shared>>
        tpu.wait_dma2 semaphore(%run_scoped3A : memref<!tpu.dma_semaphore, #tpu.memory_space<semaphore_mem>>) src(%dma_wait3A_97 : memref<128x128xf32, #tpu.memory_space<vmem_shared>>) dst(%dma_wait3A_95 : memref<128x128xf32, #tpu.memory_space<vmem>>)
        tpu.yield
      }) : () -> ()
      %add3A_72 = arith.constant 512 : i32
      %add3A_73 = arith.addi %add3A_43, %add3A_72 : i32
      "tpu.region"() ({
        %run_scoped3A = tpu.sem_alloc : memref<!tpu.dma_semaphore, #tpu.memory_space<semaphore_mem>>
        %dma_start3A_78 = arith.constant 0 : i32
        %dma_start3A_79 = arith.constant 0 : i32
        %dma_start3A_80 = tpu.memref_slice %arg13[%dma_start3A_78, %dma_start3A_79] : memref<128x128xf32, #tpu.memory_space<vmem>> -> memref<128x128xf32, #tpu.memory_space<vmem>>
        %dma_start3A_81 = arith.constant 0 : i32
        %dma_start3A_82 = tpu.memref_slice %arg6[%add3A_73, %dma_start3A_81] : memref<20496x128xf32, #tpu.memory_space<hbm>> -> memref<128x128xf32, #tpu.memory_space<hbm>>
        %dma_start3A_83 = arith.constant 0 : i32
        %dma_start3A_84 = tpu.memref_slice %arg6[%add3A_73, %dma_start3A_83] : memref<20496x128xf32, #tpu.memory_space<hbm>> -> memref<128x128xf32, #tpu.memory_space<hbm>>
        %dma_start3A_85 = arith.constant 0 : i32
        %dma_start3A_86 = arith.constant 0 : i32
        %dma_start3A_87 = tpu.memref_slice %arg13[%dma_start3A_85, %dma_start3A_86] : memref<128x128xf32, #tpu.memory_space<vmem>> -> memref<128x128xf32, #tpu.memory_space<vmem>>
        tpu.enqueue_dma source(%dma_start3A_87 : memref<128x128xf32, #tpu.memory_space<vmem>>) target(%dma_start3A_84 : memref<128x128xf32, #tpu.memory_space<hbm>>) target_semaphore(%run_scoped3A : memref<!tpu.dma_semaphore, #tpu.memory_space<semaphore_mem>>)
        %dma_wait3A_88 = arith.constant 0 : i32
        %dma_wait3A_89 = arith.constant 0 : i32
        %dma_wait3A_90 = tpu.memref_slice %arg13[%dma_wait3A_88, %dma_wait3A_89] : memref<128x128xf32, #tpu.memory_space<vmem>> -> memref<128x128xf32, #tpu.memory_space<vmem>>
        %dma_wait3A_91 = arith.constant 0 : i32
        %dma_wait3A_92 = tpu.memref_slice %arg6[%add3A_73, %dma_wait3A_91] : memref<20496x128xf32, #tpu.memory_space<hbm>> -> memref<128x128xf32, #tpu.memory_space<hbm>>
        %dma_wait3A_93 = arith.constant 0 : i32
        %dma_wait3A_94 = tpu.memref_slice %arg6[%add3A_73, %dma_wait3A_93] : memref<20496x128xf32, #tpu.memory_space<hbm>> -> memref<128x128xf32, #tpu.memory_space<hbm>>
        %dma_wait3A_95 = arith.constant 0 : i32
        %dma_wait3A_96 = arith.constant 0 : i32
        %dma_wait3A_97 = tpu.memref_slice %arg13[%dma_wait3A_95, %dma_wait3A_96] : memref<128x128xf32, #tpu.memory_space<vmem>> -> memref<128x128xf32, #tpu.memory_space<vmem>>
        tpu.wait_dma2 semaphore(%run_scoped3A : memref<!tpu.dma_semaphore, #tpu.memory_space<semaphore_mem>>) src(%dma_wait3A_97 : memref<128x128xf32, #tpu.memory_space<vmem>>) dst(%dma_wait3A_94 : memref<128x128xf32, #tpu.memory_space<hbm>>)
        tpu.yield
      }) : () -> ()
      %add3A_74 = arith.constant 640 : i32
      %add3A_75 = arith.addi %mul3A_2, %add3A_74 : i32
      "tpu.region"() ({
        %run_scoped3A = tpu.sem_alloc : memref<!tpu.dma_semaphore, #tpu.memory_space<semaphore_mem>>
        %dma_start3A_78 = arith.constant 0 : i32
        %dma_start3A_79 = arith.constant 0 : i32
        %dma_start3A_80 = tpu.memref_slice %arg13[%dma_start3A_78, %dma_start3A_79] : memref<128x128xf32, #tpu.memory_space<vmem>> -> memref<8x128xf32, #tpu.memory_space<vmem>>
        %dma_start3A_81 = arith.constant 0 : i32
        %dma_start3A_82 = tpu.memref_slice %arg7[%add3A_75, %dma_start3A_81] : memref<10248x128xf32, #tpu.memory_space<vmem_shared>> -> memref<8x128xf32, #tpu.memory_space<vmem_shared>>
        %dma_start3A_83 = arith.constant 0 : i32
        %dma_start3A_84 = arith.constant 0 : i32
        %dma_start3A_85 = tpu.memref_slice %arg13[%dma_start3A_83, %dma_start3A_84] : memref<128x128xf32, #tpu.memory_space<vmem>> -> memref<8x128xf32, #tpu.memory_space<vmem>>
        %dma_start3A_86 = arith.constant 0 : i32
        %dma_start3A_87 = tpu.memref_slice %arg7[%add3A_75, %dma_start3A_86] : memref<10248x128xf32, #tpu.memory_space<vmem_shared>> -> memref<8x128xf32, #tpu.memory_space<vmem_shared>>
        tpu.enqueue_dma source(%dma_start3A_87 : memref<8x128xf32, #tpu.memory_space<vmem_shared>>) target(%dma_start3A_85 : memref<8x128xf32, #tpu.memory_space<vmem>>) target_semaphore(%run_scoped3A : memref<!tpu.dma_semaphore, #tpu.memory_space<semaphore_mem>>)
        %dma_wait3A_88 = arith.constant 0 : i32
        %dma_wait3A_89 = arith.constant 0 : i32
        %dma_wait3A_90 = tpu.memref_slice %arg13[%dma_wait3A_88, %dma_wait3A_89] : memref<128x128xf32, #tpu.memory_space<vmem>> -> memref<8x128xf32, #tpu.memory_space<vmem>>
        %dma_wait3A_91 = arith.constant 0 : i32
        %dma_wait3A_92 = tpu.memref_slice %arg7[%add3A_75, %dma_wait3A_91] : memref<10248x128xf32, #tpu.memory_space<vmem_shared>> -> memref<8x128xf32, #tpu.memory_space<vmem_shared>>
        %dma_wait3A_93 = arith.constant 0 : i32
        %dma_wait3A_94 = arith.constant 0 : i32
        %dma_wait3A_95 = tpu.memref_slice %arg13[%dma_wait3A_93, %dma_wait3A_94] : memref<128x128xf32, #tpu.memory_space<vmem>> -> memref<8x128xf32, #tpu.memory_space<vmem>>
        %dma_wait3A_96 = arith.constant 0 : i32
        %dma_wait3A_97 = tpu.memref_slice %arg7[%add3A_75, %dma_wait3A_96] : memref<10248x128xf32, #tpu.memory_space<vmem_shared>> -> memref<8x128xf32, #tpu.memory_space<vmem_shared>>
        tpu.wait_dma2 semaphore(%run_scoped3A : memref<!tpu.dma_semaphore, #tpu.memory_space<semaphore_mem>>) src(%dma_wait3A_97 : memref<8x128xf32, #tpu.memory_space<vmem_shared>>) dst(%dma_wait3A_95 : memref<8x128xf32, #tpu.memory_space<vmem>>)
        tpu.yield
      }) : () -> ()
      %add3A_76 = arith.constant 640 : i32
      %add3A_77 = arith.addi %add3A_43, %add3A_76 : i32
      "tpu.region"() ({
        %run_scoped3A = tpu.sem_alloc : memref<!tpu.dma_semaphore, #tpu.memory_space<semaphore_mem>>
        %dma_start3A_78 = arith.constant 0 : i32
        %dma_start3A_79 = arith.constant 0 : i32
        %dma_start3A_80 = tpu.memref_slice %arg13[%dma_start3A_78, %dma_start3A_79] : memref<128x128xf32, #tpu.memory_space<vmem>> -> memref<8x128xf32, #tpu.memory_space<vmem>>
        %dma_start3A_81 = arith.constant 0 : i32
        %dma_start3A_82 = tpu.memref_slice %arg6[%add3A_77, %dma_start3A_81] : memref<20496x128xf32, #tpu.memory_space<hbm>> -> memref<8x128xf32, #tpu.memory_space<hbm>>
        %dma_start3A_83 = arith.constant 0 : i32
        %dma_start3A_84 = tpu.memref_slice %arg6[%add3A_77, %dma_start3A_83] : memref<20496x128xf32, #tpu.memory_space<hbm>> -> memref<8x128xf32, #tpu.memory_space<hbm>>
        %dma_start3A_85 = arith.constant 0 : i32
        %dma_start3A_86 = arith.constant 0 : i32
        %dma_start3A_87 = tpu.memref_slice %arg13[%dma_start3A_85, %dma_start3A_86] : memref<128x128xf32, #tpu.memory_space<vmem>> -> memref<8x128xf32, #tpu.memory_space<vmem>>
        tpu.enqueue_dma source(%dma_start3A_87 : memref<8x128xf32, #tpu.memory_space<vmem>>) target(%dma_start3A_84 : memref<8x128xf32, #tpu.memory_space<hbm>>) target_semaphore(%run_scoped3A : memref<!tpu.dma_semaphore, #tpu.memory_space<semaphore_mem>>)
        %dma_wait3A_88 = arith.constant 0 : i32
        %dma_wait3A_89 = arith.constant 0 : i32
        %dma_wait3A_90 = tpu.memref_slice %arg13[%dma_wait3A_88, %dma_wait3A_89] : memref<128x128xf32, #tpu.memory_space<vmem>> -> memref<8x128xf32, #tpu.memory_space<vmem>>
        %dma_wait3A_91 = arith.constant 0 : i32
        %dma_wait3A_92 = tpu.memref_slice %arg6[%add3A_77, %dma_wait3A_91] : memref<20496x128xf32, #tpu.memory_space<hbm>> -> memref<8x128xf32, #tpu.memory_space<hbm>>
        %dma_wait3A_93 = arith.constant 0 : i32
        %dma_wait3A_94 = tpu.memref_slice %arg6[%add3A_77, %dma_wait3A_93] : memref<20496x128xf32, #tpu.memory_space<hbm>> -> memref<8x128xf32, #tpu.memory_space<hbm>>
        %dma_wait3A_95 = arith.constant 0 : i32
        %dma_wait3A_96 = arith.constant 0 : i32
        %dma_wait3A_97 = tpu.memref_slice %arg13[%dma_wait3A_95, %dma_wait3A_96] : memref<128x128xf32, #tpu.memory_space<vmem>> -> memref<8x128xf32, #tpu.memory_space<vmem>>
        tpu.wait_dma2 semaphore(%run_scoped3A : memref<!tpu.dma_semaphore, #tpu.memory_space<semaphore_mem>>) src(%dma_wait3A_97 : memref<8x128xf32, #tpu.memory_space<vmem>>) dst(%dma_wait3A_94 : memref<8x128xf32, #tpu.memory_space<hbm>>)
        tpu.yield
      }) : () -> ()
    } else {
    }
    %eq3A_49 = arith.constant 15 : i32
    %eq3A_50 = arith.cmpi eq, %arg1, %eq3A_49 : i32
    %convert_element_type3A_51 = arith.extui %eq3A_50 : i1 to i32
    %cond3A_52 = arith.constant 0 : i32
    %cond3A_53 = arith.cmpi ne, %convert_element_type3A_51, %cond3A_52 : i32
    scf.if %cond3A_53 {
      %add3A_54 = arith.constant 0 : i32
      %add3A_55 = arith.addi %mul3A_2, %add3A_54 : i32
      "tpu.region"() ({
        %run_scoped3A = tpu.sem_alloc : memref<!tpu.dma_semaphore, #tpu.memory_space<semaphore_mem>>
        %dma_start3A_74 = arith.constant 0 : i32
        %dma_start3A_75 = arith.constant 0 : i32
        %dma_start3A_76 = tpu.memref_slice %arg13[%dma_start3A_74, %dma_start3A_75] : memref<128x128xf32, #tpu.memory_space<vmem>> -> memref<128x128xf32, #tpu.memory_space<vmem>>
        %dma_start3A_77 = arith.constant 0 : i32
        %dma_start3A_78 = tpu.memref_slice %arg7[%add3A_55, %dma_start3A_77] : memref<10248x128xf32, #tpu.memory_space<vmem_shared>> -> memref<128x128xf32, #tpu.memory_space<vmem_shared>>
        %dma_start3A_79 = arith.constant 0 : i32
        %dma_start3A_80 = arith.constant 0 : i32
        %dma_start3A_81 = tpu.memref_slice %arg13[%dma_start3A_79, %dma_start3A_80] : memref<128x128xf32, #tpu.memory_space<vmem>> -> memref<128x128xf32, #tpu.memory_space<vmem>>
        %dma_start3A_82 = arith.constant 0 : i32
        %dma_start3A_83 = tpu.memref_slice %arg7[%add3A_55, %dma_start3A_82] : memref<10248x128xf32, #tpu.memory_space<vmem_shared>> -> memref<128x128xf32, #tpu.memory_space<vmem_shared>>
        tpu.enqueue_dma source(%dma_start3A_83 : memref<128x128xf32, #tpu.memory_space<vmem_shared>>) target(%dma_start3A_81 : memref<128x128xf32, #tpu.memory_space<vmem>>) target_semaphore(%run_scoped3A : memref<!tpu.dma_semaphore, #tpu.memory_space<semaphore_mem>>)
        %dma_wait3A_84 = arith.constant 0 : i32
        %dma_wait3A_85 = arith.constant 0 : i32
        %dma_wait3A_86 = tpu.memref_slice %arg13[%dma_wait3A_84, %dma_wait3A_85] : memref<128x128xf32, #tpu.memory_space<vmem>> -> memref<128x128xf32, #tpu.memory_space<vmem>>
        %dma_wait3A_87 = arith.constant 0 : i32
        %dma_wait3A_88 = tpu.memref_slice %arg7[%add3A_55, %dma_wait3A_87] : memref<10248x128xf32, #tpu.memory_space<vmem_shared>> -> memref<128x128xf32, #tpu.memory_space<vmem_shared>>
        %dma_wait3A_89 = arith.constant 0 : i32
        %dma_wait3A_90 = arith.constant 0 : i32
        %dma_wait3A_91 = tpu.memref_slice %arg13[%dma_wait3A_89, %dma_wait3A_90] : memref<128x128xf32, #tpu.memory_space<vmem>> -> memref<128x128xf32, #tpu.memory_space<vmem>>
        %dma_wait3A_92 = arith.constant 0 : i32
        %dma_wait3A_93 = tpu.memref_slice %arg7[%add3A_55, %dma_wait3A_92] : memref<10248x128xf32, #tpu.memory_space<vmem_shared>> -> memref<128x128xf32, #tpu.memory_space<vmem_shared>>
        tpu.wait_dma2 semaphore(%run_scoped3A : memref<!tpu.dma_semaphore, #tpu.memory_space<semaphore_mem>>) src(%dma_wait3A_93 : memref<128x128xf32, #tpu.memory_space<vmem_shared>>) dst(%dma_wait3A_91 : memref<128x128xf32, #tpu.memory_space<vmem>>)
        tpu.yield
      }) : () -> ()
      %add3A_56 = arith.constant 0 : i32
      %add3A_57 = arith.addi %add3A_43, %add3A_56 : i32
      "tpu.region"() ({
        %run_scoped3A = tpu.sem_alloc : memref<!tpu.dma_semaphore, #tpu.memory_space<semaphore_mem>>
        %dma_start3A_74 = arith.constant 0 : i32
        %dma_start3A_75 = arith.constant 0 : i32
        %dma_start3A_76 = tpu.memref_slice %arg13[%dma_start3A_74, %dma_start3A_75] : memref<128x128xf32, #tpu.memory_space<vmem>> -> memref<128x128xf32, #tpu.memory_space<vmem>>
        %dma_start3A_77 = arith.constant 0 : i32
        %dma_start3A_78 = tpu.memref_slice %arg6[%add3A_57, %dma_start3A_77] : memref<20496x128xf32, #tpu.memory_space<hbm>> -> memref<128x128xf32, #tpu.memory_space<hbm>>
        %dma_start3A_79 = arith.constant 0 : i32
        %dma_start3A_80 = tpu.memref_slice %arg6[%add3A_57, %dma_start3A_79] : memref<20496x128xf32, #tpu.memory_space<hbm>> -> memref<128x128xf32, #tpu.memory_space<hbm>>
        %dma_start3A_81 = arith.constant 0 : i32
        %dma_start3A_82 = arith.constant 0 : i32
        %dma_start3A_83 = tpu.memref_slice %arg13[%dma_start3A_81, %dma_start3A_82] : memref<128x128xf32, #tpu.memory_space<vmem>> -> memref<128x128xf32, #tpu.memory_space<vmem>>
        tpu.enqueue_dma source(%dma_start3A_83 : memref<128x128xf32, #tpu.memory_space<vmem>>) target(%dma_start3A_80 : memref<128x128xf32, #tpu.memory_space<hbm>>) target_semaphore(%run_scoped3A : memref<!tpu.dma_semaphore, #tpu.memory_space<semaphore_mem>>)
        %dma_wait3A_84 = arith.constant 0 : i32
        %dma_wait3A_85 = arith.constant 0 : i32
        %dma_wait3A_86 = tpu.memref_slice %arg13[%dma_wait3A_84, %dma_wait3A_85] : memref<128x128xf32, #tpu.memory_space<vmem>> -> memref<128x128xf32, #tpu.memory_space<vmem>>
        %dma_wait3A_87 = arith.constant 0 : i32
        %dma_wait3A_88 = tpu.memref_slice %arg6[%add3A_57, %dma_wait3A_87] : memref<20496x128xf32, #tpu.memory_space<hbm>> -> memref<128x128xf32, #tpu.memory_space<hbm>>
        %dma_wait3A_89 = arith.constant 0 : i32
        %dma_wait3A_90 = tpu.memref_slice %arg6[%add3A_57, %dma_wait3A_89] : memref<20496x128xf32, #tpu.memory_space<hbm>> -> memref<128x128xf32, #tpu.memory_space<hbm>>
        %dma_wait3A_91 = arith.constant 0 : i32
        %dma_wait3A_92 = arith.constant 0 : i32
        %dma_wait3A_93 = tpu.memref_slice %arg13[%dma_wait3A_91, %dma_wait3A_92] : memref<128x128xf32, #tpu.memory_space<vmem>> -> memref<128x128xf32, #tpu.memory_space<vmem>>
        tpu.wait_dma2 semaphore(%run_scoped3A : memref<!tpu.dma_semaphore, #tpu.memory_space<semaphore_mem>>) src(%dma_wait3A_93 : memref<128x128xf32, #tpu.memory_space<vmem>>) dst(%dma_wait3A_90 : memref<128x128xf32, #tpu.memory_space<hbm>>)
        tpu.yield
      }) : () -> ()
      %add3A_58 = arith.constant 128 : i32
      %add3A_59 = arith.addi %mul3A_2, %add3A_58 : i32
      "tpu.region"() ({
        %run_scoped3A = tpu.sem_alloc : memref<!tpu.dma_semaphore, #tpu.memory_space<semaphore_mem>>
        %dma_start3A_74 = arith.constant 0 : i32
        %dma_start3A_75 = arith.constant 0 : i32
        %dma_start3A_76 = tpu.memref_slice %arg13[%dma_start3A_74, %dma_start3A_75] : memref<128x128xf32, #tpu.memory_space<vmem>> -> memref<128x128xf32, #tpu.memory_space<vmem>>
        %dma_start3A_77 = arith.constant 0 : i32
        %dma_start3A_78 = tpu.memref_slice %arg7[%add3A_59, %dma_start3A_77] : memref<10248x128xf32, #tpu.memory_space<vmem_shared>> -> memref<128x128xf32, #tpu.memory_space<vmem_shared>>
        %dma_start3A_79 = arith.constant 0 : i32
        %dma_start3A_80 = arith.constant 0 : i32
        %dma_start3A_81 = tpu.memref_slice %arg13[%dma_start3A_79, %dma_start3A_80] : memref<128x128xf32, #tpu.memory_space<vmem>> -> memref<128x128xf32, #tpu.memory_space<vmem>>
        %dma_start3A_82 = arith.constant 0 : i32
        %dma_start3A_83 = tpu.memref_slice %arg7[%add3A_59, %dma_start3A_82] : memref<10248x128xf32, #tpu.memory_space<vmem_shared>> -> memref<128x128xf32, #tpu.memory_space<vmem_shared>>
        tpu.enqueue_dma source(%dma_start3A_83 : memref<128x128xf32, #tpu.memory_space<vmem_shared>>) target(%dma_start3A_81 : memref<128x128xf32, #tpu.memory_space<vmem>>) target_semaphore(%run_scoped3A : memref<!tpu.dma_semaphore, #tpu.memory_space<semaphore_mem>>)
        %dma_wait3A_84 = arith.constant 0 : i32
        %dma_wait3A_85 = arith.constant 0 : i32
        %dma_wait3A_86 = tpu.memref_slice %arg13[%dma_wait3A_84, %dma_wait3A_85] : memref<128x128xf32, #tpu.memory_space<vmem>> -> memref<128x128xf32, #tpu.memory_space<vmem>>
        %dma_wait3A_87 = arith.constant 0 : i32
        %dma_wait3A_88 = tpu.memref_slice %arg7[%add3A_59, %dma_wait3A_87] : memref<10248x128xf32, #tpu.memory_space<vmem_shared>> -> memref<128x128xf32, #tpu.memory_space<vmem_shared>>
        %dma_wait3A_89 = arith.constant 0 : i32
        %dma_wait3A_90 = arith.constant 0 : i32
        %dma_wait3A_91 = tpu.memref_slice %arg13[%dma_wait3A_89, %dma_wait3A_90] : memref<128x128xf32, #tpu.memory_space<vmem>> -> memref<128x128xf32, #tpu.memory_space<vmem>>
        %dma_wait3A_92 = arith.constant 0 : i32
        %dma_wait3A_93 = tpu.memref_slice %arg7[%add3A_59, %dma_wait3A_92] : memref<10248x128xf32, #tpu.memory_space<vmem_shared>> -> memref<128x128xf32, #tpu.memory_space<vmem_shared>>
        tpu.wait_dma2 semaphore(%run_scoped3A : memref<!tpu.dma_semaphore, #tpu.memory_space<semaphore_mem>>) src(%dma_wait3A_93 : memref<128x128xf32, #tpu.memory_space<vmem_shared>>) dst(%dma_wait3A_91 : memref<128x128xf32, #tpu.memory_space<vmem>>)
        tpu.yield
      }) : () -> ()
      %add3A_60 = arith.constant 128 : i32
      %add3A_61 = arith.addi %add3A_43, %add3A_60 : i32
      "tpu.region"() ({
        %run_scoped3A = tpu.sem_alloc : memref<!tpu.dma_semaphore, #tpu.memory_space<semaphore_mem>>
        %dma_start3A_74 = arith.constant 0 : i32
        %dma_start3A_75 = arith.constant 0 : i32
        %dma_start3A_76 = tpu.memref_slice %arg13[%dma_start3A_74, %dma_start3A_75] : memref<128x128xf32, #tpu.memory_space<vmem>> -> memref<128x128xf32, #tpu.memory_space<vmem>>
        %dma_start3A_77 = arith.constant 0 : i32
        %dma_start3A_78 = tpu.memref_slice %arg6[%add3A_61, %dma_start3A_77] : memref<20496x128xf32, #tpu.memory_space<hbm>> -> memref<128x128xf32, #tpu.memory_space<hbm>>
        %dma_start3A_79 = arith.constant 0 : i32
        %dma_start3A_80 = tpu.memref_slice %arg6[%add3A_61, %dma_start3A_79] : memref<20496x128xf32, #tpu.memory_space<hbm>> -> memref<128x128xf32, #tpu.memory_space<hbm>>
        %dma_start3A_81 = arith.constant 0 : i32
        %dma_start3A_82 = arith.constant 0 : i32
        %dma_start3A_83 = tpu.memref_slice %arg13[%dma_start3A_81, %dma_start3A_82] : memref<128x128xf32, #tpu.memory_space<vmem>> -> memref<128x128xf32, #tpu.memory_space<vmem>>
        tpu.enqueue_dma source(%dma_start3A_83 : memref<128x128xf32, #tpu.memory_space<vmem>>) target(%dma_start3A_80 : memref<128x128xf32, #tpu.memory_space<hbm>>) target_semaphore(%run_scoped3A : memref<!tpu.dma_semaphore, #tpu.memory_space<semaphore_mem>>)
        %dma_wait3A_84 = arith.constant 0 : i32
        %dma_wait3A_85 = arith.constant 0 : i32
        %dma_wait3A_86 = tpu.memref_slice %arg13[%dma_wait3A_84, %dma_wait3A_85] : memref<128x128xf32, #tpu.memory_space<vmem>> -> memref<128x128xf32, #tpu.memory_space<vmem>>
        %dma_wait3A_87 = arith.constant 0 : i32
        %dma_wait3A_88 = tpu.memref_slice %arg6[%add3A_61, %dma_wait3A_87] : memref<20496x128xf32, #tpu.memory_space<hbm>> -> memref<128x128xf32, #tpu.memory_space<hbm>>
        %dma_wait3A_89 = arith.constant 0 : i32
        %dma_wait3A_90 = tpu.memref_slice %arg6[%add3A_61, %dma_wait3A_89] : memref<20496x128xf32, #tpu.memory_space<hbm>> -> memref<128x128xf32, #tpu.memory_space<hbm>>
        %dma_wait3A_91 = arith.constant 0 : i32
        %dma_wait3A_92 = arith.constant 0 : i32
        %dma_wait3A_93 = tpu.memref_slice %arg13[%dma_wait3A_91, %dma_wait3A_92] : memref<128x128xf32, #tpu.memory_space<vmem>> -> memref<128x128xf32, #tpu.memory_space<vmem>>
        tpu.wait_dma2 semaphore(%run_scoped3A : memref<!tpu.dma_semaphore, #tpu.memory_space<semaphore_mem>>) src(%dma_wait3A_93 : memref<128x128xf32, #tpu.memory_space<vmem>>) dst(%dma_wait3A_90 : memref<128x128xf32, #tpu.memory_space<hbm>>)
        tpu.yield
      }) : () -> ()
      %add3A_62 = arith.constant 256 : i32
      %add3A_63 = arith.addi %mul3A_2, %add3A_62 : i32
      "tpu.region"() ({
        %run_scoped3A = tpu.sem_alloc : memref<!tpu.dma_semaphore, #tpu.memory_space<semaphore_mem>>
        %dma_start3A_74 = arith.constant 0 : i32
        %dma_start3A_75 = arith.constant 0 : i32
        %dma_start3A_76 = tpu.memref_slice %arg13[%dma_start3A_74, %dma_start3A_75] : memref<128x128xf32, #tpu.memory_space<vmem>> -> memref<128x128xf32, #tpu.memory_space<vmem>>
        %dma_start3A_77 = arith.constant 0 : i32
        %dma_start3A_78 = tpu.memref_slice %arg7[%add3A_63, %dma_start3A_77] : memref<10248x128xf32, #tpu.memory_space<vmem_shared>> -> memref<128x128xf32, #tpu.memory_space<vmem_shared>>
        %dma_start3A_79 = arith.constant 0 : i32
        %dma_start3A_80 = arith.constant 0 : i32
        %dma_start3A_81 = tpu.memref_slice %arg13[%dma_start3A_79, %dma_start3A_80] : memref<128x128xf32, #tpu.memory_space<vmem>> -> memref<128x128xf32, #tpu.memory_space<vmem>>
        %dma_start3A_82 = arith.constant 0 : i32
        %dma_start3A_83 = tpu.memref_slice %arg7[%add3A_63, %dma_start3A_82] : memref<10248x128xf32, #tpu.memory_space<vmem_shared>> -> memref<128x128xf32, #tpu.memory_space<vmem_shared>>
        tpu.enqueue_dma source(%dma_start3A_83 : memref<128x128xf32, #tpu.memory_space<vmem_shared>>) target(%dma_start3A_81 : memref<128x128xf32, #tpu.memory_space<vmem>>) target_semaphore(%run_scoped3A : memref<!tpu.dma_semaphore, #tpu.memory_space<semaphore_mem>>)
        %dma_wait3A_84 = arith.constant 0 : i32
        %dma_wait3A_85 = arith.constant 0 : i32
        %dma_wait3A_86 = tpu.memref_slice %arg13[%dma_wait3A_84, %dma_wait3A_85] : memref<128x128xf32, #tpu.memory_space<vmem>> -> memref<128x128xf32, #tpu.memory_space<vmem>>
        %dma_wait3A_87 = arith.constant 0 : i32
        %dma_wait3A_88 = tpu.memref_slice %arg7[%add3A_63, %dma_wait3A_87] : memref<10248x128xf32, #tpu.memory_space<vmem_shared>> -> memref<128x128xf32, #tpu.memory_space<vmem_shared>>
        %dma_wait3A_89 = arith.constant 0 : i32
        %dma_wait3A_90 = arith.constant 0 : i32
        %dma_wait3A_91 = tpu.memref_slice %arg13[%dma_wait3A_89, %dma_wait3A_90] : memref<128x128xf32, #tpu.memory_space<vmem>> -> memref<128x128xf32, #tpu.memory_space<vmem>>
        %dma_wait3A_92 = arith.constant 0 : i32
        %dma_wait3A_93 = tpu.memref_slice %arg7[%add3A_63, %dma_wait3A_92] : memref<10248x128xf32, #tpu.memory_space<vmem_shared>> -> memref<128x128xf32, #tpu.memory_space<vmem_shared>>
        tpu.wait_dma2 semaphore(%run_scoped3A : memref<!tpu.dma_semaphore, #tpu.memory_space<semaphore_mem>>) src(%dma_wait3A_93 : memref<128x128xf32, #tpu.memory_space<vmem_shared>>) dst(%dma_wait3A_91 : memref<128x128xf32, #tpu.memory_space<vmem>>)
        tpu.yield
      }) : () -> ()
      %add3A_64 = arith.constant 256 : i32
      %add3A_65 = arith.addi %add3A_43, %add3A_64 : i32
      "tpu.region"() ({
        %run_scoped3A = tpu.sem_alloc : memref<!tpu.dma_semaphore, #tpu.memory_space<semaphore_mem>>
        %dma_start3A_74 = arith.constant 0 : i32
        %dma_start3A_75 = arith.constant 0 : i32
        %dma_start3A_76 = tpu.memref_slice %arg13[%dma_start3A_74, %dma_start3A_75] : memref<128x128xf32, #tpu.memory_space<vmem>> -> memref<128x128xf32, #tpu.memory_space<vmem>>
        %dma_start3A_77 = arith.constant 0 : i32
        %dma_start3A_78 = tpu.memref_slice %arg6[%add3A_65, %dma_start3A_77] : memref<20496x128xf32, #tpu.memory_space<hbm>> -> memref<128x128xf32, #tpu.memory_space<hbm>>
        %dma_start3A_79 = arith.constant 0 : i32
        %dma_start3A_80 = tpu.memref_slice %arg6[%add3A_65, %dma_start3A_79] : memref<20496x128xf32, #tpu.memory_space<hbm>> -> memref<128x128xf32, #tpu.memory_space<hbm>>
        %dma_start3A_81 = arith.constant 0 : i32
        %dma_start3A_82 = arith.constant 0 : i32
        %dma_start3A_83 = tpu.memref_slice %arg13[%dma_start3A_81, %dma_start3A_82] : memref<128x128xf32, #tpu.memory_space<vmem>> -> memref<128x128xf32, #tpu.memory_space<vmem>>
        tpu.enqueue_dma source(%dma_start3A_83 : memref<128x128xf32, #tpu.memory_space<vmem>>) target(%dma_start3A_80 : memref<128x128xf32, #tpu.memory_space<hbm>>) target_semaphore(%run_scoped3A : memref<!tpu.dma_semaphore, #tpu.memory_space<semaphore_mem>>)
        %dma_wait3A_84 = arith.constant 0 : i32
        %dma_wait3A_85 = arith.constant 0 : i32
        %dma_wait3A_86 = tpu.memref_slice %arg13[%dma_wait3A_84, %dma_wait3A_85] : memref<128x128xf32, #tpu.memory_space<vmem>> -> memref<128x128xf32, #tpu.memory_space<vmem>>
        %dma_wait3A_87 = arith.constant 0 : i32
        %dma_wait3A_88 = tpu.memref_slice %arg6[%add3A_65, %dma_wait3A_87] : memref<20496x128xf32, #tpu.memory_space<hbm>> -> memref<128x128xf32, #tpu.memory_space<hbm>>
        %dma_wait3A_89 = arith.constant 0 : i32
        %dma_wait3A_90 = tpu.memref_slice %arg6[%add3A_65, %dma_wait3A_89] : memref<20496x128xf32, #tpu.memory_space<hbm>> -> memref<128x128xf32, #tpu.memory_space<hbm>>
        %dma_wait3A_91 = arith.constant 0 : i32
        %dma_wait3A_92 = arith.constant 0 : i32
        %dma_wait3A_93 = tpu.memref_slice %arg13[%dma_wait3A_91, %dma_wait3A_92] : memref<128x128xf32, #tpu.memory_space<vmem>> -> memref<128x128xf32, #tpu.memory_space<vmem>>
        tpu.wait_dma2 semaphore(%run_scoped3A : memref<!tpu.dma_semaphore, #tpu.memory_space<semaphore_mem>>) src(%dma_wait3A_93 : memref<128x128xf32, #tpu.memory_space<vmem>>) dst(%dma_wait3A_90 : memref<128x128xf32, #tpu.memory_space<hbm>>)
        tpu.yield
      }) : () -> ()
      %add3A_66 = arith.constant 384 : i32
      %add3A_67 = arith.addi %mul3A_2, %add3A_66 : i32
      "tpu.region"() ({
        %run_scoped3A = tpu.sem_alloc : memref<!tpu.dma_semaphore, #tpu.memory_space<semaphore_mem>>
        %dma_start3A_74 = arith.constant 0 : i32
        %dma_start3A_75 = arith.constant 0 : i32
        %dma_start3A_76 = tpu.memref_slice %arg13[%dma_start3A_74, %dma_start3A_75] : memref<128x128xf32, #tpu.memory_space<vmem>> -> memref<128x128xf32, #tpu.memory_space<vmem>>
        %dma_start3A_77 = arith.constant 0 : i32
        %dma_start3A_78 = tpu.memref_slice %arg7[%add3A_67, %dma_start3A_77] : memref<10248x128xf32, #tpu.memory_space<vmem_shared>> -> memref<128x128xf32, #tpu.memory_space<vmem_shared>>
        %dma_start3A_79 = arith.constant 0 : i32
        %dma_start3A_80 = arith.constant 0 : i32
        %dma_start3A_81 = tpu.memref_slice %arg13[%dma_start3A_79, %dma_start3A_80] : memref<128x128xf32, #tpu.memory_space<vmem>> -> memref<128x128xf32, #tpu.memory_space<vmem>>
        %dma_start3A_82 = arith.constant 0 : i32
        %dma_start3A_83 = tpu.memref_slice %arg7[%add3A_67, %dma_start3A_82] : memref<10248x128xf32, #tpu.memory_space<vmem_shared>> -> memref<128x128xf32, #tpu.memory_space<vmem_shared>>
        tpu.enqueue_dma source(%dma_start3A_83 : memref<128x128xf32, #tpu.memory_space<vmem_shared>>) target(%dma_start3A_81 : memref<128x128xf32, #tpu.memory_space<vmem>>) target_semaphore(%run_scoped3A : memref<!tpu.dma_semaphore, #tpu.memory_space<semaphore_mem>>)
        %dma_wait3A_84 = arith.constant 0 : i32
        %dma_wait3A_85 = arith.constant 0 : i32
        %dma_wait3A_86 = tpu.memref_slice %arg13[%dma_wait3A_84, %dma_wait3A_85] : memref<128x128xf32, #tpu.memory_space<vmem>> -> memref<128x128xf32, #tpu.memory_space<vmem>>
        %dma_wait3A_87 = arith.constant 0 : i32
        %dma_wait3A_88 = tpu.memref_slice %arg7[%add3A_67, %dma_wait3A_87] : memref<10248x128xf32, #tpu.memory_space<vmem_shared>> -> memref<128x128xf32, #tpu.memory_space<vmem_shared>>
        %dma_wait3A_89 = arith.constant 0 : i32
        %dma_wait3A_90 = arith.constant 0 : i32
        %dma_wait3A_91 = tpu.memref_slice %arg13[%dma_wait3A_89, %dma_wait3A_90] : memref<128x128xf32, #tpu.memory_space<vmem>> -> memref<128x128xf32, #tpu.memory_space<vmem>>
        %dma_wait3A_92 = arith.constant 0 : i32
        %dma_wait3A_93 = tpu.memref_slice %arg7[%add3A_67, %dma_wait3A_92] : memref<10248x128xf32, #tpu.memory_space<vmem_shared>> -> memref<128x128xf32, #tpu.memory_space<vmem_shared>>
        tpu.wait_dma2 semaphore(%run_scoped3A : memref<!tpu.dma_semaphore, #tpu.memory_space<semaphore_mem>>) src(%dma_wait3A_93 : memref<128x128xf32, #tpu.memory_space<vmem_shared>>) dst(%dma_wait3A_91 : memref<128x128xf32, #tpu.memory_space<vmem>>)
        tpu.yield
      }) : () -> ()
      %add3A_68 = arith.constant 384 : i32
      %add3A_69 = arith.addi %add3A_43, %add3A_68 : i32
      "tpu.region"() ({
        %run_scoped3A = tpu.sem_alloc : memref<!tpu.dma_semaphore, #tpu.memory_space<semaphore_mem>>
        %dma_start3A_74 = arith.constant 0 : i32
        %dma_start3A_75 = arith.constant 0 : i32
        %dma_start3A_76 = tpu.memref_slice %arg13[%dma_start3A_74, %dma_start3A_75] : memref<128x128xf32, #tpu.memory_space<vmem>> -> memref<128x128xf32, #tpu.memory_space<vmem>>
        %dma_start3A_77 = arith.constant 0 : i32
        %dma_start3A_78 = tpu.memref_slice %arg6[%add3A_69, %dma_start3A_77] : memref<20496x128xf32, #tpu.memory_space<hbm>> -> memref<128x128xf32, #tpu.memory_space<hbm>>
        %dma_start3A_79 = arith.constant 0 : i32
        %dma_start3A_80 = tpu.memref_slice %arg6[%add3A_69, %dma_start3A_79] : memref<20496x128xf32, #tpu.memory_space<hbm>> -> memref<128x128xf32, #tpu.memory_space<hbm>>
        %dma_start3A_81 = arith.constant 0 : i32
        %dma_start3A_82 = arith.constant 0 : i32
        %dma_start3A_83 = tpu.memref_slice %arg13[%dma_start3A_81, %dma_start3A_82] : memref<128x128xf32, #tpu.memory_space<vmem>> -> memref<128x128xf32, #tpu.memory_space<vmem>>
        tpu.enqueue_dma source(%dma_start3A_83 : memref<128x128xf32, #tpu.memory_space<vmem>>) target(%dma_start3A_80 : memref<128x128xf32, #tpu.memory_space<hbm>>) target_semaphore(%run_scoped3A : memref<!tpu.dma_semaphore, #tpu.memory_space<semaphore_mem>>)
        %dma_wait3A_84 = arith.constant 0 : i32
        %dma_wait3A_85 = arith.constant 0 : i32
        %dma_wait3A_86 = tpu.memref_slice %arg13[%dma_wait3A_84, %dma_wait3A_85] : memref<128x128xf32, #tpu.memory_space<vmem>> -> memref<128x128xf32, #tpu.memory_space<vmem>>
        %dma_wait3A_87 = arith.constant 0 : i32
        %dma_wait3A_88 = tpu.memref_slice %arg6[%add3A_69, %dma_wait3A_87] : memref<20496x128xf32, #tpu.memory_space<hbm>> -> memref<128x128xf32, #tpu.memory_space<hbm>>
        %dma_wait3A_89 = arith.constant 0 : i32
        %dma_wait3A_90 = tpu.memref_slice %arg6[%add3A_69, %dma_wait3A_89] : memref<20496x128xf32, #tpu.memory_space<hbm>> -> memref<128x128xf32, #tpu.memory_space<hbm>>
        %dma_wait3A_91 = arith.constant 0 : i32
        %dma_wait3A_92 = arith.constant 0 : i32
        %dma_wait3A_93 = tpu.memref_slice %arg13[%dma_wait3A_91, %dma_wait3A_92] : memref<128x128xf32, #tpu.memory_space<vmem>> -> memref<128x128xf32, #tpu.memory_space<vmem>>
        tpu.wait_dma2 semaphore(%run_scoped3A : memref<!tpu.dma_semaphore, #tpu.memory_space<semaphore_mem>>) src(%dma_wait3A_93 : memref<128x128xf32, #tpu.memory_space<vmem>>) dst(%dma_wait3A_90 : memref<128x128xf32, #tpu.memory_space<hbm>>)
        tpu.yield
      }) : () -> ()
      %add3A_70 = arith.constant 512 : i32
      %add3A_71 = arith.addi %mul3A_2, %add3A_70 : i32
      "tpu.region"() ({
        %run_scoped3A = tpu.sem_alloc : memref<!tpu.dma_semaphore, #tpu.memory_space<semaphore_mem>>
        %dma_start3A_74 = arith.constant 0 : i32
        %dma_start3A_75 = arith.constant 0 : i32
        %dma_start3A_76 = tpu.memref_slice %arg13[%dma_start3A_74, %dma_start3A_75] : memref<128x128xf32, #tpu.memory_space<vmem>> -> memref<16x128xf32, #tpu.memory_space<vmem>>
        %dma_start3A_77 = arith.constant 0 : i32
        %dma_start3A_78 = tpu.memref_slice %arg7[%add3A_71, %dma_start3A_77] : memref<10248x128xf32, #tpu.memory_space<vmem_shared>> -> memref<16x128xf32, #tpu.memory_space<vmem_shared>>
        %dma_start3A_79 = arith.constant 0 : i32
        %dma_start3A_80 = arith.constant 0 : i32
        %dma_start3A_81 = tpu.memref_slice %arg13[%dma_start3A_79, %dma_start3A_80] : memref<128x128xf32, #tpu.memory_space<vmem>> -> memref<16x128xf32, #tpu.memory_space<vmem>>
        %dma_start3A_82 = arith.constant 0 : i32
        %dma_start3A_83 = tpu.memref_slice %arg7[%add3A_71, %dma_start3A_82] : memref<10248x128xf32, #tpu.memory_space<vmem_shared>> -> memref<16x128xf32, #tpu.memory_space<vmem_shared>>
        tpu.enqueue_dma source(%dma_start3A_83 : memref<16x128xf32, #tpu.memory_space<vmem_shared>>) target(%dma_start3A_81 : memref<16x128xf32, #tpu.memory_space<vmem>>) target_semaphore(%run_scoped3A : memref<!tpu.dma_semaphore, #tpu.memory_space<semaphore_mem>>)
        %dma_wait3A_84 = arith.constant 0 : i32
        %dma_wait3A_85 = arith.constant 0 : i32
        %dma_wait3A_86 = tpu.memref_slice %arg13[%dma_wait3A_84, %dma_wait3A_85] : memref<128x128xf32, #tpu.memory_space<vmem>> -> memref<16x128xf32, #tpu.memory_space<vmem>>
        %dma_wait3A_87 = arith.constant 0 : i32
        %dma_wait3A_88 = tpu.memref_slice %arg7[%add3A_71, %dma_wait3A_87] : memref<10248x128xf32, #tpu.memory_space<vmem_shared>> -> memref<16x128xf32, #tpu.memory_space<vmem_shared>>
        %dma_wait3A_89 = arith.constant 0 : i32
        %dma_wait3A_90 = arith.constant 0 : i32
        %dma_wait3A_91 = tpu.memref_slice %arg13[%dma_wait3A_89, %dma_wait3A_90] : memref<128x128xf32, #tpu.memory_space<vmem>> -> memref<16x128xf32, #tpu.memory_space<vmem>>
        %dma_wait3A_92 = arith.constant 0 : i32
        %dma_wait3A_93 = tpu.memref_slice %arg7[%add3A_71, %dma_wait3A_92] : memref<10248x128xf32, #tpu.memory_space<vmem_shared>> -> memref<16x128xf32, #tpu.memory_space<vmem_shared>>
        tpu.wait_dma2 semaphore(%run_scoped3A : memref<!tpu.dma_semaphore, #tpu.memory_space<semaphore_mem>>) src(%dma_wait3A_93 : memref<16x128xf32, #tpu.memory_space<vmem_shared>>) dst(%dma_wait3A_91 : memref<16x128xf32, #tpu.memory_space<vmem>>)
        tpu.yield
      }) : () -> ()
      %add3A_72 = arith.constant 512 : i32
      %add3A_73 = arith.addi %add3A_43, %add3A_72 : i32
      "tpu.region"() ({
        %run_scoped3A = tpu.sem_alloc : memref<!tpu.dma_semaphore, #tpu.memory_space<semaphore_mem>>
        %dma_start3A_74 = arith.constant 0 : i32
        %dma_start3A_75 = arith.constant 0 : i32
        %dma_start3A_76 = tpu.memref_slice %arg13[%dma_start3A_74, %dma_start3A_75] : memref<128x128xf32, #tpu.memory_space<vmem>> -> memref<16x128xf32, #tpu.memory_space<vmem>>
        %dma_start3A_77 = arith.constant 0 : i32
        %dma_start3A_78 = tpu.memref_slice %arg6[%add3A_73, %dma_start3A_77] : memref<20496x128xf32, #tpu.memory_space<hbm>> -> memref<16x128xf32, #tpu.memory_space<hbm>>
        %dma_start3A_79 = arith.constant 0 : i32
        %dma_start3A_80 = tpu.memref_slice %arg6[%add3A_73, %dma_start3A_79] : memref<20496x128xf32, #tpu.memory_space<hbm>> -> memref<16x128xf32, #tpu.memory_space<hbm>>
        %dma_start3A_81 = arith.constant 0 : i32
        %dma_start3A_82 = arith.constant 0 : i32
        %dma_start3A_83 = tpu.memref_slice %arg13[%dma_start3A_81, %dma_start3A_82] : memref<128x128xf32, #tpu.memory_space<vmem>> -> memref<16x128xf32, #tpu.memory_space<vmem>>
        tpu.enqueue_dma source(%dma_start3A_83 : memref<16x128xf32, #tpu.memory_space<vmem>>) target(%dma_start3A_80 : memref<16x128xf32, #tpu.memory_space<hbm>>) target_semaphore(%run_scoped3A : memref<!tpu.dma_semaphore, #tpu.memory_space<semaphore_mem>>)
        %dma_wait3A_84 = arith.constant 0 : i32
        %dma_wait3A_85 = arith.constant 0 : i32
        %dma_wait3A_86 = tpu.memref_slice %arg13[%dma_wait3A_84, %dma_wait3A_85] : memref<128x128xf32, #tpu.memory_space<vmem>> -> memref<16x128xf32, #tpu.memory_space<vmem>>
        %dma_wait3A_87 = arith.constant 0 : i32
        %dma_wait3A_88 = tpu.memref_slice %arg6[%add3A_73, %dma_wait3A_87] : memref<20496x128xf32, #tpu.memory_space<hbm>> -> memref<16x128xf32, #tpu.memory_space<hbm>>
        %dma_wait3A_89 = arith.constant 0 : i32
        %dma_wait3A_90 = tpu.memref_slice %arg6[%add3A_73, %dma_wait3A_89] : memref<20496x128xf32, #tpu.memory_space<hbm>> -> memref<16x128xf32, #tpu.memory_space<hbm>>
        %dma_wait3A_91 = arith.constant 0 : i32
        %dma_wait3A_92 = arith.constant 0 : i32
        %dma_wait3A_93 = tpu.memref_slice %arg13[%dma_wait3A_91, %dma_wait3A_92] : memref<128x128xf32, #tpu.memory_space<vmem>> -> memref<16x128xf32, #tpu.memory_space<vmem>>
        tpu.wait_dma2 semaphore(%run_scoped3A : memref<!tpu.dma_semaphore, #tpu.memory_space<semaphore_mem>>) src(%dma_wait3A_93 : memref<16x128xf32, #tpu.memory_space<vmem>>) dst(%dma_wait3A_90 : memref<16x128xf32, #tpu.memory_space<hbm>>)
        tpu.yield
      }) : () -> ()
    } else {
    }
    return
  }
}

#map = affine_map<(d0, d1) -> (0)>
#map1 = affine_map<(d0, d1) -> (0, 0)>
module attributes {stable_mosaic.version = 14 : i64} {
  func.func @body(%arg0: i32, %arg1: i32, %arg2: memref<327680xi32, #tpu.memory_space<hbm>>, %arg3: memref<128x128xf32, #tpu.memory_space<hbm>>, %arg4: memref<128x128xf32, #tpu.memory_space<hbm>>, %arg5: memref<20496x128xf32, #tpu.memory_space<hbm>>, %arg6: memref<10248x128xf32, #tpu.memory_space<vmem_shared>>, %arg7: memref<128xi32, #tpu.memory_space<vmem>>, %arg8: memref<128xi32, #tpu.memory_space<vmem>>, %arg9: memref<128xi32, #tpu.memory_space<vmem>>, %arg10: memref<128xi32, #tpu.memory_space<vmem>>, %arg11: memref<128xi32, #tpu.memory_space<vmem>>, %arg12: memref<128xi32, #tpu.memory_space<vmem>>, %arg13: memref<128xi32, #tpu.memory_space<vmem>>, %arg14: memref<128xi32, #tpu.memory_space<vmem>>, %arg15: memref<128x128xf32, #tpu.memory_space<vmem>>, %arg16: memref<128x128xf32, #tpu.memory_space<vmem>>, %arg17: memref<!tpu.dma_semaphore, #tpu.memory_space<semaphore_mem>>, %arg18: memref<!tpu.dma_semaphore, #tpu.memory_space<semaphore_mem>>, %arg19: memref<!tpu.dma_semaphore, #tpu.memory_space<semaphore_mem>>, %arg20: memref<!tpu.dma_semaphore, #tpu.memory_space<semaphore_mem>>, %arg21: memref<!tpu.dma_semaphore, #tpu.memory_space<semaphore_mem>>, %arg22: memref<!tpu.dma_semaphore, #tpu.memory_space<semaphore_mem>>, %arg23: memref<!tpu.dma_semaphore, #tpu.memory_space<semaphore_mem>>, %arg24: memref<!tpu.dma_semaphore, #tpu.memory_space<semaphore_mem>>, %arg25: memref<!tpu.dma_semaphore, #tpu.memory_space<semaphore_mem>>) attributes {dimension_semantics = [#tpu.dimension_semantics<core_parallel>, #tpu.dimension_semantics<subcore_parallel>], iteration_bounds = array<i64: 2, 16>, scalar_prefetch = 0 : i64, scratch_operands = 20 : i64, tpu.core_type = #tpu.core_type<sc_vector_subcore>, window_params = [{transform_indices = #map}, {transform_indices = #map1}, {transform_indices = #map1}, {transform_indices = #map1}]} {
    %mul3A = arith.constant 2 : i32
    %mul3A_0 = arith.muli %arg1, %mul3A : i32
    %add3A = arith.addi %mul3A_0, %arg0 : i32
    %mul3A_1 = arith.constant 648 : i32
    %mul3A_2 = arith.muli %arg1, %mul3A_1 : i32
    %mul3A_3 = arith.constant 80 : i32
    %mul3A_4 = arith.muli %add3A, %mul3A_3 : i32
    %mul3A_5 = arith.constant 128 : i32
    %mul3A_6 = arith.muli %mul3A_4, %mul3A_5 : i32
    "tpu.region"() ({
      %run_scoped3A = tpu.sem_alloc : memref<!tpu.dma_semaphore, #tpu.memory_space<semaphore_mem>>
      tpu.enqueue_dma source(%arg3 : memref<128x128xf32, #tpu.memory_space<hbm>>) target(%arg15 : memref<128x128xf32, #tpu.memory_space<vmem>>) target_semaphore(%run_scoped3A : memref<!tpu.dma_semaphore, #tpu.memory_space<semaphore_mem>>)
      tpu.wait_dma2 semaphore(%run_scoped3A : memref<!tpu.dma_semaphore, #tpu.memory_space<semaphore_mem>>) src(%arg3 : memref<128x128xf32, #tpu.memory_space<hbm>>) dst(%arg15 : memref<128x128xf32, #tpu.memory_space<vmem>>)
      tpu.yield
    }) : () -> ()
    "tpu.region"() ({
      %run_scoped3A = tpu.sem_alloc : memref<!tpu.dma_semaphore, #tpu.memory_space<semaphore_mem>>
      tpu.enqueue_dma source(%arg4 : memref<128x128xf32, #tpu.memory_space<hbm>>) target(%arg16 : memref<128x128xf32, #tpu.memory_space<vmem>>) target_semaphore(%run_scoped3A : memref<!tpu.dma_semaphore, #tpu.memory_space<semaphore_mem>>)
      tpu.wait_dma2 semaphore(%run_scoped3A : memref<!tpu.dma_semaphore, #tpu.memory_space<semaphore_mem>>) src(%arg4 : memref<128x128xf32, #tpu.memory_space<hbm>>) dst(%arg16 : memref<128x128xf32, #tpu.memory_space<vmem>>)
      tpu.yield
    }) : () -> ()
    %ne3A = arith.constant 15 : i32
    %ne3A_7 = arith.cmpi ne, %arg1, %ne3A : i32
    %convert_element_type3A = arith.extui %ne3A_7 : i1 to i32
    %cond3A = arith.constant 0 : i32
    %cond3A_8 = arith.cmpi ne, %convert_element_type3A, %cond3A : i32
    scf.if %cond3A_8 {
      %add3A_63 = arith.constant 0 : i32
      %add3A_64 = arith.addi %mul3A_2, %add3A_63 : i32
      "tpu.region"() ({
        %run_scoped3A = tpu.sem_alloc : memref<!tpu.dma_semaphore, #tpu.memory_space<semaphore_mem>>
        %dma_start3A_75 = arith.constant 0 : i32
        %dma_start3A_76 = arith.constant 0 : i32
        %dma_start3A_77 = tpu.memref_slice %arg15[%dma_start3A_75, %dma_start3A_76] : memref<128x128xf32, #tpu.memory_space<vmem>> -> memref<128x128xf32, #tpu.memory_space<vmem>>
        %dma_start3A_78 = arith.constant 0 : i32
        %dma_start3A_79 = tpu.memref_slice %arg6[%add3A_64, %dma_start3A_78] : memref<10248x128xf32, #tpu.memory_space<vmem_shared>> -> memref<128x128xf32, #tpu.memory_space<vmem_shared>>
        %dma_start3A_80 = arith.constant 0 : i32
        %dma_start3A_81 = tpu.memref_slice %arg6[%add3A_64, %dma_start3A_80] : memref<10248x128xf32, #tpu.memory_space<vmem_shared>> -> memref<128x128xf32, #tpu.memory_space<vmem_shared>>
        %dma_start3A_82 = arith.constant 0 : i32
        %dma_start3A_83 = arith.constant 0 : i32
        %dma_start3A_84 = tpu.memref_slice %arg15[%dma_start3A_82, %dma_start3A_83] : memref<128x128xf32, #tpu.memory_space<vmem>> -> memref<128x128xf32, #tpu.memory_space<vmem>>
        tpu.enqueue_dma source(%dma_start3A_84 : memref<128x128xf32, #tpu.memory_space<vmem>>) target(%dma_start3A_81 : memref<128x128xf32, #tpu.memory_space<vmem_shared>>) target_semaphore(%run_scoped3A : memref<!tpu.dma_semaphore, #tpu.memory_space<semaphore_mem>>)
        %dma_wait3A = arith.constant 0 : i32
        %dma_wait3A_85 = arith.constant 0 : i32
        %dma_wait3A_86 = tpu.memref_slice %arg15[%dma_wait3A, %dma_wait3A_85] : memref<128x128xf32, #tpu.memory_space<vmem>> -> memref<128x128xf32, #tpu.memory_space<vmem>>
        %dma_wait3A_87 = arith.constant 0 : i32
        %dma_wait3A_88 = tpu.memref_slice %arg6[%add3A_64, %dma_wait3A_87] : memref<10248x128xf32, #tpu.memory_space<vmem_shared>> -> memref<128x128xf32, #tpu.memory_space<vmem_shared>>
        %dma_wait3A_89 = arith.constant 0 : i32
        %dma_wait3A_90 = tpu.memref_slice %arg6[%add3A_64, %dma_wait3A_89] : memref<10248x128xf32, #tpu.memory_space<vmem_shared>> -> memref<128x128xf32, #tpu.memory_space<vmem_shared>>
        %dma_wait3A_91 = arith.constant 0 : i32
        %dma_wait3A_92 = arith.constant 0 : i32
        %dma_wait3A_93 = tpu.memref_slice %arg15[%dma_wait3A_91, %dma_wait3A_92] : memref<128x128xf32, #tpu.memory_space<vmem>> -> memref<128x128xf32, #tpu.memory_space<vmem>>
        tpu.wait_dma2 semaphore(%run_scoped3A : memref<!tpu.dma_semaphore, #tpu.memory_space<semaphore_mem>>) src(%dma_wait3A_93 : memref<128x128xf32, #tpu.memory_space<vmem>>) dst(%dma_wait3A_90 : memref<128x128xf32, #tpu.memory_space<vmem_shared>>)
        tpu.yield
      }) : () -> ()
      %add3A_65 = arith.constant 128 : i32
      %add3A_66 = arith.addi %mul3A_2, %add3A_65 : i32
      "tpu.region"() ({
        %run_scoped3A = tpu.sem_alloc : memref<!tpu.dma_semaphore, #tpu.memory_space<semaphore_mem>>
        %dma_start3A_75 = arith.constant 0 : i32
        %dma_start3A_76 = arith.constant 0 : i32
        %dma_start3A_77 = tpu.memref_slice %arg15[%dma_start3A_75, %dma_start3A_76] : memref<128x128xf32, #tpu.memory_space<vmem>> -> memref<128x128xf32, #tpu.memory_space<vmem>>
        %dma_start3A_78 = arith.constant 0 : i32
        %dma_start3A_79 = tpu.memref_slice %arg6[%add3A_66, %dma_start3A_78] : memref<10248x128xf32, #tpu.memory_space<vmem_shared>> -> memref<128x128xf32, #tpu.memory_space<vmem_shared>>
        %dma_start3A_80 = arith.constant 0 : i32
        %dma_start3A_81 = tpu.memref_slice %arg6[%add3A_66, %dma_start3A_80] : memref<10248x128xf32, #tpu.memory_space<vmem_shared>> -> memref<128x128xf32, #tpu.memory_space<vmem_shared>>
        %dma_start3A_82 = arith.constant 0 : i32
        %dma_start3A_83 = arith.constant 0 : i32
        %dma_start3A_84 = tpu.memref_slice %arg15[%dma_start3A_82, %dma_start3A_83] : memref<128x128xf32, #tpu.memory_space<vmem>> -> memref<128x128xf32, #tpu.memory_space<vmem>>
        tpu.enqueue_dma source(%dma_start3A_84 : memref<128x128xf32, #tpu.memory_space<vmem>>) target(%dma_start3A_81 : memref<128x128xf32, #tpu.memory_space<vmem_shared>>) target_semaphore(%run_scoped3A : memref<!tpu.dma_semaphore, #tpu.memory_space<semaphore_mem>>)
        %dma_wait3A = arith.constant 0 : i32
        %dma_wait3A_85 = arith.constant 0 : i32
        %dma_wait3A_86 = tpu.memref_slice %arg15[%dma_wait3A, %dma_wait3A_85] : memref<128x128xf32, #tpu.memory_space<vmem>> -> memref<128x128xf32, #tpu.memory_space<vmem>>
        %dma_wait3A_87 = arith.constant 0 : i32
        %dma_wait3A_88 = tpu.memref_slice %arg6[%add3A_66, %dma_wait3A_87] : memref<10248x128xf32, #tpu.memory_space<vmem_shared>> -> memref<128x128xf32, #tpu.memory_space<vmem_shared>>
        %dma_wait3A_89 = arith.constant 0 : i32
        %dma_wait3A_90 = tpu.memref_slice %arg6[%add3A_66, %dma_wait3A_89] : memref<10248x128xf32, #tpu.memory_space<vmem_shared>> -> memref<128x128xf32, #tpu.memory_space<vmem_shared>>
        %dma_wait3A_91 = arith.constant 0 : i32
        %dma_wait3A_92 = arith.constant 0 : i32
        %dma_wait3A_93 = tpu.memref_slice %arg15[%dma_wait3A_91, %dma_wait3A_92] : memref<128x128xf32, #tpu.memory_space<vmem>> -> memref<128x128xf32, #tpu.memory_space<vmem>>
        tpu.wait_dma2 semaphore(%run_scoped3A : memref<!tpu.dma_semaphore, #tpu.memory_space<semaphore_mem>>) src(%dma_wait3A_93 : memref<128x128xf32, #tpu.memory_space<vmem>>) dst(%dma_wait3A_90 : memref<128x128xf32, #tpu.memory_space<vmem_shared>>)
        tpu.yield
      }) : () -> ()
      %add3A_67 = arith.constant 256 : i32
      %add3A_68 = arith.addi %mul3A_2, %add3A_67 : i32
      "tpu.region"() ({
        %run_scoped3A = tpu.sem_alloc : memref<!tpu.dma_semaphore, #tpu.memory_space<semaphore_mem>>
        %dma_start3A_75 = arith.constant 0 : i32
        %dma_start3A_76 = arith.constant 0 : i32
        %dma_start3A_77 = tpu.memref_slice %arg15[%dma_start3A_75, %dma_start3A_76] : memref<128x128xf32, #tpu.memory_space<vmem>> -> memref<128x128xf32, #tpu.memory_space<vmem>>
        %dma_start3A_78 = arith.constant 0 : i32
        %dma_start3A_79 = tpu.memref_slice %arg6[%add3A_68, %dma_start3A_78] : memref<10248x128xf32, #tpu.memory_space<vmem_shared>> -> memref<128x128xf32, #tpu.memory_space<vmem_shared>>
        %dma_start3A_80 = arith.constant 0 : i32
        %dma_start3A_81 = tpu.memref_slice %arg6[%add3A_68, %dma_start3A_80] : memref<10248x128xf32, #tpu.memory_space<vmem_shared>> -> memref<128x128xf32, #tpu.memory_space<vmem_shared>>
        %dma_start3A_82 = arith.constant 0 : i32
        %dma_start3A_83 = arith.constant 0 : i32
        %dma_start3A_84 = tpu.memref_slice %arg15[%dma_start3A_82, %dma_start3A_83] : memref<128x128xf32, #tpu.memory_space<vmem>> -> memref<128x128xf32, #tpu.memory_space<vmem>>
        tpu.enqueue_dma source(%dma_start3A_84 : memref<128x128xf32, #tpu.memory_space<vmem>>) target(%dma_start3A_81 : memref<128x128xf32, #tpu.memory_space<vmem_shared>>) target_semaphore(%run_scoped3A : memref<!tpu.dma_semaphore, #tpu.memory_space<semaphore_mem>>)
        %dma_wait3A = arith.constant 0 : i32
        %dma_wait3A_85 = arith.constant 0 : i32
        %dma_wait3A_86 = tpu.memref_slice %arg15[%dma_wait3A, %dma_wait3A_85] : memref<128x128xf32, #tpu.memory_space<vmem>> -> memref<128x128xf32, #tpu.memory_space<vmem>>
        %dma_wait3A_87 = arith.constant 0 : i32
        %dma_wait3A_88 = tpu.memref_slice %arg6[%add3A_68, %dma_wait3A_87] : memref<10248x128xf32, #tpu.memory_space<vmem_shared>> -> memref<128x128xf32, #tpu.memory_space<vmem_shared>>
        %dma_wait3A_89 = arith.constant 0 : i32
        %dma_wait3A_90 = tpu.memref_slice %arg6[%add3A_68, %dma_wait3A_89] : memref<10248x128xf32, #tpu.memory_space<vmem_shared>> -> memref<128x128xf32, #tpu.memory_space<vmem_shared>>
        %dma_wait3A_91 = arith.constant 0 : i32
        %dma_wait3A_92 = arith.constant 0 : i32
        %dma_wait3A_93 = tpu.memref_slice %arg15[%dma_wait3A_91, %dma_wait3A_92] : memref<128x128xf32, #tpu.memory_space<vmem>> -> memref<128x128xf32, #tpu.memory_space<vmem>>
        tpu.wait_dma2 semaphore(%run_scoped3A : memref<!tpu.dma_semaphore, #tpu.memory_space<semaphore_mem>>) src(%dma_wait3A_93 : memref<128x128xf32, #tpu.memory_space<vmem>>) dst(%dma_wait3A_90 : memref<128x128xf32, #tpu.memory_space<vmem_shared>>)
        tpu.yield
      }) : () -> ()
      %add3A_69 = arith.constant 384 : i32
      %add3A_70 = arith.addi %mul3A_2, %add3A_69 : i32
      "tpu.region"() ({
        %run_scoped3A = tpu.sem_alloc : memref<!tpu.dma_semaphore, #tpu.memory_space<semaphore_mem>>
        %dma_start3A_75 = arith.constant 0 : i32
        %dma_start3A_76 = arith.constant 0 : i32
        %dma_start3A_77 = tpu.memref_slice %arg15[%dma_start3A_75, %dma_start3A_76] : memref<128x128xf32, #tpu.memory_space<vmem>> -> memref<128x128xf32, #tpu.memory_space<vmem>>
        %dma_start3A_78 = arith.constant 0 : i32
        %dma_start3A_79 = tpu.memref_slice %arg6[%add3A_70, %dma_start3A_78] : memref<10248x128xf32, #tpu.memory_space<vmem_shared>> -> memref<128x128xf32, #tpu.memory_space<vmem_shared>>
        %dma_start3A_80 = arith.constant 0 : i32
        %dma_start3A_81 = tpu.memref_slice %arg6[%add3A_70, %dma_start3A_80] : memref<10248x128xf32, #tpu.memory_space<vmem_shared>> -> memref<128x128xf32, #tpu.memory_space<vmem_shared>>
        %dma_start3A_82 = arith.constant 0 : i32
        %dma_start3A_83 = arith.constant 0 : i32
        %dma_start3A_84 = tpu.memref_slice %arg15[%dma_start3A_82, %dma_start3A_83] : memref<128x128xf32, #tpu.memory_space<vmem>> -> memref<128x128xf32, #tpu.memory_space<vmem>>
        tpu.enqueue_dma source(%dma_start3A_84 : memref<128x128xf32, #tpu.memory_space<vmem>>) target(%dma_start3A_81 : memref<128x128xf32, #tpu.memory_space<vmem_shared>>) target_semaphore(%run_scoped3A : memref<!tpu.dma_semaphore, #tpu.memory_space<semaphore_mem>>)
        %dma_wait3A = arith.constant 0 : i32
        %dma_wait3A_85 = arith.constant 0 : i32
        %dma_wait3A_86 = tpu.memref_slice %arg15[%dma_wait3A, %dma_wait3A_85] : memref<128x128xf32, #tpu.memory_space<vmem>> -> memref<128x128xf32, #tpu.memory_space<vmem>>
        %dma_wait3A_87 = arith.constant 0 : i32
        %dma_wait3A_88 = tpu.memref_slice %arg6[%add3A_70, %dma_wait3A_87] : memref<10248x128xf32, #tpu.memory_space<vmem_shared>> -> memref<128x128xf32, #tpu.memory_space<vmem_shared>>
        %dma_wait3A_89 = arith.constant 0 : i32
        %dma_wait3A_90 = tpu.memref_slice %arg6[%add3A_70, %dma_wait3A_89] : memref<10248x128xf32, #tpu.memory_space<vmem_shared>> -> memref<128x128xf32, #tpu.memory_space<vmem_shared>>
        %dma_wait3A_91 = arith.constant 0 : i32
        %dma_wait3A_92 = arith.constant 0 : i32
        %dma_wait3A_93 = tpu.memref_slice %arg15[%dma_wait3A_91, %dma_wait3A_92] : memref<128x128xf32, #tpu.memory_space<vmem>> -> memref<128x128xf32, #tpu.memory_space<vmem>>
        tpu.wait_dma2 semaphore(%run_scoped3A : memref<!tpu.dma_semaphore, #tpu.memory_space<semaphore_mem>>) src(%dma_wait3A_93 : memref<128x128xf32, #tpu.memory_space<vmem>>) dst(%dma_wait3A_90 : memref<128x128xf32, #tpu.memory_space<vmem_shared>>)
        tpu.yield
      }) : () -> ()
      %add3A_71 = arith.constant 512 : i32
      %add3A_72 = arith.addi %mul3A_2, %add3A_71 : i32
      "tpu.region"() ({
        %run_scoped3A = tpu.sem_alloc : memref<!tpu.dma_semaphore, #tpu.memory_space<semaphore_mem>>
        %dma_start3A_75 = arith.constant 0 : i32
        %dma_start3A_76 = arith.constant 0 : i32
        %dma_start3A_77 = tpu.memref_slice %arg15[%dma_start3A_75, %dma_start3A_76] : memref<128x128xf32, #tpu.memory_space<vmem>> -> memref<128x128xf32, #tpu.memory_space<vmem>>
        %dma_start3A_78 = arith.constant 0 : i32
        %dma_start3A_79 = tpu.memref_slice %arg6[%add3A_72, %dma_start3A_78] : memref<10248x128xf32, #tpu.memory_space<vmem_shared>> -> memref<128x128xf32, #tpu.memory_space<vmem_shared>>
        %dma_start3A_80 = arith.constant 0 : i32
        %dma_start3A_81 = tpu.memref_slice %arg6[%add3A_72, %dma_start3A_80] : memref<10248x128xf32, #tpu.memory_space<vmem_shared>> -> memref<128x128xf32, #tpu.memory_space<vmem_shared>>
        %dma_start3A_82 = arith.constant 0 : i32
        %dma_start3A_83 = arith.constant 0 : i32
        %dma_start3A_84 = tpu.memref_slice %arg15[%dma_start3A_82, %dma_start3A_83] : memref<128x128xf32, #tpu.memory_space<vmem>> -> memref<128x128xf32, #tpu.memory_space<vmem>>
        tpu.enqueue_dma source(%dma_start3A_84 : memref<128x128xf32, #tpu.memory_space<vmem>>) target(%dma_start3A_81 : memref<128x128xf32, #tpu.memory_space<vmem_shared>>) target_semaphore(%run_scoped3A : memref<!tpu.dma_semaphore, #tpu.memory_space<semaphore_mem>>)
        %dma_wait3A = arith.constant 0 : i32
        %dma_wait3A_85 = arith.constant 0 : i32
        %dma_wait3A_86 = tpu.memref_slice %arg15[%dma_wait3A, %dma_wait3A_85] : memref<128x128xf32, #tpu.memory_space<vmem>> -> memref<128x128xf32, #tpu.memory_space<vmem>>
        %dma_wait3A_87 = arith.constant 0 : i32
        %dma_wait3A_88 = tpu.memref_slice %arg6[%add3A_72, %dma_wait3A_87] : memref<10248x128xf32, #tpu.memory_space<vmem_shared>> -> memref<128x128xf32, #tpu.memory_space<vmem_shared>>
        %dma_wait3A_89 = arith.constant 0 : i32
        %dma_wait3A_90 = tpu.memref_slice %arg6[%add3A_72, %dma_wait3A_89] : memref<10248x128xf32, #tpu.memory_space<vmem_shared>> -> memref<128x128xf32, #tpu.memory_space<vmem_shared>>
        %dma_wait3A_91 = arith.constant 0 : i32
        %dma_wait3A_92 = arith.constant 0 : i32
        %dma_wait3A_93 = tpu.memref_slice %arg15[%dma_wait3A_91, %dma_wait3A_92] : memref<128x128xf32, #tpu.memory_space<vmem>> -> memref<128x128xf32, #tpu.memory_space<vmem>>
        tpu.wait_dma2 semaphore(%run_scoped3A : memref<!tpu.dma_semaphore, #tpu.memory_space<semaphore_mem>>) src(%dma_wait3A_93 : memref<128x128xf32, #tpu.memory_space<vmem>>) dst(%dma_wait3A_90 : memref<128x128xf32, #tpu.memory_space<vmem_shared>>)
        tpu.yield
      }) : () -> ()
      %add3A_73 = arith.constant 640 : i32
      %add3A_74 = arith.addi %mul3A_2, %add3A_73 : i32
      "tpu.region"() ({
        %run_scoped3A = tpu.sem_alloc : memref<!tpu.dma_semaphore, #tpu.memory_space<semaphore_mem>>
        %dma_start3A_75 = arith.constant 0 : i32
        %dma_start3A_76 = arith.constant 0 : i32
        %dma_start3A_77 = tpu.memref_slice %arg15[%dma_start3A_75, %dma_start3A_76] : memref<128x128xf32, #tpu.memory_space<vmem>> -> memref<8x128xf32, #tpu.memory_space<vmem>>
        %dma_start3A_78 = arith.constant 0 : i32
        %dma_start3A_79 = tpu.memref_slice %arg6[%add3A_74, %dma_start3A_78] : memref<10248x128xf32, #tpu.memory_space<vmem_shared>> -> memref<8x128xf32, #tpu.memory_space<vmem_shared>>
        %dma_start3A_80 = arith.constant 0 : i32
        %dma_start3A_81 = tpu.memref_slice %arg6[%add3A_74, %dma_start3A_80] : memref<10248x128xf32, #tpu.memory_space<vmem_shared>> -> memref<8x128xf32, #tpu.memory_space<vmem_shared>>
        %dma_start3A_82 = arith.constant 0 : i32
        %dma_start3A_83 = arith.constant 0 : i32
        %dma_start3A_84 = tpu.memref_slice %arg15[%dma_start3A_82, %dma_start3A_83] : memref<128x128xf32, #tpu.memory_space<vmem>> -> memref<8x128xf32, #tpu.memory_space<vmem>>
        tpu.enqueue_dma source(%dma_start3A_84 : memref<8x128xf32, #tpu.memory_space<vmem>>) target(%dma_start3A_81 : memref<8x128xf32, #tpu.memory_space<vmem_shared>>) target_semaphore(%run_scoped3A : memref<!tpu.dma_semaphore, #tpu.memory_space<semaphore_mem>>)
        %dma_wait3A = arith.constant 0 : i32
        %dma_wait3A_85 = arith.constant 0 : i32
        %dma_wait3A_86 = tpu.memref_slice %arg15[%dma_wait3A, %dma_wait3A_85] : memref<128x128xf32, #tpu.memory_space<vmem>> -> memref<8x128xf32, #tpu.memory_space<vmem>>
        %dma_wait3A_87 = arith.constant 0 : i32
        %dma_wait3A_88 = tpu.memref_slice %arg6[%add3A_74, %dma_wait3A_87] : memref<10248x128xf32, #tpu.memory_space<vmem_shared>> -> memref<8x128xf32, #tpu.memory_space<vmem_shared>>
        %dma_wait3A_89 = arith.constant 0 : i32
        %dma_wait3A_90 = tpu.memref_slice %arg6[%add3A_74, %dma_wait3A_89] : memref<10248x128xf32, #tpu.memory_space<vmem_shared>> -> memref<8x128xf32, #tpu.memory_space<vmem_shared>>
        %dma_wait3A_91 = arith.constant 0 : i32
        %dma_wait3A_92 = arith.constant 0 : i32
        %dma_wait3A_93 = tpu.memref_slice %arg15[%dma_wait3A_91, %dma_wait3A_92] : memref<128x128xf32, #tpu.memory_space<vmem>> -> memref<8x128xf32, #tpu.memory_space<vmem>>
        tpu.wait_dma2 semaphore(%run_scoped3A : memref<!tpu.dma_semaphore, #tpu.memory_space<semaphore_mem>>) src(%dma_wait3A_93 : memref<8x128xf32, #tpu.memory_space<vmem>>) dst(%dma_wait3A_90 : memref<8x128xf32, #tpu.memory_space<vmem_shared>>)
        tpu.yield
      }) : () -> ()
    } else {
    }
    %eq3A = arith.constant 15 : i32
    %eq3A_9 = arith.cmpi eq, %arg1, %eq3A : i32
    %convert_element_type3A_10 = arith.extui %eq3A_9 : i1 to i32
    %cond3A_11 = arith.constant 0 : i32
    %cond3A_12 = arith.cmpi ne, %convert_element_type3A_10, %cond3A_11 : i32
    scf.if %cond3A_12 {
      %add3A_63 = arith.constant 0 : i32
      %add3A_64 = arith.addi %mul3A_2, %add3A_63 : i32
      "tpu.region"() ({
        %run_scoped3A = tpu.sem_alloc : memref<!tpu.dma_semaphore, #tpu.memory_space<semaphore_mem>>
        %dma_start3A_73 = arith.constant 0 : i32
        %dma_start3A_74 = arith.constant 0 : i32
        %dma_start3A_75 = tpu.memref_slice %arg15[%dma_start3A_73, %dma_start3A_74] : memref<128x128xf32, #tpu.memory_space<vmem>> -> memref<128x128xf32, #tpu.memory_space<vmem>>
        %dma_start3A_76 = arith.constant 0 : i32
        %dma_start3A_77 = tpu.memref_slice %arg6[%add3A_64, %dma_start3A_76] : memref<10248x128xf32, #tpu.memory_space<vmem_shared>> -> memref<128x128xf32, #tpu.memory_space<vmem_shared>>
        %dma_start3A_78 = arith.constant 0 : i32
        %dma_start3A_79 = tpu.memref_slice %arg6[%add3A_64, %dma_start3A_78] : memref<10248x128xf32, #tpu.memory_space<vmem_shared>> -> memref<128x128xf32, #tpu.memory_space<vmem_shared>>
        %dma_start3A_80 = arith.constant 0 : i32
        %dma_start3A_81 = arith.constant 0 : i32
        %dma_start3A_82 = tpu.memref_slice %arg15[%dma_start3A_80, %dma_start3A_81] : memref<128x128xf32, #tpu.memory_space<vmem>> -> memref<128x128xf32, #tpu.memory_space<vmem>>
        tpu.enqueue_dma source(%dma_start3A_82 : memref<128x128xf32, #tpu.memory_space<vmem>>) target(%dma_start3A_79 : memref<128x128xf32, #tpu.memory_space<vmem_shared>>) target_semaphore(%run_scoped3A : memref<!tpu.dma_semaphore, #tpu.memory_space<semaphore_mem>>)
        %dma_wait3A = arith.constant 0 : i32
        %dma_wait3A_83 = arith.constant 0 : i32
        %dma_wait3A_84 = tpu.memref_slice %arg15[%dma_wait3A, %dma_wait3A_83] : memref<128x128xf32, #tpu.memory_space<vmem>> -> memref<128x128xf32, #tpu.memory_space<vmem>>
        %dma_wait3A_85 = arith.constant 0 : i32
        %dma_wait3A_86 = tpu.memref_slice %arg6[%add3A_64, %dma_wait3A_85] : memref<10248x128xf32, #tpu.memory_space<vmem_shared>> -> memref<128x128xf32, #tpu.memory_space<vmem_shared>>
        %dma_wait3A_87 = arith.constant 0 : i32
        %dma_wait3A_88 = tpu.memref_slice %arg6[%add3A_64, %dma_wait3A_87] : memref<10248x128xf32, #tpu.memory_space<vmem_shared>> -> memref<128x128xf32, #tpu.memory_space<vmem_shared>>
        %dma_wait3A_89 = arith.constant 0 : i32
        %dma_wait3A_90 = arith.constant 0 : i32
        %dma_wait3A_91 = tpu.memref_slice %arg15[%dma_wait3A_89, %dma_wait3A_90] : memref<128x128xf32, #tpu.memory_space<vmem>> -> memref<128x128xf32, #tpu.memory_space<vmem>>
        tpu.wait_dma2 semaphore(%run_scoped3A : memref<!tpu.dma_semaphore, #tpu.memory_space<semaphore_mem>>) src(%dma_wait3A_91 : memref<128x128xf32, #tpu.memory_space<vmem>>) dst(%dma_wait3A_88 : memref<128x128xf32, #tpu.memory_space<vmem_shared>>)
        tpu.yield
      }) : () -> ()
      %add3A_65 = arith.constant 128 : i32
      %add3A_66 = arith.addi %mul3A_2, %add3A_65 : i32
      "tpu.region"() ({
        %run_scoped3A = tpu.sem_alloc : memref<!tpu.dma_semaphore, #tpu.memory_space<semaphore_mem>>
        %dma_start3A_73 = arith.constant 0 : i32
        %dma_start3A_74 = arith.constant 0 : i32
        %dma_start3A_75 = tpu.memref_slice %arg15[%dma_start3A_73, %dma_start3A_74] : memref<128x128xf32, #tpu.memory_space<vmem>> -> memref<128x128xf32, #tpu.memory_space<vmem>>
        %dma_start3A_76 = arith.constant 0 : i32
        %dma_start3A_77 = tpu.memref_slice %arg6[%add3A_66, %dma_start3A_76] : memref<10248x128xf32, #tpu.memory_space<vmem_shared>> -> memref<128x128xf32, #tpu.memory_space<vmem_shared>>
        %dma_start3A_78 = arith.constant 0 : i32
        %dma_start3A_79 = tpu.memref_slice %arg6[%add3A_66, %dma_start3A_78] : memref<10248x128xf32, #tpu.memory_space<vmem_shared>> -> memref<128x128xf32, #tpu.memory_space<vmem_shared>>
        %dma_start3A_80 = arith.constant 0 : i32
        %dma_start3A_81 = arith.constant 0 : i32
        %dma_start3A_82 = tpu.memref_slice %arg15[%dma_start3A_80, %dma_start3A_81] : memref<128x128xf32, #tpu.memory_space<vmem>> -> memref<128x128xf32, #tpu.memory_space<vmem>>
        tpu.enqueue_dma source(%dma_start3A_82 : memref<128x128xf32, #tpu.memory_space<vmem>>) target(%dma_start3A_79 : memref<128x128xf32, #tpu.memory_space<vmem_shared>>) target_semaphore(%run_scoped3A : memref<!tpu.dma_semaphore, #tpu.memory_space<semaphore_mem>>)
        %dma_wait3A = arith.constant 0 : i32
        %dma_wait3A_83 = arith.constant 0 : i32
        %dma_wait3A_84 = tpu.memref_slice %arg15[%dma_wait3A, %dma_wait3A_83] : memref<128x128xf32, #tpu.memory_space<vmem>> -> memref<128x128xf32, #tpu.memory_space<vmem>>
        %dma_wait3A_85 = arith.constant 0 : i32
        %dma_wait3A_86 = tpu.memref_slice %arg6[%add3A_66, %dma_wait3A_85] : memref<10248x128xf32, #tpu.memory_space<vmem_shared>> -> memref<128x128xf32, #tpu.memory_space<vmem_shared>>
        %dma_wait3A_87 = arith.constant 0 : i32
        %dma_wait3A_88 = tpu.memref_slice %arg6[%add3A_66, %dma_wait3A_87] : memref<10248x128xf32, #tpu.memory_space<vmem_shared>> -> memref<128x128xf32, #tpu.memory_space<vmem_shared>>
        %dma_wait3A_89 = arith.constant 0 : i32
        %dma_wait3A_90 = arith.constant 0 : i32
        %dma_wait3A_91 = tpu.memref_slice %arg15[%dma_wait3A_89, %dma_wait3A_90] : memref<128x128xf32, #tpu.memory_space<vmem>> -> memref<128x128xf32, #tpu.memory_space<vmem>>
        tpu.wait_dma2 semaphore(%run_scoped3A : memref<!tpu.dma_semaphore, #tpu.memory_space<semaphore_mem>>) src(%dma_wait3A_91 : memref<128x128xf32, #tpu.memory_space<vmem>>) dst(%dma_wait3A_88 : memref<128x128xf32, #tpu.memory_space<vmem_shared>>)
        tpu.yield
      }) : () -> ()
      %add3A_67 = arith.constant 256 : i32
      %add3A_68 = arith.addi %mul3A_2, %add3A_67 : i32
      "tpu.region"() ({
        %run_scoped3A = tpu.sem_alloc : memref<!tpu.dma_semaphore, #tpu.memory_space<semaphore_mem>>
        %dma_start3A_73 = arith.constant 0 : i32
        %dma_start3A_74 = arith.constant 0 : i32
        %dma_start3A_75 = tpu.memref_slice %arg15[%dma_start3A_73, %dma_start3A_74] : memref<128x128xf32, #tpu.memory_space<vmem>> -> memref<128x128xf32, #tpu.memory_space<vmem>>
        %dma_start3A_76 = arith.constant 0 : i32
        %dma_start3A_77 = tpu.memref_slice %arg6[%add3A_68, %dma_start3A_76] : memref<10248x128xf32, #tpu.memory_space<vmem_shared>> -> memref<128x128xf32, #tpu.memory_space<vmem_shared>>
        %dma_start3A_78 = arith.constant 0 : i32
        %dma_start3A_79 = tpu.memref_slice %arg6[%add3A_68, %dma_start3A_78] : memref<10248x128xf32, #tpu.memory_space<vmem_shared>> -> memref<128x128xf32, #tpu.memory_space<vmem_shared>>
        %dma_start3A_80 = arith.constant 0 : i32
        %dma_start3A_81 = arith.constant 0 : i32
        %dma_start3A_82 = tpu.memref_slice %arg15[%dma_start3A_80, %dma_start3A_81] : memref<128x128xf32, #tpu.memory_space<vmem>> -> memref<128x128xf32, #tpu.memory_space<vmem>>
        tpu.enqueue_dma source(%dma_start3A_82 : memref<128x128xf32, #tpu.memory_space<vmem>>) target(%dma_start3A_79 : memref<128x128xf32, #tpu.memory_space<vmem_shared>>) target_semaphore(%run_scoped3A : memref<!tpu.dma_semaphore, #tpu.memory_space<semaphore_mem>>)
        %dma_wait3A = arith.constant 0 : i32
        %dma_wait3A_83 = arith.constant 0 : i32
        %dma_wait3A_84 = tpu.memref_slice %arg15[%dma_wait3A, %dma_wait3A_83] : memref<128x128xf32, #tpu.memory_space<vmem>> -> memref<128x128xf32, #tpu.memory_space<vmem>>
        %dma_wait3A_85 = arith.constant 0 : i32
        %dma_wait3A_86 = tpu.memref_slice %arg6[%add3A_68, %dma_wait3A_85] : memref<10248x128xf32, #tpu.memory_space<vmem_shared>> -> memref<128x128xf32, #tpu.memory_space<vmem_shared>>
        %dma_wait3A_87 = arith.constant 0 : i32
        %dma_wait3A_88 = tpu.memref_slice %arg6[%add3A_68, %dma_wait3A_87] : memref<10248x128xf32, #tpu.memory_space<vmem_shared>> -> memref<128x128xf32, #tpu.memory_space<vmem_shared>>
        %dma_wait3A_89 = arith.constant 0 : i32
        %dma_wait3A_90 = arith.constant 0 : i32
        %dma_wait3A_91 = tpu.memref_slice %arg15[%dma_wait3A_89, %dma_wait3A_90] : memref<128x128xf32, #tpu.memory_space<vmem>> -> memref<128x128xf32, #tpu.memory_space<vmem>>
        tpu.wait_dma2 semaphore(%run_scoped3A : memref<!tpu.dma_semaphore, #tpu.memory_space<semaphore_mem>>) src(%dma_wait3A_91 : memref<128x128xf32, #tpu.memory_space<vmem>>) dst(%dma_wait3A_88 : memref<128x128xf32, #tpu.memory_space<vmem_shared>>)
        tpu.yield
      }) : () -> ()
      %add3A_69 = arith.constant 384 : i32
      %add3A_70 = arith.addi %mul3A_2, %add3A_69 : i32
      "tpu.region"() ({
        %run_scoped3A = tpu.sem_alloc : memref<!tpu.dma_semaphore, #tpu.memory_space<semaphore_mem>>
        %dma_start3A_73 = arith.constant 0 : i32
        %dma_start3A_74 = arith.constant 0 : i32
        %dma_start3A_75 = tpu.memref_slice %arg15[%dma_start3A_73, %dma_start3A_74] : memref<128x128xf32, #tpu.memory_space<vmem>> -> memref<128x128xf32, #tpu.memory_space<vmem>>
        %dma_start3A_76 = arith.constant 0 : i32
        %dma_start3A_77 = tpu.memref_slice %arg6[%add3A_70, %dma_start3A_76] : memref<10248x128xf32, #tpu.memory_space<vmem_shared>> -> memref<128x128xf32, #tpu.memory_space<vmem_shared>>
        %dma_start3A_78 = arith.constant 0 : i32
        %dma_start3A_79 = tpu.memref_slice %arg6[%add3A_70, %dma_start3A_78] : memref<10248x128xf32, #tpu.memory_space<vmem_shared>> -> memref<128x128xf32, #tpu.memory_space<vmem_shared>>
        %dma_start3A_80 = arith.constant 0 : i32
        %dma_start3A_81 = arith.constant 0 : i32
        %dma_start3A_82 = tpu.memref_slice %arg15[%dma_start3A_80, %dma_start3A_81] : memref<128x128xf32, #tpu.memory_space<vmem>> -> memref<128x128xf32, #tpu.memory_space<vmem>>
        tpu.enqueue_dma source(%dma_start3A_82 : memref<128x128xf32, #tpu.memory_space<vmem>>) target(%dma_start3A_79 : memref<128x128xf32, #tpu.memory_space<vmem_shared>>) target_semaphore(%run_scoped3A : memref<!tpu.dma_semaphore, #tpu.memory_space<semaphore_mem>>)
        %dma_wait3A = arith.constant 0 : i32
        %dma_wait3A_83 = arith.constant 0 : i32
        %dma_wait3A_84 = tpu.memref_slice %arg15[%dma_wait3A, %dma_wait3A_83] : memref<128x128xf32, #tpu.memory_space<vmem>> -> memref<128x128xf32, #tpu.memory_space<vmem>>
        %dma_wait3A_85 = arith.constant 0 : i32
        %dma_wait3A_86 = tpu.memref_slice %arg6[%add3A_70, %dma_wait3A_85] : memref<10248x128xf32, #tpu.memory_space<vmem_shared>> -> memref<128x128xf32, #tpu.memory_space<vmem_shared>>
        %dma_wait3A_87 = arith.constant 0 : i32
        %dma_wait3A_88 = tpu.memref_slice %arg6[%add3A_70, %dma_wait3A_87] : memref<10248x128xf32, #tpu.memory_space<vmem_shared>> -> memref<128x128xf32, #tpu.memory_space<vmem_shared>>
        %dma_wait3A_89 = arith.constant 0 : i32
        %dma_wait3A_90 = arith.constant 0 : i32
        %dma_wait3A_91 = tpu.memref_slice %arg15[%dma_wait3A_89, %dma_wait3A_90] : memref<128x128xf32, #tpu.memory_space<vmem>> -> memref<128x128xf32, #tpu.memory_space<vmem>>
        tpu.wait_dma2 semaphore(%run_scoped3A : memref<!tpu.dma_semaphore, #tpu.memory_space<semaphore_mem>>) src(%dma_wait3A_91 : memref<128x128xf32, #tpu.memory_space<vmem>>) dst(%dma_wait3A_88 : memref<128x128xf32, #tpu.memory_space<vmem_shared>>)
        tpu.yield
      }) : () -> ()
      %add3A_71 = arith.constant 512 : i32
      %add3A_72 = arith.addi %mul3A_2, %add3A_71 : i32
      "tpu.region"() ({
        %run_scoped3A = tpu.sem_alloc : memref<!tpu.dma_semaphore, #tpu.memory_space<semaphore_mem>>
        %dma_start3A_73 = arith.constant 0 : i32
        %dma_start3A_74 = arith.constant 0 : i32
        %dma_start3A_75 = tpu.memref_slice %arg15[%dma_start3A_73, %dma_start3A_74] : memref<128x128xf32, #tpu.memory_space<vmem>> -> memref<16x128xf32, #tpu.memory_space<vmem>>
        %dma_start3A_76 = arith.constant 0 : i32
        %dma_start3A_77 = tpu.memref_slice %arg6[%add3A_72, %dma_start3A_76] : memref<10248x128xf32, #tpu.memory_space<vmem_shared>> -> memref<16x128xf32, #tpu.memory_space<vmem_shared>>
        %dma_start3A_78 = arith.constant 0 : i32
        %dma_start3A_79 = tpu.memref_slice %arg6[%add3A_72, %dma_start3A_78] : memref<10248x128xf32, #tpu.memory_space<vmem_shared>> -> memref<16x128xf32, #tpu.memory_space<vmem_shared>>
        %dma_start3A_80 = arith.constant 0 : i32
        %dma_start3A_81 = arith.constant 0 : i32
        %dma_start3A_82 = tpu.memref_slice %arg15[%dma_start3A_80, %dma_start3A_81] : memref<128x128xf32, #tpu.memory_space<vmem>> -> memref<16x128xf32, #tpu.memory_space<vmem>>
        tpu.enqueue_dma source(%dma_start3A_82 : memref<16x128xf32, #tpu.memory_space<vmem>>) target(%dma_start3A_79 : memref<16x128xf32, #tpu.memory_space<vmem_shared>>) target_semaphore(%run_scoped3A : memref<!tpu.dma_semaphore, #tpu.memory_space<semaphore_mem>>)
        %dma_wait3A = arith.constant 0 : i32
        %dma_wait3A_83 = arith.constant 0 : i32
        %dma_wait3A_84 = tpu.memref_slice %arg15[%dma_wait3A, %dma_wait3A_83] : memref<128x128xf32, #tpu.memory_space<vmem>> -> memref<16x128xf32, #tpu.memory_space<vmem>>
        %dma_wait3A_85 = arith.constant 0 : i32
        %dma_wait3A_86 = tpu.memref_slice %arg6[%add3A_72, %dma_wait3A_85] : memref<10248x128xf32, #tpu.memory_space<vmem_shared>> -> memref<16x128xf32, #tpu.memory_space<vmem_shared>>
        %dma_wait3A_87 = arith.constant 0 : i32
        %dma_wait3A_88 = tpu.memref_slice %arg6[%add3A_72, %dma_wait3A_87] : memref<10248x128xf32, #tpu.memory_space<vmem_shared>> -> memref<16x128xf32, #tpu.memory_space<vmem_shared>>
        %dma_wait3A_89 = arith.constant 0 : i32
        %dma_wait3A_90 = arith.constant 0 : i32
        %dma_wait3A_91 = tpu.memref_slice %arg15[%dma_wait3A_89, %dma_wait3A_90] : memref<128x128xf32, #tpu.memory_space<vmem>> -> memref<16x128xf32, #tpu.memory_space<vmem>>
        tpu.wait_dma2 semaphore(%run_scoped3A : memref<!tpu.dma_semaphore, #tpu.memory_space<semaphore_mem>>) src(%dma_wait3A_91 : memref<16x128xf32, #tpu.memory_space<vmem>>) dst(%dma_wait3A_88 : memref<16x128xf32, #tpu.memory_space<vmem_shared>>)
        tpu.yield
      }) : () -> ()
    } else {
    }
    %barrier3A = arith.constant 0 : index
    tpu.barrier barrier_id(%barrier3A)
    %add3A_13 = arith.constant 0 : i32
    %add3A_14 = arith.addi %mul3A_6, %add3A_13 : i32
    %dma_start3A = tpu.memref_slice %arg2[%add3A_14] : memref<327680xi32, #tpu.memory_space<hbm>> -> memref<128xi32, #tpu.memory_space<hbm>>
    %dma_start3A_15 = tpu.memref_slice %arg2[%add3A_14] : memref<327680xi32, #tpu.memory_space<hbm>> -> memref<128xi32, #tpu.memory_space<hbm>>
    tpu.enqueue_dma source(%dma_start3A_15 : memref<128xi32, #tpu.memory_space<hbm>>) target(%arg7 : memref<128xi32, #tpu.memory_space<vmem>>) target_semaphore(%arg17 : memref<!tpu.dma_semaphore, #tpu.memory_space<semaphore_mem>>)
    %add3A_16 = arith.constant 128 : i32
    %add3A_17 = arith.addi %mul3A_6, %add3A_16 : i32
    %dma_start3A_18 = tpu.memref_slice %arg2[%add3A_17] : memref<327680xi32, #tpu.memory_space<hbm>> -> memref<128xi32, #tpu.memory_space<hbm>>
    %dma_start3A_19 = tpu.memref_slice %arg2[%add3A_17] : memref<327680xi32, #tpu.memory_space<hbm>> -> memref<128xi32, #tpu.memory_space<hbm>>
    tpu.enqueue_dma source(%dma_start3A_19 : memref<128xi32, #tpu.memory_space<hbm>>) target(%arg8 : memref<128xi32, #tpu.memory_space<vmem>>) target_semaphore(%arg18 : memref<!tpu.dma_semaphore, #tpu.memory_space<semaphore_mem>>)
    %add3A_20 = arith.constant 256 : i32
    %add3A_21 = arith.addi %mul3A_6, %add3A_20 : i32
    %dma_start3A_22 = tpu.memref_slice %arg2[%add3A_21] : memref<327680xi32, #tpu.memory_space<hbm>> -> memref<128xi32, #tpu.memory_space<hbm>>
    %dma_start3A_23 = tpu.memref_slice %arg2[%add3A_21] : memref<327680xi32, #tpu.memory_space<hbm>> -> memref<128xi32, #tpu.memory_space<hbm>>
    tpu.enqueue_dma source(%dma_start3A_23 : memref<128xi32, #tpu.memory_space<hbm>>) target(%arg9 : memref<128xi32, #tpu.memory_space<vmem>>) target_semaphore(%arg19 : memref<!tpu.dma_semaphore, #tpu.memory_space<semaphore_mem>>)
    %add3A_24 = arith.constant 384 : i32
    %add3A_25 = arith.addi %mul3A_6, %add3A_24 : i32
    %dma_start3A_26 = tpu.memref_slice %arg2[%add3A_25] : memref<327680xi32, #tpu.memory_space<hbm>> -> memref<128xi32, #tpu.memory_space<hbm>>
    %dma_start3A_27 = tpu.memref_slice %arg2[%add3A_25] : memref<327680xi32, #tpu.memory_space<hbm>> -> memref<128xi32, #tpu.memory_space<hbm>>
    tpu.enqueue_dma source(%dma_start3A_27 : memref<128xi32, #tpu.memory_space<hbm>>) target(%arg10 : memref<128xi32, #tpu.memory_space<vmem>>) target_semaphore(%arg20 : memref<!tpu.dma_semaphore, #tpu.memory_space<semaphore_mem>>)
    %add3A_28 = arith.constant 512 : i32
    %add3A_29 = arith.addi %mul3A_6, %add3A_28 : i32
    %dma_start3A_30 = tpu.memref_slice %arg2[%add3A_29] : memref<327680xi32, #tpu.memory_space<hbm>> -> memref<128xi32, #tpu.memory_space<hbm>>
    %dma_start3A_31 = tpu.memref_slice %arg2[%add3A_29] : memref<327680xi32, #tpu.memory_space<hbm>> -> memref<128xi32, #tpu.memory_space<hbm>>
    tpu.enqueue_dma source(%dma_start3A_31 : memref<128xi32, #tpu.memory_space<hbm>>) target(%arg11 : memref<128xi32, #tpu.memory_space<vmem>>) target_semaphore(%arg21 : memref<!tpu.dma_semaphore, #tpu.memory_space<semaphore_mem>>)
    %add3A_32 = arith.constant 640 : i32
    %add3A_33 = arith.addi %mul3A_6, %add3A_32 : i32
    %dma_start3A_34 = tpu.memref_slice %arg2[%add3A_33] : memref<327680xi32, #tpu.memory_space<hbm>> -> memref<128xi32, #tpu.memory_space<hbm>>
    %dma_start3A_35 = tpu.memref_slice %arg2[%add3A_33] : memref<327680xi32, #tpu.memory_space<hbm>> -> memref<128xi32, #tpu.memory_space<hbm>>
    tpu.enqueue_dma source(%dma_start3A_35 : memref<128xi32, #tpu.memory_space<hbm>>) target(%arg12 : memref<128xi32, #tpu.memory_space<vmem>>) target_semaphore(%arg22 : memref<!tpu.dma_semaphore, #tpu.memory_space<semaphore_mem>>)
    %add3A_36 = arith.constant 768 : i32
    %add3A_37 = arith.addi %mul3A_6, %add3A_36 : i32
    %dma_start3A_38 = tpu.memref_slice %arg2[%add3A_37] : memref<327680xi32, #tpu.memory_space<hbm>> -> memref<128xi32, #tpu.memory_space<hbm>>
    %dma_start3A_39 = tpu.memref_slice %arg2[%add3A_37] : memref<327680xi32, #tpu.memory_space<hbm>> -> memref<128xi32, #tpu.memory_space<hbm>>
    tpu.enqueue_dma source(%dma_start3A_39 : memref<128xi32, #tpu.memory_space<hbm>>) target(%arg13 : memref<128xi32, #tpu.memory_space<vmem>>) target_semaphore(%arg23 : memref<!tpu.dma_semaphore, #tpu.memory_space<semaphore_mem>>)
    %add3A_40 = arith.constant 896 : i32
    %add3A_41 = arith.addi %mul3A_6, %add3A_40 : i32
    %dma_start3A_42 = tpu.memref_slice %arg2[%add3A_41] : memref<327680xi32, #tpu.memory_space<hbm>> -> memref<128xi32, #tpu.memory_space<hbm>>
    %dma_start3A_43 = tpu.memref_slice %arg2[%add3A_41] : memref<327680xi32, #tpu.memory_space<hbm>> -> memref<128xi32, #tpu.memory_space<hbm>>
    tpu.enqueue_dma source(%dma_start3A_43 : memref<128xi32, #tpu.memory_space<hbm>>) target(%arg14 : memref<128xi32, #tpu.memory_space<vmem>>) target_semaphore(%arg24 : memref<!tpu.dma_semaphore, #tpu.memory_space<semaphore_mem>>)
    %scan3A = arith.constant 0 : i32
    %scan3A_44 = arith.constant 0 : i32
    %scan3A_45 = arith.constant 10 : i32
    %scan3A_46 = arith.addi %scan3A_44, %scan3A_45 : i32
    %scan3A_47 = arith.constant 1 : i32
    scf.for %scan3A_63 = %scan3A_44 to %scan3A_46 step %scan3A_47  : i32 {
      %dma_wait3A = arith.constant 0 : i32
      %dma_wait3A_64 = tpu.memref_slice %arg2[%dma_wait3A] : memref<327680xi32, #tpu.memory_space<hbm>> -> memref<128xi32, #tpu.memory_space<hbm>>
      %dma_wait3A_65 = arith.constant 0 : i32
      %dma_wait3A_66 = tpu.memref_slice %arg2[%dma_wait3A_65] : memref<327680xi32, #tpu.memory_space<hbm>> -> memref<128xi32, #tpu.memory_space<hbm>>
      tpu.wait_dma2 semaphore(%arg17 : memref<!tpu.dma_semaphore, #tpu.memory_space<semaphore_mem>>) src(%dma_wait3A_66 : memref<128xi32, #tpu.memory_space<hbm>>) dst(%arg7 : memref<128xi32, #tpu.memory_space<vmem>>)
      %dma_start3A_67 = arith.constant 0 : i32
      %dma_start3A_68 = arith.constant 0 : i32
      %dma_start3A_69 = tpu.memref_slice %arg6[%dma_start3A_67, %dma_start3A_68] : memref<10248x128xf32, #tpu.memory_space<vmem_shared>> -> memref<10248x128xf32, #tpu.memory_space<vmem_shared>>
      tpu.enqueue_indirect_dma source(%arg16 : memref<128x128xf32, #tpu.memory_space<vmem>>) target(%dma_start3A_69 : memref<10248x128xf32, #tpu.memory_space<vmem_shared>>) offsets(%arg7 : memref<128xi32, #tpu.memory_space<vmem>>) semaphore(%arg25 : memref<!tpu.dma_semaphore, #tpu.memory_space<semaphore_mem>>) {add = true}
      %dma_wait3A_70 = arith.constant 0 : i32
      %dma_wait3A_71 = tpu.memref_slice %arg2[%dma_wait3A_70] : memref<327680xi32, #tpu.memory_space<hbm>> -> memref<128xi32, #tpu.memory_space<hbm>>
      %dma_wait3A_72 = arith.constant 0 : i32
      %dma_wait3A_73 = tpu.memref_slice %arg2[%dma_wait3A_72] : memref<327680xi32, #tpu.memory_space<hbm>> -> memref<128xi32, #tpu.memory_space<hbm>>
      tpu.wait_dma2 semaphore(%arg18 : memref<!tpu.dma_semaphore, #tpu.memory_space<semaphore_mem>>) src(%dma_wait3A_73 : memref<128xi32, #tpu.memory_space<hbm>>) dst(%arg8 : memref<128xi32, #tpu.memory_space<vmem>>)
      %dma_start3A_74 = arith.constant 0 : i32
      %dma_start3A_75 = arith.constant 0 : i32
      %dma_start3A_76 = tpu.memref_slice %arg6[%dma_start3A_74, %dma_start3A_75] : memref<10248x128xf32, #tpu.memory_space<vmem_shared>> -> memref<10248x128xf32, #tpu.memory_space<vmem_shared>>
      tpu.enqueue_indirect_dma source(%arg16 : memref<128x128xf32, #tpu.memory_space<vmem>>) target(%dma_start3A_76 : memref<10248x128xf32, #tpu.memory_space<vmem_shared>>) offsets(%arg8 : memref<128xi32, #tpu.memory_space<vmem>>) semaphore(%arg25 : memref<!tpu.dma_semaphore, #tpu.memory_space<semaphore_mem>>) {add = true}
      %dma_wait3A_77 = arith.constant 0 : i32
      %dma_wait3A_78 = tpu.memref_slice %arg2[%dma_wait3A_77] : memref<327680xi32, #tpu.memory_space<hbm>> -> memref<128xi32, #tpu.memory_space<hbm>>
      %dma_wait3A_79 = arith.constant 0 : i32
      %dma_wait3A_80 = tpu.memref_slice %arg2[%dma_wait3A_79] : memref<327680xi32, #tpu.memory_space<hbm>> -> memref<128xi32, #tpu.memory_space<hbm>>
      tpu.wait_dma2 semaphore(%arg19 : memref<!tpu.dma_semaphore, #tpu.memory_space<semaphore_mem>>) src(%dma_wait3A_80 : memref<128xi32, #tpu.memory_space<hbm>>) dst(%arg9 : memref<128xi32, #tpu.memory_space<vmem>>)
      %dma_start3A_81 = arith.constant 0 : i32
      %dma_start3A_82 = arith.constant 0 : i32
      %dma_start3A_83 = tpu.memref_slice %arg6[%dma_start3A_81, %dma_start3A_82] : memref<10248x128xf32, #tpu.memory_space<vmem_shared>> -> memref<10248x128xf32, #tpu.memory_space<vmem_shared>>
      tpu.enqueue_indirect_dma source(%arg16 : memref<128x128xf32, #tpu.memory_space<vmem>>) target(%dma_start3A_83 : memref<10248x128xf32, #tpu.memory_space<vmem_shared>>) offsets(%arg9 : memref<128xi32, #tpu.memory_space<vmem>>) semaphore(%arg25 : memref<!tpu.dma_semaphore, #tpu.memory_space<semaphore_mem>>) {add = true}
      %dma_wait3A_84 = arith.constant 0 : i32
      %dma_wait3A_85 = tpu.memref_slice %arg2[%dma_wait3A_84] : memref<327680xi32, #tpu.memory_space<hbm>> -> memref<128xi32, #tpu.memory_space<hbm>>
      %dma_wait3A_86 = arith.constant 0 : i32
      %dma_wait3A_87 = tpu.memref_slice %arg2[%dma_wait3A_86] : memref<327680xi32, #tpu.memory_space<hbm>> -> memref<128xi32, #tpu.memory_space<hbm>>
      tpu.wait_dma2 semaphore(%arg20 : memref<!tpu.dma_semaphore, #tpu.memory_space<semaphore_mem>>) src(%dma_wait3A_87 : memref<128xi32, #tpu.memory_space<hbm>>) dst(%arg10 : memref<128xi32, #tpu.memory_space<vmem>>)
      %dma_start3A_88 = arith.constant 0 : i32
      %dma_start3A_89 = arith.constant 0 : i32
      %dma_start3A_90 = tpu.memref_slice %arg6[%dma_start3A_88, %dma_start3A_89] : memref<10248x128xf32, #tpu.memory_space<vmem_shared>> -> memref<10248x128xf32, #tpu.memory_space<vmem_shared>>
      tpu.enqueue_indirect_dma source(%arg16 : memref<128x128xf32, #tpu.memory_space<vmem>>) target(%dma_start3A_90 : memref<10248x128xf32, #tpu.memory_space<vmem_shared>>) offsets(%arg10 : memref<128xi32, #tpu.memory_space<vmem>>) semaphore(%arg25 : memref<!tpu.dma_semaphore, #tpu.memory_space<semaphore_mem>>) {add = true}
      %dma_wait3A_91 = arith.constant 0 : i32
      %dma_wait3A_92 = tpu.memref_slice %arg2[%dma_wait3A_91] : memref<327680xi32, #tpu.memory_space<hbm>> -> memref<128xi32, #tpu.memory_space<hbm>>
      %dma_wait3A_93 = arith.constant 0 : i32
      %dma_wait3A_94 = tpu.memref_slice %arg2[%dma_wait3A_93] : memref<327680xi32, #tpu.memory_space<hbm>> -> memref<128xi32, #tpu.memory_space<hbm>>
      tpu.wait_dma2 semaphore(%arg21 : memref<!tpu.dma_semaphore, #tpu.memory_space<semaphore_mem>>) src(%dma_wait3A_94 : memref<128xi32, #tpu.memory_space<hbm>>) dst(%arg11 : memref<128xi32, #tpu.memory_space<vmem>>)
      %dma_start3A_95 = arith.constant 0 : i32
      %dma_start3A_96 = arith.constant 0 : i32
      %dma_start3A_97 = tpu.memref_slice %arg6[%dma_start3A_95, %dma_start3A_96] : memref<10248x128xf32, #tpu.memory_space<vmem_shared>> -> memref<10248x128xf32, #tpu.memory_space<vmem_shared>>
      tpu.enqueue_indirect_dma source(%arg16 : memref<128x128xf32, #tpu.memory_space<vmem>>) target(%dma_start3A_97 : memref<10248x128xf32, #tpu.memory_space<vmem_shared>>) offsets(%arg11 : memref<128xi32, #tpu.memory_space<vmem>>) semaphore(%arg25 : memref<!tpu.dma_semaphore, #tpu.memory_space<semaphore_mem>>) {add = true}
      %dma_wait3A_98 = arith.constant 0 : i32
      %dma_wait3A_99 = tpu.memref_slice %arg2[%dma_wait3A_98] : memref<327680xi32, #tpu.memory_space<hbm>> -> memref<128xi32, #tpu.memory_space<hbm>>
      %dma_wait3A_100 = arith.constant 0 : i32
      %dma_wait3A_101 = tpu.memref_slice %arg2[%dma_wait3A_100] : memref<327680xi32, #tpu.memory_space<hbm>> -> memref<128xi32, #tpu.memory_space<hbm>>
      tpu.wait_dma2 semaphore(%arg22 : memref<!tpu.dma_semaphore, #tpu.memory_space<semaphore_mem>>) src(%dma_wait3A_101 : memref<128xi32, #tpu.memory_space<hbm>>) dst(%arg12 : memref<128xi32, #tpu.memory_space<vmem>>)
      %dma_start3A_102 = arith.constant 0 : i32
      %dma_start3A_103 = arith.constant 0 : i32
      %dma_start3A_104 = tpu.memref_slice %arg6[%dma_start3A_102, %dma_start3A_103] : memref<10248x128xf32, #tpu.memory_space<vmem_shared>> -> memref<10248x128xf32, #tpu.memory_space<vmem_shared>>
      tpu.enqueue_indirect_dma source(%arg16 : memref<128x128xf32, #tpu.memory_space<vmem>>) target(%dma_start3A_104 : memref<10248x128xf32, #tpu.memory_space<vmem_shared>>) offsets(%arg12 : memref<128xi32, #tpu.memory_space<vmem>>) semaphore(%arg25 : memref<!tpu.dma_semaphore, #tpu.memory_space<semaphore_mem>>) {add = true}
      %dma_wait3A_105 = arith.constant 0 : i32
      %dma_wait3A_106 = tpu.memref_slice %arg2[%dma_wait3A_105] : memref<327680xi32, #tpu.memory_space<hbm>> -> memref<128xi32, #tpu.memory_space<hbm>>
      %dma_wait3A_107 = arith.constant 0 : i32
      %dma_wait3A_108 = tpu.memref_slice %arg2[%dma_wait3A_107] : memref<327680xi32, #tpu.memory_space<hbm>> -> memref<128xi32, #tpu.memory_space<hbm>>
      tpu.wait_dma2 semaphore(%arg23 : memref<!tpu.dma_semaphore, #tpu.memory_space<semaphore_mem>>) src(%dma_wait3A_108 : memref<128xi32, #tpu.memory_space<hbm>>) dst(%arg13 : memref<128xi32, #tpu.memory_space<vmem>>)
      %dma_start3A_109 = arith.constant 0 : i32
      %dma_start3A_110 = arith.constant 0 : i32
      %dma_start3A_111 = tpu.memref_slice %arg6[%dma_start3A_109, %dma_start3A_110] : memref<10248x128xf32, #tpu.memory_space<vmem_shared>> -> memref<10248x128xf32, #tpu.memory_space<vmem_shared>>
      tpu.enqueue_indirect_dma source(%arg16 : memref<128x128xf32, #tpu.memory_space<vmem>>) target(%dma_start3A_111 : memref<10248x128xf32, #tpu.memory_space<vmem_shared>>) offsets(%arg13 : memref<128xi32, #tpu.memory_space<vmem>>) semaphore(%arg25 : memref<!tpu.dma_semaphore, #tpu.memory_space<semaphore_mem>>) {add = true}
      %dma_wait3A_112 = arith.constant 0 : i32
      %dma_wait3A_113 = tpu.memref_slice %arg2[%dma_wait3A_112] : memref<327680xi32, #tpu.memory_space<hbm>> -> memref<128xi32, #tpu.memory_space<hbm>>
      %dma_wait3A_114 = arith.constant 0 : i32
      %dma_wait3A_115 = tpu.memref_slice %arg2[%dma_wait3A_114] : memref<327680xi32, #tpu.memory_space<hbm>> -> memref<128xi32, #tpu.memory_space<hbm>>
      tpu.wait_dma2 semaphore(%arg24 : memref<!tpu.dma_semaphore, #tpu.memory_space<semaphore_mem>>) src(%dma_wait3A_115 : memref<128xi32, #tpu.memory_space<hbm>>) dst(%arg14 : memref<128xi32, #tpu.memory_space<vmem>>)
      %dma_start3A_116 = arith.constant 0 : i32
      %dma_start3A_117 = arith.constant 0 : i32
      %dma_start3A_118 = tpu.memref_slice %arg6[%dma_start3A_116, %dma_start3A_117] : memref<10248x128xf32, #tpu.memory_space<vmem_shared>> -> memref<10248x128xf32, #tpu.memory_space<vmem_shared>>
      tpu.enqueue_indirect_dma source(%arg16 : memref<128x128xf32, #tpu.memory_space<vmem>>) target(%dma_start3A_118 : memref<10248x128xf32, #tpu.memory_space<vmem_shared>>) offsets(%arg14 : memref<128xi32, #tpu.memory_space<vmem>>) semaphore(%arg25 : memref<!tpu.dma_semaphore, #tpu.memory_space<semaphore_mem>>) {add = true}
      %dma_wait3A_119 = arith.constant 0 : i32
      %dma_wait3A_120 = arith.constant 0 : i32
      %dma_wait3A_121 = tpu.memref_slice %arg6[%dma_wait3A_119, %dma_wait3A_120] : memref<10248x128xf32, #tpu.memory_space<vmem_shared>> -> memref<10248x128xf32, #tpu.memory_space<vmem_shared>>
      tpu.wait_indirect_dma semaphore(%arg25 : memref<!tpu.dma_semaphore, #tpu.memory_space<semaphore_mem>>) src(%arg16 : memref<128x128xf32, #tpu.memory_space<vmem>>) dst(%dma_wait3A_121 : memref<10248x128xf32, #tpu.memory_space<vmem_shared>>)
      %dma_wait3A_122 = arith.constant 0 : i32
      %dma_wait3A_123 = arith.constant 0 : i32
      %dma_wait3A_124 = tpu.memref_slice %arg6[%dma_wait3A_122, %dma_wait3A_123] : memref<10248x128xf32, #tpu.memory_space<vmem_shared>> -> memref<10248x128xf32, #tpu.memory_space<vmem_shared>>
      tpu.wait_indirect_dma semaphore(%arg25 : memref<!tpu.dma_semaphore, #tpu.memory_space<semaphore_mem>>) src(%arg16 : memref<128x128xf32, #tpu.memory_space<vmem>>) dst(%dma_wait3A_124 : memref<10248x128xf32, #tpu.memory_space<vmem_shared>>)
      %dma_wait3A_125 = arith.constant 0 : i32
      %dma_wait3A_126 = arith.constant 0 : i32
      %dma_wait3A_127 = tpu.memref_slice %arg6[%dma_wait3A_125, %dma_wait3A_126] : memref<10248x128xf32, #tpu.memory_space<vmem_shared>> -> memref<10248x128xf32, #tpu.memory_space<vmem_shared>>
      tpu.wait_indirect_dma semaphore(%arg25 : memref<!tpu.dma_semaphore, #tpu.memory_space<semaphore_mem>>) src(%arg16 : memref<128x128xf32, #tpu.memory_space<vmem>>) dst(%dma_wait3A_127 : memref<10248x128xf32, #tpu.memory_space<vmem_shared>>)
      %dma_wait3A_128 = arith.constant 0 : i32
      %dma_wait3A_129 = arith.constant 0 : i32
      %dma_wait3A_130 = tpu.memref_slice %arg6[%dma_wait3A_128, %dma_wait3A_129] : memref<10248x128xf32, #tpu.memory_space<vmem_shared>> -> memref<10248x128xf32, #tpu.memory_space<vmem_shared>>
      tpu.wait_indirect_dma semaphore(%arg25 : memref<!tpu.dma_semaphore, #tpu.memory_space<semaphore_mem>>) src(%arg16 : memref<128x128xf32, #tpu.memory_space<vmem>>) dst(%dma_wait3A_130 : memref<10248x128xf32, #tpu.memory_space<vmem_shared>>)
      %dma_wait3A_131 = arith.constant 0 : i32
      %dma_wait3A_132 = arith.constant 0 : i32
      %dma_wait3A_133 = tpu.memref_slice %arg6[%dma_wait3A_131, %dma_wait3A_132] : memref<10248x128xf32, #tpu.memory_space<vmem_shared>> -> memref<10248x128xf32, #tpu.memory_space<vmem_shared>>
      tpu.wait_indirect_dma semaphore(%arg25 : memref<!tpu.dma_semaphore, #tpu.memory_space<semaphore_mem>>) src(%arg16 : memref<128x128xf32, #tpu.memory_space<vmem>>) dst(%dma_wait3A_133 : memref<10248x128xf32, #tpu.memory_space<vmem_shared>>)
      %dma_wait3A_134 = arith.constant 0 : i32
      %dma_wait3A_135 = arith.constant 0 : i32
      %dma_wait3A_136 = tpu.memref_slice %arg6[%dma_wait3A_134, %dma_wait3A_135] : memref<10248x128xf32, #tpu.memory_space<vmem_shared>> -> memref<10248x128xf32, #tpu.memory_space<vmem_shared>>
      tpu.wait_indirect_dma semaphore(%arg25 : memref<!tpu.dma_semaphore, #tpu.memory_space<semaphore_mem>>) src(%arg16 : memref<128x128xf32, #tpu.memory_space<vmem>>) dst(%dma_wait3A_136 : memref<10248x128xf32, #tpu.memory_space<vmem_shared>>)
      %dma_wait3A_137 = arith.constant 0 : i32
      %dma_wait3A_138 = arith.constant 0 : i32
      %dma_wait3A_139 = tpu.memref_slice %arg6[%dma_wait3A_137, %dma_wait3A_138] : memref<10248x128xf32, #tpu.memory_space<vmem_shared>> -> memref<10248x128xf32, #tpu.memory_space<vmem_shared>>
      tpu.wait_indirect_dma semaphore(%arg25 : memref<!tpu.dma_semaphore, #tpu.memory_space<semaphore_mem>>) src(%arg16 : memref<128x128xf32, #tpu.memory_space<vmem>>) dst(%dma_wait3A_139 : memref<10248x128xf32, #tpu.memory_space<vmem_shared>>)
      %dma_wait3A_140 = arith.constant 0 : i32
      %dma_wait3A_141 = arith.constant 0 : i32
      %dma_wait3A_142 = tpu.memref_slice %arg6[%dma_wait3A_140, %dma_wait3A_141] : memref<10248x128xf32, #tpu.memory_space<vmem_shared>> -> memref<10248x128xf32, #tpu.memory_space<vmem_shared>>
      tpu.wait_indirect_dma semaphore(%arg25 : memref<!tpu.dma_semaphore, #tpu.memory_space<semaphore_mem>>) src(%arg16 : memref<128x128xf32, #tpu.memory_space<vmem>>) dst(%dma_wait3A_142 : memref<10248x128xf32, #tpu.memory_space<vmem_shared>>)
      %lt3A = arith.constant 9 : i32
      %lt3A_143 = arith.cmpi slt, %scan3A_63, %lt3A : i32
      %convert_element_type3A_144 = arith.extui %lt3A_143 : i1 to i32
      %cond3A_145 = arith.constant 0 : i32
      %cond3A_146 = arith.cmpi ne, %convert_element_type3A_144, %cond3A_145 : i32
      scf.if %cond3A_146 {
        %add3A_147 = arith.constant 1 : i32
        %add3A_148 = arith.addi %scan3A_63, %add3A_147 : i32
        %mul3A_149 = arith.constant 8 : i32
        %mul3A_150 = arith.muli %mul3A_149, %add3A_148 : i32
        %add3A_151 = arith.constant 0 : i32
        %add3A_152 = arith.addi %mul3A_150, %add3A_151 : i32
        %mul3A_153 = arith.constant 128 : i32
        %mul3A_154 = arith.muli %add3A_152, %mul3A_153 : i32
        %add3A_155 = arith.addi %mul3A_6, %mul3A_154 : i32
        %dma_start3A_156 = tpu.memref_slice %arg2[%add3A_155] : memref<327680xi32, #tpu.memory_space<hbm>> -> memref<128xi32, #tpu.memory_space<hbm>>
        %dma_start3A_157 = tpu.memref_slice %arg2[%add3A_155] : memref<327680xi32, #tpu.memory_space<hbm>> -> memref<128xi32, #tpu.memory_space<hbm>>
        tpu.enqueue_dma source(%dma_start3A_157 : memref<128xi32, #tpu.memory_space<hbm>>) target(%arg7 : memref<128xi32, #tpu.memory_space<vmem>>) target_semaphore(%arg17 : memref<!tpu.dma_semaphore, #tpu.memory_space<semaphore_mem>>)
        %add3A_158 = arith.constant 1 : i32
        %add3A_159 = arith.addi %scan3A_63, %add3A_158 : i32
        %mul3A_160 = arith.constant 8 : i32
        %mul3A_161 = arith.muli %mul3A_160, %add3A_159 : i32
        %add3A_162 = arith.constant 1 : i32
        %add3A_163 = arith.addi %mul3A_161, %add3A_162 : i32
        %mul3A_164 = arith.constant 128 : i32
        %mul3A_165 = arith.muli %add3A_163, %mul3A_164 : i32
        %add3A_166 = arith.addi %mul3A_6, %mul3A_165 : i32
        %dma_start3A_167 = tpu.memref_slice %arg2[%add3A_166] : memref<327680xi32, #tpu.memory_space<hbm>> -> memref<128xi32, #tpu.memory_space<hbm>>
        %dma_start3A_168 = tpu.memref_slice %arg2[%add3A_166] : memref<327680xi32, #tpu.memory_space<hbm>> -> memref<128xi32, #tpu.memory_space<hbm>>
        tpu.enqueue_dma source(%dma_start3A_168 : memref<128xi32, #tpu.memory_space<hbm>>) target(%arg8 : memref<128xi32, #tpu.memory_space<vmem>>) target_semaphore(%arg18 : memref<!tpu.dma_semaphore, #tpu.memory_space<semaphore_mem>>)
        %add3A_169 = arith.constant 1 : i32
        %add3A_170 = arith.addi %scan3A_63, %add3A_169 : i32
        %mul3A_171 = arith.constant 8 : i32
        %mul3A_172 = arith.muli %mul3A_171, %add3A_170 : i32
        %add3A_173 = arith.constant 2 : i32
        %add3A_174 = arith.addi %mul3A_172, %add3A_173 : i32
        %mul3A_175 = arith.constant 128 : i32
        %mul3A_176 = arith.muli %add3A_174, %mul3A_175 : i32
        %add3A_177 = arith.addi %mul3A_6, %mul3A_176 : i32
        %dma_start3A_178 = tpu.memref_slice %arg2[%add3A_177] : memref<327680xi32, #tpu.memory_space<hbm>> -> memref<128xi32, #tpu.memory_space<hbm>>
        %dma_start3A_179 = tpu.memref_slice %arg2[%add3A_177] : memref<327680xi32, #tpu.memory_space<hbm>> -> memref<128xi32, #tpu.memory_space<hbm>>
        tpu.enqueue_dma source(%dma_start3A_179 : memref<128xi32, #tpu.memory_space<hbm>>) target(%arg9 : memref<128xi32, #tpu.memory_space<vmem>>) target_semaphore(%arg19 : memref<!tpu.dma_semaphore, #tpu.memory_space<semaphore_mem>>)
        %add3A_180 = arith.constant 1 : i32
        %add3A_181 = arith.addi %scan3A_63, %add3A_180 : i32
        %mul3A_182 = arith.constant 8 : i32
        %mul3A_183 = arith.muli %mul3A_182, %add3A_181 : i32
        %add3A_184 = arith.constant 3 : i32
        %add3A_185 = arith.addi %mul3A_183, %add3A_184 : i32
        %mul3A_186 = arith.constant 128 : i32
        %mul3A_187 = arith.muli %add3A_185, %mul3A_186 : i32
        %add3A_188 = arith.addi %mul3A_6, %mul3A_187 : i32
        %dma_start3A_189 = tpu.memref_slice %arg2[%add3A_188] : memref<327680xi32, #tpu.memory_space<hbm>> -> memref<128xi32, #tpu.memory_space<hbm>>
        %dma_start3A_190 = tpu.memref_slice %arg2[%add3A_188] : memref<327680xi32, #tpu.memory_space<hbm>> -> memref<128xi32, #tpu.memory_space<hbm>>
        tpu.enqueue_dma source(%dma_start3A_190 : memref<128xi32, #tpu.memory_space<hbm>>) target(%arg10 : memref<128xi32, #tpu.memory_space<vmem>>) target_semaphore(%arg20 : memref<!tpu.dma_semaphore, #tpu.memory_space<semaphore_mem>>)
        %add3A_191 = arith.constant 1 : i32
        %add3A_192 = arith.addi %scan3A_63, %add3A_191 : i32
        %mul3A_193 = arith.constant 8 : i32
        %mul3A_194 = arith.muli %mul3A_193, %add3A_192 : i32
        %add3A_195 = arith.constant 4 : i32
        %add3A_196 = arith.addi %mul3A_194, %add3A_195 : i32
        %mul3A_197 = arith.constant 128 : i32
        %mul3A_198 = arith.muli %add3A_196, %mul3A_197 : i32
        %add3A_199 = arith.addi %mul3A_6, %mul3A_198 : i32
        %dma_start3A_200 = tpu.memref_slice %arg2[%add3A_199] : memref<327680xi32, #tpu.memory_space<hbm>> -> memref<128xi32, #tpu.memory_space<hbm>>
        %dma_start3A_201 = tpu.memref_slice %arg2[%add3A_199] : memref<327680xi32, #tpu.memory_space<hbm>> -> memref<128xi32, #tpu.memory_space<hbm>>
        tpu.enqueue_dma source(%dma_start3A_201 : memref<128xi32, #tpu.memory_space<hbm>>) target(%arg11 : memref<128xi32, #tpu.memory_space<vmem>>) target_semaphore(%arg21 : memref<!tpu.dma_semaphore, #tpu.memory_space<semaphore_mem>>)
        %add3A_202 = arith.constant 1 : i32
        %add3A_203 = arith.addi %scan3A_63, %add3A_202 : i32
        %mul3A_204 = arith.constant 8 : i32
        %mul3A_205 = arith.muli %mul3A_204, %add3A_203 : i32
        %add3A_206 = arith.constant 5 : i32
        %add3A_207 = arith.addi %mul3A_205, %add3A_206 : i32
        %mul3A_208 = arith.constant 128 : i32
        %mul3A_209 = arith.muli %add3A_207, %mul3A_208 : i32
        %add3A_210 = arith.addi %mul3A_6, %mul3A_209 : i32
        %dma_start3A_211 = tpu.memref_slice %arg2[%add3A_210] : memref<327680xi32, #tpu.memory_space<hbm>> -> memref<128xi32, #tpu.memory_space<hbm>>
        %dma_start3A_212 = tpu.memref_slice %arg2[%add3A_210] : memref<327680xi32, #tpu.memory_space<hbm>> -> memref<128xi32, #tpu.memory_space<hbm>>
        tpu.enqueue_dma source(%dma_start3A_212 : memref<128xi32, #tpu.memory_space<hbm>>) target(%arg12 : memref<128xi32, #tpu.memory_space<vmem>>) target_semaphore(%arg22 : memref<!tpu.dma_semaphore, #tpu.memory_space<semaphore_mem>>)
        %add3A_213 = arith.constant 1 : i32
        %add3A_214 = arith.addi %scan3A_63, %add3A_213 : i32
        %mul3A_215 = arith.constant 8 : i32
        %mul3A_216 = arith.muli %mul3A_215, %add3A_214 : i32
        %add3A_217 = arith.constant 6 : i32
        %add3A_218 = arith.addi %mul3A_216, %add3A_217 : i32
        %mul3A_219 = arith.constant 128 : i32
        %mul3A_220 = arith.muli %add3A_218, %mul3A_219 : i32
        %add3A_221 = arith.addi %mul3A_6, %mul3A_220 : i32
        %dma_start3A_222 = tpu.memref_slice %arg2[%add3A_221] : memref<327680xi32, #tpu.memory_space<hbm>> -> memref<128xi32, #tpu.memory_space<hbm>>
        %dma_start3A_223 = tpu.memref_slice %arg2[%add3A_221] : memref<327680xi32, #tpu.memory_space<hbm>> -> memref<128xi32, #tpu.memory_space<hbm>>
        tpu.enqueue_dma source(%dma_start3A_223 : memref<128xi32, #tpu.memory_space<hbm>>) target(%arg13 : memref<128xi32, #tpu.memory_space<vmem>>) target_semaphore(%arg23 : memref<!tpu.dma_semaphore, #tpu.memory_space<semaphore_mem>>)
        %add3A_224 = arith.constant 1 : i32
        %add3A_225 = arith.addi %scan3A_63, %add3A_224 : i32
        %mul3A_226 = arith.constant 8 : i32
        %mul3A_227 = arith.muli %mul3A_226, %add3A_225 : i32
        %add3A_228 = arith.constant 7 : i32
        %add3A_229 = arith.addi %mul3A_227, %add3A_228 : i32
        %mul3A_230 = arith.constant 128 : i32
        %mul3A_231 = arith.muli %add3A_229, %mul3A_230 : i32
        %add3A_232 = arith.addi %mul3A_6, %mul3A_231 : i32
        %dma_start3A_233 = tpu.memref_slice %arg2[%add3A_232] : memref<327680xi32, #tpu.memory_space<hbm>> -> memref<128xi32, #tpu.memory_space<hbm>>
        %dma_start3A_234 = tpu.memref_slice %arg2[%add3A_232] : memref<327680xi32, #tpu.memory_space<hbm>> -> memref<128xi32, #tpu.memory_space<hbm>>
        tpu.enqueue_dma source(%dma_start3A_234 : memref<128xi32, #tpu.memory_space<hbm>>) target(%arg14 : memref<128xi32, #tpu.memory_space<vmem>>) target_semaphore(%arg24 : memref<!tpu.dma_semaphore, #tpu.memory_space<semaphore_mem>>)
      } else {
      }
    }
    %scan3A_48 = arith.constant 10 : i32
    %barrier3A_49 = arith.constant 0 : index
    tpu.barrier barrier_id(%barrier3A_49)
    %mul3A_50 = arith.constant 10248 : i32
    %mul3A_51 = arith.muli %arg0, %mul3A_50 : i32
    %add3A_52 = arith.addi %mul3A_51, %mul3A_2 : i32
    %ne3A_53 = arith.constant 15 : i32
    %ne3A_54 = arith.cmpi ne, %arg1, %ne3A_53 : i32
    %convert_element_type3A_55 = arith.extui %ne3A_54 : i1 to i32
    %cond3A_56 = arith.constant 0 : i32
    %cond3A_57 = arith.cmpi ne, %convert_element_type3A_55, %cond3A_56 : i32
    scf.if %cond3A_57 {
      %add3A_63 = arith.constant 0 : i32
      %add3A_64 = arith.addi %mul3A_2, %add3A_63 : i32
      "tpu.region"() ({
        %run_scoped3A = tpu.sem_alloc : memref<!tpu.dma_semaphore, #tpu.memory_space<semaphore_mem>>
        %dma_start3A_87 = arith.constant 0 : i32
        %dma_start3A_88 = arith.constant 0 : i32
        %dma_start3A_89 = tpu.memref_slice %arg15[%dma_start3A_87, %dma_start3A_88] : memref<128x128xf32, #tpu.memory_space<vmem>> -> memref<128x128xf32, #tpu.memory_space<vmem>>
        %dma_start3A_90 = arith.constant 0 : i32
        %dma_start3A_91 = tpu.memref_slice %arg6[%add3A_64, %dma_start3A_90] : memref<10248x128xf32, #tpu.memory_space<vmem_shared>> -> memref<128x128xf32, #tpu.memory_space<vmem_shared>>
        %dma_start3A_92 = arith.constant 0 : i32
        %dma_start3A_93 = arith.constant 0 : i32
        %dma_start3A_94 = tpu.memref_slice %arg15[%dma_start3A_92, %dma_start3A_93] : memref<128x128xf32, #tpu.memory_space<vmem>> -> memref<128x128xf32, #tpu.memory_space<vmem>>
        %dma_start3A_95 = arith.constant 0 : i32
        %dma_start3A_96 = tpu.memref_slice %arg6[%add3A_64, %dma_start3A_95] : memref<10248x128xf32, #tpu.memory_space<vmem_shared>> -> memref<128x128xf32, #tpu.memory_space<vmem_shared>>
        tpu.enqueue_dma source(%dma_start3A_96 : memref<128x128xf32, #tpu.memory_space<vmem_shared>>) target(%dma_start3A_94 : memref<128x128xf32, #tpu.memory_space<vmem>>) target_semaphore(%run_scoped3A : memref<!tpu.dma_semaphore, #tpu.memory_space<semaphore_mem>>)
        %dma_wait3A = arith.constant 0 : i32
        %dma_wait3A_97 = arith.constant 0 : i32
        %dma_wait3A_98 = tpu.memref_slice %arg15[%dma_wait3A, %dma_wait3A_97] : memref<128x128xf32, #tpu.memory_space<vmem>> -> memref<128x128xf32, #tpu.memory_space<vmem>>
        %dma_wait3A_99 = arith.constant 0 : i32
        %dma_wait3A_100 = tpu.memref_slice %arg6[%add3A_64, %dma_wait3A_99] : memref<10248x128xf32, #tpu.memory_space<vmem_shared>> -> memref<128x128xf32, #tpu.memory_space<vmem_shared>>
        %dma_wait3A_101 = arith.constant 0 : i32
        %dma_wait3A_102 = arith.constant 0 : i32
        %dma_wait3A_103 = tpu.memref_slice %arg15[%dma_wait3A_101, %dma_wait3A_102] : memref<128x128xf32, #tpu.memory_space<vmem>> -> memref<128x128xf32, #tpu.memory_space<vmem>>
        %dma_wait3A_104 = arith.constant 0 : i32
        %dma_wait3A_105 = tpu.memref_slice %arg6[%add3A_64, %dma_wait3A_104] : memref<10248x128xf32, #tpu.memory_space<vmem_shared>> -> memref<128x128xf32, #tpu.memory_space<vmem_shared>>
        tpu.wait_dma2 semaphore(%run_scoped3A : memref<!tpu.dma_semaphore, #tpu.memory_space<semaphore_mem>>) src(%dma_wait3A_105 : memref<128x128xf32, #tpu.memory_space<vmem_shared>>) dst(%dma_wait3A_103 : memref<128x128xf32, #tpu.memory_space<vmem>>)
        tpu.yield
      }) : () -> ()
      %add3A_65 = arith.constant 0 : i32
      %add3A_66 = arith.addi %add3A_52, %add3A_65 : i32
      "tpu.region"() ({
        %run_scoped3A = tpu.sem_alloc : memref<!tpu.dma_semaphore, #tpu.memory_space<semaphore_mem>>
        %dma_start3A_87 = arith.constant 0 : i32
        %dma_start3A_88 = arith.constant 0 : i32
        %dma_start3A_89 = tpu.memref_slice %arg15[%dma_start3A_87, %dma_start3A_88] : memref<128x128xf32, #tpu.memory_space<vmem>> -> memref<128x128xf32, #tpu.memory_space<vmem>>
        %dma_start3A_90 = arith.constant 0 : i32
        %dma_start3A_91 = tpu.memref_slice %arg5[%add3A_66, %dma_start3A_90] : memref<20496x128xf32, #tpu.memory_space<hbm>> -> memref<128x128xf32, #tpu.memory_space<hbm>>
        %dma_start3A_92 = arith.constant 0 : i32
        %dma_start3A_93 = tpu.memref_slice %arg5[%add3A_66, %dma_start3A_92] : memref<20496x128xf32, #tpu.memory_space<hbm>> -> memref<128x128xf32, #tpu.memory_space<hbm>>
        %dma_start3A_94 = arith.constant 0 : i32
        %dma_start3A_95 = arith.constant 0 : i32
        %dma_start3A_96 = tpu.memref_slice %arg15[%dma_start3A_94, %dma_start3A_95] : memref<128x128xf32, #tpu.memory_space<vmem>> -> memref<128x128xf32, #tpu.memory_space<vmem>>
        tpu.enqueue_dma source(%dma_start3A_96 : memref<128x128xf32, #tpu.memory_space<vmem>>) target(%dma_start3A_93 : memref<128x128xf32, #tpu.memory_space<hbm>>) target_semaphore(%run_scoped3A : memref<!tpu.dma_semaphore, #tpu.memory_space<semaphore_mem>>)
        %dma_wait3A = arith.constant 0 : i32
        %dma_wait3A_97 = arith.constant 0 : i32
        %dma_wait3A_98 = tpu.memref_slice %arg15[%dma_wait3A, %dma_wait3A_97] : memref<128x128xf32, #tpu.memory_space<vmem>> -> memref<128x128xf32, #tpu.memory_space<vmem>>
        %dma_wait3A_99 = arith.constant 0 : i32
        %dma_wait3A_100 = tpu.memref_slice %arg5[%add3A_66, %dma_wait3A_99] : memref<20496x128xf32, #tpu.memory_space<hbm>> -> memref<128x128xf32, #tpu.memory_space<hbm>>
        %dma_wait3A_101 = arith.constant 0 : i32
        %dma_wait3A_102 = tpu.memref_slice %arg5[%add3A_66, %dma_wait3A_101] : memref<20496x128xf32, #tpu.memory_space<hbm>> -> memref<128x128xf32, #tpu.memory_space<hbm>>
        %dma_wait3A_103 = arith.constant 0 : i32
        %dma_wait3A_104 = arith.constant 0 : i32
        %dma_wait3A_105 = tpu.memref_slice %arg15[%dma_wait3A_103, %dma_wait3A_104] : memref<128x128xf32, #tpu.memory_space<vmem>> -> memref<128x128xf32, #tpu.memory_space<vmem>>
        tpu.wait_dma2 semaphore(%run_scoped3A : memref<!tpu.dma_semaphore, #tpu.memory_space<semaphore_mem>>) src(%dma_wait3A_105 : memref<128x128xf32, #tpu.memory_space<vmem>>) dst(%dma_wait3A_102 : memref<128x128xf32, #tpu.memory_space<hbm>>)
        tpu.yield
      }) : () -> ()
      %add3A_67 = arith.constant 128 : i32
      %add3A_68 = arith.addi %mul3A_2, %add3A_67 : i32
      "tpu.region"() ({
        %run_scoped3A = tpu.sem_alloc : memref<!tpu.dma_semaphore, #tpu.memory_space<semaphore_mem>>
        %dma_start3A_87 = arith.constant 0 : i32
        %dma_start3A_88 = arith.constant 0 : i32
        %dma_start3A_89 = tpu.memref_slice %arg15[%dma_start3A_87, %dma_start3A_88] : memref<128x128xf32, #tpu.memory_space<vmem>> -> memref<128x128xf32, #tpu.memory_space<vmem>>
        %dma_start3A_90 = arith.constant 0 : i32
        %dma_start3A_91 = tpu.memref_slice %arg6[%add3A_68, %dma_start3A_90] : memref<10248x128xf32, #tpu.memory_space<vmem_shared>> -> memref<128x128xf32, #tpu.memory_space<vmem_shared>>
        %dma_start3A_92 = arith.constant 0 : i32
        %dma_start3A_93 = arith.constant 0 : i32
        %dma_start3A_94 = tpu.memref_slice %arg15[%dma_start3A_92, %dma_start3A_93] : memref<128x128xf32, #tpu.memory_space<vmem>> -> memref<128x128xf32, #tpu.memory_space<vmem>>
        %dma_start3A_95 = arith.constant 0 : i32
        %dma_start3A_96 = tpu.memref_slice %arg6[%add3A_68, %dma_start3A_95] : memref<10248x128xf32, #tpu.memory_space<vmem_shared>> -> memref<128x128xf32, #tpu.memory_space<vmem_shared>>
        tpu.enqueue_dma source(%dma_start3A_96 : memref<128x128xf32, #tpu.memory_space<vmem_shared>>) target(%dma_start3A_94 : memref<128x128xf32, #tpu.memory_space<vmem>>) target_semaphore(%run_scoped3A : memref<!tpu.dma_semaphore, #tpu.memory_space<semaphore_mem>>)
        %dma_wait3A = arith.constant 0 : i32
        %dma_wait3A_97 = arith.constant 0 : i32
        %dma_wait3A_98 = tpu.memref_slice %arg15[%dma_wait3A, %dma_wait3A_97] : memref<128x128xf32, #tpu.memory_space<vmem>> -> memref<128x128xf32, #tpu.memory_space<vmem>>
        %dma_wait3A_99 = arith.constant 0 : i32
        %dma_wait3A_100 = tpu.memref_slice %arg6[%add3A_68, %dma_wait3A_99] : memref<10248x128xf32, #tpu.memory_space<vmem_shared>> -> memref<128x128xf32, #tpu.memory_space<vmem_shared>>
        %dma_wait3A_101 = arith.constant 0 : i32
        %dma_wait3A_102 = arith.constant 0 : i32
        %dma_wait3A_103 = tpu.memref_slice %arg15[%dma_wait3A_101, %dma_wait3A_102] : memref<128x128xf32, #tpu.memory_space<vmem>> -> memref<128x128xf32, #tpu.memory_space<vmem>>
        %dma_wait3A_104 = arith.constant 0 : i32
        %dma_wait3A_105 = tpu.memref_slice %arg6[%add3A_68, %dma_wait3A_104] : memref<10248x128xf32, #tpu.memory_space<vmem_shared>> -> memref<128x128xf32, #tpu.memory_space<vmem_shared>>
        tpu.wait_dma2 semaphore(%run_scoped3A : memref<!tpu.dma_semaphore, #tpu.memory_space<semaphore_mem>>) src(%dma_wait3A_105 : memref<128x128xf32, #tpu.memory_space<vmem_shared>>) dst(%dma_wait3A_103 : memref<128x128xf32, #tpu.memory_space<vmem>>)
        tpu.yield
      }) : () -> ()
      %add3A_69 = arith.constant 128 : i32
      %add3A_70 = arith.addi %add3A_52, %add3A_69 : i32
      "tpu.region"() ({
        %run_scoped3A = tpu.sem_alloc : memref<!tpu.dma_semaphore, #tpu.memory_space<semaphore_mem>>
        %dma_start3A_87 = arith.constant 0 : i32
        %dma_start3A_88 = arith.constant 0 : i32
        %dma_start3A_89 = tpu.memref_slice %arg15[%dma_start3A_87, %dma_start3A_88] : memref<128x128xf32, #tpu.memory_space<vmem>> -> memref<128x128xf32, #tpu.memory_space<vmem>>
        %dma_start3A_90 = arith.constant 0 : i32
        %dma_start3A_91 = tpu.memref_slice %arg5[%add3A_70, %dma_start3A_90] : memref<20496x128xf32, #tpu.memory_space<hbm>> -> memref<128x128xf32, #tpu.memory_space<hbm>>
        %dma_start3A_92 = arith.constant 0 : i32
        %dma_start3A_93 = tpu.memref_slice %arg5[%add3A_70, %dma_start3A_92] : memref<20496x128xf32, #tpu.memory_space<hbm>> -> memref<128x128xf32, #tpu.memory_space<hbm>>
        %dma_start3A_94 = arith.constant 0 : i32
        %dma_start3A_95 = arith.constant 0 : i32
        %dma_start3A_96 = tpu.memref_slice %arg15[%dma_start3A_94, %dma_start3A_95] : memref<128x128xf32, #tpu.memory_space<vmem>> -> memref<128x128xf32, #tpu.memory_space<vmem>>
        tpu.enqueue_dma source(%dma_start3A_96 : memref<128x128xf32, #tpu.memory_space<vmem>>) target(%dma_start3A_93 : memref<128x128xf32, #tpu.memory_space<hbm>>) target_semaphore(%run_scoped3A : memref<!tpu.dma_semaphore, #tpu.memory_space<semaphore_mem>>)
        %dma_wait3A = arith.constant 0 : i32
        %dma_wait3A_97 = arith.constant 0 : i32
        %dma_wait3A_98 = tpu.memref_slice %arg15[%dma_wait3A, %dma_wait3A_97] : memref<128x128xf32, #tpu.memory_space<vmem>> -> memref<128x128xf32, #tpu.memory_space<vmem>>
        %dma_wait3A_99 = arith.constant 0 : i32
        %dma_wait3A_100 = tpu.memref_slice %arg5[%add3A_70, %dma_wait3A_99] : memref<20496x128xf32, #tpu.memory_space<hbm>> -> memref<128x128xf32, #tpu.memory_space<hbm>>
        %dma_wait3A_101 = arith.constant 0 : i32
        %dma_wait3A_102 = tpu.memref_slice %arg5[%add3A_70, %dma_wait3A_101] : memref<20496x128xf32, #tpu.memory_space<hbm>> -> memref<128x128xf32, #tpu.memory_space<hbm>>
        %dma_wait3A_103 = arith.constant 0 : i32
        %dma_wait3A_104 = arith.constant 0 : i32
        %dma_wait3A_105 = tpu.memref_slice %arg15[%dma_wait3A_103, %dma_wait3A_104] : memref<128x128xf32, #tpu.memory_space<vmem>> -> memref<128x128xf32, #tpu.memory_space<vmem>>
        tpu.wait_dma2 semaphore(%run_scoped3A : memref<!tpu.dma_semaphore, #tpu.memory_space<semaphore_mem>>) src(%dma_wait3A_105 : memref<128x128xf32, #tpu.memory_space<vmem>>) dst(%dma_wait3A_102 : memref<128x128xf32, #tpu.memory_space<hbm>>)
        tpu.yield
      }) : () -> ()
      %add3A_71 = arith.constant 256 : i32
      %add3A_72 = arith.addi %mul3A_2, %add3A_71 : i32
      "tpu.region"() ({
        %run_scoped3A = tpu.sem_alloc : memref<!tpu.dma_semaphore, #tpu.memory_space<semaphore_mem>>
        %dma_start3A_87 = arith.constant 0 : i32
        %dma_start3A_88 = arith.constant 0 : i32
        %dma_start3A_89 = tpu.memref_slice %arg15[%dma_start3A_87, %dma_start3A_88] : memref<128x128xf32, #tpu.memory_space<vmem>> -> memref<128x128xf32, #tpu.memory_space<vmem>>
        %dma_start3A_90 = arith.constant 0 : i32
        %dma_start3A_91 = tpu.memref_slice %arg6[%add3A_72, %dma_start3A_90] : memref<10248x128xf32, #tpu.memory_space<vmem_shared>> -> memref<128x128xf32, #tpu.memory_space<vmem_shared>>
        %dma_start3A_92 = arith.constant 0 : i32
        %dma_start3A_93 = arith.constant 0 : i32
        %dma_start3A_94 = tpu.memref_slice %arg15[%dma_start3A_92, %dma_start3A_93] : memref<128x128xf32, #tpu.memory_space<vmem>> -> memref<128x128xf32, #tpu.memory_space<vmem>>
        %dma_start3A_95 = arith.constant 0 : i32
        %dma_start3A_96 = tpu.memref_slice %arg6[%add3A_72, %dma_start3A_95] : memref<10248x128xf32, #tpu.memory_space<vmem_shared>> -> memref<128x128xf32, #tpu.memory_space<vmem_shared>>
        tpu.enqueue_dma source(%dma_start3A_96 : memref<128x128xf32, #tpu.memory_space<vmem_shared>>) target(%dma_start3A_94 : memref<128x128xf32, #tpu.memory_space<vmem>>) target_semaphore(%run_scoped3A : memref<!tpu.dma_semaphore, #tpu.memory_space<semaphore_mem>>)
        %dma_wait3A = arith.constant 0 : i32
        %dma_wait3A_97 = arith.constant 0 : i32
        %dma_wait3A_98 = tpu.memref_slice %arg15[%dma_wait3A, %dma_wait3A_97] : memref<128x128xf32, #tpu.memory_space<vmem>> -> memref<128x128xf32, #tpu.memory_space<vmem>>
        %dma_wait3A_99 = arith.constant 0 : i32
        %dma_wait3A_100 = tpu.memref_slice %arg6[%add3A_72, %dma_wait3A_99] : memref<10248x128xf32, #tpu.memory_space<vmem_shared>> -> memref<128x128xf32, #tpu.memory_space<vmem_shared>>
        %dma_wait3A_101 = arith.constant 0 : i32
        %dma_wait3A_102 = arith.constant 0 : i32
        %dma_wait3A_103 = tpu.memref_slice %arg15[%dma_wait3A_101, %dma_wait3A_102] : memref<128x128xf32, #tpu.memory_space<vmem>> -> memref<128x128xf32, #tpu.memory_space<vmem>>
        %dma_wait3A_104 = arith.constant 0 : i32
        %dma_wait3A_105 = tpu.memref_slice %arg6[%add3A_72, %dma_wait3A_104] : memref<10248x128xf32, #tpu.memory_space<vmem_shared>> -> memref<128x128xf32, #tpu.memory_space<vmem_shared>>
        tpu.wait_dma2 semaphore(%run_scoped3A : memref<!tpu.dma_semaphore, #tpu.memory_space<semaphore_mem>>) src(%dma_wait3A_105 : memref<128x128xf32, #tpu.memory_space<vmem_shared>>) dst(%dma_wait3A_103 : memref<128x128xf32, #tpu.memory_space<vmem>>)
        tpu.yield
      }) : () -> ()
      %add3A_73 = arith.constant 256 : i32
      %add3A_74 = arith.addi %add3A_52, %add3A_73 : i32
      "tpu.region"() ({
        %run_scoped3A = tpu.sem_alloc : memref<!tpu.dma_semaphore, #tpu.memory_space<semaphore_mem>>
        %dma_start3A_87 = arith.constant 0 : i32
        %dma_start3A_88 = arith.constant 0 : i32
        %dma_start3A_89 = tpu.memref_slice %arg15[%dma_start3A_87, %dma_start3A_88] : memref<128x128xf32, #tpu.memory_space<vmem>> -> memref<128x128xf32, #tpu.memory_space<vmem>>
        %dma_start3A_90 = arith.constant 0 : i32
        %dma_start3A_91 = tpu.memref_slice %arg5[%add3A_74, %dma_start3A_90] : memref<20496x128xf32, #tpu.memory_space<hbm>> -> memref<128x128xf32, #tpu.memory_space<hbm>>
        %dma_start3A_92 = arith.constant 0 : i32
        %dma_start3A_93 = tpu.memref_slice %arg5[%add3A_74, %dma_start3A_92] : memref<20496x128xf32, #tpu.memory_space<hbm>> -> memref<128x128xf32, #tpu.memory_space<hbm>>
        %dma_start3A_94 = arith.constant 0 : i32
        %dma_start3A_95 = arith.constant 0 : i32
        %dma_start3A_96 = tpu.memref_slice %arg15[%dma_start3A_94, %dma_start3A_95] : memref<128x128xf32, #tpu.memory_space<vmem>> -> memref<128x128xf32, #tpu.memory_space<vmem>>
        tpu.enqueue_dma source(%dma_start3A_96 : memref<128x128xf32, #tpu.memory_space<vmem>>) target(%dma_start3A_93 : memref<128x128xf32, #tpu.memory_space<hbm>>) target_semaphore(%run_scoped3A : memref<!tpu.dma_semaphore, #tpu.memory_space<semaphore_mem>>)
        %dma_wait3A = arith.constant 0 : i32
        %dma_wait3A_97 = arith.constant 0 : i32
        %dma_wait3A_98 = tpu.memref_slice %arg15[%dma_wait3A, %dma_wait3A_97] : memref<128x128xf32, #tpu.memory_space<vmem>> -> memref<128x128xf32, #tpu.memory_space<vmem>>
        %dma_wait3A_99 = arith.constant 0 : i32
        %dma_wait3A_100 = tpu.memref_slice %arg5[%add3A_74, %dma_wait3A_99] : memref<20496x128xf32, #tpu.memory_space<hbm>> -> memref<128x128xf32, #tpu.memory_space<hbm>>
        %dma_wait3A_101 = arith.constant 0 : i32
        %dma_wait3A_102 = tpu.memref_slice %arg5[%add3A_74, %dma_wait3A_101] : memref<20496x128xf32, #tpu.memory_space<hbm>> -> memref<128x128xf32, #tpu.memory_space<hbm>>
        %dma_wait3A_103 = arith.constant 0 : i32
        %dma_wait3A_104 = arith.constant 0 : i32
        %dma_wait3A_105 = tpu.memref_slice %arg15[%dma_wait3A_103, %dma_wait3A_104] : memref<128x128xf32, #tpu.memory_space<vmem>> -> memref<128x128xf32, #tpu.memory_space<vmem>>
        tpu.wait_dma2 semaphore(%run_scoped3A : memref<!tpu.dma_semaphore, #tpu.memory_space<semaphore_mem>>) src(%dma_wait3A_105 : memref<128x128xf32, #tpu.memory_space<vmem>>) dst(%dma_wait3A_102 : memref<128x128xf32, #tpu.memory_space<hbm>>)
        tpu.yield
      }) : () -> ()
      %add3A_75 = arith.constant 384 : i32
      %add3A_76 = arith.addi %mul3A_2, %add3A_75 : i32
      "tpu.region"() ({
        %run_scoped3A = tpu.sem_alloc : memref<!tpu.dma_semaphore, #tpu.memory_space<semaphore_mem>>
        %dma_start3A_87 = arith.constant 0 : i32
        %dma_start3A_88 = arith.constant 0 : i32
        %dma_start3A_89 = tpu.memref_slice %arg15[%dma_start3A_87, %dma_start3A_88] : memref<128x128xf32, #tpu.memory_space<vmem>> -> memref<128x128xf32, #tpu.memory_space<vmem>>
        %dma_start3A_90 = arith.constant 0 : i32
        %dma_start3A_91 = tpu.memref_slice %arg6[%add3A_76, %dma_start3A_90] : memref<10248x128xf32, #tpu.memory_space<vmem_shared>> -> memref<128x128xf32, #tpu.memory_space<vmem_shared>>
        %dma_start3A_92 = arith.constant 0 : i32
        %dma_start3A_93 = arith.constant 0 : i32
        %dma_start3A_94 = tpu.memref_slice %arg15[%dma_start3A_92, %dma_start3A_93] : memref<128x128xf32, #tpu.memory_space<vmem>> -> memref<128x128xf32, #tpu.memory_space<vmem>>
        %dma_start3A_95 = arith.constant 0 : i32
        %dma_start3A_96 = tpu.memref_slice %arg6[%add3A_76, %dma_start3A_95] : memref<10248x128xf32, #tpu.memory_space<vmem_shared>> -> memref<128x128xf32, #tpu.memory_space<vmem_shared>>
        tpu.enqueue_dma source(%dma_start3A_96 : memref<128x128xf32, #tpu.memory_space<vmem_shared>>) target(%dma_start3A_94 : memref<128x128xf32, #tpu.memory_space<vmem>>) target_semaphore(%run_scoped3A : memref<!tpu.dma_semaphore, #tpu.memory_space<semaphore_mem>>)
        %dma_wait3A = arith.constant 0 : i32
        %dma_wait3A_97 = arith.constant 0 : i32
        %dma_wait3A_98 = tpu.memref_slice %arg15[%dma_wait3A, %dma_wait3A_97] : memref<128x128xf32, #tpu.memory_space<vmem>> -> memref<128x128xf32, #tpu.memory_space<vmem>>
        %dma_wait3A_99 = arith.constant 0 : i32
        %dma_wait3A_100 = tpu.memref_slice %arg6[%add3A_76, %dma_wait3A_99] : memref<10248x128xf32, #tpu.memory_space<vmem_shared>> -> memref<128x128xf32, #tpu.memory_space<vmem_shared>>
        %dma_wait3A_101 = arith.constant 0 : i32
        %dma_wait3A_102 = arith.constant 0 : i32
        %dma_wait3A_103 = tpu.memref_slice %arg15[%dma_wait3A_101, %dma_wait3A_102] : memref<128x128xf32, #tpu.memory_space<vmem>> -> memref<128x128xf32, #tpu.memory_space<vmem>>
        %dma_wait3A_104 = arith.constant 0 : i32
        %dma_wait3A_105 = tpu.memref_slice %arg6[%add3A_76, %dma_wait3A_104] : memref<10248x128xf32, #tpu.memory_space<vmem_shared>> -> memref<128x128xf32, #tpu.memory_space<vmem_shared>>
        tpu.wait_dma2 semaphore(%run_scoped3A : memref<!tpu.dma_semaphore, #tpu.memory_space<semaphore_mem>>) src(%dma_wait3A_105 : memref<128x128xf32, #tpu.memory_space<vmem_shared>>) dst(%dma_wait3A_103 : memref<128x128xf32, #tpu.memory_space<vmem>>)
        tpu.yield
      }) : () -> ()
      %add3A_77 = arith.constant 384 : i32
      %add3A_78 = arith.addi %add3A_52, %add3A_77 : i32
      "tpu.region"() ({
        %run_scoped3A = tpu.sem_alloc : memref<!tpu.dma_semaphore, #tpu.memory_space<semaphore_mem>>
        %dma_start3A_87 = arith.constant 0 : i32
        %dma_start3A_88 = arith.constant 0 : i32
        %dma_start3A_89 = tpu.memref_slice %arg15[%dma_start3A_87, %dma_start3A_88] : memref<128x128xf32, #tpu.memory_space<vmem>> -> memref<128x128xf32, #tpu.memory_space<vmem>>
        %dma_start3A_90 = arith.constant 0 : i32
        %dma_start3A_91 = tpu.memref_slice %arg5[%add3A_78, %dma_start3A_90] : memref<20496x128xf32, #tpu.memory_space<hbm>> -> memref<128x128xf32, #tpu.memory_space<hbm>>
        %dma_start3A_92 = arith.constant 0 : i32
        %dma_start3A_93 = tpu.memref_slice %arg5[%add3A_78, %dma_start3A_92] : memref<20496x128xf32, #tpu.memory_space<hbm>> -> memref<128x128xf32, #tpu.memory_space<hbm>>
        %dma_start3A_94 = arith.constant 0 : i32
        %dma_start3A_95 = arith.constant 0 : i32
        %dma_start3A_96 = tpu.memref_slice %arg15[%dma_start3A_94, %dma_start3A_95] : memref<128x128xf32, #tpu.memory_space<vmem>> -> memref<128x128xf32, #tpu.memory_space<vmem>>
        tpu.enqueue_dma source(%dma_start3A_96 : memref<128x128xf32, #tpu.memory_space<vmem>>) target(%dma_start3A_93 : memref<128x128xf32, #tpu.memory_space<hbm>>) target_semaphore(%run_scoped3A : memref<!tpu.dma_semaphore, #tpu.memory_space<semaphore_mem>>)
        %dma_wait3A = arith.constant 0 : i32
        %dma_wait3A_97 = arith.constant 0 : i32
        %dma_wait3A_98 = tpu.memref_slice %arg15[%dma_wait3A, %dma_wait3A_97] : memref<128x128xf32, #tpu.memory_space<vmem>> -> memref<128x128xf32, #tpu.memory_space<vmem>>
        %dma_wait3A_99 = arith.constant 0 : i32
        %dma_wait3A_100 = tpu.memref_slice %arg5[%add3A_78, %dma_wait3A_99] : memref<20496x128xf32, #tpu.memory_space<hbm>> -> memref<128x128xf32, #tpu.memory_space<hbm>>
        %dma_wait3A_101 = arith.constant 0 : i32
        %dma_wait3A_102 = tpu.memref_slice %arg5[%add3A_78, %dma_wait3A_101] : memref<20496x128xf32, #tpu.memory_space<hbm>> -> memref<128x128xf32, #tpu.memory_space<hbm>>
        %dma_wait3A_103 = arith.constant 0 : i32
        %dma_wait3A_104 = arith.constant 0 : i32
        %dma_wait3A_105 = tpu.memref_slice %arg15[%dma_wait3A_103, %dma_wait3A_104] : memref<128x128xf32, #tpu.memory_space<vmem>> -> memref<128x128xf32, #tpu.memory_space<vmem>>
        tpu.wait_dma2 semaphore(%run_scoped3A : memref<!tpu.dma_semaphore, #tpu.memory_space<semaphore_mem>>) src(%dma_wait3A_105 : memref<128x128xf32, #tpu.memory_space<vmem>>) dst(%dma_wait3A_102 : memref<128x128xf32, #tpu.memory_space<hbm>>)
        tpu.yield
      }) : () -> ()
      %add3A_79 = arith.constant 512 : i32
      %add3A_80 = arith.addi %mul3A_2, %add3A_79 : i32
      "tpu.region"() ({
        %run_scoped3A = tpu.sem_alloc : memref<!tpu.dma_semaphore, #tpu.memory_space<semaphore_mem>>
        %dma_start3A_87 = arith.constant 0 : i32
        %dma_start3A_88 = arith.constant 0 : i32
        %dma_start3A_89 = tpu.memref_slice %arg15[%dma_start3A_87, %dma_start3A_88] : memref<128x128xf32, #tpu.memory_space<vmem>> -> memref<128x128xf32, #tpu.memory_space<vmem>>
        %dma_start3A_90 = arith.constant 0 : i32
        %dma_start3A_91 = tpu.memref_slice %arg6[%add3A_80, %dma_start3A_90] : memref<10248x128xf32, #tpu.memory_space<vmem_shared>> -> memref<128x128xf32, #tpu.memory_space<vmem_shared>>
        %dma_start3A_92 = arith.constant 0 : i32
        %dma_start3A_93 = arith.constant 0 : i32
        %dma_start3A_94 = tpu.memref_slice %arg15[%dma_start3A_92, %dma_start3A_93] : memref<128x128xf32, #tpu.memory_space<vmem>> -> memref<128x128xf32, #tpu.memory_space<vmem>>
        %dma_start3A_95 = arith.constant 0 : i32
        %dma_start3A_96 = tpu.memref_slice %arg6[%add3A_80, %dma_start3A_95] : memref<10248x128xf32, #tpu.memory_space<vmem_shared>> -> memref<128x128xf32, #tpu.memory_space<vmem_shared>>
        tpu.enqueue_dma source(%dma_start3A_96 : memref<128x128xf32, #tpu.memory_space<vmem_shared>>) target(%dma_start3A_94 : memref<128x128xf32, #tpu.memory_space<vmem>>) target_semaphore(%run_scoped3A : memref<!tpu.dma_semaphore, #tpu.memory_space<semaphore_mem>>)
        %dma_wait3A = arith.constant 0 : i32
        %dma_wait3A_97 = arith.constant 0 : i32
        %dma_wait3A_98 = tpu.memref_slice %arg15[%dma_wait3A, %dma_wait3A_97] : memref<128x128xf32, #tpu.memory_space<vmem>> -> memref<128x128xf32, #tpu.memory_space<vmem>>
        %dma_wait3A_99 = arith.constant 0 : i32
        %dma_wait3A_100 = tpu.memref_slice %arg6[%add3A_80, %dma_wait3A_99] : memref<10248x128xf32, #tpu.memory_space<vmem_shared>> -> memref<128x128xf32, #tpu.memory_space<vmem_shared>>
        %dma_wait3A_101 = arith.constant 0 : i32
        %dma_wait3A_102 = arith.constant 0 : i32
        %dma_wait3A_103 = tpu.memref_slice %arg15[%dma_wait3A_101, %dma_wait3A_102] : memref<128x128xf32, #tpu.memory_space<vmem>> -> memref<128x128xf32, #tpu.memory_space<vmem>>
        %dma_wait3A_104 = arith.constant 0 : i32
        %dma_wait3A_105 = tpu.memref_slice %arg6[%add3A_80, %dma_wait3A_104] : memref<10248x128xf32, #tpu.memory_space<vmem_shared>> -> memref<128x128xf32, #tpu.memory_space<vmem_shared>>
        tpu.wait_dma2 semaphore(%run_scoped3A : memref<!tpu.dma_semaphore, #tpu.memory_space<semaphore_mem>>) src(%dma_wait3A_105 : memref<128x128xf32, #tpu.memory_space<vmem_shared>>) dst(%dma_wait3A_103 : memref<128x128xf32, #tpu.memory_space<vmem>>)
        tpu.yield
      }) : () -> ()
      %add3A_81 = arith.constant 512 : i32
      %add3A_82 = arith.addi %add3A_52, %add3A_81 : i32
      "tpu.region"() ({
        %run_scoped3A = tpu.sem_alloc : memref<!tpu.dma_semaphore, #tpu.memory_space<semaphore_mem>>
        %dma_start3A_87 = arith.constant 0 : i32
        %dma_start3A_88 = arith.constant 0 : i32
        %dma_start3A_89 = tpu.memref_slice %arg15[%dma_start3A_87, %dma_start3A_88] : memref<128x128xf32, #tpu.memory_space<vmem>> -> memref<128x128xf32, #tpu.memory_space<vmem>>
        %dma_start3A_90 = arith.constant 0 : i32
        %dma_start3A_91 = tpu.memref_slice %arg5[%add3A_82, %dma_start3A_90] : memref<20496x128xf32, #tpu.memory_space<hbm>> -> memref<128x128xf32, #tpu.memory_space<hbm>>
        %dma_start3A_92 = arith.constant 0 : i32
        %dma_start3A_93 = tpu.memref_slice %arg5[%add3A_82, %dma_start3A_92] : memref<20496x128xf32, #tpu.memory_space<hbm>> -> memref<128x128xf32, #tpu.memory_space<hbm>>
        %dma_start3A_94 = arith.constant 0 : i32
        %dma_start3A_95 = arith.constant 0 : i32
        %dma_start3A_96 = tpu.memref_slice %arg15[%dma_start3A_94, %dma_start3A_95] : memref<128x128xf32, #tpu.memory_space<vmem>> -> memref<128x128xf32, #tpu.memory_space<vmem>>
        tpu.enqueue_dma source(%dma_start3A_96 : memref<128x128xf32, #tpu.memory_space<vmem>>) target(%dma_start3A_93 : memref<128x128xf32, #tpu.memory_space<hbm>>) target_semaphore(%run_scoped3A : memref<!tpu.dma_semaphore, #tpu.memory_space<semaphore_mem>>)
        %dma_wait3A = arith.constant 0 : i32
        %dma_wait3A_97 = arith.constant 0 : i32
        %dma_wait3A_98 = tpu.memref_slice %arg15[%dma_wait3A, %dma_wait3A_97] : memref<128x128xf32, #tpu.memory_space<vmem>> -> memref<128x128xf32, #tpu.memory_space<vmem>>
        %dma_wait3A_99 = arith.constant 0 : i32
        %dma_wait3A_100 = tpu.memref_slice %arg5[%add3A_82, %dma_wait3A_99] : memref<20496x128xf32, #tpu.memory_space<hbm>> -> memref<128x128xf32, #tpu.memory_space<hbm>>
        %dma_wait3A_101 = arith.constant 0 : i32
        %dma_wait3A_102 = tpu.memref_slice %arg5[%add3A_82, %dma_wait3A_101] : memref<20496x128xf32, #tpu.memory_space<hbm>> -> memref<128x128xf32, #tpu.memory_space<hbm>>
        %dma_wait3A_103 = arith.constant 0 : i32
        %dma_wait3A_104 = arith.constant 0 : i32
        %dma_wait3A_105 = tpu.memref_slice %arg15[%dma_wait3A_103, %dma_wait3A_104] : memref<128x128xf32, #tpu.memory_space<vmem>> -> memref<128x128xf32, #tpu.memory_space<vmem>>
        tpu.wait_dma2 semaphore(%run_scoped3A : memref<!tpu.dma_semaphore, #tpu.memory_space<semaphore_mem>>) src(%dma_wait3A_105 : memref<128x128xf32, #tpu.memory_space<vmem>>) dst(%dma_wait3A_102 : memref<128x128xf32, #tpu.memory_space<hbm>>)
        tpu.yield
      }) : () -> ()
      %add3A_83 = arith.constant 640 : i32
      %add3A_84 = arith.addi %mul3A_2, %add3A_83 : i32
      "tpu.region"() ({
        %run_scoped3A = tpu.sem_alloc : memref<!tpu.dma_semaphore, #tpu.memory_space<semaphore_mem>>
        %dma_start3A_87 = arith.constant 0 : i32
        %dma_start3A_88 = arith.constant 0 : i32
        %dma_start3A_89 = tpu.memref_slice %arg15[%dma_start3A_87, %dma_start3A_88] : memref<128x128xf32, #tpu.memory_space<vmem>> -> memref<8x128xf32, #tpu.memory_space<vmem>>
        %dma_start3A_90 = arith.constant 0 : i32
        %dma_start3A_91 = tpu.memref_slice %arg6[%add3A_84, %dma_start3A_90] : memref<10248x128xf32, #tpu.memory_space<vmem_shared>> -> memref<8x128xf32, #tpu.memory_space<vmem_shared>>
        %dma_start3A_92 = arith.constant 0 : i32
        %dma_start3A_93 = arith.constant 0 : i32
        %dma_start3A_94 = tpu.memref_slice %arg15[%dma_start3A_92, %dma_start3A_93] : memref<128x128xf32, #tpu.memory_space<vmem>> -> memref<8x128xf32, #tpu.memory_space<vmem>>
        %dma_start3A_95 = arith.constant 0 : i32
        %dma_start3A_96 = tpu.memref_slice %arg6[%add3A_84, %dma_start3A_95] : memref<10248x128xf32, #tpu.memory_space<vmem_shared>> -> memref<8x128xf32, #tpu.memory_space<vmem_shared>>
        tpu.enqueue_dma source(%dma_start3A_96 : memref<8x128xf32, #tpu.memory_space<vmem_shared>>) target(%dma_start3A_94 : memref<8x128xf32, #tpu.memory_space<vmem>>) target_semaphore(%run_scoped3A : memref<!tpu.dma_semaphore, #tpu.memory_space<semaphore_mem>>)
        %dma_wait3A = arith.constant 0 : i32
        %dma_wait3A_97 = arith.constant 0 : i32
        %dma_wait3A_98 = tpu.memref_slice %arg15[%dma_wait3A, %dma_wait3A_97] : memref<128x128xf32, #tpu.memory_space<vmem>> -> memref<8x128xf32, #tpu.memory_space<vmem>>
        %dma_wait3A_99 = arith.constant 0 : i32
        %dma_wait3A_100 = tpu.memref_slice %arg6[%add3A_84, %dma_wait3A_99] : memref<10248x128xf32, #tpu.memory_space<vmem_shared>> -> memref<8x128xf32, #tpu.memory_space<vmem_shared>>
        %dma_wait3A_101 = arith.constant 0 : i32
        %dma_wait3A_102 = arith.constant 0 : i32
        %dma_wait3A_103 = tpu.memref_slice %arg15[%dma_wait3A_101, %dma_wait3A_102] : memref<128x128xf32, #tpu.memory_space<vmem>> -> memref<8x128xf32, #tpu.memory_space<vmem>>
        %dma_wait3A_104 = arith.constant 0 : i32
        %dma_wait3A_105 = tpu.memref_slice %arg6[%add3A_84, %dma_wait3A_104] : memref<10248x128xf32, #tpu.memory_space<vmem_shared>> -> memref<8x128xf32, #tpu.memory_space<vmem_shared>>
        tpu.wait_dma2 semaphore(%run_scoped3A : memref<!tpu.dma_semaphore, #tpu.memory_space<semaphore_mem>>) src(%dma_wait3A_105 : memref<8x128xf32, #tpu.memory_space<vmem_shared>>) dst(%dma_wait3A_103 : memref<8x128xf32, #tpu.memory_space<vmem>>)
        tpu.yield
      }) : () -> ()
      %add3A_85 = arith.constant 640 : i32
      %add3A_86 = arith.addi %add3A_52, %add3A_85 : i32
      "tpu.region"() ({
        %run_scoped3A = tpu.sem_alloc : memref<!tpu.dma_semaphore, #tpu.memory_space<semaphore_mem>>
        %dma_start3A_87 = arith.constant 0 : i32
        %dma_start3A_88 = arith.constant 0 : i32
        %dma_start3A_89 = tpu.memref_slice %arg15[%dma_start3A_87, %dma_start3A_88] : memref<128x128xf32, #tpu.memory_space<vmem>> -> memref<8x128xf32, #tpu.memory_space<vmem>>
        %dma_start3A_90 = arith.constant 0 : i32
        %dma_start3A_91 = tpu.memref_slice %arg5[%add3A_86, %dma_start3A_90] : memref<20496x128xf32, #tpu.memory_space<hbm>> -> memref<8x128xf32, #tpu.memory_space<hbm>>
        %dma_start3A_92 = arith.constant 0 : i32
        %dma_start3A_93 = tpu.memref_slice %arg5[%add3A_86, %dma_start3A_92] : memref<20496x128xf32, #tpu.memory_space<hbm>> -> memref<8x128xf32, #tpu.memory_space<hbm>>
        %dma_start3A_94 = arith.constant 0 : i32
        %dma_start3A_95 = arith.constant 0 : i32
        %dma_start3A_96 = tpu.memref_slice %arg15[%dma_start3A_94, %dma_start3A_95] : memref<128x128xf32, #tpu.memory_space<vmem>> -> memref<8x128xf32, #tpu.memory_space<vmem>>
        tpu.enqueue_dma source(%dma_start3A_96 : memref<8x128xf32, #tpu.memory_space<vmem>>) target(%dma_start3A_93 : memref<8x128xf32, #tpu.memory_space<hbm>>) target_semaphore(%run_scoped3A : memref<!tpu.dma_semaphore, #tpu.memory_space<semaphore_mem>>)
        %dma_wait3A = arith.constant 0 : i32
        %dma_wait3A_97 = arith.constant 0 : i32
        %dma_wait3A_98 = tpu.memref_slice %arg15[%dma_wait3A, %dma_wait3A_97] : memref<128x128xf32, #tpu.memory_space<vmem>> -> memref<8x128xf32, #tpu.memory_space<vmem>>
        %dma_wait3A_99 = arith.constant 0 : i32
        %dma_wait3A_100 = tpu.memref_slice %arg5[%add3A_86, %dma_wait3A_99] : memref<20496x128xf32, #tpu.memory_space<hbm>> -> memref<8x128xf32, #tpu.memory_space<hbm>>
        %dma_wait3A_101 = arith.constant 0 : i32
        %dma_wait3A_102 = tpu.memref_slice %arg5[%add3A_86, %dma_wait3A_101] : memref<20496x128xf32, #tpu.memory_space<hbm>> -> memref<8x128xf32, #tpu.memory_space<hbm>>
        %dma_wait3A_103 = arith.constant 0 : i32
        %dma_wait3A_104 = arith.constant 0 : i32
        %dma_wait3A_105 = tpu.memref_slice %arg15[%dma_wait3A_103, %dma_wait3A_104] : memref<128x128xf32, #tpu.memory_space<vmem>> -> memref<8x128xf32, #tpu.memory_space<vmem>>
        tpu.wait_dma2 semaphore(%run_scoped3A : memref<!tpu.dma_semaphore, #tpu.memory_space<semaphore_mem>>) src(%dma_wait3A_105 : memref<8x128xf32, #tpu.memory_space<vmem>>) dst(%dma_wait3A_102 : memref<8x128xf32, #tpu.memory_space<hbm>>)
        tpu.yield
      }) : () -> ()
    } else {
    }
    %eq3A_58 = arith.constant 15 : i32
    %eq3A_59 = arith.cmpi eq, %arg1, %eq3A_58 : i32
    %convert_element_type3A_60 = arith.extui %eq3A_59 : i1 to i32
    %cond3A_61 = arith.constant 0 : i32
    %cond3A_62 = arith.cmpi ne, %convert_element_type3A_60, %cond3A_61 : i32
    scf.if %cond3A_62 {
      %add3A_63 = arith.constant 0 : i32
      %add3A_64 = arith.addi %mul3A_2, %add3A_63 : i32
      "tpu.region"() ({
        %run_scoped3A = tpu.sem_alloc : memref<!tpu.dma_semaphore, #tpu.memory_space<semaphore_mem>>
        %dma_start3A_83 = arith.constant 0 : i32
        %dma_start3A_84 = arith.constant 0 : i32
        %dma_start3A_85 = tpu.memref_slice %arg15[%dma_start3A_83, %dma_start3A_84] : memref<128x128xf32, #tpu.memory_space<vmem>> -> memref<128x128xf32, #tpu.memory_space<vmem>>
        %dma_start3A_86 = arith.constant 0 : i32
        %dma_start3A_87 = tpu.memref_slice %arg6[%add3A_64, %dma_start3A_86] : memref<10248x128xf32, #tpu.memory_space<vmem_shared>> -> memref<128x128xf32, #tpu.memory_space<vmem_shared>>
        %dma_start3A_88 = arith.constant 0 : i32
        %dma_start3A_89 = arith.constant 0 : i32
        %dma_start3A_90 = tpu.memref_slice %arg15[%dma_start3A_88, %dma_start3A_89] : memref<128x128xf32, #tpu.memory_space<vmem>> -> memref<128x128xf32, #tpu.memory_space<vmem>>
        %dma_start3A_91 = arith.constant 0 : i32
        %dma_start3A_92 = tpu.memref_slice %arg6[%add3A_64, %dma_start3A_91] : memref<10248x128xf32, #tpu.memory_space<vmem_shared>> -> memref<128x128xf32, #tpu.memory_space<vmem_shared>>
        tpu.enqueue_dma source(%dma_start3A_92 : memref<128x128xf32, #tpu.memory_space<vmem_shared>>) target(%dma_start3A_90 : memref<128x128xf32, #tpu.memory_space<vmem>>) target_semaphore(%run_scoped3A : memref<!tpu.dma_semaphore, #tpu.memory_space<semaphore_mem>>)
        %dma_wait3A = arith.constant 0 : i32
        %dma_wait3A_93 = arith.constant 0 : i32
        %dma_wait3A_94 = tpu.memref_slice %arg15[%dma_wait3A, %dma_wait3A_93] : memref<128x128xf32, #tpu.memory_space<vmem>> -> memref<128x128xf32, #tpu.memory_space<vmem>>
        %dma_wait3A_95 = arith.constant 0 : i32
        %dma_wait3A_96 = tpu.memref_slice %arg6[%add3A_64, %dma_wait3A_95] : memref<10248x128xf32, #tpu.memory_space<vmem_shared>> -> memref<128x128xf32, #tpu.memory_space<vmem_shared>>
        %dma_wait3A_97 = arith.constant 0 : i32
        %dma_wait3A_98 = arith.constant 0 : i32
        %dma_wait3A_99 = tpu.memref_slice %arg15[%dma_wait3A_97, %dma_wait3A_98] : memref<128x128xf32, #tpu.memory_space<vmem>> -> memref<128x128xf32, #tpu.memory_space<vmem>>
        %dma_wait3A_100 = arith.constant 0 : i32
        %dma_wait3A_101 = tpu.memref_slice %arg6[%add3A_64, %dma_wait3A_100] : memref<10248x128xf32, #tpu.memory_space<vmem_shared>> -> memref<128x128xf32, #tpu.memory_space<vmem_shared>>
        tpu.wait_dma2 semaphore(%run_scoped3A : memref<!tpu.dma_semaphore, #tpu.memory_space<semaphore_mem>>) src(%dma_wait3A_101 : memref<128x128xf32, #tpu.memory_space<vmem_shared>>) dst(%dma_wait3A_99 : memref<128x128xf32, #tpu.memory_space<vmem>>)
        tpu.yield
      }) : () -> ()
      %add3A_65 = arith.constant 0 : i32
      %add3A_66 = arith.addi %add3A_52, %add3A_65 : i32
      "tpu.region"() ({
        %run_scoped3A = tpu.sem_alloc : memref<!tpu.dma_semaphore, #tpu.memory_space<semaphore_mem>>
        %dma_start3A_83 = arith.constant 0 : i32
        %dma_start3A_84 = arith.constant 0 : i32
        %dma_start3A_85 = tpu.memref_slice %arg15[%dma_start3A_83, %dma_start3A_84] : memref<128x128xf32, #tpu.memory_space<vmem>> -> memref<128x128xf32, #tpu.memory_space<vmem>>
        %dma_start3A_86 = arith.constant 0 : i32
        %dma_start3A_87 = tpu.memref_slice %arg5[%add3A_66, %dma_start3A_86] : memref<20496x128xf32, #tpu.memory_space<hbm>> -> memref<128x128xf32, #tpu.memory_space<hbm>>
        %dma_start3A_88 = arith.constant 0 : i32
        %dma_start3A_89 = tpu.memref_slice %arg5[%add3A_66, %dma_start3A_88] : memref<20496x128xf32, #tpu.memory_space<hbm>> -> memref<128x128xf32, #tpu.memory_space<hbm>>
        %dma_start3A_90 = arith.constant 0 : i32
        %dma_start3A_91 = arith.constant 0 : i32
        %dma_start3A_92 = tpu.memref_slice %arg15[%dma_start3A_90, %dma_start3A_91] : memref<128x128xf32, #tpu.memory_space<vmem>> -> memref<128x128xf32, #tpu.memory_space<vmem>>
        tpu.enqueue_dma source(%dma_start3A_92 : memref<128x128xf32, #tpu.memory_space<vmem>>) target(%dma_start3A_89 : memref<128x128xf32, #tpu.memory_space<hbm>>) target_semaphore(%run_scoped3A : memref<!tpu.dma_semaphore, #tpu.memory_space<semaphore_mem>>)
        %dma_wait3A = arith.constant 0 : i32
        %dma_wait3A_93 = arith.constant 0 : i32
        %dma_wait3A_94 = tpu.memref_slice %arg15[%dma_wait3A, %dma_wait3A_93] : memref<128x128xf32, #tpu.memory_space<vmem>> -> memref<128x128xf32, #tpu.memory_space<vmem>>
        %dma_wait3A_95 = arith.constant 0 : i32
        %dma_wait3A_96 = tpu.memref_slice %arg5[%add3A_66, %dma_wait3A_95] : memref<20496x128xf32, #tpu.memory_space<hbm>> -> memref<128x128xf32, #tpu.memory_space<hbm>>
        %dma_wait3A_97 = arith.constant 0 : i32
        %dma_wait3A_98 = tpu.memref_slice %arg5[%add3A_66, %dma_wait3A_97] : memref<20496x128xf32, #tpu.memory_space<hbm>> -> memref<128x128xf32, #tpu.memory_space<hbm>>
        %dma_wait3A_99 = arith.constant 0 : i32
        %dma_wait3A_100 = arith.constant 0 : i32
        %dma_wait3A_101 = tpu.memref_slice %arg15[%dma_wait3A_99, %dma_wait3A_100] : memref<128x128xf32, #tpu.memory_space<vmem>> -> memref<128x128xf32, #tpu.memory_space<vmem>>
        tpu.wait_dma2 semaphore(%run_scoped3A : memref<!tpu.dma_semaphore, #tpu.memory_space<semaphore_mem>>) src(%dma_wait3A_101 : memref<128x128xf32, #tpu.memory_space<vmem>>) dst(%dma_wait3A_98 : memref<128x128xf32, #tpu.memory_space<hbm>>)
        tpu.yield
      }) : () -> ()
      %add3A_67 = arith.constant 128 : i32
      %add3A_68 = arith.addi %mul3A_2, %add3A_67 : i32
      "tpu.region"() ({
        %run_scoped3A = tpu.sem_alloc : memref<!tpu.dma_semaphore, #tpu.memory_space<semaphore_mem>>
        %dma_start3A_83 = arith.constant 0 : i32
        %dma_start3A_84 = arith.constant 0 : i32
        %dma_start3A_85 = tpu.memref_slice %arg15[%dma_start3A_83, %dma_start3A_84] : memref<128x128xf32, #tpu.memory_space<vmem>> -> memref<128x128xf32, #tpu.memory_space<vmem>>
        %dma_start3A_86 = arith.constant 0 : i32
        %dma_start3A_87 = tpu.memref_slice %arg6[%add3A_68, %dma_start3A_86] : memref<10248x128xf32, #tpu.memory_space<vmem_shared>> -> memref<128x128xf32, #tpu.memory_space<vmem_shared>>
        %dma_start3A_88 = arith.constant 0 : i32
        %dma_start3A_89 = arith.constant 0 : i32
        %dma_start3A_90 = tpu.memref_slice %arg15[%dma_start3A_88, %dma_start3A_89] : memref<128x128xf32, #tpu.memory_space<vmem>> -> memref<128x128xf32, #tpu.memory_space<vmem>>
        %dma_start3A_91 = arith.constant 0 : i32
        %dma_start3A_92 = tpu.memref_slice %arg6[%add3A_68, %dma_start3A_91] : memref<10248x128xf32, #tpu.memory_space<vmem_shared>> -> memref<128x128xf32, #tpu.memory_space<vmem_shared>>
        tpu.enqueue_dma source(%dma_start3A_92 : memref<128x128xf32, #tpu.memory_space<vmem_shared>>) target(%dma_start3A_90 : memref<128x128xf32, #tpu.memory_space<vmem>>) target_semaphore(%run_scoped3A : memref<!tpu.dma_semaphore, #tpu.memory_space<semaphore_mem>>)
        %dma_wait3A = arith.constant 0 : i32
        %dma_wait3A_93 = arith.constant 0 : i32
        %dma_wait3A_94 = tpu.memref_slice %arg15[%dma_wait3A, %dma_wait3A_93] : memref<128x128xf32, #tpu.memory_space<vmem>> -> memref<128x128xf32, #tpu.memory_space<vmem>>
        %dma_wait3A_95 = arith.constant 0 : i32
        %dma_wait3A_96 = tpu.memref_slice %arg6[%add3A_68, %dma_wait3A_95] : memref<10248x128xf32, #tpu.memory_space<vmem_shared>> -> memref<128x128xf32, #tpu.memory_space<vmem_shared>>
        %dma_wait3A_97 = arith.constant 0 : i32
        %dma_wait3A_98 = arith.constant 0 : i32
        %dma_wait3A_99 = tpu.memref_slice %arg15[%dma_wait3A_97, %dma_wait3A_98] : memref<128x128xf32, #tpu.memory_space<vmem>> -> memref<128x128xf32, #tpu.memory_space<vmem>>
        %dma_wait3A_100 = arith.constant 0 : i32
        %dma_wait3A_101 = tpu.memref_slice %arg6[%add3A_68, %dma_wait3A_100] : memref<10248x128xf32, #tpu.memory_space<vmem_shared>> -> memref<128x128xf32, #tpu.memory_space<vmem_shared>>
        tpu.wait_dma2 semaphore(%run_scoped3A : memref<!tpu.dma_semaphore, #tpu.memory_space<semaphore_mem>>) src(%dma_wait3A_101 : memref<128x128xf32, #tpu.memory_space<vmem_shared>>) dst(%dma_wait3A_99 : memref<128x128xf32, #tpu.memory_space<vmem>>)
        tpu.yield
      }) : () -> ()
      %add3A_69 = arith.constant 128 : i32
      %add3A_70 = arith.addi %add3A_52, %add3A_69 : i32
      "tpu.region"() ({
        %run_scoped3A = tpu.sem_alloc : memref<!tpu.dma_semaphore, #tpu.memory_space<semaphore_mem>>
        %dma_start3A_83 = arith.constant 0 : i32
        %dma_start3A_84 = arith.constant 0 : i32
        %dma_start3A_85 = tpu.memref_slice %arg15[%dma_start3A_83, %dma_start3A_84] : memref<128x128xf32, #tpu.memory_space<vmem>> -> memref<128x128xf32, #tpu.memory_space<vmem>>
        %dma_start3A_86 = arith.constant 0 : i32
        %dma_start3A_87 = tpu.memref_slice %arg5[%add3A_70, %dma_start3A_86] : memref<20496x128xf32, #tpu.memory_space<hbm>> -> memref<128x128xf32, #tpu.memory_space<hbm>>
        %dma_start3A_88 = arith.constant 0 : i32
        %dma_start3A_89 = tpu.memref_slice %arg5[%add3A_70, %dma_start3A_88] : memref<20496x128xf32, #tpu.memory_space<hbm>> -> memref<128x128xf32, #tpu.memory_space<hbm>>
        %dma_start3A_90 = arith.constant 0 : i32
        %dma_start3A_91 = arith.constant 0 : i32
        %dma_start3A_92 = tpu.memref_slice %arg15[%dma_start3A_90, %dma_start3A_91] : memref<128x128xf32, #tpu.memory_space<vmem>> -> memref<128x128xf32, #tpu.memory_space<vmem>>
        tpu.enqueue_dma source(%dma_start3A_92 : memref<128x128xf32, #tpu.memory_space<vmem>>) target(%dma_start3A_89 : memref<128x128xf32, #tpu.memory_space<hbm>>) target_semaphore(%run_scoped3A : memref<!tpu.dma_semaphore, #tpu.memory_space<semaphore_mem>>)
        %dma_wait3A = arith.constant 0 : i32
        %dma_wait3A_93 = arith.constant 0 : i32
        %dma_wait3A_94 = tpu.memref_slice %arg15[%dma_wait3A, %dma_wait3A_93] : memref<128x128xf32, #tpu.memory_space<vmem>> -> memref<128x128xf32, #tpu.memory_space<vmem>>
        %dma_wait3A_95 = arith.constant 0 : i32
        %dma_wait3A_96 = tpu.memref_slice %arg5[%add3A_70, %dma_wait3A_95] : memref<20496x128xf32, #tpu.memory_space<hbm>> -> memref<128x128xf32, #tpu.memory_space<hbm>>
        %dma_wait3A_97 = arith.constant 0 : i32
        %dma_wait3A_98 = tpu.memref_slice %arg5[%add3A_70, %dma_wait3A_97] : memref<20496x128xf32, #tpu.memory_space<hbm>> -> memref<128x128xf32, #tpu.memory_space<hbm>>
        %dma_wait3A_99 = arith.constant 0 : i32
        %dma_wait3A_100 = arith.constant 0 : i32
        %dma_wait3A_101 = tpu.memref_slice %arg15[%dma_wait3A_99, %dma_wait3A_100] : memref<128x128xf32, #tpu.memory_space<vmem>> -> memref<128x128xf32, #tpu.memory_space<vmem>>
        tpu.wait_dma2 semaphore(%run_scoped3A : memref<!tpu.dma_semaphore, #tpu.memory_space<semaphore_mem>>) src(%dma_wait3A_101 : memref<128x128xf32, #tpu.memory_space<vmem>>) dst(%dma_wait3A_98 : memref<128x128xf32, #tpu.memory_space<hbm>>)
        tpu.yield
      }) : () -> ()
      %add3A_71 = arith.constant 256 : i32
      %add3A_72 = arith.addi %mul3A_2, %add3A_71 : i32
      "tpu.region"() ({
        %run_scoped3A = tpu.sem_alloc : memref<!tpu.dma_semaphore, #tpu.memory_space<semaphore_mem>>
        %dma_start3A_83 = arith.constant 0 : i32
        %dma_start3A_84 = arith.constant 0 : i32
        %dma_start3A_85 = tpu.memref_slice %arg15[%dma_start3A_83, %dma_start3A_84] : memref<128x128xf32, #tpu.memory_space<vmem>> -> memref<128x128xf32, #tpu.memory_space<vmem>>
        %dma_start3A_86 = arith.constant 0 : i32
        %dma_start3A_87 = tpu.memref_slice %arg6[%add3A_72, %dma_start3A_86] : memref<10248x128xf32, #tpu.memory_space<vmem_shared>> -> memref<128x128xf32, #tpu.memory_space<vmem_shared>>
        %dma_start3A_88 = arith.constant 0 : i32
        %dma_start3A_89 = arith.constant 0 : i32
        %dma_start3A_90 = tpu.memref_slice %arg15[%dma_start3A_88, %dma_start3A_89] : memref<128x128xf32, #tpu.memory_space<vmem>> -> memref<128x128xf32, #tpu.memory_space<vmem>>
        %dma_start3A_91 = arith.constant 0 : i32
        %dma_start3A_92 = tpu.memref_slice %arg6[%add3A_72, %dma_start3A_91] : memref<10248x128xf32, #tpu.memory_space<vmem_shared>> -> memref<128x128xf32, #tpu.memory_space<vmem_shared>>
        tpu.enqueue_dma source(%dma_start3A_92 : memref<128x128xf32, #tpu.memory_space<vmem_shared>>) target(%dma_start3A_90 : memref<128x128xf32, #tpu.memory_space<vmem>>) target_semaphore(%run_scoped3A : memref<!tpu.dma_semaphore, #tpu.memory_space<semaphore_mem>>)
        %dma_wait3A = arith.constant 0 : i32
        %dma_wait3A_93 = arith.constant 0 : i32
        %dma_wait3A_94 = tpu.memref_slice %arg15[%dma_wait3A, %dma_wait3A_93] : memref<128x128xf32, #tpu.memory_space<vmem>> -> memref<128x128xf32, #tpu.memory_space<vmem>>
        %dma_wait3A_95 = arith.constant 0 : i32
        %dma_wait3A_96 = tpu.memref_slice %arg6[%add3A_72, %dma_wait3A_95] : memref<10248x128xf32, #tpu.memory_space<vmem_shared>> -> memref<128x128xf32, #tpu.memory_space<vmem_shared>>
        %dma_wait3A_97 = arith.constant 0 : i32
        %dma_wait3A_98 = arith.constant 0 : i32
        %dma_wait3A_99 = tpu.memref_slice %arg15[%dma_wait3A_97, %dma_wait3A_98] : memref<128x128xf32, #tpu.memory_space<vmem>> -> memref<128x128xf32, #tpu.memory_space<vmem>>
        %dma_wait3A_100 = arith.constant 0 : i32
        %dma_wait3A_101 = tpu.memref_slice %arg6[%add3A_72, %dma_wait3A_100] : memref<10248x128xf32, #tpu.memory_space<vmem_shared>> -> memref<128x128xf32, #tpu.memory_space<vmem_shared>>
        tpu.wait_dma2 semaphore(%run_scoped3A : memref<!tpu.dma_semaphore, #tpu.memory_space<semaphore_mem>>) src(%dma_wait3A_101 : memref<128x128xf32, #tpu.memory_space<vmem_shared>>) dst(%dma_wait3A_99 : memref<128x128xf32, #tpu.memory_space<vmem>>)
        tpu.yield
      }) : () -> ()
      %add3A_73 = arith.constant 256 : i32
      %add3A_74 = arith.addi %add3A_52, %add3A_73 : i32
      "tpu.region"() ({
        %run_scoped3A = tpu.sem_alloc : memref<!tpu.dma_semaphore, #tpu.memory_space<semaphore_mem>>
        %dma_start3A_83 = arith.constant 0 : i32
        %dma_start3A_84 = arith.constant 0 : i32
        %dma_start3A_85 = tpu.memref_slice %arg15[%dma_start3A_83, %dma_start3A_84] : memref<128x128xf32, #tpu.memory_space<vmem>> -> memref<128x128xf32, #tpu.memory_space<vmem>>
        %dma_start3A_86 = arith.constant 0 : i32
        %dma_start3A_87 = tpu.memref_slice %arg5[%add3A_74, %dma_start3A_86] : memref<20496x128xf32, #tpu.memory_space<hbm>> -> memref<128x128xf32, #tpu.memory_space<hbm>>
        %dma_start3A_88 = arith.constant 0 : i32
        %dma_start3A_89 = tpu.memref_slice %arg5[%add3A_74, %dma_start3A_88] : memref<20496x128xf32, #tpu.memory_space<hbm>> -> memref<128x128xf32, #tpu.memory_space<hbm>>
        %dma_start3A_90 = arith.constant 0 : i32
        %dma_start3A_91 = arith.constant 0 : i32
        %dma_start3A_92 = tpu.memref_slice %arg15[%dma_start3A_90, %dma_start3A_91] : memref<128x128xf32, #tpu.memory_space<vmem>> -> memref<128x128xf32, #tpu.memory_space<vmem>>
        tpu.enqueue_dma source(%dma_start3A_92 : memref<128x128xf32, #tpu.memory_space<vmem>>) target(%dma_start3A_89 : memref<128x128xf32, #tpu.memory_space<hbm>>) target_semaphore(%run_scoped3A : memref<!tpu.dma_semaphore, #tpu.memory_space<semaphore_mem>>)
        %dma_wait3A = arith.constant 0 : i32
        %dma_wait3A_93 = arith.constant 0 : i32
        %dma_wait3A_94 = tpu.memref_slice %arg15[%dma_wait3A, %dma_wait3A_93] : memref<128x128xf32, #tpu.memory_space<vmem>> -> memref<128x128xf32, #tpu.memory_space<vmem>>
        %dma_wait3A_95 = arith.constant 0 : i32
        %dma_wait3A_96 = tpu.memref_slice %arg5[%add3A_74, %dma_wait3A_95] : memref<20496x128xf32, #tpu.memory_space<hbm>> -> memref<128x128xf32, #tpu.memory_space<hbm>>
        %dma_wait3A_97 = arith.constant 0 : i32
        %dma_wait3A_98 = tpu.memref_slice %arg5[%add3A_74, %dma_wait3A_97] : memref<20496x128xf32, #tpu.memory_space<hbm>> -> memref<128x128xf32, #tpu.memory_space<hbm>>
        %dma_wait3A_99 = arith.constant 0 : i32
        %dma_wait3A_100 = arith.constant 0 : i32
        %dma_wait3A_101 = tpu.memref_slice %arg15[%dma_wait3A_99, %dma_wait3A_100] : memref<128x128xf32, #tpu.memory_space<vmem>> -> memref<128x128xf32, #tpu.memory_space<vmem>>
        tpu.wait_dma2 semaphore(%run_scoped3A : memref<!tpu.dma_semaphore, #tpu.memory_space<semaphore_mem>>) src(%dma_wait3A_101 : memref<128x128xf32, #tpu.memory_space<vmem>>) dst(%dma_wait3A_98 : memref<128x128xf32, #tpu.memory_space<hbm>>)
        tpu.yield
      }) : () -> ()
      %add3A_75 = arith.constant 384 : i32
      %add3A_76 = arith.addi %mul3A_2, %add3A_75 : i32
      "tpu.region"() ({
        %run_scoped3A = tpu.sem_alloc : memref<!tpu.dma_semaphore, #tpu.memory_space<semaphore_mem>>
        %dma_start3A_83 = arith.constant 0 : i32
        %dma_start3A_84 = arith.constant 0 : i32
        %dma_start3A_85 = tpu.memref_slice %arg15[%dma_start3A_83, %dma_start3A_84] : memref<128x128xf32, #tpu.memory_space<vmem>> -> memref<128x128xf32, #tpu.memory_space<vmem>>
        %dma_start3A_86 = arith.constant 0 : i32
        %dma_start3A_87 = tpu.memref_slice %arg6[%add3A_76, %dma_start3A_86] : memref<10248x128xf32, #tpu.memory_space<vmem_shared>> -> memref<128x128xf32, #tpu.memory_space<vmem_shared>>
        %dma_start3A_88 = arith.constant 0 : i32
        %dma_start3A_89 = arith.constant 0 : i32
        %dma_start3A_90 = tpu.memref_slice %arg15[%dma_start3A_88, %dma_start3A_89] : memref<128x128xf32, #tpu.memory_space<vmem>> -> memref<128x128xf32, #tpu.memory_space<vmem>>
        %dma_start3A_91 = arith.constant 0 : i32
        %dma_start3A_92 = tpu.memref_slice %arg6[%add3A_76, %dma_start3A_91] : memref<10248x128xf32, #tpu.memory_space<vmem_shared>> -> memref<128x128xf32, #tpu.memory_space<vmem_shared>>
        tpu.enqueue_dma source(%dma_start3A_92 : memref<128x128xf32, #tpu.memory_space<vmem_shared>>) target(%dma_start3A_90 : memref<128x128xf32, #tpu.memory_space<vmem>>) target_semaphore(%run_scoped3A : memref<!tpu.dma_semaphore, #tpu.memory_space<semaphore_mem>>)
        %dma_wait3A = arith.constant 0 : i32
        %dma_wait3A_93 = arith.constant 0 : i32
        %dma_wait3A_94 = tpu.memref_slice %arg15[%dma_wait3A, %dma_wait3A_93] : memref<128x128xf32, #tpu.memory_space<vmem>> -> memref<128x128xf32, #tpu.memory_space<vmem>>
        %dma_wait3A_95 = arith.constant 0 : i32
        %dma_wait3A_96 = tpu.memref_slice %arg6[%add3A_76, %dma_wait3A_95] : memref<10248x128xf32, #tpu.memory_space<vmem_shared>> -> memref<128x128xf32, #tpu.memory_space<vmem_shared>>
        %dma_wait3A_97 = arith.constant 0 : i32
        %dma_wait3A_98 = arith.constant 0 : i32
        %dma_wait3A_99 = tpu.memref_slice %arg15[%dma_wait3A_97, %dma_wait3A_98] : memref<128x128xf32, #tpu.memory_space<vmem>> -> memref<128x128xf32, #tpu.memory_space<vmem>>
        %dma_wait3A_100 = arith.constant 0 : i32
        %dma_wait3A_101 = tpu.memref_slice %arg6[%add3A_76, %dma_wait3A_100] : memref<10248x128xf32, #tpu.memory_space<vmem_shared>> -> memref<128x128xf32, #tpu.memory_space<vmem_shared>>
        tpu.wait_dma2 semaphore(%run_scoped3A : memref<!tpu.dma_semaphore, #tpu.memory_space<semaphore_mem>>) src(%dma_wait3A_101 : memref<128x128xf32, #tpu.memory_space<vmem_shared>>) dst(%dma_wait3A_99 : memref<128x128xf32, #tpu.memory_space<vmem>>)
        tpu.yield
      }) : () -> ()
      %add3A_77 = arith.constant 384 : i32
      %add3A_78 = arith.addi %add3A_52, %add3A_77 : i32
      "tpu.region"() ({
        %run_scoped3A = tpu.sem_alloc : memref<!tpu.dma_semaphore, #tpu.memory_space<semaphore_mem>>
        %dma_start3A_83 = arith.constant 0 : i32
        %dma_start3A_84 = arith.constant 0 : i32
        %dma_start3A_85 = tpu.memref_slice %arg15[%dma_start3A_83, %dma_start3A_84] : memref<128x128xf32, #tpu.memory_space<vmem>> -> memref<128x128xf32, #tpu.memory_space<vmem>>
        %dma_start3A_86 = arith.constant 0 : i32
        %dma_start3A_87 = tpu.memref_slice %arg5[%add3A_78, %dma_start3A_86] : memref<20496x128xf32, #tpu.memory_space<hbm>> -> memref<128x128xf32, #tpu.memory_space<hbm>>
        %dma_start3A_88 = arith.constant 0 : i32
        %dma_start3A_89 = tpu.memref_slice %arg5[%add3A_78, %dma_start3A_88] : memref<20496x128xf32, #tpu.memory_space<hbm>> -> memref<128x128xf32, #tpu.memory_space<hbm>>
        %dma_start3A_90 = arith.constant 0 : i32
        %dma_start3A_91 = arith.constant 0 : i32
        %dma_start3A_92 = tpu.memref_slice %arg15[%dma_start3A_90, %dma_start3A_91] : memref<128x128xf32, #tpu.memory_space<vmem>> -> memref<128x128xf32, #tpu.memory_space<vmem>>
        tpu.enqueue_dma source(%dma_start3A_92 : memref<128x128xf32, #tpu.memory_space<vmem>>) target(%dma_start3A_89 : memref<128x128xf32, #tpu.memory_space<hbm>>) target_semaphore(%run_scoped3A : memref<!tpu.dma_semaphore, #tpu.memory_space<semaphore_mem>>)
        %dma_wait3A = arith.constant 0 : i32
        %dma_wait3A_93 = arith.constant 0 : i32
        %dma_wait3A_94 = tpu.memref_slice %arg15[%dma_wait3A, %dma_wait3A_93] : memref<128x128xf32, #tpu.memory_space<vmem>> -> memref<128x128xf32, #tpu.memory_space<vmem>>
        %dma_wait3A_95 = arith.constant 0 : i32
        %dma_wait3A_96 = tpu.memref_slice %arg5[%add3A_78, %dma_wait3A_95] : memref<20496x128xf32, #tpu.memory_space<hbm>> -> memref<128x128xf32, #tpu.memory_space<hbm>>
        %dma_wait3A_97 = arith.constant 0 : i32
        %dma_wait3A_98 = tpu.memref_slice %arg5[%add3A_78, %dma_wait3A_97] : memref<20496x128xf32, #tpu.memory_space<hbm>> -> memref<128x128xf32, #tpu.memory_space<hbm>>
        %dma_wait3A_99 = arith.constant 0 : i32
        %dma_wait3A_100 = arith.constant 0 : i32
        %dma_wait3A_101 = tpu.memref_slice %arg15[%dma_wait3A_99, %dma_wait3A_100] : memref<128x128xf32, #tpu.memory_space<vmem>> -> memref<128x128xf32, #tpu.memory_space<vmem>>
        tpu.wait_dma2 semaphore(%run_scoped3A : memref<!tpu.dma_semaphore, #tpu.memory_space<semaphore_mem>>) src(%dma_wait3A_101 : memref<128x128xf32, #tpu.memory_space<vmem>>) dst(%dma_wait3A_98 : memref<128x128xf32, #tpu.memory_space<hbm>>)
        tpu.yield
      }) : () -> ()
      %add3A_79 = arith.constant 512 : i32
      %add3A_80 = arith.addi %mul3A_2, %add3A_79 : i32
      "tpu.region"() ({
        %run_scoped3A = tpu.sem_alloc : memref<!tpu.dma_semaphore, #tpu.memory_space<semaphore_mem>>
        %dma_start3A_83 = arith.constant 0 : i32
        %dma_start3A_84 = arith.constant 0 : i32
        %dma_start3A_85 = tpu.memref_slice %arg15[%dma_start3A_83, %dma_start3A_84] : memref<128x128xf32, #tpu.memory_space<vmem>> -> memref<16x128xf32, #tpu.memory_space<vmem>>
        %dma_start3A_86 = arith.constant 0 : i32
        %dma_start3A_87 = tpu.memref_slice %arg6[%add3A_80, %dma_start3A_86] : memref<10248x128xf32, #tpu.memory_space<vmem_shared>> -> memref<16x128xf32, #tpu.memory_space<vmem_shared>>
        %dma_start3A_88 = arith.constant 0 : i32
        %dma_start3A_89 = arith.constant 0 : i32
        %dma_start3A_90 = tpu.memref_slice %arg15[%dma_start3A_88, %dma_start3A_89] : memref<128x128xf32, #tpu.memory_space<vmem>> -> memref<16x128xf32, #tpu.memory_space<vmem>>
        %dma_start3A_91 = arith.constant 0 : i32
        %dma_start3A_92 = tpu.memref_slice %arg6[%add3A_80, %dma_start3A_91] : memref<10248x128xf32, #tpu.memory_space<vmem_shared>> -> memref<16x128xf32, #tpu.memory_space<vmem_shared>>
        tpu.enqueue_dma source(%dma_start3A_92 : memref<16x128xf32, #tpu.memory_space<vmem_shared>>) target(%dma_start3A_90 : memref<16x128xf32, #tpu.memory_space<vmem>>) target_semaphore(%run_scoped3A : memref<!tpu.dma_semaphore, #tpu.memory_space<semaphore_mem>>)
        %dma_wait3A = arith.constant 0 : i32
        %dma_wait3A_93 = arith.constant 0 : i32
        %dma_wait3A_94 = tpu.memref_slice %arg15[%dma_wait3A, %dma_wait3A_93] : memref<128x128xf32, #tpu.memory_space<vmem>> -> memref<16x128xf32, #tpu.memory_space<vmem>>
        %dma_wait3A_95 = arith.constant 0 : i32
        %dma_wait3A_96 = tpu.memref_slice %arg6[%add3A_80, %dma_wait3A_95] : memref<10248x128xf32, #tpu.memory_space<vmem_shared>> -> memref<16x128xf32, #tpu.memory_space<vmem_shared>>
        %dma_wait3A_97 = arith.constant 0 : i32
        %dma_wait3A_98 = arith.constant 0 : i32
        %dma_wait3A_99 = tpu.memref_slice %arg15[%dma_wait3A_97, %dma_wait3A_98] : memref<128x128xf32, #tpu.memory_space<vmem>> -> memref<16x128xf32, #tpu.memory_space<vmem>>
        %dma_wait3A_100 = arith.constant 0 : i32
        %dma_wait3A_101 = tpu.memref_slice %arg6[%add3A_80, %dma_wait3A_100] : memref<10248x128xf32, #tpu.memory_space<vmem_shared>> -> memref<16x128xf32, #tpu.memory_space<vmem_shared>>
        tpu.wait_dma2 semaphore(%run_scoped3A : memref<!tpu.dma_semaphore, #tpu.memory_space<semaphore_mem>>) src(%dma_wait3A_101 : memref<16x128xf32, #tpu.memory_space<vmem_shared>>) dst(%dma_wait3A_99 : memref<16x128xf32, #tpu.memory_space<vmem>>)
        tpu.yield
      }) : () -> ()
      %add3A_81 = arith.constant 512 : i32
      %add3A_82 = arith.addi %add3A_52, %add3A_81 : i32
      "tpu.region"() ({
        %run_scoped3A = tpu.sem_alloc : memref<!tpu.dma_semaphore, #tpu.memory_space<semaphore_mem>>
        %dma_start3A_83 = arith.constant 0 : i32
        %dma_start3A_84 = arith.constant 0 : i32
        %dma_start3A_85 = tpu.memref_slice %arg15[%dma_start3A_83, %dma_start3A_84] : memref<128x128xf32, #tpu.memory_space<vmem>> -> memref<16x128xf32, #tpu.memory_space<vmem>>
        %dma_start3A_86 = arith.constant 0 : i32
        %dma_start3A_87 = tpu.memref_slice %arg5[%add3A_82, %dma_start3A_86] : memref<20496x128xf32, #tpu.memory_space<hbm>> -> memref<16x128xf32, #tpu.memory_space<hbm>>
        %dma_start3A_88 = arith.constant 0 : i32
        %dma_start3A_89 = tpu.memref_slice %arg5[%add3A_82, %dma_start3A_88] : memref<20496x128xf32, #tpu.memory_space<hbm>> -> memref<16x128xf32, #tpu.memory_space<hbm>>
        %dma_start3A_90 = arith.constant 0 : i32
        %dma_start3A_91 = arith.constant 0 : i32
        %dma_start3A_92 = tpu.memref_slice %arg15[%dma_start3A_90, %dma_start3A_91] : memref<128x128xf32, #tpu.memory_space<vmem>> -> memref<16x128xf32, #tpu.memory_space<vmem>>
        tpu.enqueue_dma source(%dma_start3A_92 : memref<16x128xf32, #tpu.memory_space<vmem>>) target(%dma_start3A_89 : memref<16x128xf32, #tpu.memory_space<hbm>>) target_semaphore(%run_scoped3A : memref<!tpu.dma_semaphore, #tpu.memory_space<semaphore_mem>>)
        %dma_wait3A = arith.constant 0 : i32
        %dma_wait3A_93 = arith.constant 0 : i32
        %dma_wait3A_94 = tpu.memref_slice %arg15[%dma_wait3A, %dma_wait3A_93] : memref<128x128xf32, #tpu.memory_space<vmem>> -> memref<16x128xf32, #tpu.memory_space<vmem>>
        %dma_wait3A_95 = arith.constant 0 : i32
        %dma_wait3A_96 = tpu.memref_slice %arg5[%add3A_82, %dma_wait3A_95] : memref<20496x128xf32, #tpu.memory_space<hbm>> -> memref<16x128xf32, #tpu.memory_space<hbm>>
        %dma_wait3A_97 = arith.constant 0 : i32
        %dma_wait3A_98 = tpu.memref_slice %arg5[%add3A_82, %dma_wait3A_97] : memref<20496x128xf32, #tpu.memory_space<hbm>> -> memref<16x128xf32, #tpu.memory_space<hbm>>
        %dma_wait3A_99 = arith.constant 0 : i32
        %dma_wait3A_100 = arith.constant 0 : i32
        %dma_wait3A_101 = tpu.memref_slice %arg15[%dma_wait3A_99, %dma_wait3A_100] : memref<128x128xf32, #tpu.memory_space<vmem>> -> memref<16x128xf32, #tpu.memory_space<vmem>>
        tpu.wait_dma2 semaphore(%run_scoped3A : memref<!tpu.dma_semaphore, #tpu.memory_space<semaphore_mem>>) src(%dma_wait3A_101 : memref<16x128xf32, #tpu.memory_space<vmem>>) dst(%dma_wait3A_98 : memref<16x128xf32, #tpu.memory_space<hbm>>)
        tpu.yield
      }) : () -> ()
    } else {
    }
    return
  }
}

#map = affine_map<(d0, d1) -> (0, 0)>
#map1 = affine_map<(d0, d1) -> (0)>
module attributes {stable_mosaic.version = 14 : i64} {
  func.func @body(%arg0: i32, %arg1: i32, %arg2: memref<10000x128xf32, #tpu.memory_space<hbm>>, %arg3: memref<2560x128xi32, #tpu.memory_space<hbm>>, %arg4: memref<327680xi32, #tpu.memory_space<hbm>>, %arg5: memref<128x128xf32, #tpu.memory_space<hbm>>, %arg6: memref<20496x128xf32, #tpu.memory_space<hbm>>, %arg7: memref<10248x128xf32, #tpu.memory_space<vmem_shared>>, %arg8: memref<80x128xi32, #tpu.memory_space<vmem>>, %arg9: memref<128xi32, #tpu.memory_space<vmem>>, %arg10: memref<128xi32, #tpu.memory_space<vmem>>, %arg11: memref<128xi32, #tpu.memory_space<vmem>>, %arg12: memref<128xi32, #tpu.memory_space<vmem>>, %arg13: memref<128x128xf32, #tpu.memory_space<vmem>>, %arg14: memref<128x128xf32, #tpu.memory_space<vmem>>, %arg15: memref<!tpu.dma_semaphore, #tpu.memory_space<semaphore_mem>>, %arg16: memref<!tpu.dma_semaphore, #tpu.memory_space<semaphore_mem>>, %arg17: memref<!tpu.dma_semaphore, #tpu.memory_space<semaphore_mem>>, %arg18: memref<!tpu.dma_semaphore, #tpu.memory_space<semaphore_mem>>, %arg19: memref<!tpu.dma_semaphore, #tpu.memory_space<semaphore_mem>>, %arg20: memref<!tpu.dma_semaphore, #tpu.memory_space<semaphore_mem>>, %arg21: memref<!tpu.dma_semaphore, #tpu.memory_space<semaphore_mem>>, %arg22: memref<!tpu.dma_semaphore, #tpu.memory_space<semaphore_mem>>) attributes {dimension_semantics = [#tpu.dimension_semantics<core_parallel>, #tpu.dimension_semantics<subcore_parallel>], iteration_bounds = array<i64: 2, 16>, scalar_prefetch = 0 : i64, scratch_operands = 16 : i64, tpu.core_type = #tpu.core_type<sc_vector_subcore>, window_params = [{transform_indices = #map}, {transform_indices = #map}, {transform_indices = #map1}, {transform_indices = #map}, {transform_indices = #map}]} {
    %mul3A = arith.constant 2 : i32
    %mul3A_0 = arith.muli %arg1, %mul3A : i32
    %add3A = arith.addi %mul3A_0, %arg0 : i32
    %mul3A_1 = arith.constant 648 : i32
    %mul3A_2 = arith.muli %arg1, %mul3A_1 : i32
    %mul3A_3 = arith.constant 80 : i32
    %mul3A_4 = arith.muli %add3A, %mul3A_3 : i32
    %mul3A_5 = arith.constant 128 : i32
    %mul3A_6 = arith.muli %mul3A_4, %mul3A_5 : i32
    %mul3A_7 = arith.constant 80 : i32
    %mul3A_8 = arith.muli %add3A, %mul3A_7 : i32
    "tpu.region"() ({
      %run_scoped3A = tpu.sem_alloc : memref<!tpu.dma_semaphore, #tpu.memory_space<semaphore_mem>>
      %dma_start3A_54 = arith.constant 0 : i32
      %dma_start3A_55 = tpu.memref_slice %arg3[%mul3A_8, %dma_start3A_54] : memref<2560x128xi32, #tpu.memory_space<hbm>> -> memref<80x128xi32, #tpu.memory_space<hbm>>
      %dma_start3A_56 = arith.constant 0 : i32
      %dma_start3A_57 = tpu.memref_slice %arg3[%mul3A_8, %dma_start3A_56] : memref<2560x128xi32, #tpu.memory_space<hbm>> -> memref<80x128xi32, #tpu.memory_space<hbm>>
      tpu.enqueue_dma source(%dma_start3A_57 : memref<80x128xi32, #tpu.memory_space<hbm>>) target(%arg8 : memref<80x128xi32, #tpu.memory_space<vmem>>) target_semaphore(%run_scoped3A : memref<!tpu.dma_semaphore, #tpu.memory_space<semaphore_mem>>)
      %dma_wait3A_58 = arith.constant 0 : i32
      %dma_wait3A_59 = tpu.memref_slice %arg3[%mul3A_8, %dma_wait3A_58] : memref<2560x128xi32, #tpu.memory_space<hbm>> -> memref<80x128xi32, #tpu.memory_space<hbm>>
      %dma_wait3A_60 = arith.constant 0 : i32
      %dma_wait3A_61 = tpu.memref_slice %arg3[%mul3A_8, %dma_wait3A_60] : memref<2560x128xi32, #tpu.memory_space<hbm>> -> memref<80x128xi32, #tpu.memory_space<hbm>>
      tpu.wait_dma2 semaphore(%run_scoped3A : memref<!tpu.dma_semaphore, #tpu.memory_space<semaphore_mem>>) src(%dma_wait3A_61 : memref<80x128xi32, #tpu.memory_space<hbm>>) dst(%arg8 : memref<80x128xi32, #tpu.memory_space<vmem>>)
      tpu.yield
    }) : () -> ()
    "tpu.region"() ({
      %run_scoped3A = tpu.sem_alloc : memref<!tpu.dma_semaphore, #tpu.memory_space<semaphore_mem>>
      tpu.enqueue_dma source(%arg5 : memref<128x128xf32, #tpu.memory_space<hbm>>) target(%arg13 : memref<128x128xf32, #tpu.memory_space<vmem>>) target_semaphore(%run_scoped3A : memref<!tpu.dma_semaphore, #tpu.memory_space<semaphore_mem>>)
      tpu.wait_dma2 semaphore(%run_scoped3A : memref<!tpu.dma_semaphore, #tpu.memory_space<semaphore_mem>>) src(%arg5 : memref<128x128xf32, #tpu.memory_space<hbm>>) dst(%arg13 : memref<128x128xf32, #tpu.memory_space<vmem>>)
      tpu.yield
    }) : () -> ()
    %ne3A = arith.constant 15 : i32
    %ne3A_9 = arith.cmpi ne, %arg1, %ne3A : i32
    %convert_element_type3A = arith.extui %ne3A_9 : i1 to i32
    %cond3A = arith.constant 0 : i32
    %cond3A_10 = arith.cmpi ne, %convert_element_type3A, %cond3A : i32
    scf.if %cond3A_10 {
      %add3A_54 = arith.constant 0 : i32
      %add3A_55 = arith.addi %mul3A_2, %add3A_54 : i32
      "tpu.region"() ({
        %run_scoped3A = tpu.sem_alloc : memref<!tpu.dma_semaphore, #tpu.memory_space<semaphore_mem>>
        %dma_start3A_66 = arith.constant 0 : i32
        %dma_start3A_67 = arith.constant 0 : i32
        %dma_start3A_68 = tpu.memref_slice %arg13[%dma_start3A_66, %dma_start3A_67] : memref<128x128xf32, #tpu.memory_space<vmem>> -> memref<128x128xf32, #tpu.memory_space<vmem>>
        %dma_start3A_69 = arith.constant 0 : i32
        %dma_start3A_70 = tpu.memref_slice %arg7[%add3A_55, %dma_start3A_69] : memref<10248x128xf32, #tpu.memory_space<vmem_shared>> -> memref<128x128xf32, #tpu.memory_space<vmem_shared>>
        %dma_start3A_71 = arith.constant 0 : i32
        %dma_start3A_72 = tpu.memref_slice %arg7[%add3A_55, %dma_start3A_71] : memref<10248x128xf32, #tpu.memory_space<vmem_shared>> -> memref<128x128xf32, #tpu.memory_space<vmem_shared>>
        %dma_start3A_73 = arith.constant 0 : i32
        %dma_start3A_74 = arith.constant 0 : i32
        %dma_start3A_75 = tpu.memref_slice %arg13[%dma_start3A_73, %dma_start3A_74] : memref<128x128xf32, #tpu.memory_space<vmem>> -> memref<128x128xf32, #tpu.memory_space<vmem>>
        tpu.enqueue_dma source(%dma_start3A_75 : memref<128x128xf32, #tpu.memory_space<vmem>>) target(%dma_start3A_72 : memref<128x128xf32, #tpu.memory_space<vmem_shared>>) target_semaphore(%run_scoped3A : memref<!tpu.dma_semaphore, #tpu.memory_space<semaphore_mem>>)
        %dma_wait3A_76 = arith.constant 0 : i32
        %dma_wait3A_77 = arith.constant 0 : i32
        %dma_wait3A_78 = tpu.memref_slice %arg13[%dma_wait3A_76, %dma_wait3A_77] : memref<128x128xf32, #tpu.memory_space<vmem>> -> memref<128x128xf32, #tpu.memory_space<vmem>>
        %dma_wait3A_79 = arith.constant 0 : i32
        %dma_wait3A_80 = tpu.memref_slice %arg7[%add3A_55, %dma_wait3A_79] : memref<10248x128xf32, #tpu.memory_space<vmem_shared>> -> memref<128x128xf32, #tpu.memory_space<vmem_shared>>
        %dma_wait3A_81 = arith.constant 0 : i32
        %dma_wait3A_82 = tpu.memref_slice %arg7[%add3A_55, %dma_wait3A_81] : memref<10248x128xf32, #tpu.memory_space<vmem_shared>> -> memref<128x128xf32, #tpu.memory_space<vmem_shared>>
        %dma_wait3A_83 = arith.constant 0 : i32
        %dma_wait3A_84 = arith.constant 0 : i32
        %dma_wait3A_85 = tpu.memref_slice %arg13[%dma_wait3A_83, %dma_wait3A_84] : memref<128x128xf32, #tpu.memory_space<vmem>> -> memref<128x128xf32, #tpu.memory_space<vmem>>
        tpu.wait_dma2 semaphore(%run_scoped3A : memref<!tpu.dma_semaphore, #tpu.memory_space<semaphore_mem>>) src(%dma_wait3A_85 : memref<128x128xf32, #tpu.memory_space<vmem>>) dst(%dma_wait3A_82 : memref<128x128xf32, #tpu.memory_space<vmem_shared>>)
        tpu.yield
      }) : () -> ()
      %add3A_56 = arith.constant 128 : i32
      %add3A_57 = arith.addi %mul3A_2, %add3A_56 : i32
      "tpu.region"() ({
        %run_scoped3A = tpu.sem_alloc : memref<!tpu.dma_semaphore, #tpu.memory_space<semaphore_mem>>
        %dma_start3A_66 = arith.constant 0 : i32
        %dma_start3A_67 = arith.constant 0 : i32
        %dma_start3A_68 = tpu.memref_slice %arg13[%dma_start3A_66, %dma_start3A_67] : memref<128x128xf32, #tpu.memory_space<vmem>> -> memref<128x128xf32, #tpu.memory_space<vmem>>
        %dma_start3A_69 = arith.constant 0 : i32
        %dma_start3A_70 = tpu.memref_slice %arg7[%add3A_57, %dma_start3A_69] : memref<10248x128xf32, #tpu.memory_space<vmem_shared>> -> memref<128x128xf32, #tpu.memory_space<vmem_shared>>
        %dma_start3A_71 = arith.constant 0 : i32
        %dma_start3A_72 = tpu.memref_slice %arg7[%add3A_57, %dma_start3A_71] : memref<10248x128xf32, #tpu.memory_space<vmem_shared>> -> memref<128x128xf32, #tpu.memory_space<vmem_shared>>
        %dma_start3A_73 = arith.constant 0 : i32
        %dma_start3A_74 = arith.constant 0 : i32
        %dma_start3A_75 = tpu.memref_slice %arg13[%dma_start3A_73, %dma_start3A_74] : memref<128x128xf32, #tpu.memory_space<vmem>> -> memref<128x128xf32, #tpu.memory_space<vmem>>
        tpu.enqueue_dma source(%dma_start3A_75 : memref<128x128xf32, #tpu.memory_space<vmem>>) target(%dma_start3A_72 : memref<128x128xf32, #tpu.memory_space<vmem_shared>>) target_semaphore(%run_scoped3A : memref<!tpu.dma_semaphore, #tpu.memory_space<semaphore_mem>>)
        %dma_wait3A_76 = arith.constant 0 : i32
        %dma_wait3A_77 = arith.constant 0 : i32
        %dma_wait3A_78 = tpu.memref_slice %arg13[%dma_wait3A_76, %dma_wait3A_77] : memref<128x128xf32, #tpu.memory_space<vmem>> -> memref<128x128xf32, #tpu.memory_space<vmem>>
        %dma_wait3A_79 = arith.constant 0 : i32
        %dma_wait3A_80 = tpu.memref_slice %arg7[%add3A_57, %dma_wait3A_79] : memref<10248x128xf32, #tpu.memory_space<vmem_shared>> -> memref<128x128xf32, #tpu.memory_space<vmem_shared>>
        %dma_wait3A_81 = arith.constant 0 : i32
        %dma_wait3A_82 = tpu.memref_slice %arg7[%add3A_57, %dma_wait3A_81] : memref<10248x128xf32, #tpu.memory_space<vmem_shared>> -> memref<128x128xf32, #tpu.memory_space<vmem_shared>>
        %dma_wait3A_83 = arith.constant 0 : i32
        %dma_wait3A_84 = arith.constant 0 : i32
        %dma_wait3A_85 = tpu.memref_slice %arg13[%dma_wait3A_83, %dma_wait3A_84] : memref<128x128xf32, #tpu.memory_space<vmem>> -> memref<128x128xf32, #tpu.memory_space<vmem>>
        tpu.wait_dma2 semaphore(%run_scoped3A : memref<!tpu.dma_semaphore, #tpu.memory_space<semaphore_mem>>) src(%dma_wait3A_85 : memref<128x128xf32, #tpu.memory_space<vmem>>) dst(%dma_wait3A_82 : memref<128x128xf32, #tpu.memory_space<vmem_shared>>)
        tpu.yield
      }) : () -> ()
      %add3A_58 = arith.constant 256 : i32
      %add3A_59 = arith.addi %mul3A_2, %add3A_58 : i32
      "tpu.region"() ({
        %run_scoped3A = tpu.sem_alloc : memref<!tpu.dma_semaphore, #tpu.memory_space<semaphore_mem>>
        %dma_start3A_66 = arith.constant 0 : i32
        %dma_start3A_67 = arith.constant 0 : i32
        %dma_start3A_68 = tpu.memref_slice %arg13[%dma_start3A_66, %dma_start3A_67] : memref<128x128xf32, #tpu.memory_space<vmem>> -> memref<128x128xf32, #tpu.memory_space<vmem>>
        %dma_start3A_69 = arith.constant 0 : i32
        %dma_start3A_70 = tpu.memref_slice %arg7[%add3A_59, %dma_start3A_69] : memref<10248x128xf32, #tpu.memory_space<vmem_shared>> -> memref<128x128xf32, #tpu.memory_space<vmem_shared>>
        %dma_start3A_71 = arith.constant 0 : i32
        %dma_start3A_72 = tpu.memref_slice %arg7[%add3A_59, %dma_start3A_71] : memref<10248x128xf32, #tpu.memory_space<vmem_shared>> -> memref<128x128xf32, #tpu.memory_space<vmem_shared>>
        %dma_start3A_73 = arith.constant 0 : i32
        %dma_start3A_74 = arith.constant 0 : i32
        %dma_start3A_75 = tpu.memref_slice %arg13[%dma_start3A_73, %dma_start3A_74] : memref<128x128xf32, #tpu.memory_space<vmem>> -> memref<128x128xf32, #tpu.memory_space<vmem>>
        tpu.enqueue_dma source(%dma_start3A_75 : memref<128x128xf32, #tpu.memory_space<vmem>>) target(%dma_start3A_72 : memref<128x128xf32, #tpu.memory_space<vmem_shared>>) target_semaphore(%run_scoped3A : memref<!tpu.dma_semaphore, #tpu.memory_space<semaphore_mem>>)
        %dma_wait3A_76 = arith.constant 0 : i32
        %dma_wait3A_77 = arith.constant 0 : i32
        %dma_wait3A_78 = tpu.memref_slice %arg13[%dma_wait3A_76, %dma_wait3A_77] : memref<128x128xf32, #tpu.memory_space<vmem>> -> memref<128x128xf32, #tpu.memory_space<vmem>>
        %dma_wait3A_79 = arith.constant 0 : i32
        %dma_wait3A_80 = tpu.memref_slice %arg7[%add3A_59, %dma_wait3A_79] : memref<10248x128xf32, #tpu.memory_space<vmem_shared>> -> memref<128x128xf32, #tpu.memory_space<vmem_shared>>
        %dma_wait3A_81 = arith.constant 0 : i32
        %dma_wait3A_82 = tpu.memref_slice %arg7[%add3A_59, %dma_wait3A_81] : memref<10248x128xf32, #tpu.memory_space<vmem_shared>> -> memref<128x128xf32, #tpu.memory_space<vmem_shared>>
        %dma_wait3A_83 = arith.constant 0 : i32
        %dma_wait3A_84 = arith.constant 0 : i32
        %dma_wait3A_85 = tpu.memref_slice %arg13[%dma_wait3A_83, %dma_wait3A_84] : memref<128x128xf32, #tpu.memory_space<vmem>> -> memref<128x128xf32, #tpu.memory_space<vmem>>
        tpu.wait_dma2 semaphore(%run_scoped3A : memref<!tpu.dma_semaphore, #tpu.memory_space<semaphore_mem>>) src(%dma_wait3A_85 : memref<128x128xf32, #tpu.memory_space<vmem>>) dst(%dma_wait3A_82 : memref<128x128xf32, #tpu.memory_space<vmem_shared>>)
        tpu.yield
      }) : () -> ()
      %add3A_60 = arith.constant 384 : i32
      %add3A_61 = arith.addi %mul3A_2, %add3A_60 : i32
      "tpu.region"() ({
        %run_scoped3A = tpu.sem_alloc : memref<!tpu.dma_semaphore, #tpu.memory_space<semaphore_mem>>
        %dma_start3A_66 = arith.constant 0 : i32
        %dma_start3A_67 = arith.constant 0 : i32
        %dma_start3A_68 = tpu.memref_slice %arg13[%dma_start3A_66, %dma_start3A_67] : memref<128x128xf32, #tpu.memory_space<vmem>> -> memref<128x128xf32, #tpu.memory_space<vmem>>
        %dma_start3A_69 = arith.constant 0 : i32
        %dma_start3A_70 = tpu.memref_slice %arg7[%add3A_61, %dma_start3A_69] : memref<10248x128xf32, #tpu.memory_space<vmem_shared>> -> memref<128x128xf32, #tpu.memory_space<vmem_shared>>
        %dma_start3A_71 = arith.constant 0 : i32
        %dma_start3A_72 = tpu.memref_slice %arg7[%add3A_61, %dma_start3A_71] : memref<10248x128xf32, #tpu.memory_space<vmem_shared>> -> memref<128x128xf32, #tpu.memory_space<vmem_shared>>
        %dma_start3A_73 = arith.constant 0 : i32
        %dma_start3A_74 = arith.constant 0 : i32
        %dma_start3A_75 = tpu.memref_slice %arg13[%dma_start3A_73, %dma_start3A_74] : memref<128x128xf32, #tpu.memory_space<vmem>> -> memref<128x128xf32, #tpu.memory_space<vmem>>
        tpu.enqueue_dma source(%dma_start3A_75 : memref<128x128xf32, #tpu.memory_space<vmem>>) target(%dma_start3A_72 : memref<128x128xf32, #tpu.memory_space<vmem_shared>>) target_semaphore(%run_scoped3A : memref<!tpu.dma_semaphore, #tpu.memory_space<semaphore_mem>>)
        %dma_wait3A_76 = arith.constant 0 : i32
        %dma_wait3A_77 = arith.constant 0 : i32
        %dma_wait3A_78 = tpu.memref_slice %arg13[%dma_wait3A_76, %dma_wait3A_77] : memref<128x128xf32, #tpu.memory_space<vmem>> -> memref<128x128xf32, #tpu.memory_space<vmem>>
        %dma_wait3A_79 = arith.constant 0 : i32
        %dma_wait3A_80 = tpu.memref_slice %arg7[%add3A_61, %dma_wait3A_79] : memref<10248x128xf32, #tpu.memory_space<vmem_shared>> -> memref<128x128xf32, #tpu.memory_space<vmem_shared>>
        %dma_wait3A_81 = arith.constant 0 : i32
        %dma_wait3A_82 = tpu.memref_slice %arg7[%add3A_61, %dma_wait3A_81] : memref<10248x128xf32, #tpu.memory_space<vmem_shared>> -> memref<128x128xf32, #tpu.memory_space<vmem_shared>>
        %dma_wait3A_83 = arith.constant 0 : i32
        %dma_wait3A_84 = arith.constant 0 : i32
        %dma_wait3A_85 = tpu.memref_slice %arg13[%dma_wait3A_83, %dma_wait3A_84] : memref<128x128xf32, #tpu.memory_space<vmem>> -> memref<128x128xf32, #tpu.memory_space<vmem>>
        tpu.wait_dma2 semaphore(%run_scoped3A : memref<!tpu.dma_semaphore, #tpu.memory_space<semaphore_mem>>) src(%dma_wait3A_85 : memref<128x128xf32, #tpu.memory_space<vmem>>) dst(%dma_wait3A_82 : memref<128x128xf32, #tpu.memory_space<vmem_shared>>)
        tpu.yield
      }) : () -> ()
      %add3A_62 = arith.constant 512 : i32
      %add3A_63 = arith.addi %mul3A_2, %add3A_62 : i32
      "tpu.region"() ({
        %run_scoped3A = tpu.sem_alloc : memref<!tpu.dma_semaphore, #tpu.memory_space<semaphore_mem>>
        %dma_start3A_66 = arith.constant 0 : i32
        %dma_start3A_67 = arith.constant 0 : i32
        %dma_start3A_68 = tpu.memref_slice %arg13[%dma_start3A_66, %dma_start3A_67] : memref<128x128xf32, #tpu.memory_space<vmem>> -> memref<128x128xf32, #tpu.memory_space<vmem>>
        %dma_start3A_69 = arith.constant 0 : i32
        %dma_start3A_70 = tpu.memref_slice %arg7[%add3A_63, %dma_start3A_69] : memref<10248x128xf32, #tpu.memory_space<vmem_shared>> -> memref<128x128xf32, #tpu.memory_space<vmem_shared>>
        %dma_start3A_71 = arith.constant 0 : i32
        %dma_start3A_72 = tpu.memref_slice %arg7[%add3A_63, %dma_start3A_71] : memref<10248x128xf32, #tpu.memory_space<vmem_shared>> -> memref<128x128xf32, #tpu.memory_space<vmem_shared>>
        %dma_start3A_73 = arith.constant 0 : i32
        %dma_start3A_74 = arith.constant 0 : i32
        %dma_start3A_75 = tpu.memref_slice %arg13[%dma_start3A_73, %dma_start3A_74] : memref<128x128xf32, #tpu.memory_space<vmem>> -> memref<128x128xf32, #tpu.memory_space<vmem>>
        tpu.enqueue_dma source(%dma_start3A_75 : memref<128x128xf32, #tpu.memory_space<vmem>>) target(%dma_start3A_72 : memref<128x128xf32, #tpu.memory_space<vmem_shared>>) target_semaphore(%run_scoped3A : memref<!tpu.dma_semaphore, #tpu.memory_space<semaphore_mem>>)
        %dma_wait3A_76 = arith.constant 0 : i32
        %dma_wait3A_77 = arith.constant 0 : i32
        %dma_wait3A_78 = tpu.memref_slice %arg13[%dma_wait3A_76, %dma_wait3A_77] : memref<128x128xf32, #tpu.memory_space<vmem>> -> memref<128x128xf32, #tpu.memory_space<vmem>>
        %dma_wait3A_79 = arith.constant 0 : i32
        %dma_wait3A_80 = tpu.memref_slice %arg7[%add3A_63, %dma_wait3A_79] : memref<10248x128xf32, #tpu.memory_space<vmem_shared>> -> memref<128x128xf32, #tpu.memory_space<vmem_shared>>
        %dma_wait3A_81 = arith.constant 0 : i32
        %dma_wait3A_82 = tpu.memref_slice %arg7[%add3A_63, %dma_wait3A_81] : memref<10248x128xf32, #tpu.memory_space<vmem_shared>> -> memref<128x128xf32, #tpu.memory_space<vmem_shared>>
        %dma_wait3A_83 = arith.constant 0 : i32
        %dma_wait3A_84 = arith.constant 0 : i32
        %dma_wait3A_85 = tpu.memref_slice %arg13[%dma_wait3A_83, %dma_wait3A_84] : memref<128x128xf32, #tpu.memory_space<vmem>> -> memref<128x128xf32, #tpu.memory_space<vmem>>
        tpu.wait_dma2 semaphore(%run_scoped3A : memref<!tpu.dma_semaphore, #tpu.memory_space<semaphore_mem>>) src(%dma_wait3A_85 : memref<128x128xf32, #tpu.memory_space<vmem>>) dst(%dma_wait3A_82 : memref<128x128xf32, #tpu.memory_space<vmem_shared>>)
        tpu.yield
      }) : () -> ()
      %add3A_64 = arith.constant 640 : i32
      %add3A_65 = arith.addi %mul3A_2, %add3A_64 : i32
      "tpu.region"() ({
        %run_scoped3A = tpu.sem_alloc : memref<!tpu.dma_semaphore, #tpu.memory_space<semaphore_mem>>
        %dma_start3A_66 = arith.constant 0 : i32
        %dma_start3A_67 = arith.constant 0 : i32
        %dma_start3A_68 = tpu.memref_slice %arg13[%dma_start3A_66, %dma_start3A_67] : memref<128x128xf32, #tpu.memory_space<vmem>> -> memref<8x128xf32, #tpu.memory_space<vmem>>
        %dma_start3A_69 = arith.constant 0 : i32
        %dma_start3A_70 = tpu.memref_slice %arg7[%add3A_65, %dma_start3A_69] : memref<10248x128xf32, #tpu.memory_space<vmem_shared>> -> memref<8x128xf32, #tpu.memory_space<vmem_shared>>
        %dma_start3A_71 = arith.constant 0 : i32
        %dma_start3A_72 = tpu.memref_slice %arg7[%add3A_65, %dma_start3A_71] : memref<10248x128xf32, #tpu.memory_space<vmem_shared>> -> memref<8x128xf32, #tpu.memory_space<vmem_shared>>
        %dma_start3A_73 = arith.constant 0 : i32
        %dma_start3A_74 = arith.constant 0 : i32
        %dma_start3A_75 = tpu.memref_slice %arg13[%dma_start3A_73, %dma_start3A_74] : memref<128x128xf32, #tpu.memory_space<vmem>> -> memref<8x128xf32, #tpu.memory_space<vmem>>
        tpu.enqueue_dma source(%dma_start3A_75 : memref<8x128xf32, #tpu.memory_space<vmem>>) target(%dma_start3A_72 : memref<8x128xf32, #tpu.memory_space<vmem_shared>>) target_semaphore(%run_scoped3A : memref<!tpu.dma_semaphore, #tpu.memory_space<semaphore_mem>>)
        %dma_wait3A_76 = arith.constant 0 : i32
        %dma_wait3A_77 = arith.constant 0 : i32
        %dma_wait3A_78 = tpu.memref_slice %arg13[%dma_wait3A_76, %dma_wait3A_77] : memref<128x128xf32, #tpu.memory_space<vmem>> -> memref<8x128xf32, #tpu.memory_space<vmem>>
        %dma_wait3A_79 = arith.constant 0 : i32
        %dma_wait3A_80 = tpu.memref_slice %arg7[%add3A_65, %dma_wait3A_79] : memref<10248x128xf32, #tpu.memory_space<vmem_shared>> -> memref<8x128xf32, #tpu.memory_space<vmem_shared>>
        %dma_wait3A_81 = arith.constant 0 : i32
        %dma_wait3A_82 = tpu.memref_slice %arg7[%add3A_65, %dma_wait3A_81] : memref<10248x128xf32, #tpu.memory_space<vmem_shared>> -> memref<8x128xf32, #tpu.memory_space<vmem_shared>>
        %dma_wait3A_83 = arith.constant 0 : i32
        %dma_wait3A_84 = arith.constant 0 : i32
        %dma_wait3A_85 = tpu.memref_slice %arg13[%dma_wait3A_83, %dma_wait3A_84] : memref<128x128xf32, #tpu.memory_space<vmem>> -> memref<8x128xf32, #tpu.memory_space<vmem>>
        tpu.wait_dma2 semaphore(%run_scoped3A : memref<!tpu.dma_semaphore, #tpu.memory_space<semaphore_mem>>) src(%dma_wait3A_85 : memref<8x128xf32, #tpu.memory_space<vmem>>) dst(%dma_wait3A_82 : memref<8x128xf32, #tpu.memory_space<vmem_shared>>)
        tpu.yield
      }) : () -> ()
    } else {
    }
    %eq3A = arith.constant 15 : i32
    %eq3A_11 = arith.cmpi eq, %arg1, %eq3A : i32
    %convert_element_type3A_12 = arith.extui %eq3A_11 : i1 to i32
    %cond3A_13 = arith.constant 0 : i32
    %cond3A_14 = arith.cmpi ne, %convert_element_type3A_12, %cond3A_13 : i32
    scf.if %cond3A_14 {
      %add3A_54 = arith.constant 0 : i32
      %add3A_55 = arith.addi %mul3A_2, %add3A_54 : i32
      "tpu.region"() ({
        %run_scoped3A = tpu.sem_alloc : memref<!tpu.dma_semaphore, #tpu.memory_space<semaphore_mem>>
        %dma_start3A_64 = arith.constant 0 : i32
        %dma_start3A_65 = arith.constant 0 : i32
        %dma_start3A_66 = tpu.memref_slice %arg13[%dma_start3A_64, %dma_start3A_65] : memref<128x128xf32, #tpu.memory_space<vmem>> -> memref<128x128xf32, #tpu.memory_space<vmem>>
        %dma_start3A_67 = arith.constant 0 : i32
        %dma_start3A_68 = tpu.memref_slice %arg7[%add3A_55, %dma_start3A_67] : memref<10248x128xf32, #tpu.memory_space<vmem_shared>> -> memref<128x128xf32, #tpu.memory_space<vmem_shared>>
        %dma_start3A_69 = arith.constant 0 : i32
        %dma_start3A_70 = tpu.memref_slice %arg7[%add3A_55, %dma_start3A_69] : memref<10248x128xf32, #tpu.memory_space<vmem_shared>> -> memref<128x128xf32, #tpu.memory_space<vmem_shared>>
        %dma_start3A_71 = arith.constant 0 : i32
        %dma_start3A_72 = arith.constant 0 : i32
        %dma_start3A_73 = tpu.memref_slice %arg13[%dma_start3A_71, %dma_start3A_72] : memref<128x128xf32, #tpu.memory_space<vmem>> -> memref<128x128xf32, #tpu.memory_space<vmem>>
        tpu.enqueue_dma source(%dma_start3A_73 : memref<128x128xf32, #tpu.memory_space<vmem>>) target(%dma_start3A_70 : memref<128x128xf32, #tpu.memory_space<vmem_shared>>) target_semaphore(%run_scoped3A : memref<!tpu.dma_semaphore, #tpu.memory_space<semaphore_mem>>)
        %dma_wait3A_74 = arith.constant 0 : i32
        %dma_wait3A_75 = arith.constant 0 : i32
        %dma_wait3A_76 = tpu.memref_slice %arg13[%dma_wait3A_74, %dma_wait3A_75] : memref<128x128xf32, #tpu.memory_space<vmem>> -> memref<128x128xf32, #tpu.memory_space<vmem>>
        %dma_wait3A_77 = arith.constant 0 : i32
        %dma_wait3A_78 = tpu.memref_slice %arg7[%add3A_55, %dma_wait3A_77] : memref<10248x128xf32, #tpu.memory_space<vmem_shared>> -> memref<128x128xf32, #tpu.memory_space<vmem_shared>>
        %dma_wait3A_79 = arith.constant 0 : i32
        %dma_wait3A_80 = tpu.memref_slice %arg7[%add3A_55, %dma_wait3A_79] : memref<10248x128xf32, #tpu.memory_space<vmem_shared>> -> memref<128x128xf32, #tpu.memory_space<vmem_shared>>
        %dma_wait3A_81 = arith.constant 0 : i32
        %dma_wait3A_82 = arith.constant 0 : i32
        %dma_wait3A_83 = tpu.memref_slice %arg13[%dma_wait3A_81, %dma_wait3A_82] : memref<128x128xf32, #tpu.memory_space<vmem>> -> memref<128x128xf32, #tpu.memory_space<vmem>>
        tpu.wait_dma2 semaphore(%run_scoped3A : memref<!tpu.dma_semaphore, #tpu.memory_space<semaphore_mem>>) src(%dma_wait3A_83 : memref<128x128xf32, #tpu.memory_space<vmem>>) dst(%dma_wait3A_80 : memref<128x128xf32, #tpu.memory_space<vmem_shared>>)
        tpu.yield
      }) : () -> ()
      %add3A_56 = arith.constant 128 : i32
      %add3A_57 = arith.addi %mul3A_2, %add3A_56 : i32
      "tpu.region"() ({
        %run_scoped3A = tpu.sem_alloc : memref<!tpu.dma_semaphore, #tpu.memory_space<semaphore_mem>>
        %dma_start3A_64 = arith.constant 0 : i32
        %dma_start3A_65 = arith.constant 0 : i32
        %dma_start3A_66 = tpu.memref_slice %arg13[%dma_start3A_64, %dma_start3A_65] : memref<128x128xf32, #tpu.memory_space<vmem>> -> memref<128x128xf32, #tpu.memory_space<vmem>>
        %dma_start3A_67 = arith.constant 0 : i32
        %dma_start3A_68 = tpu.memref_slice %arg7[%add3A_57, %dma_start3A_67] : memref<10248x128xf32, #tpu.memory_space<vmem_shared>> -> memref<128x128xf32, #tpu.memory_space<vmem_shared>>
        %dma_start3A_69 = arith.constant 0 : i32
        %dma_start3A_70 = tpu.memref_slice %arg7[%add3A_57, %dma_start3A_69] : memref<10248x128xf32, #tpu.memory_space<vmem_shared>> -> memref<128x128xf32, #tpu.memory_space<vmem_shared>>
        %dma_start3A_71 = arith.constant 0 : i32
        %dma_start3A_72 = arith.constant 0 : i32
        %dma_start3A_73 = tpu.memref_slice %arg13[%dma_start3A_71, %dma_start3A_72] : memref<128x128xf32, #tpu.memory_space<vmem>> -> memref<128x128xf32, #tpu.memory_space<vmem>>
        tpu.enqueue_dma source(%dma_start3A_73 : memref<128x128xf32, #tpu.memory_space<vmem>>) target(%dma_start3A_70 : memref<128x128xf32, #tpu.memory_space<vmem_shared>>) target_semaphore(%run_scoped3A : memref<!tpu.dma_semaphore, #tpu.memory_space<semaphore_mem>>)
        %dma_wait3A_74 = arith.constant 0 : i32
        %dma_wait3A_75 = arith.constant 0 : i32
        %dma_wait3A_76 = tpu.memref_slice %arg13[%dma_wait3A_74, %dma_wait3A_75] : memref<128x128xf32, #tpu.memory_space<vmem>> -> memref<128x128xf32, #tpu.memory_space<vmem>>
        %dma_wait3A_77 = arith.constant 0 : i32
        %dma_wait3A_78 = tpu.memref_slice %arg7[%add3A_57, %dma_wait3A_77] : memref<10248x128xf32, #tpu.memory_space<vmem_shared>> -> memref<128x128xf32, #tpu.memory_space<vmem_shared>>
        %dma_wait3A_79 = arith.constant 0 : i32
        %dma_wait3A_80 = tpu.memref_slice %arg7[%add3A_57, %dma_wait3A_79] : memref<10248x128xf32, #tpu.memory_space<vmem_shared>> -> memref<128x128xf32, #tpu.memory_space<vmem_shared>>
        %dma_wait3A_81 = arith.constant 0 : i32
        %dma_wait3A_82 = arith.constant 0 : i32
        %dma_wait3A_83 = tpu.memref_slice %arg13[%dma_wait3A_81, %dma_wait3A_82] : memref<128x128xf32, #tpu.memory_space<vmem>> -> memref<128x128xf32, #tpu.memory_space<vmem>>
        tpu.wait_dma2 semaphore(%run_scoped3A : memref<!tpu.dma_semaphore, #tpu.memory_space<semaphore_mem>>) src(%dma_wait3A_83 : memref<128x128xf32, #tpu.memory_space<vmem>>) dst(%dma_wait3A_80 : memref<128x128xf32, #tpu.memory_space<vmem_shared>>)
        tpu.yield
      }) : () -> ()
      %add3A_58 = arith.constant 256 : i32
      %add3A_59 = arith.addi %mul3A_2, %add3A_58 : i32
      "tpu.region"() ({
        %run_scoped3A = tpu.sem_alloc : memref<!tpu.dma_semaphore, #tpu.memory_space<semaphore_mem>>
        %dma_start3A_64 = arith.constant 0 : i32
        %dma_start3A_65 = arith.constant 0 : i32
        %dma_start3A_66 = tpu.memref_slice %arg13[%dma_start3A_64, %dma_start3A_65] : memref<128x128xf32, #tpu.memory_space<vmem>> -> memref<128x128xf32, #tpu.memory_space<vmem>>
        %dma_start3A_67 = arith.constant 0 : i32
        %dma_start3A_68 = tpu.memref_slice %arg7[%add3A_59, %dma_start3A_67] : memref<10248x128xf32, #tpu.memory_space<vmem_shared>> -> memref<128x128xf32, #tpu.memory_space<vmem_shared>>
        %dma_start3A_69 = arith.constant 0 : i32
        %dma_start3A_70 = tpu.memref_slice %arg7[%add3A_59, %dma_start3A_69] : memref<10248x128xf32, #tpu.memory_space<vmem_shared>> -> memref<128x128xf32, #tpu.memory_space<vmem_shared>>
        %dma_start3A_71 = arith.constant 0 : i32
        %dma_start3A_72 = arith.constant 0 : i32
        %dma_start3A_73 = tpu.memref_slice %arg13[%dma_start3A_71, %dma_start3A_72] : memref<128x128xf32, #tpu.memory_space<vmem>> -> memref<128x128xf32, #tpu.memory_space<vmem>>
        tpu.enqueue_dma source(%dma_start3A_73 : memref<128x128xf32, #tpu.memory_space<vmem>>) target(%dma_start3A_70 : memref<128x128xf32, #tpu.memory_space<vmem_shared>>) target_semaphore(%run_scoped3A : memref<!tpu.dma_semaphore, #tpu.memory_space<semaphore_mem>>)
        %dma_wait3A_74 = arith.constant 0 : i32
        %dma_wait3A_75 = arith.constant 0 : i32
        %dma_wait3A_76 = tpu.memref_slice %arg13[%dma_wait3A_74, %dma_wait3A_75] : memref<128x128xf32, #tpu.memory_space<vmem>> -> memref<128x128xf32, #tpu.memory_space<vmem>>
        %dma_wait3A_77 = arith.constant 0 : i32
        %dma_wait3A_78 = tpu.memref_slice %arg7[%add3A_59, %dma_wait3A_77] : memref<10248x128xf32, #tpu.memory_space<vmem_shared>> -> memref<128x128xf32, #tpu.memory_space<vmem_shared>>
        %dma_wait3A_79 = arith.constant 0 : i32
        %dma_wait3A_80 = tpu.memref_slice %arg7[%add3A_59, %dma_wait3A_79] : memref<10248x128xf32, #tpu.memory_space<vmem_shared>> -> memref<128x128xf32, #tpu.memory_space<vmem_shared>>
        %dma_wait3A_81 = arith.constant 0 : i32
        %dma_wait3A_82 = arith.constant 0 : i32
        %dma_wait3A_83 = tpu.memref_slice %arg13[%dma_wait3A_81, %dma_wait3A_82] : memref<128x128xf32, #tpu.memory_space<vmem>> -> memref<128x128xf32, #tpu.memory_space<vmem>>
        tpu.wait_dma2 semaphore(%run_scoped3A : memref<!tpu.dma_semaphore, #tpu.memory_space<semaphore_mem>>) src(%dma_wait3A_83 : memref<128x128xf32, #tpu.memory_space<vmem>>) dst(%dma_wait3A_80 : memref<128x128xf32, #tpu.memory_space<vmem_shared>>)
        tpu.yield
      }) : () -> ()
      %add3A_60 = arith.constant 384 : i32
      %add3A_61 = arith.addi %mul3A_2, %add3A_60 : i32
      "tpu.region"() ({
        %run_scoped3A = tpu.sem_alloc : memref<!tpu.dma_semaphore, #tpu.memory_space<semaphore_mem>>
        %dma_start3A_64 = arith.constant 0 : i32
        %dma_start3A_65 = arith.constant 0 : i32
        %dma_start3A_66 = tpu.memref_slice %arg13[%dma_start3A_64, %dma_start3A_65] : memref<128x128xf32, #tpu.memory_space<vmem>> -> memref<128x128xf32, #tpu.memory_space<vmem>>
        %dma_start3A_67 = arith.constant 0 : i32
        %dma_start3A_68 = tpu.memref_slice %arg7[%add3A_61, %dma_start3A_67] : memref<10248x128xf32, #tpu.memory_space<vmem_shared>> -> memref<128x128xf32, #tpu.memory_space<vmem_shared>>
        %dma_start3A_69 = arith.constant 0 : i32
        %dma_start3A_70 = tpu.memref_slice %arg7[%add3A_61, %dma_start3A_69] : memref<10248x128xf32, #tpu.memory_space<vmem_shared>> -> memref<128x128xf32, #tpu.memory_space<vmem_shared>>
        %dma_start3A_71 = arith.constant 0 : i32
        %dma_start3A_72 = arith.constant 0 : i32
        %dma_start3A_73 = tpu.memref_slice %arg13[%dma_start3A_71, %dma_start3A_72] : memref<128x128xf32, #tpu.memory_space<vmem>> -> memref<128x128xf32, #tpu.memory_space<vmem>>
        tpu.enqueue_dma source(%dma_start3A_73 : memref<128x128xf32, #tpu.memory_space<vmem>>) target(%dma_start3A_70 : memref<128x128xf32, #tpu.memory_space<vmem_shared>>) target_semaphore(%run_scoped3A : memref<!tpu.dma_semaphore, #tpu.memory_space<semaphore_mem>>)
        %dma_wait3A_74 = arith.constant 0 : i32
        %dma_wait3A_75 = arith.constant 0 : i32
        %dma_wait3A_76 = tpu.memref_slice %arg13[%dma_wait3A_74, %dma_wait3A_75] : memref<128x128xf32, #tpu.memory_space<vmem>> -> memref<128x128xf32, #tpu.memory_space<vmem>>
        %dma_wait3A_77 = arith.constant 0 : i32
        %dma_wait3A_78 = tpu.memref_slice %arg7[%add3A_61, %dma_wait3A_77] : memref<10248x128xf32, #tpu.memory_space<vmem_shared>> -> memref<128x128xf32, #tpu.memory_space<vmem_shared>>
        %dma_wait3A_79 = arith.constant 0 : i32
        %dma_wait3A_80 = tpu.memref_slice %arg7[%add3A_61, %dma_wait3A_79] : memref<10248x128xf32, #tpu.memory_space<vmem_shared>> -> memref<128x128xf32, #tpu.memory_space<vmem_shared>>
        %dma_wait3A_81 = arith.constant 0 : i32
        %dma_wait3A_82 = arith.constant 0 : i32
        %dma_wait3A_83 = tpu.memref_slice %arg13[%dma_wait3A_81, %dma_wait3A_82] : memref<128x128xf32, #tpu.memory_space<vmem>> -> memref<128x128xf32, #tpu.memory_space<vmem>>
        tpu.wait_dma2 semaphore(%run_scoped3A : memref<!tpu.dma_semaphore, #tpu.memory_space<semaphore_mem>>) src(%dma_wait3A_83 : memref<128x128xf32, #tpu.memory_space<vmem>>) dst(%dma_wait3A_80 : memref<128x128xf32, #tpu.memory_space<vmem_shared>>)
        tpu.yield
      }) : () -> ()
      %add3A_62 = arith.constant 512 : i32
      %add3A_63 = arith.addi %mul3A_2, %add3A_62 : i32
      "tpu.region"() ({
        %run_scoped3A = tpu.sem_alloc : memref<!tpu.dma_semaphore, #tpu.memory_space<semaphore_mem>>
        %dma_start3A_64 = arith.constant 0 : i32
        %dma_start3A_65 = arith.constant 0 : i32
        %dma_start3A_66 = tpu.memref_slice %arg13[%dma_start3A_64, %dma_start3A_65] : memref<128x128xf32, #tpu.memory_space<vmem>> -> memref<16x128xf32, #tpu.memory_space<vmem>>
        %dma_start3A_67 = arith.constant 0 : i32
        %dma_start3A_68 = tpu.memref_slice %arg7[%add3A_63, %dma_start3A_67] : memref<10248x128xf32, #tpu.memory_space<vmem_shared>> -> memref<16x128xf32, #tpu.memory_space<vmem_shared>>
        %dma_start3A_69 = arith.constant 0 : i32
        %dma_start3A_70 = tpu.memref_slice %arg7[%add3A_63, %dma_start3A_69] : memref<10248x128xf32, #tpu.memory_space<vmem_shared>> -> memref<16x128xf32, #tpu.memory_space<vmem_shared>>
        %dma_start3A_71 = arith.constant 0 : i32
        %dma_start3A_72 = arith.constant 0 : i32
        %dma_start3A_73 = tpu.memref_slice %arg13[%dma_start3A_71, %dma_start3A_72] : memref<128x128xf32, #tpu.memory_space<vmem>> -> memref<16x128xf32, #tpu.memory_space<vmem>>
        tpu.enqueue_dma source(%dma_start3A_73 : memref<16x128xf32, #tpu.memory_space<vmem>>) target(%dma_start3A_70 : memref<16x128xf32, #tpu.memory_space<vmem_shared>>) target_semaphore(%run_scoped3A : memref<!tpu.dma_semaphore, #tpu.memory_space<semaphore_mem>>)
        %dma_wait3A_74 = arith.constant 0 : i32
        %dma_wait3A_75 = arith.constant 0 : i32
        %dma_wait3A_76 = tpu.memref_slice %arg13[%dma_wait3A_74, %dma_wait3A_75] : memref<128x128xf32, #tpu.memory_space<vmem>> -> memref<16x128xf32, #tpu.memory_space<vmem>>
        %dma_wait3A_77 = arith.constant 0 : i32
        %dma_wait3A_78 = tpu.memref_slice %arg7[%add3A_63, %dma_wait3A_77] : memref<10248x128xf32, #tpu.memory_space<vmem_shared>> -> memref<16x128xf32, #tpu.memory_space<vmem_shared>>
        %dma_wait3A_79 = arith.constant 0 : i32
        %dma_wait3A_80 = tpu.memref_slice %arg7[%add3A_63, %dma_wait3A_79] : memref<10248x128xf32, #tpu.memory_space<vmem_shared>> -> memref<16x128xf32, #tpu.memory_space<vmem_shared>>
        %dma_wait3A_81 = arith.constant 0 : i32
        %dma_wait3A_82 = arith.constant 0 : i32
        %dma_wait3A_83 = tpu.memref_slice %arg13[%dma_wait3A_81, %dma_wait3A_82] : memref<128x128xf32, #tpu.memory_space<vmem>> -> memref<16x128xf32, #tpu.memory_space<vmem>>
        tpu.wait_dma2 semaphore(%run_scoped3A : memref<!tpu.dma_semaphore, #tpu.memory_space<semaphore_mem>>) src(%dma_wait3A_83 : memref<16x128xf32, #tpu.memory_space<vmem>>) dst(%dma_wait3A_80 : memref<16x128xf32, #tpu.memory_space<vmem_shared>>)
        tpu.yield
      }) : () -> ()
    } else {
    }
    %barrier3A = arith.constant 0 : index
    tpu.barrier barrier_id(%barrier3A)
    %add3A_15 = arith.constant 0 : i32
    %add3A_16 = arith.addi %mul3A_6, %add3A_15 : i32
    %dma_start3A = tpu.memref_slice %arg4[%add3A_16] : memref<327680xi32, #tpu.memory_space<hbm>> -> memref<128xi32, #tpu.memory_space<hbm>>
    %dma_start3A_17 = tpu.memref_slice %arg4[%add3A_16] : memref<327680xi32, #tpu.memory_space<hbm>> -> memref<128xi32, #tpu.memory_space<hbm>>
    tpu.enqueue_dma source(%dma_start3A_17 : memref<128xi32, #tpu.memory_space<hbm>>) target(%arg9 : memref<128xi32, #tpu.memory_space<vmem>>) target_semaphore(%arg17 : memref<!tpu.dma_semaphore, #tpu.memory_space<semaphore_mem>>)
    %add3A_18 = arith.constant 128 : i32
    %add3A_19 = arith.addi %mul3A_6, %add3A_18 : i32
    %dma_start3A_20 = tpu.memref_slice %arg4[%add3A_19] : memref<327680xi32, #tpu.memory_space<hbm>> -> memref<128xi32, #tpu.memory_space<hbm>>
    %dma_start3A_21 = tpu.memref_slice %arg4[%add3A_19] : memref<327680xi32, #tpu.memory_space<hbm>> -> memref<128xi32, #tpu.memory_space<hbm>>
    tpu.enqueue_dma source(%dma_start3A_21 : memref<128xi32, #tpu.memory_space<hbm>>) target(%arg10 : memref<128xi32, #tpu.memory_space<vmem>>) target_semaphore(%arg18 : memref<!tpu.dma_semaphore, #tpu.memory_space<semaphore_mem>>)
    %add3A_22 = arith.constant 256 : i32
    %add3A_23 = arith.addi %mul3A_6, %add3A_22 : i32
    %dma_start3A_24 = tpu.memref_slice %arg4[%add3A_23] : memref<327680xi32, #tpu.memory_space<hbm>> -> memref<128xi32, #tpu.memory_space<hbm>>
    %dma_start3A_25 = tpu.memref_slice %arg4[%add3A_23] : memref<327680xi32, #tpu.memory_space<hbm>> -> memref<128xi32, #tpu.memory_space<hbm>>
    tpu.enqueue_dma source(%dma_start3A_25 : memref<128xi32, #tpu.memory_space<hbm>>) target(%arg11 : memref<128xi32, #tpu.memory_space<vmem>>) target_semaphore(%arg19 : memref<!tpu.dma_semaphore, #tpu.memory_space<semaphore_mem>>)
    %dma_start3A_26 = arith.constant 0 : i32
    %dma_start3A_27 = arith.constant 0 : i32
    %dma_start3A_28 = tpu.memref_slice %arg8[%dma_start3A_26, %dma_start3A_27] : memref<80x128xi32, #tpu.memory_space<vmem>> -> memref<1x128xi32, #tpu.memory_space<vmem>>
    %dma_start3A_29 = tpu.memref_squeeze %dma_start3A_28 : memref<1x128xi32, #tpu.memory_space<vmem>> -> memref<128xi32, #tpu.memory_space<vmem>>
    %dma_start3A_30 = arith.constant 0 : i32
    %dma_start3A_31 = arith.constant 0 : i32
    %dma_start3A_32 = tpu.memref_slice %arg2[%dma_start3A_30, %dma_start3A_31] : memref<10000x128xf32, #tpu.memory_space<hbm>> -> memref<10000x128xf32, #tpu.memory_space<hbm>>
    tpu.enqueue_indirect_dma source(%dma_start3A_32 : memref<10000x128xf32, #tpu.memory_space<hbm>>) target(%arg13 : memref<128x128xf32, #tpu.memory_space<vmem>>) offsets(%dma_start3A_29 : memref<128xi32, #tpu.memory_space<vmem>>) semaphore(%arg15 : memref<!tpu.dma_semaphore, #tpu.memory_space<semaphore_mem>>)
    %scan3A = arith.constant 0 : i32
    %scan3A_33 = arith.constant 0 : i32
    %scan3A_34 = arith.constant 20 : i32
    %scan3A_35 = arith.addi %scan3A_33, %scan3A_34 : i32
    %scan3A_36 = arith.constant 1 : i32
    scf.for %scan3A_54 = %scan3A_33 to %scan3A_35 step %scan3A_36  : i32 {
      %mul3A_55 = arith.constant 4 : i32
      %mul3A_56 = arith.muli %mul3A_55, %scan3A_54 : i32
      %add3A_57 = arith.constant 0 : i32
      %add3A_58 = arith.addi %mul3A_56, %add3A_57 : i32
      %dma_wait3A_59 = arith.constant 0 : i32
      %dma_wait3A_60 = arith.constant 0 : i32
      %dma_wait3A_61 = tpu.memref_slice %arg2[%dma_wait3A_59, %dma_wait3A_60] : memref<10000x128xf32, #tpu.memory_space<hbm>> -> memref<128x128xf32, #tpu.memory_space<hbm>>
      %dma_wait3A_62 = arith.constant 0 : i32
      %dma_wait3A_63 = arith.constant 0 : i32
      %dma_wait3A_64 = tpu.memref_slice %arg2[%dma_wait3A_62, %dma_wait3A_63] : memref<10000x128xf32, #tpu.memory_space<hbm>> -> memref<128x128xf32, #tpu.memory_space<hbm>>
      tpu.wait_dma2 semaphore(%arg15 : memref<!tpu.dma_semaphore, #tpu.memory_space<semaphore_mem>>) src(%dma_wait3A_64 : memref<128x128xf32, #tpu.memory_space<hbm>>) dst(%arg13 : memref<128x128xf32, #tpu.memory_space<vmem>>)
      %dma_wait3A_65 = arith.constant 0 : i32
      %dma_wait3A_66 = tpu.memref_slice %arg4[%dma_wait3A_65] : memref<327680xi32, #tpu.memory_space<hbm>> -> memref<128xi32, #tpu.memory_space<hbm>>
      %dma_wait3A_67 = arith.constant 0 : i32
      %dma_wait3A_68 = tpu.memref_slice %arg4[%dma_wait3A_67] : memref<327680xi32, #tpu.memory_space<hbm>> -> memref<128xi32, #tpu.memory_space<hbm>>
      tpu.wait_dma2 semaphore(%arg17 : memref<!tpu.dma_semaphore, #tpu.memory_space<semaphore_mem>>) src(%dma_wait3A_68 : memref<128xi32, #tpu.memory_space<hbm>>) dst(%arg9 : memref<128xi32, #tpu.memory_space<vmem>>)
      %dma_start3A_69 = arith.constant 0 : i32
      %dma_start3A_70 = arith.constant 0 : i32
      %dma_start3A_71 = tpu.memref_slice %arg7[%dma_start3A_69, %dma_start3A_70] : memref<10248x128xf32, #tpu.memory_space<vmem_shared>> -> memref<10248x128xf32, #tpu.memory_space<vmem_shared>>
      tpu.enqueue_indirect_dma source(%arg13 : memref<128x128xf32, #tpu.memory_space<vmem>>) target(%dma_start3A_71 : memref<10248x128xf32, #tpu.memory_space<vmem_shared>>) offsets(%arg9 : memref<128xi32, #tpu.memory_space<vmem>>) semaphore(%arg21 : memref<!tpu.dma_semaphore, #tpu.memory_space<semaphore_mem>>) {add = true}
      %gt3A = arith.constant 0 : i32
      %gt3A_72 = arith.cmpi sgt, %scan3A_54, %gt3A : i32
      %convert_element_type3A_73 = arith.extui %gt3A_72 : i1 to i32
      %cond3A_74 = arith.constant 0 : i32
      %cond3A_75 = arith.cmpi ne, %convert_element_type3A_73, %cond3A_74 : i32
      scf.if %cond3A_75 {
        %dma_wait3A_186 = arith.constant 0 : i32
        %dma_wait3A_187 = arith.constant 0 : i32
        %dma_wait3A_188 = tpu.memref_slice %arg7[%dma_wait3A_186, %dma_wait3A_187] : memref<10248x128xf32, #tpu.memory_space<vmem_shared>> -> memref<10248x128xf32, #tpu.memory_space<vmem_shared>>
        tpu.wait_indirect_dma semaphore(%arg22 : memref<!tpu.dma_semaphore, #tpu.memory_space<semaphore_mem>>) src(%arg14 : memref<128x128xf32, #tpu.memory_space<vmem>>) dst(%dma_wait3A_188 : memref<10248x128xf32, #tpu.memory_space<vmem_shared>>)
      } else {
      }
      %add3A_76 = arith.constant 1 : i32
      %add3A_77 = arith.addi %add3A_58, %add3A_76 : i32
      %dma_start3A_78 = arith.constant 0 : i32
      %dma_start3A_79 = tpu.memref_slice %arg8[%add3A_77, %dma_start3A_78] : memref<80x128xi32, #tpu.memory_space<vmem>> -> memref<1x128xi32, #tpu.memory_space<vmem>>
      %dma_start3A_80 = tpu.memref_squeeze %dma_start3A_79 : memref<1x128xi32, #tpu.memory_space<vmem>> -> memref<128xi32, #tpu.memory_space<vmem>>
      %dma_start3A_81 = arith.constant 0 : i32
      %dma_start3A_82 = arith.constant 0 : i32
      %dma_start3A_83 = tpu.memref_slice %arg2[%dma_start3A_81, %dma_start3A_82] : memref<10000x128xf32, #tpu.memory_space<hbm>> -> memref<10000x128xf32, #tpu.memory_space<hbm>>
      tpu.enqueue_indirect_dma source(%dma_start3A_83 : memref<10000x128xf32, #tpu.memory_space<hbm>>) target(%arg14 : memref<128x128xf32, #tpu.memory_space<vmem>>) offsets(%dma_start3A_80 : memref<128xi32, #tpu.memory_space<vmem>>) semaphore(%arg16 : memref<!tpu.dma_semaphore, #tpu.memory_space<semaphore_mem>>)
      %add3A_84 = arith.constant 3 : i32
      %add3A_85 = arith.addi %add3A_58, %add3A_84 : i32
      %mul3A_86 = arith.constant 128 : i32
      %mul3A_87 = arith.muli %add3A_85, %mul3A_86 : i32
      %add3A_88 = arith.addi %mul3A_6, %mul3A_87 : i32
      %dma_start3A_89 = tpu.memref_slice %arg4[%add3A_88] : memref<327680xi32, #tpu.memory_space<hbm>> -> memref<128xi32, #tpu.memory_space<hbm>>
      %dma_start3A_90 = tpu.memref_slice %arg4[%add3A_88] : memref<327680xi32, #tpu.memory_space<hbm>> -> memref<128xi32, #tpu.memory_space<hbm>>
      tpu.enqueue_dma source(%dma_start3A_90 : memref<128xi32, #tpu.memory_space<hbm>>) target(%arg12 : memref<128xi32, #tpu.memory_space<vmem>>) target_semaphore(%arg20 : memref<!tpu.dma_semaphore, #tpu.memory_space<semaphore_mem>>)
      %mul3A_91 = arith.constant 4 : i32
      %mul3A_92 = arith.muli %mul3A_91, %scan3A_54 : i32
      %add3A_93 = arith.constant 1 : i32
      %add3A_94 = arith.addi %mul3A_92, %add3A_93 : i32
      %dma_wait3A_95 = arith.constant 0 : i32
      %dma_wait3A_96 = arith.constant 0 : i32
      %dma_wait3A_97 = tpu.memref_slice %arg2[%dma_wait3A_95, %dma_wait3A_96] : memref<10000x128xf32, #tpu.memory_space<hbm>> -> memref<128x128xf32, #tpu.memory_space<hbm>>
      %dma_wait3A_98 = arith.constant 0 : i32
      %dma_wait3A_99 = arith.constant 0 : i32
      %dma_wait3A_100 = tpu.memref_slice %arg2[%dma_wait3A_98, %dma_wait3A_99] : memref<10000x128xf32, #tpu.memory_space<hbm>> -> memref<128x128xf32, #tpu.memory_space<hbm>>
      tpu.wait_dma2 semaphore(%arg16 : memref<!tpu.dma_semaphore, #tpu.memory_space<semaphore_mem>>) src(%dma_wait3A_100 : memref<128x128xf32, #tpu.memory_space<hbm>>) dst(%arg14 : memref<128x128xf32, #tpu.memory_space<vmem>>)
      %dma_wait3A_101 = arith.constant 0 : i32
      %dma_wait3A_102 = tpu.memref_slice %arg4[%dma_wait3A_101] : memref<327680xi32, #tpu.memory_space<hbm>> -> memref<128xi32, #tpu.memory_space<hbm>>
      %dma_wait3A_103 = arith.constant 0 : i32
      %dma_wait3A_104 = tpu.memref_slice %arg4[%dma_wait3A_103] : memref<327680xi32, #tpu.memory_space<hbm>> -> memref<128xi32, #tpu.memory_space<hbm>>
      tpu.wait_dma2 semaphore(%arg18 : memref<!tpu.dma_semaphore, #tpu.memory_space<semaphore_mem>>) src(%dma_wait3A_104 : memref<128xi32, #tpu.memory_space<hbm>>) dst(%arg10 : memref<128xi32, #tpu.memory_space<vmem>>)
      %dma_start3A_105 = arith.constant 0 : i32
      %dma_start3A_106 = arith.constant 0 : i32
      %dma_start3A_107 = tpu.memref_slice %arg7[%dma_start3A_105, %dma_start3A_106] : memref<10248x128xf32, #tpu.memory_space<vmem_shared>> -> memref<10248x128xf32, #tpu.memory_space<vmem_shared>>
      tpu.enqueue_indirect_dma source(%arg14 : memref<128x128xf32, #tpu.memory_space<vmem>>) target(%dma_start3A_107 : memref<10248x128xf32, #tpu.memory_space<vmem_shared>>) offsets(%arg10 : memref<128xi32, #tpu.memory_space<vmem>>) semaphore(%arg22 : memref<!tpu.dma_semaphore, #tpu.memory_space<semaphore_mem>>) {add = true}
      %dma_wait3A_108 = arith.constant 0 : i32
      %dma_wait3A_109 = arith.constant 0 : i32
      %dma_wait3A_110 = tpu.memref_slice %arg7[%dma_wait3A_108, %dma_wait3A_109] : memref<10248x128xf32, #tpu.memory_space<vmem_shared>> -> memref<10248x128xf32, #tpu.memory_space<vmem_shared>>
      tpu.wait_indirect_dma semaphore(%arg21 : memref<!tpu.dma_semaphore, #tpu.memory_space<semaphore_mem>>) src(%arg13 : memref<128x128xf32, #tpu.memory_space<vmem>>) dst(%dma_wait3A_110 : memref<10248x128xf32, #tpu.memory_space<vmem_shared>>)
      %add3A_111 = arith.constant 1 : i32
      %add3A_112 = arith.addi %add3A_94, %add3A_111 : i32
      %dma_start3A_113 = arith.constant 0 : i32
      %dma_start3A_114 = tpu.memref_slice %arg8[%add3A_112, %dma_start3A_113] : memref<80x128xi32, #tpu.memory_space<vmem>> -> memref<1x128xi32, #tpu.memory_space<vmem>>
      %dma_start3A_115 = tpu.memref_squeeze %dma_start3A_114 : memref<1x128xi32, #tpu.memory_space<vmem>> -> memref<128xi32, #tpu.memory_space<vmem>>
      %dma_start3A_116 = arith.constant 0 : i32
      %dma_start3A_117 = arith.constant 0 : i32
      %dma_start3A_118 = tpu.memref_slice %arg2[%dma_start3A_116, %dma_start3A_117] : memref<10000x128xf32, #tpu.memory_space<hbm>> -> memref<10000x128xf32, #tpu.memory_space<hbm>>
      tpu.enqueue_indirect_dma source(%dma_start3A_118 : memref<10000x128xf32, #tpu.memory_space<hbm>>) target(%arg13 : memref<128x128xf32, #tpu.memory_space<vmem>>) offsets(%dma_start3A_115 : memref<128xi32, #tpu.memory_space<vmem>>) semaphore(%arg15 : memref<!tpu.dma_semaphore, #tpu.memory_space<semaphore_mem>>)
      %lt3A = arith.constant 19 : i32
      %lt3A_119 = arith.cmpi slt, %scan3A_54, %lt3A : i32
      %convert_element_type3A_120 = arith.extui %lt3A_119 : i1 to i32
      %cond3A_121 = arith.constant 0 : i32
      %cond3A_122 = arith.cmpi ne, %convert_element_type3A_120, %cond3A_121 : i32
      scf.if %cond3A_122 {
        %add3A_186 = arith.constant 3 : i32
        %add3A_187 = arith.addi %add3A_94, %add3A_186 : i32
        %mul3A_188 = arith.constant 128 : i32
        %mul3A_189 = arith.muli %add3A_187, %mul3A_188 : i32
        %add3A_190 = arith.addi %mul3A_6, %mul3A_189 : i32
        %dma_start3A_191 = tpu.memref_slice %arg4[%add3A_190] : memref<327680xi32, #tpu.memory_space<hbm>> -> memref<128xi32, #tpu.memory_space<hbm>>
        %dma_start3A_192 = tpu.memref_slice %arg4[%add3A_190] : memref<327680xi32, #tpu.memory_space<hbm>> -> memref<128xi32, #tpu.memory_space<hbm>>
        tpu.enqueue_dma source(%dma_start3A_192 : memref<128xi32, #tpu.memory_space<hbm>>) target(%arg9 : memref<128xi32, #tpu.memory_space<vmem>>) target_semaphore(%arg17 : memref<!tpu.dma_semaphore, #tpu.memory_space<semaphore_mem>>)
      } else {
      }
      %mul3A_123 = arith.constant 4 : i32
      %mul3A_124 = arith.muli %mul3A_123, %scan3A_54 : i32
      %add3A_125 = arith.constant 2 : i32
      %add3A_126 = arith.addi %mul3A_124, %add3A_125 : i32
      %dma_wait3A_127 = arith.constant 0 : i32
      %dma_wait3A_128 = arith.constant 0 : i32
      %dma_wait3A_129 = tpu.memref_slice %arg2[%dma_wait3A_127, %dma_wait3A_128] : memref<10000x128xf32, #tpu.memory_space<hbm>> -> memref<128x128xf32, #tpu.memory_space<hbm>>
      %dma_wait3A_130 = arith.constant 0 : i32
      %dma_wait3A_131 = arith.constant 0 : i32
      %dma_wait3A_132 = tpu.memref_slice %arg2[%dma_wait3A_130, %dma_wait3A_131] : memref<10000x128xf32, #tpu.memory_space<hbm>> -> memref<128x128xf32, #tpu.memory_space<hbm>>
      tpu.wait_dma2 semaphore(%arg15 : memref<!tpu.dma_semaphore, #tpu.memory_space<semaphore_mem>>) src(%dma_wait3A_132 : memref<128x128xf32, #tpu.memory_space<hbm>>) dst(%arg13 : memref<128x128xf32, #tpu.memory_space<vmem>>)
      %dma_wait3A_133 = arith.constant 0 : i32
      %dma_wait3A_134 = tpu.memref_slice %arg4[%dma_wait3A_133] : memref<327680xi32, #tpu.memory_space<hbm>> -> memref<128xi32, #tpu.memory_space<hbm>>
      %dma_wait3A_135 = arith.constant 0 : i32
      %dma_wait3A_136 = tpu.memref_slice %arg4[%dma_wait3A_135] : memref<327680xi32, #tpu.memory_space<hbm>> -> memref<128xi32, #tpu.memory_space<hbm>>
      tpu.wait_dma2 semaphore(%arg19 : memref<!tpu.dma_semaphore, #tpu.memory_space<semaphore_mem>>) src(%dma_wait3A_136 : memref<128xi32, #tpu.memory_space<hbm>>) dst(%arg11 : memref<128xi32, #tpu.memory_space<vmem>>)
      %dma_start3A_137 = arith.constant 0 : i32
      %dma_start3A_138 = arith.constant 0 : i32
      %dma_start3A_139 = tpu.memref_slice %arg7[%dma_start3A_137, %dma_start3A_138] : memref<10248x128xf32, #tpu.memory_space<vmem_shared>> -> memref<10248x128xf32, #tpu.memory_space<vmem_shared>>
      tpu.enqueue_indirect_dma source(%arg13 : memref<128x128xf32, #tpu.memory_space<vmem>>) target(%dma_start3A_139 : memref<10248x128xf32, #tpu.memory_space<vmem_shared>>) offsets(%arg11 : memref<128xi32, #tpu.memory_space<vmem>>) semaphore(%arg21 : memref<!tpu.dma_semaphore, #tpu.memory_space<semaphore_mem>>) {add = true}
      %dma_wait3A_140 = arith.constant 0 : i32
      %dma_wait3A_141 = arith.constant 0 : i32
      %dma_wait3A_142 = tpu.memref_slice %arg7[%dma_wait3A_140, %dma_wait3A_141] : memref<10248x128xf32, #tpu.memory_space<vmem_shared>> -> memref<10248x128xf32, #tpu.memory_space<vmem_shared>>
      tpu.wait_indirect_dma semaphore(%arg22 : memref<!tpu.dma_semaphore, #tpu.memory_space<semaphore_mem>>) src(%arg14 : memref<128x128xf32, #tpu.memory_space<vmem>>) dst(%dma_wait3A_142 : memref<10248x128xf32, #tpu.memory_space<vmem_shared>>)
      %add3A_143 = arith.constant 1 : i32
      %add3A_144 = arith.addi %add3A_126, %add3A_143 : i32
      %dma_start3A_145 = arith.constant 0 : i32
      %dma_start3A_146 = tpu.memref_slice %arg8[%add3A_144, %dma_start3A_145] : memref<80x128xi32, #tpu.memory_space<vmem>> -> memref<1x128xi32, #tpu.memory_space<vmem>>
      %dma_start3A_147 = tpu.memref_squeeze %dma_start3A_146 : memref<1x128xi32, #tpu.memory_space<vmem>> -> memref<128xi32, #tpu.memory_space<vmem>>
      %dma_start3A_148 = arith.constant 0 : i32
      %dma_start3A_149 = arith.constant 0 : i32
      %dma_start3A_150 = tpu.memref_slice %arg2[%dma_start3A_148, %dma_start3A_149] : memref<10000x128xf32, #tpu.memory_space<hbm>> -> memref<10000x128xf32, #tpu.memory_space<hbm>>
      tpu.enqueue_indirect_dma source(%dma_start3A_150 : memref<10000x128xf32, #tpu.memory_space<hbm>>) target(%arg14 : memref<128x128xf32, #tpu.memory_space<vmem>>) offsets(%dma_start3A_147 : memref<128xi32, #tpu.memory_space<vmem>>) semaphore(%arg16 : memref<!tpu.dma_semaphore, #tpu.memory_space<semaphore_mem>>)
      %lt3A_151 = arith.constant 19 : i32
      %lt3A_152 = arith.cmpi slt, %scan3A_54, %lt3A_151 : i32
      %convert_element_type3A_153 = arith.extui %lt3A_152 : i1 to i32
      %cond3A_154 = arith.constant 0 : i32
      %cond3A_155 = arith.cmpi ne, %convert_element_type3A_153, %cond3A_154 : i32
      scf.if %cond3A_155 {
        %add3A_186 = arith.constant 3 : i32
        %add3A_187 = arith.addi %add3A_126, %add3A_186 : i32
        %mul3A_188 = arith.constant 128 : i32
        %mul3A_189 = arith.muli %add3A_187, %mul3A_188 : i32
        %add3A_190 = arith.addi %mul3A_6, %mul3A_189 : i32
        %dma_start3A_191 = tpu.memref_slice %arg4[%add3A_190] : memref<327680xi32, #tpu.memory_space<hbm>> -> memref<128xi32, #tpu.memory_space<hbm>>
        %dma_start3A_192 = tpu.memref_slice %arg4[%add3A_190] : memref<327680xi32, #tpu.memory_space<hbm>> -> memref<128xi32, #tpu.memory_space<hbm>>
        tpu.enqueue_dma source(%dma_start3A_192 : memref<128xi32, #tpu.memory_space<hbm>>) target(%arg10 : memref<128xi32, #tpu.memory_space<vmem>>) target_semaphore(%arg18 : memref<!tpu.dma_semaphore, #tpu.memory_space<semaphore_mem>>)
      } else {
      }
      %mul3A_156 = arith.constant 4 : i32
      %mul3A_157 = arith.muli %mul3A_156, %scan3A_54 : i32
      %add3A_158 = arith.constant 3 : i32
      %add3A_159 = arith.addi %mul3A_157, %add3A_158 : i32
      %dma_wait3A_160 = arith.constant 0 : i32
      %dma_wait3A_161 = arith.constant 0 : i32
      %dma_wait3A_162 = tpu.memref_slice %arg2[%dma_wait3A_160, %dma_wait3A_161] : memref<10000x128xf32, #tpu.memory_space<hbm>> -> memref<128x128xf32, #tpu.memory_space<hbm>>
      %dma_wait3A_163 = arith.constant 0 : i32
      %dma_wait3A_164 = arith.constant 0 : i32
      %dma_wait3A_165 = tpu.memref_slice %arg2[%dma_wait3A_163, %dma_wait3A_164] : memref<10000x128xf32, #tpu.memory_space<hbm>> -> memref<128x128xf32, #tpu.memory_space<hbm>>
      tpu.wait_dma2 semaphore(%arg16 : memref<!tpu.dma_semaphore, #tpu.memory_space<semaphore_mem>>) src(%dma_wait3A_165 : memref<128x128xf32, #tpu.memory_space<hbm>>) dst(%arg14 : memref<128x128xf32, #tpu.memory_space<vmem>>)
      %dma_wait3A_166 = arith.constant 0 : i32
      %dma_wait3A_167 = tpu.memref_slice %arg4[%dma_wait3A_166] : memref<327680xi32, #tpu.memory_space<hbm>> -> memref<128xi32, #tpu.memory_space<hbm>>
      %dma_wait3A_168 = arith.constant 0 : i32
      %dma_wait3A_169 = tpu.memref_slice %arg4[%dma_wait3A_168] : memref<327680xi32, #tpu.memory_space<hbm>> -> memref<128xi32, #tpu.memory_space<hbm>>
      tpu.wait_dma2 semaphore(%arg20 : memref<!tpu.dma_semaphore, #tpu.memory_space<semaphore_mem>>) src(%dma_wait3A_169 : memref<128xi32, #tpu.memory_space<hbm>>) dst(%arg12 : memref<128xi32, #tpu.memory_space<vmem>>)
      %dma_start3A_170 = arith.constant 0 : i32
      %dma_start3A_171 = arith.constant 0 : i32
      %dma_start3A_172 = tpu.memref_slice %arg7[%dma_start3A_170, %dma_start3A_171] : memref<10248x128xf32, #tpu.memory_space<vmem_shared>> -> memref<10248x128xf32, #tpu.memory_space<vmem_shared>>
      tpu.enqueue_indirect_dma source(%arg14 : memref<128x128xf32, #tpu.memory_space<vmem>>) target(%dma_start3A_172 : memref<10248x128xf32, #tpu.memory_space<vmem_shared>>) offsets(%arg12 : memref<128xi32, #tpu.memory_space<vmem>>) semaphore(%arg22 : memref<!tpu.dma_semaphore, #tpu.memory_space<semaphore_mem>>) {add = true}
      %dma_wait3A_173 = arith.constant 0 : i32
      %dma_wait3A_174 = arith.constant 0 : i32
      %dma_wait3A_175 = tpu.memref_slice %arg7[%dma_wait3A_173, %dma_wait3A_174] : memref<10248x128xf32, #tpu.memory_space<vmem_shared>> -> memref<10248x128xf32, #tpu.memory_space<vmem_shared>>
      tpu.wait_indirect_dma semaphore(%arg21 : memref<!tpu.dma_semaphore, #tpu.memory_space<semaphore_mem>>) src(%arg13 : memref<128x128xf32, #tpu.memory_space<vmem>>) dst(%dma_wait3A_175 : memref<10248x128xf32, #tpu.memory_space<vmem_shared>>)
      %lt3A_176 = arith.constant 19 : i32
      %lt3A_177 = arith.cmpi slt, %scan3A_54, %lt3A_176 : i32
      %convert_element_type3A_178 = arith.extui %lt3A_177 : i1 to i32
      %cond3A_179 = arith.constant 0 : i32
      %cond3A_180 = arith.cmpi ne, %convert_element_type3A_178, %cond3A_179 : i32
      scf.if %cond3A_180 {
        %add3A_186 = arith.constant 1 : i32
        %add3A_187 = arith.addi %add3A_159, %add3A_186 : i32
        %dma_start3A_188 = arith.constant 0 : i32
        %dma_start3A_189 = tpu.memref_slice %arg8[%add3A_187, %dma_start3A_188] : memref<80x128xi32, #tpu.memory_space<vmem>> -> memref<1x128xi32, #tpu.memory_space<vmem>>
        %dma_start3A_190 = tpu.memref_squeeze %dma_start3A_189 : memref<1x128xi32, #tpu.memory_space<vmem>> -> memref<128xi32, #tpu.memory_space<vmem>>
        %dma_start3A_191 = arith.constant 0 : i32
        %dma_start3A_192 = arith.constant 0 : i32
        %dma_start3A_193 = tpu.memref_slice %arg2[%dma_start3A_191, %dma_start3A_192] : memref<10000x128xf32, #tpu.memory_space<hbm>> -> memref<10000x128xf32, #tpu.memory_space<hbm>>
        tpu.enqueue_indirect_dma source(%dma_start3A_193 : memref<10000x128xf32, #tpu.memory_space<hbm>>) target(%arg13 : memref<128x128xf32, #tpu.memory_space<vmem>>) offsets(%dma_start3A_190 : memref<128xi32, #tpu.memory_space<vmem>>) semaphore(%arg15 : memref<!tpu.dma_semaphore, #tpu.memory_space<semaphore_mem>>)
      } else {
      }
      %lt3A_181 = arith.constant 19 : i32
      %lt3A_182 = arith.cmpi slt, %scan3A_54, %lt3A_181 : i32
      %convert_element_type3A_183 = arith.extui %lt3A_182 : i1 to i32
      %cond3A_184 = arith.constant 0 : i32
      %cond3A_185 = arith.cmpi ne, %convert_element_type3A_183, %cond3A_184 : i32
      scf.if %cond3A_185 {
        %add3A_186 = arith.constant 3 : i32
        %add3A_187 = arith.addi %add3A_159, %add3A_186 : i32
        %mul3A_188 = arith.constant 128 : i32
        %mul3A_189 = arith.muli %add3A_187, %mul3A_188 : i32
        %add3A_190 = arith.addi %mul3A_6, %mul3A_189 : i32
        %dma_start3A_191 = tpu.memref_slice %arg4[%add3A_190] : memref<327680xi32, #tpu.memory_space<hbm>> -> memref<128xi32, #tpu.memory_space<hbm>>
        %dma_start3A_192 = tpu.memref_slice %arg4[%add3A_190] : memref<327680xi32, #tpu.memory_space<hbm>> -> memref<128xi32, #tpu.memory_space<hbm>>
        tpu.enqueue_dma source(%dma_start3A_192 : memref<128xi32, #tpu.memory_space<hbm>>) target(%arg11 : memref<128xi32, #tpu.memory_space<vmem>>) target_semaphore(%arg19 : memref<!tpu.dma_semaphore, #tpu.memory_space<semaphore_mem>>)
      } else {
      }
    }
    %scan3A_37 = arith.constant 20 : i32
    %dma_wait3A = arith.constant 0 : i32
    %dma_wait3A_38 = arith.constant 0 : i32
    %dma_wait3A_39 = tpu.memref_slice %arg7[%dma_wait3A, %dma_wait3A_38] : memref<10248x128xf32, #tpu.memory_space<vmem_shared>> -> memref<10248x128xf32, #tpu.memory_space<vmem_shared>>
    tpu.wait_indirect_dma semaphore(%arg22 : memref<!tpu.dma_semaphore, #tpu.memory_space<semaphore_mem>>) src(%arg14 : memref<128x128xf32, #tpu.memory_space<vmem>>) dst(%dma_wait3A_39 : memref<10248x128xf32, #tpu.memory_space<vmem_shared>>)
    %barrier3A_40 = arith.constant 0 : index
    tpu.barrier barrier_id(%barrier3A_40)
    %mul3A_41 = arith.constant 10248 : i32
    %mul3A_42 = arith.muli %arg0, %mul3A_41 : i32
    %add3A_43 = arith.addi %mul3A_42, %mul3A_2 : i32
    %ne3A_44 = arith.constant 15 : i32
    %ne3A_45 = arith.cmpi ne, %arg1, %ne3A_44 : i32
    %convert_element_type3A_46 = arith.extui %ne3A_45 : i1 to i32
    %cond3A_47 = arith.constant 0 : i32
    %cond3A_48 = arith.cmpi ne, %convert_element_type3A_46, %cond3A_47 : i32
    scf.if %cond3A_48 {
      %add3A_54 = arith.constant 0 : i32
      %add3A_55 = arith.addi %mul3A_2, %add3A_54 : i32
      "tpu.region"() ({
        %run_scoped3A = tpu.sem_alloc : memref<!tpu.dma_semaphore, #tpu.memory_space<semaphore_mem>>
        %dma_start3A_78 = arith.constant 0 : i32
        %dma_start3A_79 = arith.constant 0 : i32
        %dma_start3A_80 = tpu.memref_slice %arg13[%dma_start3A_78, %dma_start3A_79] : memref<128x128xf32, #tpu.memory_space<vmem>> -> memref<128x128xf32, #tpu.memory_space<vmem>>
        %dma_start3A_81 = arith.constant 0 : i32
        %dma_start3A_82 = tpu.memref_slice %arg7[%add3A_55, %dma_start3A_81] : memref<10248x128xf32, #tpu.memory_space<vmem_shared>> -> memref<128x128xf32, #tpu.memory_space<vmem_shared>>
        %dma_start3A_83 = arith.constant 0 : i32
        %dma_start3A_84 = arith.constant 0 : i32
        %dma_start3A_85 = tpu.memref_slice %arg13[%dma_start3A_83, %dma_start3A_84] : memref<128x128xf32, #tpu.memory_space<vmem>> -> memref<128x128xf32, #tpu.memory_space<vmem>>
        %dma_start3A_86 = arith.constant 0 : i32
        %dma_start3A_87 = tpu.memref_slice %arg7[%add3A_55, %dma_start3A_86] : memref<10248x128xf32, #tpu.memory_space<vmem_shared>> -> memref<128x128xf32, #tpu.memory_space<vmem_shared>>
        tpu.enqueue_dma source(%dma_start3A_87 : memref<128x128xf32, #tpu.memory_space<vmem_shared>>) target(%dma_start3A_85 : memref<128x128xf32, #tpu.memory_space<vmem>>) target_semaphore(%run_scoped3A : memref<!tpu.dma_semaphore, #tpu.memory_space<semaphore_mem>>)
        %dma_wait3A_88 = arith.constant 0 : i32
        %dma_wait3A_89 = arith.constant 0 : i32
        %dma_wait3A_90 = tpu.memref_slice %arg13[%dma_wait3A_88, %dma_wait3A_89] : memref<128x128xf32, #tpu.memory_space<vmem>> -> memref<128x128xf32, #tpu.memory_space<vmem>>
        %dma_wait3A_91 = arith.constant 0 : i32
        %dma_wait3A_92 = tpu.memref_slice %arg7[%add3A_55, %dma_wait3A_91] : memref<10248x128xf32, #tpu.memory_space<vmem_shared>> -> memref<128x128xf32, #tpu.memory_space<vmem_shared>>
        %dma_wait3A_93 = arith.constant 0 : i32
        %dma_wait3A_94 = arith.constant 0 : i32
        %dma_wait3A_95 = tpu.memref_slice %arg13[%dma_wait3A_93, %dma_wait3A_94] : memref<128x128xf32, #tpu.memory_space<vmem>> -> memref<128x128xf32, #tpu.memory_space<vmem>>
        %dma_wait3A_96 = arith.constant 0 : i32
        %dma_wait3A_97 = tpu.memref_slice %arg7[%add3A_55, %dma_wait3A_96] : memref<10248x128xf32, #tpu.memory_space<vmem_shared>> -> memref<128x128xf32, #tpu.memory_space<vmem_shared>>
        tpu.wait_dma2 semaphore(%run_scoped3A : memref<!tpu.dma_semaphore, #tpu.memory_space<semaphore_mem>>) src(%dma_wait3A_97 : memref<128x128xf32, #tpu.memory_space<vmem_shared>>) dst(%dma_wait3A_95 : memref<128x128xf32, #tpu.memory_space<vmem>>)
        tpu.yield
      }) : () -> ()
      %add3A_56 = arith.constant 0 : i32
      %add3A_57 = arith.addi %add3A_43, %add3A_56 : i32
      "tpu.region"() ({
        %run_scoped3A = tpu.sem_alloc : memref<!tpu.dma_semaphore, #tpu.memory_space<semaphore_mem>>
        %dma_start3A_78 = arith.constant 0 : i32
        %dma_start3A_79 = arith.constant 0 : i32
        %dma_start3A_80 = tpu.memref_slice %arg13[%dma_start3A_78, %dma_start3A_79] : memref<128x128xf32, #tpu.memory_space<vmem>> -> memref<128x128xf32, #tpu.memory_space<vmem>>
        %dma_start3A_81 = arith.constant 0 : i32
        %dma_start3A_82 = tpu.memref_slice %arg6[%add3A_57, %dma_start3A_81] : memref<20496x128xf32, #tpu.memory_space<hbm>> -> memref<128x128xf32, #tpu.memory_space<hbm>>
        %dma_start3A_83 = arith.constant 0 : i32
        %dma_start3A_84 = tpu.memref_slice %arg6[%add3A_57, %dma_start3A_83] : memref<20496x128xf32, #tpu.memory_space<hbm>> -> memref<128x128xf32, #tpu.memory_space<hbm>>
        %dma_start3A_85 = arith.constant 0 : i32
        %dma_start3A_86 = arith.constant 0 : i32
        %dma_start3A_87 = tpu.memref_slice %arg13[%dma_start3A_85, %dma_start3A_86] : memref<128x128xf32, #tpu.memory_space<vmem>> -> memref<128x128xf32, #tpu.memory_space<vmem>>
        tpu.enqueue_dma source(%dma_start3A_87 : memref<128x128xf32, #tpu.memory_space<vmem>>) target(%dma_start3A_84 : memref<128x128xf32, #tpu.memory_space<hbm>>) target_semaphore(%run_scoped3A : memref<!tpu.dma_semaphore, #tpu.memory_space<semaphore_mem>>)
        %dma_wait3A_88 = arith.constant 0 : i32
        %dma_wait3A_89 = arith.constant 0 : i32
        %dma_wait3A_90 = tpu.memref_slice %arg13[%dma_wait3A_88, %dma_wait3A_89] : memref<128x128xf32, #tpu.memory_space<vmem>> -> memref<128x128xf32, #tpu.memory_space<vmem>>
        %dma_wait3A_91 = arith.constant 0 : i32
        %dma_wait3A_92 = tpu.memref_slice %arg6[%add3A_57, %dma_wait3A_91] : memref<20496x128xf32, #tpu.memory_space<hbm>> -> memref<128x128xf32, #tpu.memory_space<hbm>>
        %dma_wait3A_93 = arith.constant 0 : i32
        %dma_wait3A_94 = tpu.memref_slice %arg6[%add3A_57, %dma_wait3A_93] : memref<20496x128xf32, #tpu.memory_space<hbm>> -> memref<128x128xf32, #tpu.memory_space<hbm>>
        %dma_wait3A_95 = arith.constant 0 : i32
        %dma_wait3A_96 = arith.constant 0 : i32
        %dma_wait3A_97 = tpu.memref_slice %arg13[%dma_wait3A_95, %dma_wait3A_96] : memref<128x128xf32, #tpu.memory_space<vmem>> -> memref<128x128xf32, #tpu.memory_space<vmem>>
        tpu.wait_dma2 semaphore(%run_scoped3A : memref<!tpu.dma_semaphore, #tpu.memory_space<semaphore_mem>>) src(%dma_wait3A_97 : memref<128x128xf32, #tpu.memory_space<vmem>>) dst(%dma_wait3A_94 : memref<128x128xf32, #tpu.memory_space<hbm>>)
        tpu.yield
      }) : () -> ()
      %add3A_58 = arith.constant 128 : i32
      %add3A_59 = arith.addi %mul3A_2, %add3A_58 : i32
      "tpu.region"() ({
        %run_scoped3A = tpu.sem_alloc : memref<!tpu.dma_semaphore, #tpu.memory_space<semaphore_mem>>
        %dma_start3A_78 = arith.constant 0 : i32
        %dma_start3A_79 = arith.constant 0 : i32
        %dma_start3A_80 = tpu.memref_slice %arg13[%dma_start3A_78, %dma_start3A_79] : memref<128x128xf32, #tpu.memory_space<vmem>> -> memref<128x128xf32, #tpu.memory_space<vmem>>
        %dma_start3A_81 = arith.constant 0 : i32
        %dma_start3A_82 = tpu.memref_slice %arg7[%add3A_59, %dma_start3A_81] : memref<10248x128xf32, #tpu.memory_space<vmem_shared>> -> memref<128x128xf32, #tpu.memory_space<vmem_shared>>
        %dma_start3A_83 = arith.constant 0 : i32
        %dma_start3A_84 = arith.constant 0 : i32
        %dma_start3A_85 = tpu.memref_slice %arg13[%dma_start3A_83, %dma_start3A_84] : memref<128x128xf32, #tpu.memory_space<vmem>> -> memref<128x128xf32, #tpu.memory_space<vmem>>
        %dma_start3A_86 = arith.constant 0 : i32
        %dma_start3A_87 = tpu.memref_slice %arg7[%add3A_59, %dma_start3A_86] : memref<10248x128xf32, #tpu.memory_space<vmem_shared>> -> memref<128x128xf32, #tpu.memory_space<vmem_shared>>
        tpu.enqueue_dma source(%dma_start3A_87 : memref<128x128xf32, #tpu.memory_space<vmem_shared>>) target(%dma_start3A_85 : memref<128x128xf32, #tpu.memory_space<vmem>>) target_semaphore(%run_scoped3A : memref<!tpu.dma_semaphore, #tpu.memory_space<semaphore_mem>>)
        %dma_wait3A_88 = arith.constant 0 : i32
        %dma_wait3A_89 = arith.constant 0 : i32
        %dma_wait3A_90 = tpu.memref_slice %arg13[%dma_wait3A_88, %dma_wait3A_89] : memref<128x128xf32, #tpu.memory_space<vmem>> -> memref<128x128xf32, #tpu.memory_space<vmem>>
        %dma_wait3A_91 = arith.constant 0 : i32
        %dma_wait3A_92 = tpu.memref_slice %arg7[%add3A_59, %dma_wait3A_91] : memref<10248x128xf32, #tpu.memory_space<vmem_shared>> -> memref<128x128xf32, #tpu.memory_space<vmem_shared>>
        %dma_wait3A_93 = arith.constant 0 : i32
        %dma_wait3A_94 = arith.constant 0 : i32
        %dma_wait3A_95 = tpu.memref_slice %arg13[%dma_wait3A_93, %dma_wait3A_94] : memref<128x128xf32, #tpu.memory_space<vmem>> -> memref<128x128xf32, #tpu.memory_space<vmem>>
        %dma_wait3A_96 = arith.constant 0 : i32
        %dma_wait3A_97 = tpu.memref_slice %arg7[%add3A_59, %dma_wait3A_96] : memref<10248x128xf32, #tpu.memory_space<vmem_shared>> -> memref<128x128xf32, #tpu.memory_space<vmem_shared>>
        tpu.wait_dma2 semaphore(%run_scoped3A : memref<!tpu.dma_semaphore, #tpu.memory_space<semaphore_mem>>) src(%dma_wait3A_97 : memref<128x128xf32, #tpu.memory_space<vmem_shared>>) dst(%dma_wait3A_95 : memref<128x128xf32, #tpu.memory_space<vmem>>)
        tpu.yield
      }) : () -> ()
      %add3A_60 = arith.constant 128 : i32
      %add3A_61 = arith.addi %add3A_43, %add3A_60 : i32
      "tpu.region"() ({
        %run_scoped3A = tpu.sem_alloc : memref<!tpu.dma_semaphore, #tpu.memory_space<semaphore_mem>>
        %dma_start3A_78 = arith.constant 0 : i32
        %dma_start3A_79 = arith.constant 0 : i32
        %dma_start3A_80 = tpu.memref_slice %arg13[%dma_start3A_78, %dma_start3A_79] : memref<128x128xf32, #tpu.memory_space<vmem>> -> memref<128x128xf32, #tpu.memory_space<vmem>>
        %dma_start3A_81 = arith.constant 0 : i32
        %dma_start3A_82 = tpu.memref_slice %arg6[%add3A_61, %dma_start3A_81] : memref<20496x128xf32, #tpu.memory_space<hbm>> -> memref<128x128xf32, #tpu.memory_space<hbm>>
        %dma_start3A_83 = arith.constant 0 : i32
        %dma_start3A_84 = tpu.memref_slice %arg6[%add3A_61, %dma_start3A_83] : memref<20496x128xf32, #tpu.memory_space<hbm>> -> memref<128x128xf32, #tpu.memory_space<hbm>>
        %dma_start3A_85 = arith.constant 0 : i32
        %dma_start3A_86 = arith.constant 0 : i32
        %dma_start3A_87 = tpu.memref_slice %arg13[%dma_start3A_85, %dma_start3A_86] : memref<128x128xf32, #tpu.memory_space<vmem>> -> memref<128x128xf32, #tpu.memory_space<vmem>>
        tpu.enqueue_dma source(%dma_start3A_87 : memref<128x128xf32, #tpu.memory_space<vmem>>) target(%dma_start3A_84 : memref<128x128xf32, #tpu.memory_space<hbm>>) target_semaphore(%run_scoped3A : memref<!tpu.dma_semaphore, #tpu.memory_space<semaphore_mem>>)
        %dma_wait3A_88 = arith.constant 0 : i32
        %dma_wait3A_89 = arith.constant 0 : i32
        %dma_wait3A_90 = tpu.memref_slice %arg13[%dma_wait3A_88, %dma_wait3A_89] : memref<128x128xf32, #tpu.memory_space<vmem>> -> memref<128x128xf32, #tpu.memory_space<vmem>>
        %dma_wait3A_91 = arith.constant 0 : i32
        %dma_wait3A_92 = tpu.memref_slice %arg6[%add3A_61, %dma_wait3A_91] : memref<20496x128xf32, #tpu.memory_space<hbm>> -> memref<128x128xf32, #tpu.memory_space<hbm>>
        %dma_wait3A_93 = arith.constant 0 : i32
        %dma_wait3A_94 = tpu.memref_slice %arg6[%add3A_61, %dma_wait3A_93] : memref<20496x128xf32, #tpu.memory_space<hbm>> -> memref<128x128xf32, #tpu.memory_space<hbm>>
        %dma_wait3A_95 = arith.constant 0 : i32
        %dma_wait3A_96 = arith.constant 0 : i32
        %dma_wait3A_97 = tpu.memref_slice %arg13[%dma_wait3A_95, %dma_wait3A_96] : memref<128x128xf32, #tpu.memory_space<vmem>> -> memref<128x128xf32, #tpu.memory_space<vmem>>
        tpu.wait_dma2 semaphore(%run_scoped3A : memref<!tpu.dma_semaphore, #tpu.memory_space<semaphore_mem>>) src(%dma_wait3A_97 : memref<128x128xf32, #tpu.memory_space<vmem>>) dst(%dma_wait3A_94 : memref<128x128xf32, #tpu.memory_space<hbm>>)
        tpu.yield
      }) : () -> ()
      %add3A_62 = arith.constant 256 : i32
      %add3A_63 = arith.addi %mul3A_2, %add3A_62 : i32
      "tpu.region"() ({
        %run_scoped3A = tpu.sem_alloc : memref<!tpu.dma_semaphore, #tpu.memory_space<semaphore_mem>>
        %dma_start3A_78 = arith.constant 0 : i32
        %dma_start3A_79 = arith.constant 0 : i32
        %dma_start3A_80 = tpu.memref_slice %arg13[%dma_start3A_78, %dma_start3A_79] : memref<128x128xf32, #tpu.memory_space<vmem>> -> memref<128x128xf32, #tpu.memory_space<vmem>>
        %dma_start3A_81 = arith.constant 0 : i32
        %dma_start3A_82 = tpu.memref_slice %arg7[%add3A_63, %dma_start3A_81] : memref<10248x128xf32, #tpu.memory_space<vmem_shared>> -> memref<128x128xf32, #tpu.memory_space<vmem_shared>>
        %dma_start3A_83 = arith.constant 0 : i32
        %dma_start3A_84 = arith.constant 0 : i32
        %dma_start3A_85 = tpu.memref_slice %arg13[%dma_start3A_83, %dma_start3A_84] : memref<128x128xf32, #tpu.memory_space<vmem>> -> memref<128x128xf32, #tpu.memory_space<vmem>>
        %dma_start3A_86 = arith.constant 0 : i32
        %dma_start3A_87 = tpu.memref_slice %arg7[%add3A_63, %dma_start3A_86] : memref<10248x128xf32, #tpu.memory_space<vmem_shared>> -> memref<128x128xf32, #tpu.memory_space<vmem_shared>>
        tpu.enqueue_dma source(%dma_start3A_87 : memref<128x128xf32, #tpu.memory_space<vmem_shared>>) target(%dma_start3A_85 : memref<128x128xf32, #tpu.memory_space<vmem>>) target_semaphore(%run_scoped3A : memref<!tpu.dma_semaphore, #tpu.memory_space<semaphore_mem>>)
        %dma_wait3A_88 = arith.constant 0 : i32
        %dma_wait3A_89 = arith.constant 0 : i32
        %dma_wait3A_90 = tpu.memref_slice %arg13[%dma_wait3A_88, %dma_wait3A_89] : memref<128x128xf32, #tpu.memory_space<vmem>> -> memref<128x128xf32, #tpu.memory_space<vmem>>
        %dma_wait3A_91 = arith.constant 0 : i32
        %dma_wait3A_92 = tpu.memref_slice %arg7[%add3A_63, %dma_wait3A_91] : memref<10248x128xf32, #tpu.memory_space<vmem_shared>> -> memref<128x128xf32, #tpu.memory_space<vmem_shared>>
        %dma_wait3A_93 = arith.constant 0 : i32
        %dma_wait3A_94 = arith.constant 0 : i32
        %dma_wait3A_95 = tpu.memref_slice %arg13[%dma_wait3A_93, %dma_wait3A_94] : memref<128x128xf32, #tpu.memory_space<vmem>> -> memref<128x128xf32, #tpu.memory_space<vmem>>
        %dma_wait3A_96 = arith.constant 0 : i32
        %dma_wait3A_97 = tpu.memref_slice %arg7[%add3A_63, %dma_wait3A_96] : memref<10248x128xf32, #tpu.memory_space<vmem_shared>> -> memref<128x128xf32, #tpu.memory_space<vmem_shared>>
        tpu.wait_dma2 semaphore(%run_scoped3A : memref<!tpu.dma_semaphore, #tpu.memory_space<semaphore_mem>>) src(%dma_wait3A_97 : memref<128x128xf32, #tpu.memory_space<vmem_shared>>) dst(%dma_wait3A_95 : memref<128x128xf32, #tpu.memory_space<vmem>>)
        tpu.yield
      }) : () -> ()
      %add3A_64 = arith.constant 256 : i32
      %add3A_65 = arith.addi %add3A_43, %add3A_64 : i32
      "tpu.region"() ({
        %run_scoped3A = tpu.sem_alloc : memref<!tpu.dma_semaphore, #tpu.memory_space<semaphore_mem>>
        %dma_start3A_78 = arith.constant 0 : i32
        %dma_start3A_79 = arith.constant 0 : i32
        %dma_start3A_80 = tpu.memref_slice %arg13[%dma_start3A_78, %dma_start3A_79] : memref<128x128xf32, #tpu.memory_space<vmem>> -> memref<128x128xf32, #tpu.memory_space<vmem>>
        %dma_start3A_81 = arith.constant 0 : i32
        %dma_start3A_82 = tpu.memref_slice %arg6[%add3A_65, %dma_start3A_81] : memref<20496x128xf32, #tpu.memory_space<hbm>> -> memref<128x128xf32, #tpu.memory_space<hbm>>
        %dma_start3A_83 = arith.constant 0 : i32
        %dma_start3A_84 = tpu.memref_slice %arg6[%add3A_65, %dma_start3A_83] : memref<20496x128xf32, #tpu.memory_space<hbm>> -> memref<128x128xf32, #tpu.memory_space<hbm>>
        %dma_start3A_85 = arith.constant 0 : i32
        %dma_start3A_86 = arith.constant 0 : i32
        %dma_start3A_87 = tpu.memref_slice %arg13[%dma_start3A_85, %dma_start3A_86] : memref<128x128xf32, #tpu.memory_space<vmem>> -> memref<128x128xf32, #tpu.memory_space<vmem>>
        tpu.enqueue_dma source(%dma_start3A_87 : memref<128x128xf32, #tpu.memory_space<vmem>>) target(%dma_start3A_84 : memref<128x128xf32, #tpu.memory_space<hbm>>) target_semaphore(%run_scoped3A : memref<!tpu.dma_semaphore, #tpu.memory_space<semaphore_mem>>)
        %dma_wait3A_88 = arith.constant 0 : i32
        %dma_wait3A_89 = arith.constant 0 : i32
        %dma_wait3A_90 = tpu.memref_slice %arg13[%dma_wait3A_88, %dma_wait3A_89] : memref<128x128xf32, #tpu.memory_space<vmem>> -> memref<128x128xf32, #tpu.memory_space<vmem>>
        %dma_wait3A_91 = arith.constant 0 : i32
        %dma_wait3A_92 = tpu.memref_slice %arg6[%add3A_65, %dma_wait3A_91] : memref<20496x128xf32, #tpu.memory_space<hbm>> -> memref<128x128xf32, #tpu.memory_space<hbm>>
        %dma_wait3A_93 = arith.constant 0 : i32
        %dma_wait3A_94 = tpu.memref_slice %arg6[%add3A_65, %dma_wait3A_93] : memref<20496x128xf32, #tpu.memory_space<hbm>> -> memref<128x128xf32, #tpu.memory_space<hbm>>
        %dma_wait3A_95 = arith.constant 0 : i32
        %dma_wait3A_96 = arith.constant 0 : i32
        %dma_wait3A_97 = tpu.memref_slice %arg13[%dma_wait3A_95, %dma_wait3A_96] : memref<128x128xf32, #tpu.memory_space<vmem>> -> memref<128x128xf32, #tpu.memory_space<vmem>>
        tpu.wait_dma2 semaphore(%run_scoped3A : memref<!tpu.dma_semaphore, #tpu.memory_space<semaphore_mem>>) src(%dma_wait3A_97 : memref<128x128xf32, #tpu.memory_space<vmem>>) dst(%dma_wait3A_94 : memref<128x128xf32, #tpu.memory_space<hbm>>)
        tpu.yield
      }) : () -> ()
      %add3A_66 = arith.constant 384 : i32
      %add3A_67 = arith.addi %mul3A_2, %add3A_66 : i32
      "tpu.region"() ({
        %run_scoped3A = tpu.sem_alloc : memref<!tpu.dma_semaphore, #tpu.memory_space<semaphore_mem>>
        %dma_start3A_78 = arith.constant 0 : i32
        %dma_start3A_79 = arith.constant 0 : i32
        %dma_start3A_80 = tpu.memref_slice %arg13[%dma_start3A_78, %dma_start3A_79] : memref<128x128xf32, #tpu.memory_space<vmem>> -> memref<128x128xf32, #tpu.memory_space<vmem>>
        %dma_start3A_81 = arith.constant 0 : i32
        %dma_start3A_82 = tpu.memref_slice %arg7[%add3A_67, %dma_start3A_81] : memref<10248x128xf32, #tpu.memory_space<vmem_shared>> -> memref<128x128xf32, #tpu.memory_space<vmem_shared>>
        %dma_start3A_83 = arith.constant 0 : i32
        %dma_start3A_84 = arith.constant 0 : i32
        %dma_start3A_85 = tpu.memref_slice %arg13[%dma_start3A_83, %dma_start3A_84] : memref<128x128xf32, #tpu.memory_space<vmem>> -> memref<128x128xf32, #tpu.memory_space<vmem>>
        %dma_start3A_86 = arith.constant 0 : i32
        %dma_start3A_87 = tpu.memref_slice %arg7[%add3A_67, %dma_start3A_86] : memref<10248x128xf32, #tpu.memory_space<vmem_shared>> -> memref<128x128xf32, #tpu.memory_space<vmem_shared>>
        tpu.enqueue_dma source(%dma_start3A_87 : memref<128x128xf32, #tpu.memory_space<vmem_shared>>) target(%dma_start3A_85 : memref<128x128xf32, #tpu.memory_space<vmem>>) target_semaphore(%run_scoped3A : memref<!tpu.dma_semaphore, #tpu.memory_space<semaphore_mem>>)
        %dma_wait3A_88 = arith.constant 0 : i32
        %dma_wait3A_89 = arith.constant 0 : i32
        %dma_wait3A_90 = tpu.memref_slice %arg13[%dma_wait3A_88, %dma_wait3A_89] : memref<128x128xf32, #tpu.memory_space<vmem>> -> memref<128x128xf32, #tpu.memory_space<vmem>>
        %dma_wait3A_91 = arith.constant 0 : i32
        %dma_wait3A_92 = tpu.memref_slice %arg7[%add3A_67, %dma_wait3A_91] : memref<10248x128xf32, #tpu.memory_space<vmem_shared>> -> memref<128x128xf32, #tpu.memory_space<vmem_shared>>
        %dma_wait3A_93 = arith.constant 0 : i32
        %dma_wait3A_94 = arith.constant 0 : i32
        %dma_wait3A_95 = tpu.memref_slice %arg13[%dma_wait3A_93, %dma_wait3A_94] : memref<128x128xf32, #tpu.memory_space<vmem>> -> memref<128x128xf32, #tpu.memory_space<vmem>>
        %dma_wait3A_96 = arith.constant 0 : i32
        %dma_wait3A_97 = tpu.memref_slice %arg7[%add3A_67, %dma_wait3A_96] : memref<10248x128xf32, #tpu.memory_space<vmem_shared>> -> memref<128x128xf32, #tpu.memory_space<vmem_shared>>
        tpu.wait_dma2 semaphore(%run_scoped3A : memref<!tpu.dma_semaphore, #tpu.memory_space<semaphore_mem>>) src(%dma_wait3A_97 : memref<128x128xf32, #tpu.memory_space<vmem_shared>>) dst(%dma_wait3A_95 : memref<128x128xf32, #tpu.memory_space<vmem>>)
        tpu.yield
      }) : () -> ()
      %add3A_68 = arith.constant 384 : i32
      %add3A_69 = arith.addi %add3A_43, %add3A_68 : i32
      "tpu.region"() ({
        %run_scoped3A = tpu.sem_alloc : memref<!tpu.dma_semaphore, #tpu.memory_space<semaphore_mem>>
        %dma_start3A_78 = arith.constant 0 : i32
        %dma_start3A_79 = arith.constant 0 : i32
        %dma_start3A_80 = tpu.memref_slice %arg13[%dma_start3A_78, %dma_start3A_79] : memref<128x128xf32, #tpu.memory_space<vmem>> -> memref<128x128xf32, #tpu.memory_space<vmem>>
        %dma_start3A_81 = arith.constant 0 : i32
        %dma_start3A_82 = tpu.memref_slice %arg6[%add3A_69, %dma_start3A_81] : memref<20496x128xf32, #tpu.memory_space<hbm>> -> memref<128x128xf32, #tpu.memory_space<hbm>>
        %dma_start3A_83 = arith.constant 0 : i32
        %dma_start3A_84 = tpu.memref_slice %arg6[%add3A_69, %dma_start3A_83] : memref<20496x128xf32, #tpu.memory_space<hbm>> -> memref<128x128xf32, #tpu.memory_space<hbm>>
        %dma_start3A_85 = arith.constant 0 : i32
        %dma_start3A_86 = arith.constant 0 : i32
        %dma_start3A_87 = tpu.memref_slice %arg13[%dma_start3A_85, %dma_start3A_86] : memref<128x128xf32, #tpu.memory_space<vmem>> -> memref<128x128xf32, #tpu.memory_space<vmem>>
        tpu.enqueue_dma source(%dma_start3A_87 : memref<128x128xf32, #tpu.memory_space<vmem>>) target(%dma_start3A_84 : memref<128x128xf32, #tpu.memory_space<hbm>>) target_semaphore(%run_scoped3A : memref<!tpu.dma_semaphore, #tpu.memory_space<semaphore_mem>>)
        %dma_wait3A_88 = arith.constant 0 : i32
        %dma_wait3A_89 = arith.constant 0 : i32
        %dma_wait3A_90 = tpu.memref_slice %arg13[%dma_wait3A_88, %dma_wait3A_89] : memref<128x128xf32, #tpu.memory_space<vmem>> -> memref<128x128xf32, #tpu.memory_space<vmem>>
        %dma_wait3A_91 = arith.constant 0 : i32
        %dma_wait3A_92 = tpu.memref_slice %arg6[%add3A_69, %dma_wait3A_91] : memref<20496x128xf32, #tpu.memory_space<hbm>> -> memref<128x128xf32, #tpu.memory_space<hbm>>
        %dma_wait3A_93 = arith.constant 0 : i32
        %dma_wait3A_94 = tpu.memref_slice %arg6[%add3A_69, %dma_wait3A_93] : memref<20496x128xf32, #tpu.memory_space<hbm>> -> memref<128x128xf32, #tpu.memory_space<hbm>>
        %dma_wait3A_95 = arith.constant 0 : i32
        %dma_wait3A_96 = arith.constant 0 : i32
        %dma_wait3A_97 = tpu.memref_slice %arg13[%dma_wait3A_95, %dma_wait3A_96] : memref<128x128xf32, #tpu.memory_space<vmem>> -> memref<128x128xf32, #tpu.memory_space<vmem>>
        tpu.wait_dma2 semaphore(%run_scoped3A : memref<!tpu.dma_semaphore, #tpu.memory_space<semaphore_mem>>) src(%dma_wait3A_97 : memref<128x128xf32, #tpu.memory_space<vmem>>) dst(%dma_wait3A_94 : memref<128x128xf32, #tpu.memory_space<hbm>>)
        tpu.yield
      }) : () -> ()
      %add3A_70 = arith.constant 512 : i32
      %add3A_71 = arith.addi %mul3A_2, %add3A_70 : i32
      "tpu.region"() ({
        %run_scoped3A = tpu.sem_alloc : memref<!tpu.dma_semaphore, #tpu.memory_space<semaphore_mem>>
        %dma_start3A_78 = arith.constant 0 : i32
        %dma_start3A_79 = arith.constant 0 : i32
        %dma_start3A_80 = tpu.memref_slice %arg13[%dma_start3A_78, %dma_start3A_79] : memref<128x128xf32, #tpu.memory_space<vmem>> -> memref<128x128xf32, #tpu.memory_space<vmem>>
        %dma_start3A_81 = arith.constant 0 : i32
        %dma_start3A_82 = tpu.memref_slice %arg7[%add3A_71, %dma_start3A_81] : memref<10248x128xf32, #tpu.memory_space<vmem_shared>> -> memref<128x128xf32, #tpu.memory_space<vmem_shared>>
        %dma_start3A_83 = arith.constant 0 : i32
        %dma_start3A_84 = arith.constant 0 : i32
        %dma_start3A_85 = tpu.memref_slice %arg13[%dma_start3A_83, %dma_start3A_84] : memref<128x128xf32, #tpu.memory_space<vmem>> -> memref<128x128xf32, #tpu.memory_space<vmem>>
        %dma_start3A_86 = arith.constant 0 : i32
        %dma_start3A_87 = tpu.memref_slice %arg7[%add3A_71, %dma_start3A_86] : memref<10248x128xf32, #tpu.memory_space<vmem_shared>> -> memref<128x128xf32, #tpu.memory_space<vmem_shared>>
        tpu.enqueue_dma source(%dma_start3A_87 : memref<128x128xf32, #tpu.memory_space<vmem_shared>>) target(%dma_start3A_85 : memref<128x128xf32, #tpu.memory_space<vmem>>) target_semaphore(%run_scoped3A : memref<!tpu.dma_semaphore, #tpu.memory_space<semaphore_mem>>)
        %dma_wait3A_88 = arith.constant 0 : i32
        %dma_wait3A_89 = arith.constant 0 : i32
        %dma_wait3A_90 = tpu.memref_slice %arg13[%dma_wait3A_88, %dma_wait3A_89] : memref<128x128xf32, #tpu.memory_space<vmem>> -> memref<128x128xf32, #tpu.memory_space<vmem>>
        %dma_wait3A_91 = arith.constant 0 : i32
        %dma_wait3A_92 = tpu.memref_slice %arg7[%add3A_71, %dma_wait3A_91] : memref<10248x128xf32, #tpu.memory_space<vmem_shared>> -> memref<128x128xf32, #tpu.memory_space<vmem_shared>>
        %dma_wait3A_93 = arith.constant 0 : i32
        %dma_wait3A_94 = arith.constant 0 : i32
        %dma_wait3A_95 = tpu.memref_slice %arg13[%dma_wait3A_93, %dma_wait3A_94] : memref<128x128xf32, #tpu.memory_space<vmem>> -> memref<128x128xf32, #tpu.memory_space<vmem>>
        %dma_wait3A_96 = arith.constant 0 : i32
        %dma_wait3A_97 = tpu.memref_slice %arg7[%add3A_71, %dma_wait3A_96] : memref<10248x128xf32, #tpu.memory_space<vmem_shared>> -> memref<128x128xf32, #tpu.memory_space<vmem_shared>>
        tpu.wait_dma2 semaphore(%run_scoped3A : memref<!tpu.dma_semaphore, #tpu.memory_space<semaphore_mem>>) src(%dma_wait3A_97 : memref<128x128xf32, #tpu.memory_space<vmem_shared>>) dst(%dma_wait3A_95 : memref<128x128xf32, #tpu.memory_space<vmem>>)
        tpu.yield
      }) : () -> ()
      %add3A_72 = arith.constant 512 : i32
      %add3A_73 = arith.addi %add3A_43, %add3A_72 : i32
      "tpu.region"() ({
        %run_scoped3A = tpu.sem_alloc : memref<!tpu.dma_semaphore, #tpu.memory_space<semaphore_mem>>
        %dma_start3A_78 = arith.constant 0 : i32
        %dma_start3A_79 = arith.constant 0 : i32
        %dma_start3A_80 = tpu.memref_slice %arg13[%dma_start3A_78, %dma_start3A_79] : memref<128x128xf32, #tpu.memory_space<vmem>> -> memref<128x128xf32, #tpu.memory_space<vmem>>
        %dma_start3A_81 = arith.constant 0 : i32
        %dma_start3A_82 = tpu.memref_slice %arg6[%add3A_73, %dma_start3A_81] : memref<20496x128xf32, #tpu.memory_space<hbm>> -> memref<128x128xf32, #tpu.memory_space<hbm>>
        %dma_start3A_83 = arith.constant 0 : i32
        %dma_start3A_84 = tpu.memref_slice %arg6[%add3A_73, %dma_start3A_83] : memref<20496x128xf32, #tpu.memory_space<hbm>> -> memref<128x128xf32, #tpu.memory_space<hbm>>
        %dma_start3A_85 = arith.constant 0 : i32
        %dma_start3A_86 = arith.constant 0 : i32
        %dma_start3A_87 = tpu.memref_slice %arg13[%dma_start3A_85, %dma_start3A_86] : memref<128x128xf32, #tpu.memory_space<vmem>> -> memref<128x128xf32, #tpu.memory_space<vmem>>
        tpu.enqueue_dma source(%dma_start3A_87 : memref<128x128xf32, #tpu.memory_space<vmem>>) target(%dma_start3A_84 : memref<128x128xf32, #tpu.memory_space<hbm>>) target_semaphore(%run_scoped3A : memref<!tpu.dma_semaphore, #tpu.memory_space<semaphore_mem>>)
        %dma_wait3A_88 = arith.constant 0 : i32
        %dma_wait3A_89 = arith.constant 0 : i32
        %dma_wait3A_90 = tpu.memref_slice %arg13[%dma_wait3A_88, %dma_wait3A_89] : memref<128x128xf32, #tpu.memory_space<vmem>> -> memref<128x128xf32, #tpu.memory_space<vmem>>
        %dma_wait3A_91 = arith.constant 0 : i32
        %dma_wait3A_92 = tpu.memref_slice %arg6[%add3A_73, %dma_wait3A_91] : memref<20496x128xf32, #tpu.memory_space<hbm>> -> memref<128x128xf32, #tpu.memory_space<hbm>>
        %dma_wait3A_93 = arith.constant 0 : i32
        %dma_wait3A_94 = tpu.memref_slice %arg6[%add3A_73, %dma_wait3A_93] : memref<20496x128xf32, #tpu.memory_space<hbm>> -> memref<128x128xf32, #tpu.memory_space<hbm>>
        %dma_wait3A_95 = arith.constant 0 : i32
        %dma_wait3A_96 = arith.constant 0 : i32
        %dma_wait3A_97 = tpu.memref_slice %arg13[%dma_wait3A_95, %dma_wait3A_96] : memref<128x128xf32, #tpu.memory_space<vmem>> -> memref<128x128xf32, #tpu.memory_space<vmem>>
        tpu.wait_dma2 semaphore(%run_scoped3A : memref<!tpu.dma_semaphore, #tpu.memory_space<semaphore_mem>>) src(%dma_wait3A_97 : memref<128x128xf32, #tpu.memory_space<vmem>>) dst(%dma_wait3A_94 : memref<128x128xf32, #tpu.memory_space<hbm>>)
        tpu.yield
      }) : () -> ()
      %add3A_74 = arith.constant 640 : i32
      %add3A_75 = arith.addi %mul3A_2, %add3A_74 : i32
      "tpu.region"() ({
        %run_scoped3A = tpu.sem_alloc : memref<!tpu.dma_semaphore, #tpu.memory_space<semaphore_mem>>
        %dma_start3A_78 = arith.constant 0 : i32
        %dma_start3A_79 = arith.constant 0 : i32
        %dma_start3A_80 = tpu.memref_slice %arg13[%dma_start3A_78, %dma_start3A_79] : memref<128x128xf32, #tpu.memory_space<vmem>> -> memref<8x128xf32, #tpu.memory_space<vmem>>
        %dma_start3A_81 = arith.constant 0 : i32
        %dma_start3A_82 = tpu.memref_slice %arg7[%add3A_75, %dma_start3A_81] : memref<10248x128xf32, #tpu.memory_space<vmem_shared>> -> memref<8x128xf32, #tpu.memory_space<vmem_shared>>
        %dma_start3A_83 = arith.constant 0 : i32
        %dma_start3A_84 = arith.constant 0 : i32
        %dma_start3A_85 = tpu.memref_slice %arg13[%dma_start3A_83, %dma_start3A_84] : memref<128x128xf32, #tpu.memory_space<vmem>> -> memref<8x128xf32, #tpu.memory_space<vmem>>
        %dma_start3A_86 = arith.constant 0 : i32
        %dma_start3A_87 = tpu.memref_slice %arg7[%add3A_75, %dma_start3A_86] : memref<10248x128xf32, #tpu.memory_space<vmem_shared>> -> memref<8x128xf32, #tpu.memory_space<vmem_shared>>
        tpu.enqueue_dma source(%dma_start3A_87 : memref<8x128xf32, #tpu.memory_space<vmem_shared>>) target(%dma_start3A_85 : memref<8x128xf32, #tpu.memory_space<vmem>>) target_semaphore(%run_scoped3A : memref<!tpu.dma_semaphore, #tpu.memory_space<semaphore_mem>>)
        %dma_wait3A_88 = arith.constant 0 : i32
        %dma_wait3A_89 = arith.constant 0 : i32
        %dma_wait3A_90 = tpu.memref_slice %arg13[%dma_wait3A_88, %dma_wait3A_89] : memref<128x128xf32, #tpu.memory_space<vmem>> -> memref<8x128xf32, #tpu.memory_space<vmem>>
        %dma_wait3A_91 = arith.constant 0 : i32
        %dma_wait3A_92 = tpu.memref_slice %arg7[%add3A_75, %dma_wait3A_91] : memref<10248x128xf32, #tpu.memory_space<vmem_shared>> -> memref<8x128xf32, #tpu.memory_space<vmem_shared>>
        %dma_wait3A_93 = arith.constant 0 : i32
        %dma_wait3A_94 = arith.constant 0 : i32
        %dma_wait3A_95 = tpu.memref_slice %arg13[%dma_wait3A_93, %dma_wait3A_94] : memref<128x128xf32, #tpu.memory_space<vmem>> -> memref<8x128xf32, #tpu.memory_space<vmem>>
        %dma_wait3A_96 = arith.constant 0 : i32
        %dma_wait3A_97 = tpu.memref_slice %arg7[%add3A_75, %dma_wait3A_96] : memref<10248x128xf32, #tpu.memory_space<vmem_shared>> -> memref<8x128xf32, #tpu.memory_space<vmem_shared>>
        tpu.wait_dma2 semaphore(%run_scoped3A : memref<!tpu.dma_semaphore, #tpu.memory_space<semaphore_mem>>) src(%dma_wait3A_97 : memref<8x128xf32, #tpu.memory_space<vmem_shared>>) dst(%dma_wait3A_95 : memref<8x128xf32, #tpu.memory_space<vmem>>)
        tpu.yield
      }) : () -> ()
      %add3A_76 = arith.constant 640 : i32
      %add3A_77 = arith.addi %add3A_43, %add3A_76 : i32
      "tpu.region"() ({
        %run_scoped3A = tpu.sem_alloc : memref<!tpu.dma_semaphore, #tpu.memory_space<semaphore_mem>>
        %dma_start3A_78 = arith.constant 0 : i32
        %dma_start3A_79 = arith.constant 0 : i32
        %dma_start3A_80 = tpu.memref_slice %arg13[%dma_start3A_78, %dma_start3A_79] : memref<128x128xf32, #tpu.memory_space<vmem>> -> memref<8x128xf32, #tpu.memory_space<vmem>>
        %dma_start3A_81 = arith.constant 0 : i32
        %dma_start3A_82 = tpu.memref_slice %arg6[%add3A_77, %dma_start3A_81] : memref<20496x128xf32, #tpu.memory_space<hbm>> -> memref<8x128xf32, #tpu.memory_space<hbm>>
        %dma_start3A_83 = arith.constant 0 : i32
        %dma_start3A_84 = tpu.memref_slice %arg6[%add3A_77, %dma_start3A_83] : memref<20496x128xf32, #tpu.memory_space<hbm>> -> memref<8x128xf32, #tpu.memory_space<hbm>>
        %dma_start3A_85 = arith.constant 0 : i32
        %dma_start3A_86 = arith.constant 0 : i32
        %dma_start3A_87 = tpu.memref_slice %arg13[%dma_start3A_85, %dma_start3A_86] : memref<128x128xf32, #tpu.memory_space<vmem>> -> memref<8x128xf32, #tpu.memory_space<vmem>>
        tpu.enqueue_dma source(%dma_start3A_87 : memref<8x128xf32, #tpu.memory_space<vmem>>) target(%dma_start3A_84 : memref<8x128xf32, #tpu.memory_space<hbm>>) target_semaphore(%run_scoped3A : memref<!tpu.dma_semaphore, #tpu.memory_space<semaphore_mem>>)
        %dma_wait3A_88 = arith.constant 0 : i32
        %dma_wait3A_89 = arith.constant 0 : i32
        %dma_wait3A_90 = tpu.memref_slice %arg13[%dma_wait3A_88, %dma_wait3A_89] : memref<128x128xf32, #tpu.memory_space<vmem>> -> memref<8x128xf32, #tpu.memory_space<vmem>>
        %dma_wait3A_91 = arith.constant 0 : i32
        %dma_wait3A_92 = tpu.memref_slice %arg6[%add3A_77, %dma_wait3A_91] : memref<20496x128xf32, #tpu.memory_space<hbm>> -> memref<8x128xf32, #tpu.memory_space<hbm>>
        %dma_wait3A_93 = arith.constant 0 : i32
        %dma_wait3A_94 = tpu.memref_slice %arg6[%add3A_77, %dma_wait3A_93] : memref<20496x128xf32, #tpu.memory_space<hbm>> -> memref<8x128xf32, #tpu.memory_space<hbm>>
        %dma_wait3A_95 = arith.constant 0 : i32
        %dma_wait3A_96 = arith.constant 0 : i32
        %dma_wait3A_97 = tpu.memref_slice %arg13[%dma_wait3A_95, %dma_wait3A_96] : memref<128x128xf32, #tpu.memory_space<vmem>> -> memref<8x128xf32, #tpu.memory_space<vmem>>
        tpu.wait_dma2 semaphore(%run_scoped3A : memref<!tpu.dma_semaphore, #tpu.memory_space<semaphore_mem>>) src(%dma_wait3A_97 : memref<8x128xf32, #tpu.memory_space<vmem>>) dst(%dma_wait3A_94 : memref<8x128xf32, #tpu.memory_space<hbm>>)
        tpu.yield
      }) : () -> ()
    } else {
    }
    %eq3A_49 = arith.constant 15 : i32
    %eq3A_50 = arith.cmpi eq, %arg1, %eq3A_49 : i32
    %convert_element_type3A_51 = arith.extui %eq3A_50 : i1 to i32
    %cond3A_52 = arith.constant 0 : i32
    %cond3A_53 = arith.cmpi ne, %convert_element_type3A_51, %cond3A_52 : i32
    scf.if %cond3A_53 {
      %add3A_54 = arith.constant 0 : i32
      %add3A_55 = arith.addi %mul3A_2, %add3A_54 : i32
      "tpu.region"() ({
        %run_scoped3A = tpu.sem_alloc : memref<!tpu.dma_semaphore, #tpu.memory_space<semaphore_mem>>
        %dma_start3A_74 = arith.constant 0 : i32
        %dma_start3A_75 = arith.constant 0 : i32
        %dma_start3A_76 = tpu.memref_slice %arg13[%dma_start3A_74, %dma_start3A_75] : memref<128x128xf32, #tpu.memory_space<vmem>> -> memref<128x128xf32, #tpu.memory_space<vmem>>
        %dma_start3A_77 = arith.constant 0 : i32
        %dma_start3A_78 = tpu.memref_slice %arg7[%add3A_55, %dma_start3A_77] : memref<10248x128xf32, #tpu.memory_space<vmem_shared>> -> memref<128x128xf32, #tpu.memory_space<vmem_shared>>
        %dma_start3A_79 = arith.constant 0 : i32
        %dma_start3A_80 = arith.constant 0 : i32
        %dma_start3A_81 = tpu.memref_slice %arg13[%dma_start3A_79, %dma_start3A_80] : memref<128x128xf32, #tpu.memory_space<vmem>> -> memref<128x128xf32, #tpu.memory_space<vmem>>
        %dma_start3A_82 = arith.constant 0 : i32
        %dma_start3A_83 = tpu.memref_slice %arg7[%add3A_55, %dma_start3A_82] : memref<10248x128xf32, #tpu.memory_space<vmem_shared>> -> memref<128x128xf32, #tpu.memory_space<vmem_shared>>
        tpu.enqueue_dma source(%dma_start3A_83 : memref<128x128xf32, #tpu.memory_space<vmem_shared>>) target(%dma_start3A_81 : memref<128x128xf32, #tpu.memory_space<vmem>>) target_semaphore(%run_scoped3A : memref<!tpu.dma_semaphore, #tpu.memory_space<semaphore_mem>>)
        %dma_wait3A_84 = arith.constant 0 : i32
        %dma_wait3A_85 = arith.constant 0 : i32
        %dma_wait3A_86 = tpu.memref_slice %arg13[%dma_wait3A_84, %dma_wait3A_85] : memref<128x128xf32, #tpu.memory_space<vmem>> -> memref<128x128xf32, #tpu.memory_space<vmem>>
        %dma_wait3A_87 = arith.constant 0 : i32
        %dma_wait3A_88 = tpu.memref_slice %arg7[%add3A_55, %dma_wait3A_87] : memref<10248x128xf32, #tpu.memory_space<vmem_shared>> -> memref<128x128xf32, #tpu.memory_space<vmem_shared>>
        %dma_wait3A_89 = arith.constant 0 : i32
        %dma_wait3A_90 = arith.constant 0 : i32
        %dma_wait3A_91 = tpu.memref_slice %arg13[%dma_wait3A_89, %dma_wait3A_90] : memref<128x128xf32, #tpu.memory_space<vmem>> -> memref<128x128xf32, #tpu.memory_space<vmem>>
        %dma_wait3A_92 = arith.constant 0 : i32
        %dma_wait3A_93 = tpu.memref_slice %arg7[%add3A_55, %dma_wait3A_92] : memref<10248x128xf32, #tpu.memory_space<vmem_shared>> -> memref<128x128xf32, #tpu.memory_space<vmem_shared>>
        tpu.wait_dma2 semaphore(%run_scoped3A : memref<!tpu.dma_semaphore, #tpu.memory_space<semaphore_mem>>) src(%dma_wait3A_93 : memref<128x128xf32, #tpu.memory_space<vmem_shared>>) dst(%dma_wait3A_91 : memref<128x128xf32, #tpu.memory_space<vmem>>)
        tpu.yield
      }) : () -> ()
      %add3A_56 = arith.constant 0 : i32
      %add3A_57 = arith.addi %add3A_43, %add3A_56 : i32
      "tpu.region"() ({
        %run_scoped3A = tpu.sem_alloc : memref<!tpu.dma_semaphore, #tpu.memory_space<semaphore_mem>>
        %dma_start3A_74 = arith.constant 0 : i32
        %dma_start3A_75 = arith.constant 0 : i32
        %dma_start3A_76 = tpu.memref_slice %arg13[%dma_start3A_74, %dma_start3A_75] : memref<128x128xf32, #tpu.memory_space<vmem>> -> memref<128x128xf32, #tpu.memory_space<vmem>>
        %dma_start3A_77 = arith.constant 0 : i32
        %dma_start3A_78 = tpu.memref_slice %arg6[%add3A_57, %dma_start3A_77] : memref<20496x128xf32, #tpu.memory_space<hbm>> -> memref<128x128xf32, #tpu.memory_space<hbm>>
        %dma_start3A_79 = arith.constant 0 : i32
        %dma_start3A_80 = tpu.memref_slice %arg6[%add3A_57, %dma_start3A_79] : memref<20496x128xf32, #tpu.memory_space<hbm>> -> memref<128x128xf32, #tpu.memory_space<hbm>>
        %dma_start3A_81 = arith.constant 0 : i32
        %dma_start3A_82 = arith.constant 0 : i32
        %dma_start3A_83 = tpu.memref_slice %arg13[%dma_start3A_81, %dma_start3A_82] : memref<128x128xf32, #tpu.memory_space<vmem>> -> memref<128x128xf32, #tpu.memory_space<vmem>>
        tpu.enqueue_dma source(%dma_start3A_83 : memref<128x128xf32, #tpu.memory_space<vmem>>) target(%dma_start3A_80 : memref<128x128xf32, #tpu.memory_space<hbm>>) target_semaphore(%run_scoped3A : memref<!tpu.dma_semaphore, #tpu.memory_space<semaphore_mem>>)
        %dma_wait3A_84 = arith.constant 0 : i32
        %dma_wait3A_85 = arith.constant 0 : i32
        %dma_wait3A_86 = tpu.memref_slice %arg13[%dma_wait3A_84, %dma_wait3A_85] : memref<128x128xf32, #tpu.memory_space<vmem>> -> memref<128x128xf32, #tpu.memory_space<vmem>>
        %dma_wait3A_87 = arith.constant 0 : i32
        %dma_wait3A_88 = tpu.memref_slice %arg6[%add3A_57, %dma_wait3A_87] : memref<20496x128xf32, #tpu.memory_space<hbm>> -> memref<128x128xf32, #tpu.memory_space<hbm>>
        %dma_wait3A_89 = arith.constant 0 : i32
        %dma_wait3A_90 = tpu.memref_slice %arg6[%add3A_57, %dma_wait3A_89] : memref<20496x128xf32, #tpu.memory_space<hbm>> -> memref<128x128xf32, #tpu.memory_space<hbm>>
        %dma_wait3A_91 = arith.constant 0 : i32
        %dma_wait3A_92 = arith.constant 0 : i32
        %dma_wait3A_93 = tpu.memref_slice %arg13[%dma_wait3A_91, %dma_wait3A_92] : memref<128x128xf32, #tpu.memory_space<vmem>> -> memref<128x128xf32, #tpu.memory_space<vmem>>
        tpu.wait_dma2 semaphore(%run_scoped3A : memref<!tpu.dma_semaphore, #tpu.memory_space<semaphore_mem>>) src(%dma_wait3A_93 : memref<128x128xf32, #tpu.memory_space<vmem>>) dst(%dma_wait3A_90 : memref<128x128xf32, #tpu.memory_space<hbm>>)
        tpu.yield
      }) : () -> ()
      %add3A_58 = arith.constant 128 : i32
      %add3A_59 = arith.addi %mul3A_2, %add3A_58 : i32
      "tpu.region"() ({
        %run_scoped3A = tpu.sem_alloc : memref<!tpu.dma_semaphore, #tpu.memory_space<semaphore_mem>>
        %dma_start3A_74 = arith.constant 0 : i32
        %dma_start3A_75 = arith.constant 0 : i32
        %dma_start3A_76 = tpu.memref_slice %arg13[%dma_start3A_74, %dma_start3A_75] : memref<128x128xf32, #tpu.memory_space<vmem>> -> memref<128x128xf32, #tpu.memory_space<vmem>>
        %dma_start3A_77 = arith.constant 0 : i32
        %dma_start3A_78 = tpu.memref_slice %arg7[%add3A_59, %dma_start3A_77] : memref<10248x128xf32, #tpu.memory_space<vmem_shared>> -> memref<128x128xf32, #tpu.memory_space<vmem_shared>>
        %dma_start3A_79 = arith.constant 0 : i32
        %dma_start3A_80 = arith.constant 0 : i32
        %dma_start3A_81 = tpu.memref_slice %arg13[%dma_start3A_79, %dma_start3A_80] : memref<128x128xf32, #tpu.memory_space<vmem>> -> memref<128x128xf32, #tpu.memory_space<vmem>>
        %dma_start3A_82 = arith.constant 0 : i32
        %dma_start3A_83 = tpu.memref_slice %arg7[%add3A_59, %dma_start3A_82] : memref<10248x128xf32, #tpu.memory_space<vmem_shared>> -> memref<128x128xf32, #tpu.memory_space<vmem_shared>>
        tpu.enqueue_dma source(%dma_start3A_83 : memref<128x128xf32, #tpu.memory_space<vmem_shared>>) target(%dma_start3A_81 : memref<128x128xf32, #tpu.memory_space<vmem>>) target_semaphore(%run_scoped3A : memref<!tpu.dma_semaphore, #tpu.memory_space<semaphore_mem>>)
        %dma_wait3A_84 = arith.constant 0 : i32
        %dma_wait3A_85 = arith.constant 0 : i32
        %dma_wait3A_86 = tpu.memref_slice %arg13[%dma_wait3A_84, %dma_wait3A_85] : memref<128x128xf32, #tpu.memory_space<vmem>> -> memref<128x128xf32, #tpu.memory_space<vmem>>
        %dma_wait3A_87 = arith.constant 0 : i32
        %dma_wait3A_88 = tpu.memref_slice %arg7[%add3A_59, %dma_wait3A_87] : memref<10248x128xf32, #tpu.memory_space<vmem_shared>> -> memref<128x128xf32, #tpu.memory_space<vmem_shared>>
        %dma_wait3A_89 = arith.constant 0 : i32
        %dma_wait3A_90 = arith.constant 0 : i32
        %dma_wait3A_91 = tpu.memref_slice %arg13[%dma_wait3A_89, %dma_wait3A_90] : memref<128x128xf32, #tpu.memory_space<vmem>> -> memref<128x128xf32, #tpu.memory_space<vmem>>
        %dma_wait3A_92 = arith.constant 0 : i32
        %dma_wait3A_93 = tpu.memref_slice %arg7[%add3A_59, %dma_wait3A_92] : memref<10248x128xf32, #tpu.memory_space<vmem_shared>> -> memref<128x128xf32, #tpu.memory_space<vmem_shared>>
        tpu.wait_dma2 semaphore(%run_scoped3A : memref<!tpu.dma_semaphore, #tpu.memory_space<semaphore_mem>>) src(%dma_wait3A_93 : memref<128x128xf32, #tpu.memory_space<vmem_shared>>) dst(%dma_wait3A_91 : memref<128x128xf32, #tpu.memory_space<vmem>>)
        tpu.yield
      }) : () -> ()
      %add3A_60 = arith.constant 128 : i32
      %add3A_61 = arith.addi %add3A_43, %add3A_60 : i32
      "tpu.region"() ({
        %run_scoped3A = tpu.sem_alloc : memref<!tpu.dma_semaphore, #tpu.memory_space<semaphore_mem>>
        %dma_start3A_74 = arith.constant 0 : i32
        %dma_start3A_75 = arith.constant 0 : i32
        %dma_start3A_76 = tpu.memref_slice %arg13[%dma_start3A_74, %dma_start3A_75] : memref<128x128xf32, #tpu.memory_space<vmem>> -> memref<128x128xf32, #tpu.memory_space<vmem>>
        %dma_start3A_77 = arith.constant 0 : i32
        %dma_start3A_78 = tpu.memref_slice %arg6[%add3A_61, %dma_start3A_77] : memref<20496x128xf32, #tpu.memory_space<hbm>> -> memref<128x128xf32, #tpu.memory_space<hbm>>
        %dma_start3A_79 = arith.constant 0 : i32
        %dma_start3A_80 = tpu.memref_slice %arg6[%add3A_61, %dma_start3A_79] : memref<20496x128xf32, #tpu.memory_space<hbm>> -> memref<128x128xf32, #tpu.memory_space<hbm>>
        %dma_start3A_81 = arith.constant 0 : i32
        %dma_start3A_82 = arith.constant 0 : i32
        %dma_start3A_83 = tpu.memref_slice %arg13[%dma_start3A_81, %dma_start3A_82] : memref<128x128xf32, #tpu.memory_space<vmem>> -> memref<128x128xf32, #tpu.memory_space<vmem>>
        tpu.enqueue_dma source(%dma_start3A_83 : memref<128x128xf32, #tpu.memory_space<vmem>>) target(%dma_start3A_80 : memref<128x128xf32, #tpu.memory_space<hbm>>) target_semaphore(%run_scoped3A : memref<!tpu.dma_semaphore, #tpu.memory_space<semaphore_mem>>)
        %dma_wait3A_84 = arith.constant 0 : i32
        %dma_wait3A_85 = arith.constant 0 : i32
        %dma_wait3A_86 = tpu.memref_slice %arg13[%dma_wait3A_84, %dma_wait3A_85] : memref<128x128xf32, #tpu.memory_space<vmem>> -> memref<128x128xf32, #tpu.memory_space<vmem>>
        %dma_wait3A_87 = arith.constant 0 : i32
        %dma_wait3A_88 = tpu.memref_slice %arg6[%add3A_61, %dma_wait3A_87] : memref<20496x128xf32, #tpu.memory_space<hbm>> -> memref<128x128xf32, #tpu.memory_space<hbm>>
        %dma_wait3A_89 = arith.constant 0 : i32
        %dma_wait3A_90 = tpu.memref_slice %arg6[%add3A_61, %dma_wait3A_89] : memref<20496x128xf32, #tpu.memory_space<hbm>> -> memref<128x128xf32, #tpu.memory_space<hbm>>
        %dma_wait3A_91 = arith.constant 0 : i32
        %dma_wait3A_92 = arith.constant 0 : i32
        %dma_wait3A_93 = tpu.memref_slice %arg13[%dma_wait3A_91, %dma_wait3A_92] : memref<128x128xf32, #tpu.memory_space<vmem>> -> memref<128x128xf32, #tpu.memory_space<vmem>>
        tpu.wait_dma2 semaphore(%run_scoped3A : memref<!tpu.dma_semaphore, #tpu.memory_space<semaphore_mem>>) src(%dma_wait3A_93 : memref<128x128xf32, #tpu.memory_space<vmem>>) dst(%dma_wait3A_90 : memref<128x128xf32, #tpu.memory_space<hbm>>)
        tpu.yield
      }) : () -> ()
      %add3A_62 = arith.constant 256 : i32
      %add3A_63 = arith.addi %mul3A_2, %add3A_62 : i32
      "tpu.region"() ({
        %run_scoped3A = tpu.sem_alloc : memref<!tpu.dma_semaphore, #tpu.memory_space<semaphore_mem>>
        %dma_start3A_74 = arith.constant 0 : i32
        %dma_start3A_75 = arith.constant 0 : i32
        %dma_start3A_76 = tpu.memref_slice %arg13[%dma_start3A_74, %dma_start3A_75] : memref<128x128xf32, #tpu.memory_space<vmem>> -> memref<128x128xf32, #tpu.memory_space<vmem>>
        %dma_start3A_77 = arith.constant 0 : i32
        %dma_start3A_78 = tpu.memref_slice %arg7[%add3A_63, %dma_start3A_77] : memref<10248x128xf32, #tpu.memory_space<vmem_shared>> -> memref<128x128xf32, #tpu.memory_space<vmem_shared>>
        %dma_start3A_79 = arith.constant 0 : i32
        %dma_start3A_80 = arith.constant 0 : i32
        %dma_start3A_81 = tpu.memref_slice %arg13[%dma_start3A_79, %dma_start3A_80] : memref<128x128xf32, #tpu.memory_space<vmem>> -> memref<128x128xf32, #tpu.memory_space<vmem>>
        %dma_start3A_82 = arith.constant 0 : i32
        %dma_start3A_83 = tpu.memref_slice %arg7[%add3A_63, %dma_start3A_82] : memref<10248x128xf32, #tpu.memory_space<vmem_shared>> -> memref<128x128xf32, #tpu.memory_space<vmem_shared>>
        tpu.enqueue_dma source(%dma_start3A_83 : memref<128x128xf32, #tpu.memory_space<vmem_shared>>) target(%dma_start3A_81 : memref<128x128xf32, #tpu.memory_space<vmem>>) target_semaphore(%run_scoped3A : memref<!tpu.dma_semaphore, #tpu.memory_space<semaphore_mem>>)
        %dma_wait3A_84 = arith.constant 0 : i32
        %dma_wait3A_85 = arith.constant 0 : i32
        %dma_wait3A_86 = tpu.memref_slice %arg13[%dma_wait3A_84, %dma_wait3A_85] : memref<128x128xf32, #tpu.memory_space<vmem>> -> memref<128x128xf32, #tpu.memory_space<vmem>>
        %dma_wait3A_87 = arith.constant 0 : i32
        %dma_wait3A_88 = tpu.memref_slice %arg7[%add3A_63, %dma_wait3A_87] : memref<10248x128xf32, #tpu.memory_space<vmem_shared>> -> memref<128x128xf32, #tpu.memory_space<vmem_shared>>
        %dma_wait3A_89 = arith.constant 0 : i32
        %dma_wait3A_90 = arith.constant 0 : i32
        %dma_wait3A_91 = tpu.memref_slice %arg13[%dma_wait3A_89, %dma_wait3A_90] : memref<128x128xf32, #tpu.memory_space<vmem>> -> memref<128x128xf32, #tpu.memory_space<vmem>>
        %dma_wait3A_92 = arith.constant 0 : i32
        %dma_wait3A_93 = tpu.memref_slice %arg7[%add3A_63, %dma_wait3A_92] : memref<10248x128xf32, #tpu.memory_space<vmem_shared>> -> memref<128x128xf32, #tpu.memory_space<vmem_shared>>
        tpu.wait_dma2 semaphore(%run_scoped3A : memref<!tpu.dma_semaphore, #tpu.memory_space<semaphore_mem>>) src(%dma_wait3A_93 : memref<128x128xf32, #tpu.memory_space<vmem_shared>>) dst(%dma_wait3A_91 : memref<128x128xf32, #tpu.memory_space<vmem>>)
        tpu.yield
      }) : () -> ()
      %add3A_64 = arith.constant 256 : i32
      %add3A_65 = arith.addi %add3A_43, %add3A_64 : i32
      "tpu.region"() ({
        %run_scoped3A = tpu.sem_alloc : memref<!tpu.dma_semaphore, #tpu.memory_space<semaphore_mem>>
        %dma_start3A_74 = arith.constant 0 : i32
        %dma_start3A_75 = arith.constant 0 : i32
        %dma_start3A_76 = tpu.memref_slice %arg13[%dma_start3A_74, %dma_start3A_75] : memref<128x128xf32, #tpu.memory_space<vmem>> -> memref<128x128xf32, #tpu.memory_space<vmem>>
        %dma_start3A_77 = arith.constant 0 : i32
        %dma_start3A_78 = tpu.memref_slice %arg6[%add3A_65, %dma_start3A_77] : memref<20496x128xf32, #tpu.memory_space<hbm>> -> memref<128x128xf32, #tpu.memory_space<hbm>>
        %dma_start3A_79 = arith.constant 0 : i32
        %dma_start3A_80 = tpu.memref_slice %arg6[%add3A_65, %dma_start3A_79] : memref<20496x128xf32, #tpu.memory_space<hbm>> -> memref<128x128xf32, #tpu.memory_space<hbm>>
        %dma_start3A_81 = arith.constant 0 : i32
        %dma_start3A_82 = arith.constant 0 : i32
        %dma_start3A_83 = tpu.memref_slice %arg13[%dma_start3A_81, %dma_start3A_82] : memref<128x128xf32, #tpu.memory_space<vmem>> -> memref<128x128xf32, #tpu.memory_space<vmem>>
        tpu.enqueue_dma source(%dma_start3A_83 : memref<128x128xf32, #tpu.memory_space<vmem>>) target(%dma_start3A_80 : memref<128x128xf32, #tpu.memory_space<hbm>>) target_semaphore(%run_scoped3A : memref<!tpu.dma_semaphore, #tpu.memory_space<semaphore_mem>>)
        %dma_wait3A_84 = arith.constant 0 : i32
        %dma_wait3A_85 = arith.constant 0 : i32
        %dma_wait3A_86 = tpu.memref_slice %arg13[%dma_wait3A_84, %dma_wait3A_85] : memref<128x128xf32, #tpu.memory_space<vmem>> -> memref<128x128xf32, #tpu.memory_space<vmem>>
        %dma_wait3A_87 = arith.constant 0 : i32
        %dma_wait3A_88 = tpu.memref_slice %arg6[%add3A_65, %dma_wait3A_87] : memref<20496x128xf32, #tpu.memory_space<hbm>> -> memref<128x128xf32, #tpu.memory_space<hbm>>
        %dma_wait3A_89 = arith.constant 0 : i32
        %dma_wait3A_90 = tpu.memref_slice %arg6[%add3A_65, %dma_wait3A_89] : memref<20496x128xf32, #tpu.memory_space<hbm>> -> memref<128x128xf32, #tpu.memory_space<hbm>>
        %dma_wait3A_91 = arith.constant 0 : i32
        %dma_wait3A_92 = arith.constant 0 : i32
        %dma_wait3A_93 = tpu.memref_slice %arg13[%dma_wait3A_91, %dma_wait3A_92] : memref<128x128xf32, #tpu.memory_space<vmem>> -> memref<128x128xf32, #tpu.memory_space<vmem>>
        tpu.wait_dma2 semaphore(%run_scoped3A : memref<!tpu.dma_semaphore, #tpu.memory_space<semaphore_mem>>) src(%dma_wait3A_93 : memref<128x128xf32, #tpu.memory_space<vmem>>) dst(%dma_wait3A_90 : memref<128x128xf32, #tpu.memory_space<hbm>>)
        tpu.yield
      }) : () -> ()
      %add3A_66 = arith.constant 384 : i32
      %add3A_67 = arith.addi %mul3A_2, %add3A_66 : i32
      "tpu.region"() ({
        %run_scoped3A = tpu.sem_alloc : memref<!tpu.dma_semaphore, #tpu.memory_space<semaphore_mem>>
        %dma_start3A_74 = arith.constant 0 : i32
        %dma_start3A_75 = arith.constant 0 : i32
        %dma_start3A_76 = tpu.memref_slice %arg13[%dma_start3A_74, %dma_start3A_75] : memref<128x128xf32, #tpu.memory_space<vmem>> -> memref<128x128xf32, #tpu.memory_space<vmem>>
        %dma_start3A_77 = arith.constant 0 : i32
        %dma_start3A_78 = tpu.memref_slice %arg7[%add3A_67, %dma_start3A_77] : memref<10248x128xf32, #tpu.memory_space<vmem_shared>> -> memref<128x128xf32, #tpu.memory_space<vmem_shared>>
        %dma_start3A_79 = arith.constant 0 : i32
        %dma_start3A_80 = arith.constant 0 : i32
        %dma_start3A_81 = tpu.memref_slice %arg13[%dma_start3A_79, %dma_start3A_80] : memref<128x128xf32, #tpu.memory_space<vmem>> -> memref<128x128xf32, #tpu.memory_space<vmem>>
        %dma_start3A_82 = arith.constant 0 : i32
        %dma_start3A_83 = tpu.memref_slice %arg7[%add3A_67, %dma_start3A_82] : memref<10248x128xf32, #tpu.memory_space<vmem_shared>> -> memref<128x128xf32, #tpu.memory_space<vmem_shared>>
        tpu.enqueue_dma source(%dma_start3A_83 : memref<128x128xf32, #tpu.memory_space<vmem_shared>>) target(%dma_start3A_81 : memref<128x128xf32, #tpu.memory_space<vmem>>) target_semaphore(%run_scoped3A : memref<!tpu.dma_semaphore, #tpu.memory_space<semaphore_mem>>)
        %dma_wait3A_84 = arith.constant 0 : i32
        %dma_wait3A_85 = arith.constant 0 : i32
        %dma_wait3A_86 = tpu.memref_slice %arg13[%dma_wait3A_84, %dma_wait3A_85] : memref<128x128xf32, #tpu.memory_space<vmem>> -> memref<128x128xf32, #tpu.memory_space<vmem>>
        %dma_wait3A_87 = arith.constant 0 : i32
        %dma_wait3A_88 = tpu.memref_slice %arg7[%add3A_67, %dma_wait3A_87] : memref<10248x128xf32, #tpu.memory_space<vmem_shared>> -> memref<128x128xf32, #tpu.memory_space<vmem_shared>>
        %dma_wait3A_89 = arith.constant 0 : i32
        %dma_wait3A_90 = arith.constant 0 : i32
        %dma_wait3A_91 = tpu.memref_slice %arg13[%dma_wait3A_89, %dma_wait3A_90] : memref<128x128xf32, #tpu.memory_space<vmem>> -> memref<128x128xf32, #tpu.memory_space<vmem>>
        %dma_wait3A_92 = arith.constant 0 : i32
        %dma_wait3A_93 = tpu.memref_slice %arg7[%add3A_67, %dma_wait3A_92] : memref<10248x128xf32, #tpu.memory_space<vmem_shared>> -> memref<128x128xf32, #tpu.memory_space<vmem_shared>>
        tpu.wait_dma2 semaphore(%run_scoped3A : memref<!tpu.dma_semaphore, #tpu.memory_space<semaphore_mem>>) src(%dma_wait3A_93 : memref<128x128xf32, #tpu.memory_space<vmem_shared>>) dst(%dma_wait3A_91 : memref<128x128xf32, #tpu.memory_space<vmem>>)
        tpu.yield
      }) : () -> ()
      %add3A_68 = arith.constant 384 : i32
      %add3A_69 = arith.addi %add3A_43, %add3A_68 : i32
      "tpu.region"() ({
        %run_scoped3A = tpu.sem_alloc : memref<!tpu.dma_semaphore, #tpu.memory_space<semaphore_mem>>
        %dma_start3A_74 = arith.constant 0 : i32
        %dma_start3A_75 = arith.constant 0 : i32
        %dma_start3A_76 = tpu.memref_slice %arg13[%dma_start3A_74, %dma_start3A_75] : memref<128x128xf32, #tpu.memory_space<vmem>> -> memref<128x128xf32, #tpu.memory_space<vmem>>
        %dma_start3A_77 = arith.constant 0 : i32
        %dma_start3A_78 = tpu.memref_slice %arg6[%add3A_69, %dma_start3A_77] : memref<20496x128xf32, #tpu.memory_space<hbm>> -> memref<128x128xf32, #tpu.memory_space<hbm>>
        %dma_start3A_79 = arith.constant 0 : i32
        %dma_start3A_80 = tpu.memref_slice %arg6[%add3A_69, %dma_start3A_79] : memref<20496x128xf32, #tpu.memory_space<hbm>> -> memref<128x128xf32, #tpu.memory_space<hbm>>
        %dma_start3A_81 = arith.constant 0 : i32
        %dma_start3A_82 = arith.constant 0 : i32
        %dma_start3A_83 = tpu.memref_slice %arg13[%dma_start3A_81, %dma_start3A_82] : memref<128x128xf32, #tpu.memory_space<vmem>> -> memref<128x128xf32, #tpu.memory_space<vmem>>
        tpu.enqueue_dma source(%dma_start3A_83 : memref<128x128xf32, #tpu.memory_space<vmem>>) target(%dma_start3A_80 : memref<128x128xf32, #tpu.memory_space<hbm>>) target_semaphore(%run_scoped3A : memref<!tpu.dma_semaphore, #tpu.memory_space<semaphore_mem>>)
        %dma_wait3A_84 = arith.constant 0 : i32
        %dma_wait3A_85 = arith.constant 0 : i32
        %dma_wait3A_86 = tpu.memref_slice %arg13[%dma_wait3A_84, %dma_wait3A_85] : memref<128x128xf32, #tpu.memory_space<vmem>> -> memref<128x128xf32, #tpu.memory_space<vmem>>
        %dma_wait3A_87 = arith.constant 0 : i32
        %dma_wait3A_88 = tpu.memref_slice %arg6[%add3A_69, %dma_wait3A_87] : memref<20496x128xf32, #tpu.memory_space<hbm>> -> memref<128x128xf32, #tpu.memory_space<hbm>>
        %dma_wait3A_89 = arith.constant 0 : i32
        %dma_wait3A_90 = tpu.memref_slice %arg6[%add3A_69, %dma_wait3A_89] : memref<20496x128xf32, #tpu.memory_space<hbm>> -> memref<128x128xf32, #tpu.memory_space<hbm>>
        %dma_wait3A_91 = arith.constant 0 : i32
        %dma_wait3A_92 = arith.constant 0 : i32
        %dma_wait3A_93 = tpu.memref_slice %arg13[%dma_wait3A_91, %dma_wait3A_92] : memref<128x128xf32, #tpu.memory_space<vmem>> -> memref<128x128xf32, #tpu.memory_space<vmem>>
        tpu.wait_dma2 semaphore(%run_scoped3A : memref<!tpu.dma_semaphore, #tpu.memory_space<semaphore_mem>>) src(%dma_wait3A_93 : memref<128x128xf32, #tpu.memory_space<vmem>>) dst(%dma_wait3A_90 : memref<128x128xf32, #tpu.memory_space<hbm>>)
        tpu.yield
      }) : () -> ()
      %add3A_70 = arith.constant 512 : i32
      %add3A_71 = arith.addi %mul3A_2, %add3A_70 : i32
      "tpu.region"() ({
        %run_scoped3A = tpu.sem_alloc : memref<!tpu.dma_semaphore, #tpu.memory_space<semaphore_mem>>
        %dma_start3A_74 = arith.constant 0 : i32
        %dma_start3A_75 = arith.constant 0 : i32
        %dma_start3A_76 = tpu.memref_slice %arg13[%dma_start3A_74, %dma_start3A_75] : memref<128x128xf32, #tpu.memory_space<vmem>> -> memref<16x128xf32, #tpu.memory_space<vmem>>
        %dma_start3A_77 = arith.constant 0 : i32
        %dma_start3A_78 = tpu.memref_slice %arg7[%add3A_71, %dma_start3A_77] : memref<10248x128xf32, #tpu.memory_space<vmem_shared>> -> memref<16x128xf32, #tpu.memory_space<vmem_shared>>
        %dma_start3A_79 = arith.constant 0 : i32
        %dma_start3A_80 = arith.constant 0 : i32
        %dma_start3A_81 = tpu.memref_slice %arg13[%dma_start3A_79, %dma_start3A_80] : memref<128x128xf32, #tpu.memory_space<vmem>> -> memref<16x128xf32, #tpu.memory_space<vmem>>
        %dma_start3A_82 = arith.constant 0 : i32
        %dma_start3A_83 = tpu.memref_slice %arg7[%add3A_71, %dma_start3A_82] : memref<10248x128xf32, #tpu.memory_space<vmem_shared>> -> memref<16x128xf32, #tpu.memory_space<vmem_shared>>
        tpu.enqueue_dma source(%dma_start3A_83 : memref<16x128xf32, #tpu.memory_space<vmem_shared>>) target(%dma_start3A_81 : memref<16x128xf32, #tpu.memory_space<vmem>>) target_semaphore(%run_scoped3A : memref<!tpu.dma_semaphore, #tpu.memory_space<semaphore_mem>>)
        %dma_wait3A_84 = arith.constant 0 : i32
        %dma_wait3A_85 = arith.constant 0 : i32
        %dma_wait3A_86 = tpu.memref_slice %arg13[%dma_wait3A_84, %dma_wait3A_85] : memref<128x128xf32, #tpu.memory_space<vmem>> -> memref<16x128xf32, #tpu.memory_space<vmem>>
        %dma_wait3A_87 = arith.constant 0 : i32
        %dma_wait3A_88 = tpu.memref_slice %arg7[%add3A_71, %dma_wait3A_87] : memref<10248x128xf32, #tpu.memory_space<vmem_shared>> -> memref<16x128xf32, #tpu.memory_space<vmem_shared>>
        %dma_wait3A_89 = arith.constant 0 : i32
        %dma_wait3A_90 = arith.constant 0 : i32
        %dma_wait3A_91 = tpu.memref_slice %arg13[%dma_wait3A_89, %dma_wait3A_90] : memref<128x128xf32, #tpu.memory_space<vmem>> -> memref<16x128xf32, #tpu.memory_space<vmem>>
        %dma_wait3A_92 = arith.constant 0 : i32
        %dma_wait3A_93 = tpu.memref_slice %arg7[%add3A_71, %dma_wait3A_92] : memref<10248x128xf32, #tpu.memory_space<vmem_shared>> -> memref<16x128xf32, #tpu.memory_space<vmem_shared>>
        tpu.wait_dma2 semaphore(%run_scoped3A : memref<!tpu.dma_semaphore, #tpu.memory_space<semaphore_mem>>) src(%dma_wait3A_93 : memref<16x128xf32, #tpu.memory_space<vmem_shared>>) dst(%dma_wait3A_91 : memref<16x128xf32, #tpu.memory_space<vmem>>)
        tpu.yield
      }) : () -> ()
      %add3A_72 = arith.constant 512 : i32
      %add3A_73 = arith.addi %add3A_43, %add3A_72 : i32
      "tpu.region"() ({
        %run_scoped3A = tpu.sem_alloc : memref<!tpu.dma_semaphore, #tpu.memory_space<semaphore_mem>>
        %dma_start3A_74 = arith.constant 0 : i32
        %dma_start3A_75 = arith.constant 0 : i32
        %dma_start3A_76 = tpu.memref_slice %arg13[%dma_start3A_74, %dma_start3A_75] : memref<128x128xf32, #tpu.memory_space<vmem>> -> memref<16x128xf32, #tpu.memory_space<vmem>>
        %dma_start3A_77 = arith.constant 0 : i32
        %dma_start3A_78 = tpu.memref_slice %arg6[%add3A_73, %dma_start3A_77] : memref<20496x128xf32, #tpu.memory_space<hbm>> -> memref<16x128xf32, #tpu.memory_space<hbm>>
        %dma_start3A_79 = arith.constant 0 : i32
        %dma_start3A_80 = tpu.memref_slice %arg6[%add3A_73, %dma_start3A_79] : memref<20496x128xf32, #tpu.memory_space<hbm>> -> memref<16x128xf32, #tpu.memory_space<hbm>>
        %dma_start3A_81 = arith.constant 0 : i32
        %dma_start3A_82 = arith.constant 0 : i32
        %dma_start3A_83 = tpu.memref_slice %arg13[%dma_start3A_81, %dma_start3A_82] : memref<128x128xf32, #tpu.memory_space<vmem>> -> memref<16x128xf32, #tpu.memory_space<vmem>>
        tpu.enqueue_dma source(%dma_start3A_83 : memref<16x128xf32, #tpu.memory_space<vmem>>) target(%dma_start3A_80 : memref<16x128xf32, #tpu.memory_space<hbm>>) target_semaphore(%run_scoped3A : memref<!tpu.dma_semaphore, #tpu.memory_space<semaphore_mem>>)
        %dma_wait3A_84 = arith.constant 0 : i32
        %dma_wait3A_85 = arith.constant 0 : i32
        %dma_wait3A_86 = tpu.memref_slice %arg13[%dma_wait3A_84, %dma_wait3A_85] : memref<128x128xf32, #tpu.memory_space<vmem>> -> memref<16x128xf32, #tpu.memory_space<vmem>>
        %dma_wait3A_87 = arith.constant 0 : i32
        %dma_wait3A_88 = tpu.memref_slice %arg6[%add3A_73, %dma_wait3A_87] : memref<20496x128xf32, #tpu.memory_space<hbm>> -> memref<16x128xf32, #tpu.memory_space<hbm>>
        %dma_wait3A_89 = arith.constant 0 : i32
        %dma_wait3A_90 = tpu.memref_slice %arg6[%add3A_73, %dma_wait3A_89] : memref<20496x128xf32, #tpu.memory_space<hbm>> -> memref<16x128xf32, #tpu.memory_space<hbm>>
        %dma_wait3A_91 = arith.constant 0 : i32
        %dma_wait3A_92 = arith.constant 0 : i32
        %dma_wait3A_93 = tpu.memref_slice %arg13[%dma_wait3A_91, %dma_wait3A_92] : memref<128x128xf32, #tpu.memory_space<vmem>> -> memref<16x128xf32, #tpu.memory_space<vmem>>
        tpu.wait_dma2 semaphore(%run_scoped3A : memref<!tpu.dma_semaphore, #tpu.memory_space<semaphore_mem>>) src(%dma_wait3A_93 : memref<16x128xf32, #tpu.memory_space<vmem>>) dst(%dma_wait3A_90 : memref<16x128xf32, #tpu.memory_space<hbm>>)
        tpu.yield
      }) : () -> ()
    } else {
    }
    return
  }
}

module attributes {stable_mosaic.version = 14 : i64} {
  func.func @body(%arg0: memref<2x10248x128xf32, #tpu.memory_space<vmem>>, %arg1: memref<2x10248x128xf32, #tpu.memory_space<vmem>>, %arg2: memref<10000x128xf32, #tpu.memory_space<vmem>>, %arg3: memref<128x128xf32, #tpu.memory_space<vmem>>, %arg4: memref<1x128xf32, #tpu.memory_space<vmem>>, %arg5: memref<128x128xf32, #tpu.memory_space<vmem>>, %arg6: memref<10000x128xf32, #tpu.memory_space<vmem>>) attributes {dimension_semantics = [], scalar_prefetch = 0 : i64, scratch_operands = 0 : i64, tpu.core_type = #tpu.core_type<tc>} {
    %get3A = arith.constant 0 : index
    %get3A_0 = arith.constant 0 : index
    %get3A_1 = arith.constant 0 : index
    %get3A_2 = vector.load %arg0[%get3A, %get3A_0, %get3A_1] : memref<2x10248x128xf32, #tpu.memory_space<vmem>>, vector<1x10000x128xf32>
    %get3A_3 = vector.shape_cast %get3A_2 : vector<1x10000x128xf32> to vector<10000x128xf32>
    %get3A_4 = arith.constant 1 : index
    %get3A_5 = arith.constant 0 : index
    %get3A_6 = arith.constant 0 : index
    %get3A_7 = vector.load %arg0[%get3A_4, %get3A_5, %get3A_6] : memref<2x10248x128xf32, #tpu.memory_space<vmem>>, vector<1x10000x128xf32>
    %get3A_8 = vector.shape_cast %get3A_7 : vector<1x10000x128xf32> to vector<10000x128xf32>
    %add3A = arith.addf %get3A_3, %get3A_8 : vector<10000x128xf32>
    %get3A_9 = arith.constant 0 : index
    %get3A_10 = arith.constant 0 : index
    %get3A_11 = arith.constant 0 : index
    %get3A_12 = vector.load %arg1[%get3A_9, %get3A_10, %get3A_11] : memref<2x10248x128xf32, #tpu.memory_space<vmem>>, vector<1x10000x1xf32>
    %get3A_13 = vector.shape_cast %get3A_12 : vector<1x10000x1xf32> to vector<10000x1xf32>
    %get3A_14 = arith.constant 1 : index
    %get3A_15 = arith.constant 0 : index
    %get3A_16 = arith.constant 0 : index
    %get3A_17 = vector.load %arg1[%get3A_14, %get3A_15, %get3A_16] : memref<2x10248x128xf32, #tpu.memory_space<vmem>>, vector<1x10000x1xf32>
    %get3A_18 = vector.shape_cast %get3A_17 : vector<1x10000x1xf32> to vector<10000x1xf32>
    %add3A_19 = arith.addf %get3A_13, %get3A_18 : vector<10000x1xf32>
    %max3A = arith.constant 1.000000e+00 : f32
    %max3A_20 = vector.broadcast %max3A : f32 to vector<10000x1xf32>
    %max3A_21 = arith.maximumf %add3A_19, %max3A_20 : vector<10000x1xf32>
    %div3A = vector.broadcast %max3A_21 : vector<10000x1xf32> to vector<10000x128xf32>
    %div3A_22 = arith.divf %add3A, %div3A : vector<10000x128xf32>
    %get3A_23 = arith.constant 0 : index
    %get3A_24 = arith.constant 0 : index
    %get3A_25 = vector.load %arg3[%get3A_23, %get3A_24] : memref<128x128xf32, #tpu.memory_space<vmem>>, vector<128x128xf32>
    %dot_general3A = arith.constant dense<0.000000e+00> : vector<10000x128xf32>
    %dot_general3A_26 = tpu.matmul %div3A_22, %get3A_25, %dot_general3A {dimension_numbers = #tpu.dot_dimension_numbers<[1], [1], [0], [0], [0, 0, 1, 0], [], []>, transpose_lhs_hint = false} : vector<10000x128xf32>, vector<128x128xf32>, vector<10000x128xf32> -> vector<10000x128xf32>
    %get3A_27 = arith.constant 0 : index
    %get3A_28 = arith.constant 0 : index
    %get3A_29 = vector.load %arg4[%get3A_27, %get3A_28] : memref<1x128xf32, #tpu.memory_space<vmem>>, vector<1x128xf32>
    %add3A_30 = vector.broadcast %get3A_29 : vector<1x128xf32> to vector<10000x128xf32>
    %add3A_31 = arith.addf %dot_general3A_26, %add3A_30 : vector<10000x128xf32>
    %get3A_32 = arith.constant 0 : index
    %get3A_33 = arith.constant 0 : index
    %get3A_34 = vector.load %arg2[%get3A_32, %get3A_33] : memref<10000x128xf32, #tpu.memory_space<vmem>>, vector<10000x128xf32>
    %get3A_35 = arith.constant 0 : index
    %get3A_36 = arith.constant 0 : index
    %get3A_37 = vector.load %arg5[%get3A_35, %get3A_36] : memref<128x128xf32, #tpu.memory_space<vmem>>, vector<128x128xf32>
    %dot_general3A_38 = arith.constant dense<0.000000e+00> : vector<10000x128xf32>
    %dot_general3A_39 = tpu.matmul %get3A_34, %get3A_37, %dot_general3A_38 {dimension_numbers = #tpu.dot_dimension_numbers<[1], [1], [0], [0], [0, 0, 1, 0], [], []>, transpose_lhs_hint = false} : vector<10000x128xf32>, vector<128x128xf32>, vector<10000x128xf32> -> vector<10000x128xf32>
    %add3A_40 = arith.addf %add3A_31, %dot_general3A_39 : vector<10000x128xf32>
    %max3A_41 = arith.constant 0.000000e+00 : f32
    %max3A_42 = vector.broadcast %max3A_41 : f32 to vector<10000x128xf32>
    %max3A_43 = arith.maximumf %add3A_40, %max3A_42 : vector<10000x128xf32>
    %swap3A = arith.constant 0 : index
    %swap3A_44 = arith.constant 0 : index
    %swap3A_45 = vector.load %arg6[%swap3A, %swap3A_44] : memref<10000x128xf32, #tpu.memory_space<vmem>>, vector<10000x128xf32>
    tpu.vector_store %arg6[%swap3A, %swap3A_44], %max3A_43 {strides = array<i32>} : memref<10000x128xf32, #tpu.memory_space<vmem>>, vector<10000x128xf32>,
    return
  }
}

module attributes {stable_mosaic.version = 14 : i64} {
  func.func @body(%arg0: memref<2x10248x128xf32, #tpu.memory_space<vmem>>, %arg1: memref<2x10248x128xf32, #tpu.memory_space<vmem>>, %arg2: memref<10000x128xf32, #tpu.memory_space<vmem>>, %arg3: memref<128x128xf32, #tpu.memory_space<vmem>>, %arg4: memref<1x128xf32, #tpu.memory_space<vmem>>, %arg5: memref<128x128xf32, #tpu.memory_space<vmem>>, %arg6: memref<128x128xf32, #tpu.memory_space<vmem>>, %arg7: memref<1x128xf32, #tpu.memory_space<vmem>>, %arg8: memref<10000x128xf32, #tpu.memory_space<vmem>>, %arg9: memref<10000x128xf32, #tpu.memory_space<vmem>>) attributes {dimension_semantics = [], scalar_prefetch = 0 : i64, scratch_operands = 0 : i64, tpu.core_type = #tpu.core_type<tc>} {
    %get3A = arith.constant 0 : index
    %get3A_0 = arith.constant 0 : index
    %get3A_1 = arith.constant 0 : index
    %get3A_2 = vector.load %arg0[%get3A, %get3A_0, %get3A_1] : memref<2x10248x128xf32, #tpu.memory_space<vmem>>, vector<1x10000x128xf32>
    %get3A_3 = vector.shape_cast %get3A_2 : vector<1x10000x128xf32> to vector<10000x128xf32>
    %get3A_4 = arith.constant 1 : index
    %get3A_5 = arith.constant 0 : index
    %get3A_6 = arith.constant 0 : index
    %get3A_7 = vector.load %arg0[%get3A_4, %get3A_5, %get3A_6] : memref<2x10248x128xf32, #tpu.memory_space<vmem>>, vector<1x10000x128xf32>
    %get3A_8 = vector.shape_cast %get3A_7 : vector<1x10000x128xf32> to vector<10000x128xf32>
    %add3A = arith.addf %get3A_3, %get3A_8 : vector<10000x128xf32>
    %get3A_9 = arith.constant 0 : index
    %get3A_10 = arith.constant 0 : index
    %get3A_11 = arith.constant 0 : index
    %get3A_12 = vector.load %arg1[%get3A_9, %get3A_10, %get3A_11] : memref<2x10248x128xf32, #tpu.memory_space<vmem>>, vector<1x10000x1xf32>
    %get3A_13 = vector.shape_cast %get3A_12 : vector<1x10000x1xf32> to vector<10000x1xf32>
    %get3A_14 = arith.constant 1 : index
    %get3A_15 = arith.constant 0 : index
    %get3A_16 = arith.constant 0 : index
    %get3A_17 = vector.load %arg1[%get3A_14, %get3A_15, %get3A_16] : memref<2x10248x128xf32, #tpu.memory_space<vmem>>, vector<1x10000x1xf32>
    %get3A_18 = vector.shape_cast %get3A_17 : vector<1x10000x1xf32> to vector<10000x1xf32>
    %add3A_19 = arith.addf %get3A_13, %get3A_18 : vector<10000x1xf32>
    %max3A = arith.constant 1.000000e+00 : f32
    %max3A_20 = vector.broadcast %max3A : f32 to vector<10000x1xf32>
    %max3A_21 = arith.maximumf %add3A_19, %max3A_20 : vector<10000x1xf32>
    %div3A = vector.broadcast %max3A_21 : vector<10000x1xf32> to vector<10000x128xf32>
    %div3A_22 = arith.divf %add3A, %div3A : vector<10000x128xf32>
    %get3A_23 = arith.constant 0 : index
    %get3A_24 = arith.constant 0 : index
    %get3A_25 = vector.load %arg3[%get3A_23, %get3A_24] : memref<128x128xf32, #tpu.memory_space<vmem>>, vector<128x128xf32>
    %dot_general3A = arith.constant dense<0.000000e+00> : vector<10000x128xf32>
    %dot_general3A_26 = tpu.matmul %div3A_22, %get3A_25, %dot_general3A {dimension_numbers = #tpu.dot_dimension_numbers<[1], [1], [0], [0], [0, 0, 1, 0], [], []>, transpose_lhs_hint = false} : vector<10000x128xf32>, vector<128x128xf32>, vector<10000x128xf32> -> vector<10000x128xf32>
    %get3A_27 = arith.constant 0 : index
    %get3A_28 = arith.constant 0 : index
    %get3A_29 = vector.load %arg4[%get3A_27, %get3A_28] : memref<1x128xf32, #tpu.memory_space<vmem>>, vector<1x128xf32>
    %add3A_30 = vector.broadcast %get3A_29 : vector<1x128xf32> to vector<10000x128xf32>
    %add3A_31 = arith.addf %dot_general3A_26, %add3A_30 : vector<10000x128xf32>
    %get3A_32 = arith.constant 0 : index
    %get3A_33 = arith.constant 0 : index
    %get3A_34 = vector.load %arg2[%get3A_32, %get3A_33] : memref<10000x128xf32, #tpu.memory_space<vmem>>, vector<10000x128xf32>
    %get3A_35 = arith.constant 0 : index
    %get3A_36 = arith.constant 0 : index
    %get3A_37 = vector.load %arg5[%get3A_35, %get3A_36] : memref<128x128xf32, #tpu.memory_space<vmem>>, vector<128x128xf32>
    %dot_general3A_38 = arith.constant dense<0.000000e+00> : vector<10000x128xf32>
    %dot_general3A_39 = tpu.matmul %get3A_34, %get3A_37, %dot_general3A_38 {dimension_numbers = #tpu.dot_dimension_numbers<[1], [1], [0], [0], [0, 0, 1, 0], [], []>, transpose_lhs_hint = false} : vector<10000x128xf32>, vector<128x128xf32>, vector<10000x128xf32> -> vector<10000x128xf32>
    %add3A_40 = arith.addf %add3A_31, %dot_general3A_39 : vector<10000x128xf32>
    %swap3A = arith.constant 0 : index
    %swap3A_41 = arith.constant 0 : index
    %swap3A_42 = vector.load %arg8[%swap3A, %swap3A_41] : memref<10000x128xf32, #tpu.memory_space<vmem>>, vector<10000x128xf32>
    tpu.vector_store %arg8[%swap3A, %swap3A_41], %add3A_40 {strides = array<i32>} : memref<10000x128xf32, #tpu.memory_space<vmem>>, vector<10000x128xf32>,
    %max3A_43 = arith.constant 0.000000e+00 : f32
    %max3A_44 = vector.broadcast %max3A_43 : f32 to vector<10000x128xf32>
    %max3A_45 = arith.maximumf %add3A_40, %max3A_44 : vector<10000x128xf32>
    %get3A_46 = arith.constant 0 : index
    %get3A_47 = arith.constant 0 : index
    %get3A_48 = vector.load %arg6[%get3A_46, %get3A_47] : memref<128x128xf32, #tpu.memory_space<vmem>>, vector<128x128xf32>
    %dot_general3A_49 = arith.constant dense<0.000000e+00> : vector<10000x128xf32>
    %dot_general3A_50 = tpu.matmul %max3A_45, %get3A_48, %dot_general3A_49 {dimension_numbers = #tpu.dot_dimension_numbers<[1], [1], [0], [0], [0, 0, 1, 0], [], []>, transpose_lhs_hint = false} : vector<10000x128xf32>, vector<128x128xf32>, vector<10000x128xf32> -> vector<10000x128xf32>
    %get3A_51 = arith.constant 0 : index
    %get3A_52 = arith.constant 0 : index
    %get3A_53 = vector.load %arg7[%get3A_51, %get3A_52] : memref<1x128xf32, #tpu.memory_space<vmem>>, vector<1x128xf32>
    %add3A_54 = vector.broadcast %get3A_53 : vector<1x128xf32> to vector<10000x128xf32>
    %add3A_55 = arith.addf %dot_general3A_50, %add3A_54 : vector<10000x128xf32>
    %swap3A_56 = arith.constant 0 : index
    %swap3A_57 = arith.constant 0 : index
    %swap3A_58 = vector.load %arg9[%swap3A_56, %swap3A_57] : memref<10000x128xf32, #tpu.memory_space<vmem>>, vector<10000x128xf32>
    tpu.vector_store %arg9[%swap3A_56, %swap3A_57], %add3A_55 {strides = array<i32>} : memref<10000x128xf32, #tpu.memory_space<vmem>>, vector<10000x128xf32>,
    return
  }
}

</mosaic_0001>

<sc_bundles>
// kernel: kernel.10.cloned.1.call-start
scs
__scs_entry_jumppad:
0x0: {  	(pc) =	sbr.rel $0x88, $3  }
0x1: {  	(tag) =	ssettag $0x0;
	lr =	simm.s32 $0x1  }
0x2: {  	[smem:$0x3F97] =	sst lr;
	_ =	strace $0xD0000000  }
0x3: {  	_ = 	snop  }
0x4: {  	_ = 	snop  }
0x5: {  	_ = 	snop  }
0x6: {  	_ = 	snop  }
0x7: {  	_ = 	snop  }
__scs_overlays_trampoline_lowered:
0x8: {  	[smem:$0x3FA6] =	sst s0  }
0x9: {  	[smem:$0x3FA7] =	sst s1  }
0xa: {  	[smem:$0x3FA8] =	sst s2  }
0xb: {  	[smem:$0x3FA9] =	sst s3  }
0xc: {  	[smem:$0x3FAA] =	sst s4  }
0xd: {  	[smem:$0x3FAB] =	sst s5  }
0xe: {  	[smem:$0x3FAC] =	sst s6  }
0xf: {  	[smem:$0x3FAD] =	sst s7  }
0x10: {  	[smem:$0x3FAE] =	sst s8  }
0x11: {  	[smem:$0x3FAF] =	sst s9;
	s0 =	simm.s32 @!p0 $0x0  }
0x12: {  	s1 =	sld [smem:$0x3F95];
	s0 =	simm.s32 @p0 $0x1  }
0x13: {  	[smem:$0x3FB0] =	sst s0;
	s0 =	simm.s32 @!p1 $0x0  }
0x14: {  	s2 =	sld [smem:$0x3F94];
	s0 =	simm.s32 @p1 $0x1  }
0x15: {  	[smem:$0x3FB1] =	sst s0;
	s0 =	simm.s32 @!p2 $0x0  }
0x16: {  	s3 =	sld [smem:$0x3FDB];
	s0 =	simm.s32 @p2 $0x1  }
0x17: {  	s4 =	simm.s32 $0x1BF5;
	[smem:$0x3FB3] =	sst s0  }
0x18: {  	s0 =	sld [smem:$0x3F96];
	_ =	swait.ge [sflag:s4], $0x0  }
0x19: {  	s7 =	sld [smem:$0x3F97]  }
0x1a: {  	s8 =	sadd.s32 $0xFFFFE003, lr  }
0x1b: {  	s9 =	sadd.s32 $0xFFFFFEF7, lr;
	s5 =	simm.s32 $0xFFFFFFFF;
	p2 =	slt.u32 s8, $0xFFFFF086  }
0x1c: {  	p1 =	slt.u32 s9, $0xF7A;
	s5 =	simm.s32 @!p2 $0x0  }
0x1d: {  	s5 =	simm.s32 @p1 $0x1;
	p0 =	seq.s32 s7, s2  }
0x1e: {  	s7 =	smul.u32 @!p0 $0xF7A, s2;
	p2 =	seq.s32 @!p0 s5, $0x0  }
0x1f: {  	s9 =	smul.u32 $0xF7A, s1;
	s8 =	simm.s32 @!p0 $0x1BF5;
	p2 =	por !p2, p0  }
0x20: {  	[sflag:s8] =	ssyncset.s32 @!p0 $0xFFFFF086;
	s6 =	sadd.s32 @!p0 s3, s7;
	s7 =	simm.s32 @!p0 $0x108  }
0x21: {  	s3 =	sadd.s32 s3, s9;
	s6 =	sadd.s32 @!p0 $0x88, s6;
	s7 =	simm.s32 @p2 $0x1082  }
0x22: {  	[simem:s7], [sflag:s8] =	dma.local @!p0 [hbm:s6], $0xF7A  }
0x23: {  	s9 =	sor.u32 $0xD0000000, s2;
	s6 =	simm.s32 $0x108;
	_ =	swait.ge @!p0 [sflag:s8], $0x0  }
0x24: {  	s3 =	sadd.s32 $0x88, s3;
	s6 =	simm.s32 @!p1 $0x1082;
	[sflag:s4] =	ssyncset.s32 $0xFFFFF086  }
0x25: {  	[simem:s6], [sflag:s4] =	dma.local [hbm:s3], $0xF7A  }
0x26: {  	[smem:$0x3F97] =	sst s1;
	(tag) =	ssettag s2;
	_ =	strace s9  }
0x27: {  	s1 =	sld [smem:$0x3FA7]  }
0x28: {  	s2 =	sld [smem:$0x3FA8]  }
0x29: {  	s4 =	sld [smem:$0x3FAA]  }
0x2a: {  	p0 =	seq.s32 s5, $0x0;
	s5 =	sld [smem:$0x3FAB]  }
0x2b: {  	s6 =	sld [smem:$0x3FAC]  }
0x2c: {  	s7 =	sld [smem:$0x3FAD]  }
0x2d: {  	s3 =	simm.s32 $0x108;
	s8 =	sld [smem:$0x3FAE]  }
0x2e: {  	s3 =	simm.s32 @!p0 $0x1082;
	s9 =	sld [smem:$0x3FAF]  }
0x2f: {  	lr =	sadd.s32 s0, s3;
	s0 =	sld [smem:$0x3FA6]  }
0x30: {  	s3 =	sld [smem:$0x3FA9]  }
0x31: {  	[smem:$0x3FB2] =	sst s10  }
0x32: {  	s10 =	sld [smem:$0x3FB0];
	_ =	sdelay $0x3  }
0x33: {  	p0 =	seq.s32 s10, $0x1;
	s10 =	sld [smem:$0x3FB2];
	_ =	sdelay $0x3  }
0x34: {  	[smem:$0x3FB2] =	sst s10  }
0x35: {  	s10 =	sld [smem:$0x3FB1];
	_ =	sdelay $0x3  }
0x36: {  	p1 =	seq.s32 s10, $0x1;
	s10 =	sld [smem:$0x3FB2];
	_ =	sdelay $0x3  }
0x37: {  	[smem:$0x3FB2] =	sst s10  }
0x38: {  	s10 =	sld [smem:$0x3FB3]  }
0x39: {  	_ = 	snop;
	(pc) =	sbr.ind lr, $3  }
0x3a: {  	_ = 	snop  }
0x3b: {  	_ = 	snop  }
0x3c: {  	p2 =	seq.s32 s10, $0x1;
	s10 =	sld [smem:$0x3FB2]  }
0x3d: {  	_ =	shalt  }
0x3e: {  	_ =	shalt  }
0x3f: {  	_ =	shalt  }
0x40: {  	_ =	shalt  }
0x41: {  	_ =	shalt  }
0x42: {  	_ =	shalt  }
0x43: {  	_ =	shalt  }
0x44: {  	_ =	shalt  }
0x45: {  	_ =	shalt  }
0x46: {  	_ =	shalt  }
0x47: {  	_ =	shalt  }
0x48: {  	_ =	shalt  }
0x49: {  	_ =	shalt  }
0x4a: {  	_ =	shalt  }
0x4b: {  	_ =	shalt  }
0x4c: {  	_ =	shalt  }
0x4d: {  	_ =	shalt  }
0x4e: {  	_ =	shalt  }
0x4f: {  	_ =	shalt  }
0x50: {  	_ =	shalt  }
0x51: {  	_ =	shalt  }
0x52: {  	_ =	shalt  }
0x53: {  	_ =	shalt  }
0x54: {  	_ =	shalt  }
0x55: {  	_ =	shalt  }
0x56: {  	_ =	shalt  }
0x57: {  	_ =	shalt  }
0x58: {  	_ =	shalt  }
0x59: {  	_ =	shalt  }
0x5a: {  	_ =	shalt  }
0x5b: {  	_ =	shalt  }
0x5c: {  	_ =	shalt  }
0x5d: {  	_ =	shalt  }
0x5e: {  	_ =	shalt  }
0x5f: {  	_ =	shalt  }
0x60: {  	_ =	shalt  }
0x61: {  	_ =	shalt  }
0x62: {  	_ =	shalt  }
0x63: {  	_ =	shalt  }
0x64: {  	_ =	shalt  }
0x65: {  	_ =	shalt  }
0x66: {  	_ =	shalt  }
0x67: {  	_ =	shalt  }
0x68: {  	_ =	shalt  }
0x69: {  	_ =	shalt  }
0x6a: {  	_ =	shalt  }
0x6b: {  	_ =	shalt  }
0x6c: {  	_ =	shalt  }
0x6d: {  	_ =	shalt  }
0x6e: {  	_ =	shalt  }
0x6f: {  	_ =	shalt  }
0x70: {  	_ =	shalt  }
0x71: {  	_ =	shalt  }
0x72: {  	_ =	shalt  }
0x73: {  	_ =	shalt  }
0x74: {  	_ =	shalt  }
0x75: {  	_ =	shalt  }
0x76: {  	_ =	shalt  }
0x77: {  	_ =	shalt  }
0x78: {  	_ =	shalt  }
0x79: {  	_ =	shalt  }
0x7a: {  	_ =	shalt  }
0x7b: {  	_ =	shalt  }
0x7c: {  	_ =	shalt  }
0x7d: {  	_ =	shalt  }
0x7e: {  	_ =	shalt  }
0x7f: {  	_ =	shalt  }
0x80: {  	_ =	shalt  }
0x81: {  	_ =	shalt  }
0x82: {  	_ =	shalt  }
0x83: {  	_ =	shalt  }
0x84: {  	_ =	shalt  }
0x85: {  	_ =	shalt  }
0x86: {  	_ =	shalt  }
0x87: {  	_ =	shalt  }
.Lfunc_end0:
.L_simem_size_0:
called_computation.1_lowered:
.L_overlay_start_0:
0x88: {  	s2 =	sld [smem:$0x3FD9]  }
0x89: {  	s3 =	sld [smem:$0x3FFE];
	_ =	sdelay $0x1  }
0x8a: {  	s1 =	srdreg.scid  }
0x8b: {  	s0 =	sand.u32 $0x1, s1  }
0x8c: {  	s15 =	sshll.u32 s0, $0xA;
	s2 =	sadd.s32 s3, s2  }
0x8d: {  	s2 =	sadd.s32 s2, s15  }
0x8e: {  	[smem:$0x3FBE] =	sst s2  }
0x8f: {  	_ = 	snop  }
0x90: {  	s2 =	sld [smem:$0x3FD0];
	_ =	sdelay $0x2  }
0x91: {  	s16 =	simm.s32 $0xB;
	s4 =	simm.s32 $0x10  }
0x92: {  	[smem:s4], [sflag:s16] =	dma.local [hbm:s2], $0x1  }
0x93: {  	_ =	swait.eq [sflag:s16], $0x1  }
0x94: {  	[sflag:s16] =	ssyncset.done $0x0  }
0x95: {  	[sflag:s16] =	ssyncadd.s32 $0xFFFFFFFF  }
0x96: {  	s17 =	sld [smem:$0x11];
	(tm) =	ssettm $0x1  }
0x97: {  	s18 =	sld [smem:$0x3FFB];
	_ =	sdelay $0x3  }
0x98: {  	_ =	strace s18  }
0x99: {  	s2 =	sld [smem:$0x3FFC];
	_ =	sdelay $0x3  }
0x9a: {  	_ =	strace s2  }
0x9b: {  	s2 =	sld [smem:$0x3FFD];
	_ =	sdelay $0x3  }
0x9c: {  	_ =	strace s2  }
0x9d: {  	_ =	strace $0x8FFFFFFF  }
0x9e: {  	s19 =	sld [smem:$0x3FDB];
	_ =	sdelay $0x1  }
0x9f: {  	s20 =	simm.s32 $_scs_section_size  }
0xa0: {  	s5 =	simm.s32 $_size__tile_overlayer_lowered;
	s6 =	simm.s32 $_tile_overlayer_lowered  }
0xa1: {  	s7 =	simm.s32 $0x1BFF;
	s21 =	sshll.u32 s6, $0x1;
	s4 =	sadd.s32 s20, s19  }
0xa2: {  	s22 =	simm.s32 $0x0;
	s5 =	sshll.u32 s5, $0x1;
	s6 =	sadd.s32 s21, s4  }
0xa3: {  	[timem:s22], [sflag:s7] =	dma.local [hbm:s6], s5  }
0xa4: {  	_ =	swait.ge [sflag:s7], s5  }
0xa5: {  	s5 =	ssub.s32 $0x0, s5;
	[sflag:s7] =	ssyncset.done $0x0  }
0xa6: {  	[sflag:s7] =	ssyncadd.s32 s5;
	_ =	sdelay $0x1  }
0xa7: {  	s23 =	simm.s32 $0x1B8B  }
0xa8: {  	_ =	swait.ge [sflag:s23], $0x1  }
0xa9: {  	[sflag:s23] =	ssyncset.done $0x0  }
0xaa: {  	[sflag:s23] =	ssyncadd.s32 $0xFFFFFFFF  }
0xab: {  	s5 =	sld [smem:$0x0]  }
0xac: {  	s6 =	sand.u32 $0xFFFFFFFE, s1  }
0xad: {  	p0 =	sne.s32 s1, s6  }
0xae: {  	s6 =	sshll.u32 @p0 s6, $0xE  }
0xaf: {  	s6 =	sadd.s32 @p0 $0x11B8D, s6;
	s7 =	sshll.u32 @p0 s5, $0x11  }
0xb0: {  	s6 =	sor.u32 @p0 s7, s6  }
0xb1: {  	[sflag:s6] =	ssyncadd.remote.s32 @p0 $0x1;
	_ =	sdelay $0x1  }
0xb2: {  	s6 =	simm.s32 @p0 $0x1B8D  }
0xb3: {  	_ =	swait.eq @p0 [sflag:s6], $0x1  }
0xb4: {  	[sflag:s6] =	ssyncadd.s32 @p0 $0xFFFFFFFF  }
0xb5: {  	s7 =	sshll.u32 @!p0 s1, $0xE  }
0xb6: {  	s7 =	sor.u32 @!p0 $0x4000, s7;
	s6 =	simm.s32 @!p0 $0x1B8D  }
0xb7: {  	s5 =	sshll.u32 @!p0 s5, $0x11;
	s7 =	sadd.s32 @!p0 $0x11B8D, s7;
	_ =	swait.eq @!p0 [sflag:s6], $0x1  }
0xb8: {  	s5 =	sor.u32 @!p0 s5, s7;
	[sflag:s6] =	ssyncadd.s32 @!p0 $0xFFFFFFFF  }
0xb9: {  	s25 =	simm.s32 $0x1B8E;
	s24 =	sld [smem:$0x3FFE];
	[sflag:s5] =	ssyncadd.remote.s32 @!p0 $0x1  }
0xba: {  	s26 =	simm.s32 $execute0_lowered;
	[smem:$0x3FD2] =	sst s25  }
0xbb: {  	s6 =	sshll.u32 s26, $0x1;
	_ =	strace $0x80000049;
	[dreg:$0x1] =	wrdreg $0xFFFFFFFF  }
0xbc: {  	s28 =	simm.s32 $_size_execute0_lowered;
	s4 =	sadd.s32 s4, s6;
	[dreg:$0x0] =	wrdreg $0x0  }
0xbd: {  	s6 =	sshll.u32 s28, $0x1;
	[dreg:$0x2] =	wrdreg s4  }
0xbe: {  	[dreg:$0x3] =	wrdreg s6  }
0xbf: {  	[dreg:$0x4] =	wrdreg $0xC0  }
0xc0: {  	_ =	task [dreg:s22], $0x5FFFF  }
0xc1: {  	[dreg:$0x1] =	wrdreg $0xFFFFFFFF  }
0xc2: {  	[dreg:$0x0] =	wrdreg $0x60  }
0xc3: {  	[dreg:$0x2] =	wrdreg s24  }
0xc4: {  	[dreg:$0x3] =	wrdreg s17  }
0xc5: {  	[dreg:$0x4] =	wrdreg $0x0  }
0xc6: {  	[dreg:$0x5] =	wrdreg $0xA  }
0xc7: {  	_ =	task.clear_ibuf [dreg:s22], $0x6FFFF;
	_ =	strace $0x90000049  }
0xc8: {  	s29 =	simm.s32 $0xA;
	_ =	strace $0x8000004B  }
0xc9: {  	_ =	swait.ge [sflag:s29], $0x1  }
0xca: {  	[sflag:s29] =	ssyncadd.s32 $0xFFFFFFFF  }
0xcb: {  	_ =	strace $0x9000004B  }
0xcc: {  	_ =	sfence  }
0xcd: {  	s30 =	sld [smem:$0x0];
	_ =	sdelay $0x2  }
0xce: {  	s31 =	sshll.u32 s1, $0xD;
	s1 =	sshrl.u32 s1, $0x2  }
0xcf: {  	s4 =	sand.u32 $0x4000, s31;
	s1 =	sadd.s32 s1, s30  }
0xd0: {  	s0 =	sor.u32 s4, s0;
	s1 =	sshll.u32 s1, $0x11  }
0xd1: {  	s0 =	sor.u32 s1, s0  }
0xd2: {  	s0 =	sadd.s32 $0x8F2B, s0  }
0xd3: {  	[sflag:s0] =	ssyncadd.remote.s32 $0x1  }
0xd4: {  	_ =	sfence.sel $0xFFFF  }
0xd5: {  	[dreg:$0x0] =	wrdreg $0xFFFFFFFF;
	(pc) =	sbr.abs _section_cstart, $3  }
0xd6: {  	[dreg:$0x1] =	wrdreg $0xFFFFFFFF  }
0xd7: {  	_ =	task.clear_ibuf [dreg:s22], $0x2FFFF;
	_ =	strace $0x9FFFFFFF  }
0xd8: {  	(tm) =	ssettm $0x7FFFFFFF  }
0xd9: {  	_ =	shalt  }
tec
execute0_lowered:
.L_overlay_start_1:
0x0: {  	(tag) =	ssettag $0x1  }
0x1: {  	s0 =	rddreg [dreg:$0x0]  }
0x2: {  	s3 =	rddreg [dreg:$0x2];
	s1 =	srdreg.scid  }
0x3: {  	s9 =	stileid.u32;
	s4 =	simm.s32 $0x0;
	s28 =	simm.s32 $0x6  }
0x4: {  	s29 =	simm.s32 $0x7;
	s31 =	simm.s32 $0x8;
	s1 =	sand.u32 $0x1, s1  }
0x5: {  	s2 =	smul.u32 $0x288, s9;
	[smem:$0x7FF] =	sst s4;
	s6 =	sadd.s32 $0x2400, s0  }
0x6: {  	s7 =	sadd.s32 $0xC400, s0;
	s16 =	sshll.u32 s9, $0x1;
	s17 =	smul.u32 $0x51000, s9  }
0x7: {  	s19 =	smul.u32 $0x5000, s9;
	p0 =	seq.s32 s9, $0xF;
	s9 =	sadd.s32 $0x133C00, s3  }
0x8: {  	s5 =	smul.u32 $0x2808, s1;
	_ =	strace $0x8000004A;
	[dreg:$0x4] =	wrdreg s7  }
0x9: {  	s18 =	ssub.s32 $0x2, s1;
	[dreg:$0x13] =	wrdreg s9;
	s9 =	simm.s32 $0x14140  }
0xa: {  	s8 =	sshrl.u32 s18, $0x1;
	s7 =	sshrl.u32 s17, $0x2;
	s2 =	sadd.s32 s2, s5  }
0xb: {  	s5 =	sor.u32 s1, s16;
	s10 =	sadd.s32 s7, s3;
	s1 =	smul.u32 $0x2800, s1  }
0xc: {  	s2 =	sshll.u32 s2, $0x4;
	s20 =	sadd.s32 $0x4000, s10;
	[dreg:$0x5] =	wrdreg s10  }
0xd: {  	s5 =	smul.u32 $0x2800, s5;
	s21 =	sadd.s32 $0x8000, s10;
	[dreg:$0x6] =	wrdreg s20  }
0xe: {  	s0 =	sadd.s32 s2, s0;
	s2 =	ssub.s32 s18, s8;
	[dreg:$0x7] =	wrdreg s21  }
0xf: {  	s1 =	sadd.s32 s1, s19;
	s5 =	sshrl.u32 s5, $0x3;
	s22 =	sadd.s32 $0x5CE00, s0  }
0x10: {  	s23 =	sadd.s32 $0x5D600, s0;
	s24 =	sadd.s32 $0x5DE00, s0;
	[dreg:$0x9] =	wrdreg s22  }
0x11: {  	s25 =	sadd.s32 $0x5E600, s0;
	s26 =	sadd.s32 $0x5EE00, s0;
	[dreg:$0xa] =	wrdreg s23  }
0x12: {  	s30 =	sor.u32 $0x780, s1;
	s0 =	sadd.s32 $0x5F600, s0;
	[dreg:$0xb] =	wrdreg s24  }
0x13: {  	s7 =	sor.u32 $0x700, s1;
	s12 =	sor.u32 $0x680, s1;
	[dreg:$0xc] =	wrdreg s25  }
0x14: {  	s14 =	sor.u32 $0x600, s1;
	s17 =	sor.u32 $0x580, s1;
	[dreg:$0xd] =	wrdreg s26  }
0x15: {  	s8 =	sadd.s32 s6, s5;
	[dreg:$0xe] =	wrdreg s0;
	s26 =	sadd.s32 $0xC000, s10  }
0x16: {  	s5 =	sshrl.u32 s30, $0x3;
	s30 =	sadd.s32 $0x10000, s10;
	[dreg:$0xf] =	wrdreg s26  }
0x17: {  	s11 =	sshrl.u32 s7, $0x3;
	s7 =	sadd.s32 $0x12FC00, s3;
	[dreg:$0x10] =	wrdreg s30  }
0x18: {  	s13 =	sshrl.u32 s12, $0x3;
	s12 =	sadd.s32 $0x13BC00, s3;
	[dreg:$0x12] =	wrdreg s7  }
0x19: {  	s21 =	sor.u32 $0x500, s1;
	s15 =	sshrl.u32 s14, $0x3;
	[dreg:$0x16] =	wrdreg s12  }
0x1a: {  	s20 =	sshrl.u32 s17, $0x3;
	s0 =	sadd.s32 s11, s6;
	[dreg:$0x8] =	wrdreg s8  }
0x1b: {  	s16 =	sadd.s32 s5, s6;
	s5 =	sadd.s32 $0x14000, s10;
	[smem:$0x7F6] =	sst s0  }
0x1c: {  	s22 =	sshrl.u32 s21, $0x3;
	s10 =	smax.u32 s2, $0x1;
	[dreg:$0x11] =	wrdreg s5  }
0x1d: {  	s23 =	sor.u32 $0x480, s1;
	s11 =	sadd.s32 $0x137C00, s3;
	[dreg:$0x14] =	wrdreg s10  }
0x1e: {  	s18 =	sadd.s32 s13, s6;
	s13 =	sadd.s32 $0x13FC00, s3;
	[dreg:$0x15] =	wrdreg s11  }
0x1f: {  	s1 =	sor.u32 $0x400, s1;
	s14 =	sadd.s32 $0x10, s8;
	[dreg:$0x17] =	wrdreg s13  }
0x20: {  	s19 =	sadd.s32 s15, s6;
	s15 =	sadd.s32 $0x20, s8;
	[dreg:$0x18] =	wrdreg s14  }
0x21: {  	s20 =	sadd.s32 s20, s6;
	s17 =	sadd.s32 $0x30, s8;
	[dreg:$0x19] =	wrdreg s15  }
0x22: {  	s24 =	sshrl.u32 s23, $0x3;
	s23 =	sadd.s32 $0x40, s8;
	[dreg:$0x1a] =	wrdreg s17  }
0x23: {  	s21 =	sadd.s32 s22, s6;
	s26 =	sadd.s32 $0x70, s8;
	[dreg:$0x1b] =	wrdreg s23  }
0x24: {  	s25 =	sshrl.u32 s1, $0x3;
	s30 =	simm.s32 $0x0;
	[dreg:$0x1e] =	wrdreg s26  }
0x25: {  	s2 =	simm.s32 $0x18440;
	s7 =	simm.s32 $0x141C0;
	[dreg:$0x1f] =	wrdreg s30  }
0x26: {  	s12 =	simm.s32 $0x143C0;
	s22 =	sadd.s32 s24, s6;
	[smem:$0x7F8] =	sst s16  }
0x27: {  	s0 =	sadd.s32 s25, s6;
	s24 =	sadd.s32 $0x50, s8;
	[smem:$0x7F9] =	sst s18  }
0x28: {  	s25 =	sadd.s32 $0x60, s8;
	s5 =	simm.s32 $0x14040;
	[smem:$0x7FA] =	sst s19  }
0x29: {  	s15 =	simm.s32 $0x140C0;
	s8 =	simm.s32 $0x14240;
	[smem:$0x7FB] =	sst s20  }
.Ltmp0:
0x2a: {  	s10 =	simm.s32 $0x142C0;
	[smem:$0x7FC] =	sst s21;
	(pc) =	sbr.rel .LBB2_1-.Ltmp0, $4  }
0x2b: {  	s11 =	simm.s32 $0x14340;
	s13 =	simm.s32 $0x1;
	[smem:$0x7F7] =	sst s0  }
0x2c: {  	s14 =	simm.s32 $0x80;
	s6 =	simm.s32 $0x2;
	[dreg:$0x1c] =	wrdreg s24  }
0x2d: {  	s23 =	simm.s32 $0x3;
	[dreg:$0x1d] =	wrdreg s25;
	s24 =	simm.s32 $0x4  }
0x2e: {  	s25 =	simm.s32 $0x5;
	s0 =	simm.s32 $0x9;
	[smem:$0x7FD] =	sst s22  }
.LBB2_4:
0x2f: {  	[bflag:$0x0] =	sbarrier.arrive $0xFFFF  }
0x30: {  	s1 =	simm.s32 @p0 $0x14440;
	s30 =	rddreg [dreg:$0x12]  }
0x31: {  	[tilespmem:s1], [sflag:$0xA] =	stream.linear.gather @p0 [spmem:s30], $0x4000, $0x38;
	[tilespmem:$0x1C440] =	vst v63  }
0x32: {  	s30 =	simm.s32 @p0 $0xA  }
0x33: {  	_ =	swait.ge @p0 [sflag:s30], $0x4000  }
0x34: {  	[sflag:s30] =	ssyncset.done @p0 $0x0  }
0x35: {  	s26 =	simm.s32 @p0 $0x0;
	s17 =	rddreg [dreg:$0x9];
	[sflag:s30] =	ssyncadd.s32 @p0 $0xFFFFC000  }
0x36: {  	[hbm4b:s17+s26] =	stream.linear.scatter @p0 [tilespmem:s1], [sflag:$0xA], $0x4000, $0x38;
	[tilespmem:$0x1C440] =	vst v63  }
0x37: {  	_ =	swait.ge @p0 [sflag:s30], $0x4000  }
0x38: {  	[sflag:s30] =	ssyncset.done @p0 $0x0  }
0x39: {  	s17 =	rddreg [dreg:$0x13];
	[sflag:s30] =	ssyncadd.s32 @p0 $0xFFFFC000  }
0x3a: {  	[tilespmem:s1], [sflag:$0xA] =	stream.linear.gather @p0 [spmem:s17], $0x4000, $0x38;
	[tilespmem:$0x1C440] =	vst v63  }
0x3b: {  	_ =	swait.ge @p0 [sflag:s30], $0x4000  }
0x3c: {  	s26 =	simm.s32 @p0 $0x14440;
	[sflag:s30] =	ssyncset.done @p0 $0x0  }
0x3d: {  	s1 =	simm.s32 @p0 $0x0;
	s17 =	rddreg [dreg:$0xa];
	[sflag:s30] =	ssyncadd.s32 @p0 $0xFFFFC000  }
0x3e: {  	[hbm4b:s17+s1] =	stream.linear.scatter @p0 [tilespmem:s26], [sflag:$0xA], $0x4000, $0x38;
	[tilespmem:$0x1C440] =	vst v63  }
0x3f: {  	_ =	swait.ge @p0 [sflag:s30], $0x4000  }
0x40: {  	[sflag:s30] =	ssyncset.done @p0 $0x0  }
0x41: {  	s1 =	simm.s32 @p0 $0x14440;
	s17 =	rddreg [dreg:$0x15];
	[sflag:s30] =	ssyncadd.s32 @p0 $0xFFFFC000  }
0x42: {  	[tilespmem:s1], [sflag:$0xA] =	stream.linear.gather @p0 [spmem:s17], $0x4000, $0x38;
	[tilespmem:$0x1C440] =	vst v63  }
0x43: {  	_ =	swait.ge @p0 [sflag:s30], $0x4000  }
0x44: {  	s20 =	simm.s32 @p0 $0x14440;
	[sflag:s30] =	ssyncset.done @p0 $0x0  }
0x45: {  	s1 =	simm.s32 @p0 $0x0;
	s17 =	rddreg [dreg:$0xb];
	[sflag:s30] =	ssyncadd.s32 @p0 $0xFFFFC000  }
0x46: {  	[hbm4b:s17+s1] =	stream.linear.scatter @p0 [tilespmem:s20], [sflag:$0xA], $0x4000, $0x38;
	[tilespmem:$0x1C440] =	vst v63  }
0x47: {  	s20 =	sld [smem:$0x7FB];
	_ =	swait.ge @p0 [sflag:s30], $0x4000  }
0x48: {  	[sflag:s30] =	ssyncset.done @p0 $0x0  }
0x49: {  	s1 =	simm.s32 @p0 $0x14440;
	s17 =	rddreg [dreg:$0x16];
	[sflag:s30] =	ssyncadd.s32 @p0 $0xFFFFC000  }
0x4a: {  	[tilespmem:s1], [sflag:$0xA] =	stream.linear.gather @p0 [spmem:s17], $0x4000, $0x38;
	[tilespmem:$0x1C440] =	vst v63  }
0x4b: {  	_ =	swait.ge @p0 [sflag:s30], $0x4000  }
0x4c: {  	s26 =	simm.s32 @p0 $0x14440;
	[sflag:s30] =	ssyncset.done @p0 $0x0  }
0x4d: {  	s1 =	simm.s32 @p0 $0x0;
	s17 =	rddreg [dreg:$0xc];
	[sflag:s30] =	ssyncadd.s32 @p0 $0xFFFFC000  }
0x4e: {  	[hbm4b:s17+s1] =	stream.linear.scatter @p0 [tilespmem:s26], [sflag:$0xA], $0x4000, $0x38;
	[tilespmem:$0x1C440] =	vst v63  }
0x4f: {  	_ =	swait.ge @p0 [sflag:s30], $0x4000  }
0x50: {  	[sflag:s30] =	ssyncset.done @p0 $0x0  }
0x51: {  	s1 =	simm.s32 @p0 $0x14440;
	s17 =	rddreg [dreg:$0x17];
	[sflag:s30] =	ssyncadd.s32 @p0 $0xFFFFC000  }
0x52: {  	[tilespmem:s1], [sflag:$0xA] =	stream.linear.gather @p0 [spmem:s17], $0x800, $0x38;
	[tilespmem:$0x1C440] =	vst v63  }
0x53: {  	_ =	swait.ge @p0 [sflag:s30], $0x800  }
0x54: {  	s22 =	simm.s32 @p0 $0x14440;
	[sflag:s30] =	ssyncset.done @p0 $0x0  }
0x55: {  	s1 =	simm.s32 @p0 $0x0;
	s17 =	rddreg [dreg:$0xd];
	[sflag:s30] =	ssyncadd.s32 @p0 $0xFFFFF800  }
0x56: {  	[hbm4b:s17+s1] =	stream.linear.scatter @p0 [tilespmem:s22], [sflag:$0xA], $0x800, $0x38;
	[tilespmem:$0x1C440] =	vst v63  }
0x57: {  	s22 =	sld [smem:$0x7FD];
	_ =	swait.ge @p0 [sflag:s30], $0x800  }
0x58: {  	s17 =	simm.s32 @!p0 $0x14440;
	[sflag:s30] =	ssyncset.done @p0 $0x0  }
0x59: {  	s1 =	rddreg [dreg:$0x5];
	[sflag:s30] =	ssyncadd.s32 @p0 $0xFFFFF800;
	s30 =	simm.s32 @!p0 $0xA  }
0x5a: {  	[tilespmem:s17], [sflag:$0xA] =	stream.linear.gather @!p0 [spmem:s1], $0x4000, $0x38;
	[tilespmem:$0x1C440] =	vst v63  }
0x5b: {  	_ =	swait.ge @!p0 [sflag:s30], $0x4000  }
0x5c: {  	[sflag:s30] =	ssyncset.done @!p0 $0x0  }
0x5d: {  	s26 =	simm.s32 @!p0 $0x0;
	s1 =	rddreg [dreg:$0x9];
	[sflag:s30] =	ssyncadd.s32 @!p0 $0xFFFFC000  }
0x5e: {  	[hbm4b:s1+s26] =	stream.linear.scatter @!p0 [tilespmem:s17], [sflag:$0xA], $0x4000, $0x38;
	[tilespmem:$0x1C440] =	vst v63  }
0x5f: {  	_ =	swait.ge @!p0 [sflag:s30], $0x4000  }
0x60: {  	[sflag:s30] =	ssyncset.done @!p0 $0x0  }
0x61: {  	s1 =	rddreg [dreg:$0x6];
	[sflag:s30] =	ssyncadd.s32 @!p0 $0xFFFFC000  }
0x62: {  	[tilespmem:s17], [sflag:$0xA] =	stream.linear.gather @!p0 [spmem:s1], $0x4000, $0x38;
	[tilespmem:$0x1C440] =	vst v63  }
0x63: {  	_ =	swait.ge @!p0 [sflag:s30], $0x4000  }
0x64: {  	s19 =	simm.s32 @!p0 $0x14440;
	[sflag:s30] =	ssyncset.done @!p0 $0x0  }
0x65: {  	s17 =	simm.s32 @!p0 $0x0;
	s1 =	rddreg [dreg:$0xa];
	[sflag:s30] =	ssyncadd.s32 @!p0 $0xFFFFC000  }
0x66: {  	[hbm4b:s1+s17] =	stream.linear.scatter @!p0 [tilespmem:s19], [sflag:$0xA], $0x4000, $0x38;
	[tilespmem:$0x1C440] =	vst v63  }
0x67: {  	_ =	swait.ge @!p0 [sflag:s30], $0x4000  }
0x68: {  	[sflag:s30] =	ssyncset.done @!p0 $0x0  }
0x69: {  	s17 =	simm.s32 @!p0 $0x14440;
	s1 =	rddreg [dreg:$0x7];
	[sflag:s30] =	ssyncadd.s32 @!p0 $0xFFFFC000  }
0x6a: {  	[tilespmem:s17], [sflag:$0xA] =	stream.linear.gather @!p0 [spmem:s1], $0x4000, $0x38;
	[tilespmem:$0x1C440] =	vst v63  }
0x6b: {  	_ =	swait.ge @!p0 [sflag:s30], $0x4000  }
0x6c: {  	s19 =	simm.s32 @!p0 $0x14440;
	[sflag:s30] =	ssyncset.done @!p0 $0x0  }
0x6d: {  	s17 =	simm.s32 @!p0 $0x0;
	s1 =	rddreg [dreg:$0xb];
	[sflag:s30] =	ssyncadd.s32 @!p0 $0xFFFFC000  }
0x6e: {  	[hbm4b:s1+s17] =	stream.linear.scatter @!p0 [tilespmem:s19], [sflag:$0xA], $0x4000, $0x38;
	[tilespmem:$0x1C440] =	vst v63  }
0x6f: {  	s19 =	sld [smem:$0x7FA];
	_ =	swait.ge @!p0 [sflag:s30], $0x4000  }
0x70: {  	[sflag:s30] =	ssyncset.done @!p0 $0x0  }
0x71: {  	s17 =	simm.s32 @!p0 $0x14440;
	s1 =	rddreg [dreg:$0xf];
	[sflag:s30] =	ssyncadd.s32 @!p0 $0xFFFFC000  }
0x72: {  	[tilespmem:s17], [sflag:$0xA] =	stream.linear.gather @!p0 [spmem:s1], $0x4000, $0x38;
	[tilespmem:$0x1C440] =	vst v63  }
0x73: {  	_ =	swait.ge @!p0 [sflag:s30], $0x4000  }
0x74: {  	s21 =	simm.s32 @!p0 $0x14440;
	[sflag:s30] =	ssyncset.done @!p0 $0x0  }
0x75: {  	s17 =	simm.s32 @!p0 $0x0;
	s1 =	rddreg [dreg:$0xc];
	[sflag:s30] =	ssyncadd.s32 @!p0 $0xFFFFC000  }
0x76: {  	[hbm4b:s1+s17] =	stream.linear.scatter @!p0 [tilespmem:s21], [sflag:$0xA], $0x4000, $0x38;
	[tilespmem:$0x1C440] =	vst v63  }
0x77: {  	s21 =	sld [smem:$0x7FC];
	_ =	swait.ge @!p0 [sflag:s30], $0x4000  }
0x78: {  	[sflag:s30] =	ssyncset.done @!p0 $0x0  }
0x79: {  	s17 =	simm.s32 @!p0 $0x14440;
	s1 =	rddreg [dreg:$0x10];
	[sflag:s30] =	ssyncadd.s32 @!p0 $0xFFFFC000  }
0x7a: {  	[tilespmem:s17], [sflag:$0xA] =	stream.linear.gather @!p0 [spmem:s1], $0x4000, $0x38;
	[tilespmem:$0x1C440] =	vst v63  }
0x7b: {  	_ =	swait.ge @!p0 [sflag:s30], $0x4000  }
0x7c: {  	s26 =	simm.s32 @!p0 $0x14440;
	[sflag:s30] =	ssyncset.done @!p0 $0x0  }
0x7d: {  	s17 =	simm.s32 @!p0 $0x0;
	s1 =	rddreg [dreg:$0xd];
	[sflag:s30] =	ssyncadd.s32 @!p0 $0xFFFFC000  }
0x7e: {  	[hbm4b:s1+s17] =	stream.linear.scatter @!p0 [tilespmem:s26], [sflag:$0xA], $0x4000, $0x38;
	[tilespmem:$0x1C440] =	vst v63  }
0x7f: {  	_ =	swait.ge @!p0 [sflag:s30], $0x4000  }
0x80: {  	[sflag:s30] =	ssyncset.done @!p0 $0x0  }
0x81: {  	s17 =	simm.s32 @!p0 $0x14440;
	s1 =	rddreg [dreg:$0x11];
	[sflag:s30] =	ssyncadd.s32 @!p0 $0xFFFFC000  }
0x82: {  	[tilespmem:s17], [sflag:$0xA] =	stream.linear.gather @!p0 [spmem:s1], $0x400, $0x38;
	[tilespmem:$0x1C440] =	vst v63  }
0x83: {  	_ =	swait.ge @!p0 [sflag:s30], $0x400  }
0x84: {  	s26 =	simm.s32 @!p0 $0x14440;
	[sflag:s30] =	ssyncset.done @!p0 $0x0  }
0x85: {  	s17 =	simm.s32 @!p0 $0x0;
	s1 =	rddreg [dreg:$0xe];
	[sflag:s30] =	ssyncadd.s32 @!p0 $0xFFFFFC00  }
0x86: {  	[hbm4b:s1+s17] =	stream.linear.scatter @!p0 [tilespmem:s26], [sflag:$0xA], $0x400, $0x38;
	[tilespmem:$0x1C440] =	vst v63  }
0x87: {  	_ =	swait.ge @!p0 [sflag:s30], $0x400  }
0x88: {  	s16 =	rddreg [dreg:$0x1f]  }
0x89: {  	s26 =	rddreg [dreg:$0x14];
	s16 =	sadd.s32 $0x1, s16  }
0x8a: {  	p1 =	sne.s32 s16, s26  }
.Ltmp1:
0x8b: {  	_ = 	snop;
	(pc) =	sbr.rel @!p1 .LBB2_5-.Ltmp1, $3  }
0x8c: {  	_ =	sdelay $0x1  }
0x8d: {  	[sflag:s30] =	ssyncset.done @!p0 $0x0;
	[dreg:$0x1f] =	wrdreg s16  }
0x8e: {  	[sflag:s30] =	ssyncadd.s32 @!p0 $0xFFFFFC00;
	s16 =	sld [smem:$0x7F8]  }
.LBB2_1:
0x8f: {  	s1 =	rddreg [dreg:$0x4];
	s30 =	simm.s32 $0x14440  }
0x90: {  	[tilespmem:s30], [sflag:$0xA] =	stream.linear.gather [hbm4b:s1+s4], $0x4000, $0x38;
	[tilespmem:$0x1C440] =	vst v63  }
0x91: {  	s30 =	simm.s32 $0xA  }
0x92: {  	_ =	swait.ge [sflag:s30], $0x4000  }
0x93: {  	[sflag:s30] =	ssyncset.done $0x0  }
0x94: {  	[sflag:s30] =	ssyncadd.s32 $0xFFFFC000  }
0x95: {  	s26 =	rddreg [dreg:$0x1]  }
0x96: {  	[tilespmem:s2], [sflag:$0xA] =	stream.linear.gather [hbm4b:s26+s4], $0x4000, $0x38;
	[tilespmem:$0x1C440] =	vst v63  }
0x97: {  	_ =	swait.ge [sflag:s30], $0x4000  }
0x98: {  	[sflag:s30] =	ssyncset.done $0x0  }
0x99: {  	s17 =	simm.s32 @p0 $0x14440;
	s1 =	rddreg [dreg:$0x12];
	[sflag:s30] =	ssyncadd.s32 $0xFFFFC000  }
0x9a: {  	[spmem:s1] =	stream.linear.scatter @p0 [tilespmem:s17], [sflag:$0xA], $0x4000, $0x38;
	[tilespmem:$0x1C440] =	vst v63  }
0x9b: {  	s1 =	simm.s32 @p0 $0xA  }
0x9c: {  	_ =	swait.ge @p0 [sflag:s1], $0x4000  }
0x9d: {  	[sflag:s1] =	ssyncset.done @p0 $0x0  }
0x9e: {  	s30 =	simm.s32 @p0 $0x14440;
	s17 =	rddreg [dreg:$0x13];
	[sflag:s1] =	ssyncadd.s32 @p0 $0xFFFFC000  }
0x9f: {  	[spmem:s17] =	stream.linear.scatter @p0 [tilespmem:s30], [sflag:$0xA], $0x4000, $0x38;
	[tilespmem:$0x1C440] =	vst v63  }
0xa0: {  	s18 =	rddreg [dreg:$0x15];
	_ =	swait.ge @p0 [sflag:s1], $0x4000  }
0xa1: {  	[sflag:s1] =	ssyncset.done @p0 $0x0  }
0xa2: {  	s30 =	simm.s32 @p0 $0x14440;
	[sflag:s1] =	ssyncadd.s32 @p0 $0xFFFFC000  }
0xa3: {  	[spmem:s18] =	stream.linear.scatter @p0 [tilespmem:s30], [sflag:$0xA], $0x4000, $0x38;
	[tilespmem:$0x1C440] =	vst v63  }
0xa4: {  	s18 =	sld [smem:$0x7F9];
	_ =	swait.ge @p0 [sflag:s1], $0x4000  }
0xa5: {  	[sflag:s1] =	ssyncset.done @p0 $0x0  }
0xa6: {  	s17 =	rddreg [dreg:$0x16];
	[sflag:s1] =	ssyncadd.s32 @p0 $0xFFFFC000  }
0xa7: {  	[spmem:s17] =	stream.linear.scatter @p0 [tilespmem:s30], [sflag:$0xA], $0x4000, $0x38;
	[tilespmem:$0x1C440] =	vst v63  }
0xa8: {  	_ =	swait.ge @p0 [sflag:s1], $0x4000  }
0xa9: {  	[sflag:s1] =	ssyncset.done @p0 $0x0  }
0xaa: {  	s17 =	simm.s32 @p0 $0x14440;
	s30 =	rddreg [dreg:$0x17];
	[sflag:s1] =	ssyncadd.s32 @p0 $0xFFFFC000  }
0xab: {  	[spmem:s30] =	stream.linear.scatter @p0 [tilespmem:s17], [sflag:$0xA], $0x800, $0x38;
	[tilespmem:$0x1C440] =	vst v63  }
0xac: {  	_ =	swait.ge @p0 [sflag:s1], $0x800  }
0xad: {  	[sflag:s1] =	ssyncset.done @p0 $0x0  }
0xae: {  	s17 =	simm.s32 @!p0 $0x14440;
	s30 =	rddreg [dreg:$0x5];
	[sflag:s1] =	ssyncadd.s32 @p0 $0xFFFFF800  }
0xaf: {  	[spmem:s30] =	stream.linear.scatter @!p0 [tilespmem:s17], [sflag:$0xA], $0x4000, $0x38;
	[tilespmem:$0x1C440] =	vst v63  }
0xb0: {  	s30 =	simm.s32 @!p0 $0xA  }
0xb1: {  	_ =	swait.ge @!p0 [sflag:s30], $0x4000  }
0xb2: {  	[sflag:s30] =	ssyncset.done @!p0 $0x0  }
0xb3: {  	s1 =	rddreg [dreg:$0x6];
	[sflag:s30] =	ssyncadd.s32 @!p0 $0xFFFFC000  }
0xb4: {  	[spmem:s1] =	stream.linear.scatter @!p0 [tilespmem:s17], [sflag:$0xA], $0x4000, $0x38;
	[tilespmem:$0x1C440] =	vst v63  }
0xb5: {  	_ =	swait.ge @!p0 [sflag:s30], $0x4000  }
0xb6: {  	[sflag:s30] =	ssyncset.done @!p0 $0x0  }
0xb7: {  	s1 =	rddreg [dreg:$0x7];
	[sflag:s30] =	ssyncadd.s32 @!p0 $0xFFFFC000  }
0xb8: {  	[spmem:s1] =	stream.linear.scatter @!p0 [tilespmem:s17], [sflag:$0xA], $0x4000, $0x38;
	[tilespmem:$0x1C440] =	vst v63  }
0xb9: {  	_ =	swait.ge @!p0 [sflag:s30], $0x4000  }
0xba: {  	[sflag:s30] =	ssyncset.done @!p0 $0x0  }
0xbb: {  	s1 =	rddreg [dreg:$0xf];
	[sflag:s30] =	ssyncadd.s32 @!p0 $0xFFFFC000  }
0xbc: {  	[spmem:s1] =	stream.linear.scatter @!p0 [tilespmem:s17], [sflag:$0xA], $0x4000, $0x38;
	[tilespmem:$0x1C440] =	vst v63  }
0xbd: {  	_ =	swait.ge @!p0 [sflag:s30], $0x4000  }
0xbe: {  	[sflag:s30] =	ssyncset.done @!p0 $0x0  }
0xbf: {  	s1 =	rddreg [dreg:$0x10];
	[sflag:s30] =	ssyncadd.s32 @!p0 $0xFFFFC000  }
0xc0: {  	[spmem:s1] =	stream.linear.scatter @!p0 [tilespmem:s17], [sflag:$0xA], $0x4000, $0x38;
	[tilespmem:$0x1C440] =	vst v63  }
0xc1: {  	_ =	swait.ge @!p0 [sflag:s30], $0x4000  }
0xc2: {  	[sflag:s30] =	ssyncset.done @!p0 $0x0  }
0xc3: {  	s1 =	rddreg [dreg:$0x11];
	[sflag:s30] =	ssyncadd.s32 @!p0 $0xFFFFC000  }
0xc4: {  	[spmem:s1] =	stream.linear.scatter @!p0 [tilespmem:s17], [sflag:$0xA], $0x400, $0x38;
	[tilespmem:$0x1C440] =	vst v63  }
0xc5: {  	_ =	swait.ge @!p0 [sflag:s30], $0x400  }
0xc6: {  	[sflag:s30] =	ssyncset.done @!p0 $0x0  }
0xc7: {  	[sflag:s30] =	ssyncadd.s32 @!p0 $0xFFFFFC00  }
0xc8: {  	[bflag:$0x0] =	sbarrier.arrive $0xFFFF  }
0xc9: {  	s17 =	rddreg [dreg:$0x8]  }
0xca: {  	s26 =	rddreg [dreg:$0x18]  }
0xcb: {  	[tilespmem:s5], [sflag:$0x1] =	stream.linear.gather [hbm4b:s17+s4], $0x80, $0x38;
	[tilespmem:$0x1C440] =	vst v63  }
0xcc: {  	s17 =	rddreg [dreg:$0x19]  }
0xcd: {  	[tilespmem:s15], [sflag:$0x2] =	stream.linear.gather [hbm4b:s26+s4], $0x80, $0x38;
	[tilespmem:$0x1C440] =	vst v63  }
0xce: {  	s26 =	rddreg [dreg:$0x1a]  }
0xcf: {  	[tilespmem:s9], [sflag:$0x3] =	stream.linear.gather [hbm4b:s17+s4], $0x80, $0x38;
	[tilespmem:$0x1C440] =	vst v63  }
0xd0: {  	s17 =	rddreg [dreg:$0x1b]  }
0xd1: {  	[tilespmem:s7], [sflag:$0x4] =	stream.linear.gather [hbm4b:s26+s4], $0x80, $0x38;
	[tilespmem:$0x1C440] =	vst v63  }
0xd2: {  	s26 =	rddreg [dreg:$0x1c]  }
0xd3: {  	[tilespmem:s8], [sflag:$0x5] =	stream.linear.gather [hbm4b:s17+s4], $0x80, $0x38;
	[tilespmem:$0x1C440] =	vst v63  }
0xd4: {  	s17 =	rddreg [dreg:$0x1d]  }
0xd5: {  	[tilespmem:s10], [sflag:$0x6] =	stream.linear.gather [hbm4b:s26+s4], $0x80, $0x38;
	[tilespmem:$0x1C440] =	vst v63  }
0xd6: {  	s26 =	rddreg [dreg:$0x1e]  }
0xd7: {  	[tilespmem:s11], [sflag:$0x7] =	stream.linear.gather [hbm4b:s17+s4], $0x80, $0x38;
	[tilespmem:$0x1C440] =	vst v63  }
0xd8: {  	s30 =	simm.s32 $0x0;
	s17 =	sld [smem:$0x7F6]  }
0xd9: {  	[tilespmem:s12], [sflag:$0x8] =	stream.linear.gather [hbm4b:s26+s4], $0x80, $0x38;
	[tilespmem:$0x1C440] =	vst v63  }
.LBB2_2:
0xda: {  	_ =	swait.ge [sflag:s13], $0x80  }
0xdb: {  	[sflag:s13] =	ssyncset.done $0x0  }
0xdc: {  	[sflag:s13] =	ssyncadd.s32 $0xFFFFFF80  }
0xdd: {  	[spmem:s3] =	stream.indirect.scatter.add.f32 [tilespmem:s2], [sflag:$0x9], $0x80, s5, s14, $0xb8;
	[tilespmem:$0x1C440] =	vst v63  }
0xde: {  	_ =	swait.ge [sflag:s6], $0x80  }
0xdf: {  	[sflag:s6] =	ssyncset.done $0x0  }
0xe0: {  	[sflag:s6] =	ssyncadd.s32 $0xFFFFFF80  }
0xe1: {  	[spmem:s3] =	stream.indirect.scatter.add.f32 [tilespmem:s2], [sflag:$0x9], $0x80, s15, s14, $0xb8;
	[tilespmem:$0x1C440] =	vst v63  }
0xe2: {  	_ =	swait.ge [sflag:s23], $0x80  }
0xe3: {  	[sflag:s23] =	ssyncset.done $0x0  }
0xe4: {  	[sflag:s23] =	ssyncadd.s32 $0xFFFFFF80  }
0xe5: {  	[spmem:s3] =	stream.indirect.scatter.add.f32 [tilespmem:s2], [sflag:$0x9], $0x80, s9, s14, $0xb8;
	[tilespmem:$0x1C440] =	vst v63  }
0xe6: {  	_ =	swait.ge [sflag:s24], $0x80  }
0xe7: {  	[sflag:s24] =	ssyncset.done $0x0  }
0xe8: {  	[sflag:s24] =	ssyncadd.s32 $0xFFFFFF80  }
0xe9: {  	[spmem:s3] =	stream.indirect.scatter.add.f32 [tilespmem:s2], [sflag:$0x9], $0x80, s7, s14, $0xb8;
	[tilespmem:$0x1C440] =	vst v63  }
0xea: {  	_ =	swait.ge [sflag:s25], $0x80  }
0xeb: {  	[sflag:s25] =	ssyncset.done $0x0  }
0xec: {  	[sflag:s25] =	ssyncadd.s32 $0xFFFFFF80  }
0xed: {  	[spmem:s3] =	stream.indirect.scatter.add.f32 [tilespmem:s2], [sflag:$0x9], $0x80, s8, s14, $0xb8;
	[tilespmem:$0x1C440] =	vst v63  }
0xee: {  	_ =	swait.ge [sflag:s28], $0x80  }
0xef: {  	[sflag:s28] =	ssyncset.done $0x0  }
0xf0: {  	[sflag:s28] =	ssyncadd.s32 $0xFFFFFF80  }
0xf1: {  	[spmem:s3] =	stream.indirect.scatter.add.f32 [tilespmem:s2], [sflag:$0x9], $0x80, s10, s14, $0xb8;
	[tilespmem:$0x1C440] =	vst v63  }
0xf2: {  	_ =	swait.ge [sflag:s29], $0x80  }
0xf3: {  	[sflag:s29] =	ssyncset.done $0x0  }
0xf4: {  	[sflag:s29] =	ssyncadd.s32 $0xFFFFFF80  }
0xf5: {  	[spmem:s3] =	stream.indirect.scatter.add.f32 [tilespmem:s2], [sflag:$0x9], $0x80, s11, s14, $0xb8;
	[tilespmem:$0x1C440] =	vst v63  }
0xf6: {  	_ =	swait.ge [sflag:s31], $0x80  }
0xf7: {  	[sflag:s31] =	ssyncset.done $0x0  }
0xf8: {  	[sflag:s31] =	ssyncadd.s32 $0xFFFFFF80  }
0xf9: {  	[spmem:s3] =	stream.indirect.scatter.add.f32 [tilespmem:s2], [sflag:$0x9], $0x80, s12, s14, $0xb8;
	[tilespmem:$0x1C440] =	vst v63  }
0xfa: {  	_ =	swait.ge [sflag:s0], $0x4000  }
0xfb: {  	[sflag:s0] =	ssyncset.done $0x0  }
0xfc: {  	[sflag:s0] =	ssyncadd.s32 $0xFFFFC000  }
0xfd: {  	_ =	swait.ge [sflag:s0], $0x4000  }
0xfe: {  	[sflag:s0] =	ssyncset.done $0x0  }
0xff: {  	[sflag:s0] =	ssyncadd.s32 $0xFFFFC000  }
0x100: {  	_ =	swait.ge [sflag:s0], $0x4000  }
0x101: {  	[sflag:s0] =	ssyncset.done $0x0  }
0x102: {  	[sflag:s0] =	ssyncadd.s32 $0xFFFFC000  }
0x103: {  	_ =	swait.ge [sflag:s0], $0x4000  }
0x104: {  	[sflag:s0] =	ssyncset.done $0x0  }
0x105: {  	[sflag:s0] =	ssyncadd.s32 $0xFFFFC000  }
0x106: {  	_ =	swait.ge [sflag:s0], $0x4000  }
0x107: {  	[sflag:s0] =	ssyncset.done $0x0  }
0x108: {  	[sflag:s0] =	ssyncadd.s32 $0xFFFFC000  }
0x109: {  	_ =	swait.ge [sflag:s0], $0x4000  }
0x10a: {  	[sflag:s0] =	ssyncset.done $0x0  }
0x10b: {  	[sflag:s0] =	ssyncadd.s32 $0xFFFFC000  }
0x10c: {  	p1 =	seq.s32 s30, $0x480;
	_ =	swait.ge [sflag:s0], $0x4000  }
.Ltmp2:
0x10d: {  	[sflag:s0] =	ssyncset.done $0x0;
	(pc) =	sbr.rel @p1 .LBB2_4-.Ltmp2, $4  }
0x10e: {  	[sflag:s0] =	ssyncadd.s32 $0xFFFFC000  }
0x10f: {  	_ =	swait.ge [sflag:s0], $0x4000  }
0x110: {  	[sflag:s0] =	ssyncset.done $0x0  }
0x111: {  	[sflag:s0] =	ssyncadd.s32 $0xFFFFC000  }
0x112: {  	s1 =	sld [smem:$0x7F7];
	_ =	sdelay $0x2  }
0x113: {  	s1 =	sadd.s32 s30, s1  }
0x114: {  	[tilespmem:s5], [sflag:$0x1] =	stream.linear.gather [hbm4b:s1+s4], $0x80, $0x38;
	[tilespmem:$0x1C440] =	vst v63  }
0x115: {  	s26 =	sadd.s32 s30, s22  }
0x116: {  	[tilespmem:s15], [sflag:$0x2] =	stream.linear.gather [hbm4b:s26+s4], $0x80, $0x38;
	[tilespmem:$0x1C440] =	vst v63  }
0x117: {  	s26 =	sadd.s32 s30, s21  }
0x118: {  	[tilespmem:s9], [sflag:$0x3] =	stream.linear.gather [hbm4b:s26+s4], $0x80, $0x38;
	[tilespmem:$0x1C440] =	vst v63  }
0x119: {  	s26 =	sadd.s32 s30, s20  }
0x11a: {  	[tilespmem:s7], [sflag:$0x4] =	stream.linear.gather [hbm4b:s26+s4], $0x80, $0x38;
	[tilespmem:$0x1C440] =	vst v63  }
0x11b: {  	s26 =	sadd.s32 s30, s19  }
0x11c: {  	[tilespmem:s8], [sflag:$0x5] =	stream.linear.gather [hbm4b:s26+s4], $0x80, $0x38;
	[tilespmem:$0x1C440] =	vst v63  }
0x11d: {  	s26 =	sadd.s32 s30, s18  }
0x11e: {  	[tilespmem:s10], [sflag:$0x6] =	stream.linear.gather [hbm4b:s26+s4], $0x80, $0x38;
	[tilespmem:$0x1C440] =	vst v63  }
.Ltmp3:
0x11f: {  	_ = 	snop;
	(pc) =	sbr.rel .LBB2_2-.Ltmp3, $4  }
0x120: {  	s26 =	sadd.s32 s30, s17  }
0x121: {  	[tilespmem:s11], [sflag:$0x7] =	stream.linear.gather [hbm4b:s26+s4], $0x80, $0x38;
	[tilespmem:$0x1C440] =	vst v63  }
0x122: {  	s26 =	sadd.s32 s30, s16;
	s30 =	sadd.s32 $0x80, s30  }
0x123: {  	[tilespmem:s12], [sflag:$0x8] =	stream.linear.gather [hbm4b:s26+s4], $0x80, $0x38;
	[tilespmem:$0x1C440] =	vst v63  }
.LBB2_5:
0x124: {  	_ =	sfence.sel $0x180000  }
0x125: {  	[bflag:$0x0] =	sbarrier.arrive $0xFFFF  }
0x126: {  	_ =	strace $0x9000004A  }
0x127: {  	s0 =	stileid.u32;
	[bflag:$0x2] =	sbarrier.arrive $0xFFFF  }
0x128: {  	p0 =	sne.s32 s0, $0x0;
	s0 =	rddreg [dreg:$0x3]  }
0x129: {  	s0 =	sadd.s32 @!p0 $0x100000, s0  }
0x12a: {  	[sflag:s0] =	ssyncadd.tile.s32 @!p0 $0x1;
	_ =	shalt  }
.Lfunc_end2:
_tile_overlayer_lowered:
.L_overlay_start_2:
0x12b: {  	(tag) =	ssettag $0x2  }
0x12c: {  	s0 =	rddreg [dreg:$0x0];
	s2 =	stileid.u32  }
0x12d: {  	s1 =	rddreg [dreg:$0x1];
	p0 =	sne.s32 s2, $0x0  }
0x12e: {  	s3 =	rddreg [dreg:$0x2];
	[bflag:$0x3] =	sbarrier.arrive $0xFFFF;
	s2 =	simm.s32 @!p0 $0x1C0A  }
0x12f: {  	[timem:s3], [sflag:s2] =	dma.local @!p0 [hbm:s0], s1  }
0x130: {  	s0 =	simm.s32 @!p0 $0xA  }
0x131: {  	_ =	swait.ge @!p0 [sflag:s0], s1  }
0x132: {  	s1 =	ssub.s32 @!p0 $0x0, s1;
	[sflag:s0] =	ssyncset.done @!p0 $0x0  }
0x133: {  	[sflag:s0] =	ssyncadd.s32 @!p0 s1  }
0x134: {  	[bflag:$0x3] =	sbarrier.arrive $0xFFFF  }
0x135: {  	_ =	shalt  }

// kernel: kernel.13.cloned.1.call-start
scs
__scs_entry_jumppad:
0x0: {  	(pc) =	sbr.rel $0x88, $3  }
0x1: {  	(tag) =	ssettag $0x0;
	lr =	simm.s32 $0x1  }
0x2: {  	[smem:$0x3F97] =	sst lr;
	_ =	strace $0xD0000000  }
0x3: {  	_ = 	snop  }
0x4: {  	_ = 	snop  }
0x5: {  	_ = 	snop  }
0x6: {  	_ = 	snop  }
0x7: {  	_ = 	snop  }
__scs_overlays_trampoline_lowered:
0x8: {  	[smem:$0x3FA6] =	sst s0  }
0x9: {  	[smem:$0x3FA7] =	sst s1  }
0xa: {  	[smem:$0x3FA8] =	sst s2  }
0xb: {  	[smem:$0x3FA9] =	sst s3  }
0xc: {  	[smem:$0x3FAA] =	sst s4  }
0xd: {  	[smem:$0x3FAB] =	sst s5  }
0xe: {  	[smem:$0x3FAC] =	sst s6  }
0xf: {  	[smem:$0x3FAD] =	sst s7  }
0x10: {  	[smem:$0x3FAE] =	sst s8  }
0x11: {  	[smem:$0x3FAF] =	sst s9;
	s0 =	simm.s32 @!p0 $0x0  }
0x12: {  	s1 =	sld [smem:$0x3F95];
	s0 =	simm.s32 @p0 $0x1  }
0x13: {  	[smem:$0x3FB0] =	sst s0;
	s0 =	simm.s32 @!p1 $0x0  }
0x14: {  	s2 =	sld [smem:$0x3F94];
	s0 =	simm.s32 @p1 $0x1  }
0x15: {  	[smem:$0x3FB1] =	sst s0;
	s0 =	simm.s32 @!p2 $0x0  }
0x16: {  	s3 =	sld [smem:$0x3FDB];
	s0 =	simm.s32 @p2 $0x1  }
0x17: {  	s4 =	simm.s32 $0x1BF5;
	[smem:$0x3FB3] =	sst s0  }
0x18: {  	s0 =	sld [smem:$0x3F96];
	_ =	swait.ge [sflag:s4], $0x0  }
0x19: {  	s7 =	sld [smem:$0x3F97]  }
0x1a: {  	s8 =	sadd.s32 $0xFFFFE003, lr  }
0x1b: {  	s9 =	sadd.s32 $0xFFFFFEF7, lr;
	s5 =	simm.s32 $0xFFFFFFFF;
	p2 =	slt.u32 s8, $0xFFFFF086  }
0x1c: {  	p1 =	slt.u32 s9, $0xF7A;
	s5 =	simm.s32 @!p2 $0x0  }
0x1d: {  	s5 =	simm.s32 @p1 $0x1;
	p0 =	seq.s32 s7, s2  }
0x1e: {  	s7 =	smul.u32 @!p0 $0xF7A, s2;
	p2 =	seq.s32 @!p0 s5, $0x0  }
0x1f: {  	s9 =	smul.u32 $0xF7A, s1;
	s8 =	simm.s32 @!p0 $0x1BF5;
	p2 =	por !p2, p0  }
0x20: {  	[sflag:s8] =	ssyncset.s32 @!p0 $0xFFFFF086;
	s6 =	sadd.s32 @!p0 s3, s7;
	s7 =	simm.s32 @!p0 $0x108  }
0x21: {  	s3 =	sadd.s32 s3, s9;
	s6 =	sadd.s32 @!p0 $0x88, s6;
	s7 =	simm.s32 @p2 $0x1082  }
0x22: {  	[simem:s7], [sflag:s8] =	dma.local @!p0 [hbm:s6], $0xF7A  }
0x23: {  	s9 =	sor.u32 $0xD0000000, s2;
	s6 =	simm.s32 $0x108;
	_ =	swait.ge @!p0 [sflag:s8], $0x0  }
0x24: {  	s3 =	sadd.s32 $0x88, s3;
	s6 =	simm.s32 @!p1 $0x1082;
	[sflag:s4] =	ssyncset.s32 $0xFFFFF086  }
0x25: {  	[simem:s6], [sflag:s4] =	dma.local [hbm:s3], $0xF7A  }
0x26: {  	[smem:$0x3F97] =	sst s1;
	(tag) =	ssettag s2;
	_ =	strace s9  }
0x27: {  	s1 =	sld [smem:$0x3FA7]  }
0x28: {  	s2 =	sld [smem:$0x3FA8]  }
0x29: {  	s4 =	sld [smem:$0x3FAA]  }
0x2a: {  	p0 =	seq.s32 s5, $0x0;
	s5 =	sld [smem:$0x3FAB]  }
0x2b: {  	s6 =	sld [smem:$0x3FAC]  }
0x2c: {  	s7 =	sld [smem:$0x3FAD]  }
0x2d: {  	s3 =	simm.s32 $0x108;
	s8 =	sld [smem:$0x3FAE]  }
0x2e: {  	s3 =	simm.s32 @!p0 $0x1082;
	s9 =	sld [smem:$0x3FAF]  }
0x2f: {  	lr =	sadd.s32 s0, s3;
	s0 =	sld [smem:$0x3FA6]  }
0x30: {  	s3 =	sld [smem:$0x3FA9]  }
0x31: {  	[smem:$0x3FB2] =	sst s10  }
0x32: {  	s10 =	sld [smem:$0x3FB0];
	_ =	sdelay $0x3  }
0x33: {  	p0 =	seq.s32 s10, $0x1;
	s10 =	sld [smem:$0x3FB2];
	_ =	sdelay $0x3  }
0x34: {  	[smem:$0x3FB2] =	sst s10  }
0x35: {  	s10 =	sld [smem:$0x3FB1];
	_ =	sdelay $0x3  }
0x36: {  	p1 =	seq.s32 s10, $0x1;
	s10 =	sld [smem:$0x3FB2];
	_ =	sdelay $0x3  }
0x37: {  	[smem:$0x3FB2] =	sst s10  }
0x38: {  	s10 =	sld [smem:$0x3FB3]  }
0x39: {  	_ = 	snop;
	(pc) =	sbr.ind lr, $3  }
0x3a: {  	_ = 	snop  }
0x3b: {  	_ = 	snop  }
0x3c: {  	p2 =	seq.s32 s10, $0x1;
	s10 =	sld [smem:$0x3FB2]  }
0x3d: {  	_ =	shalt  }
0x3e: {  	_ =	shalt  }
0x3f: {  	_ =	shalt  }
0x40: {  	_ =	shalt  }
0x41: {  	_ =	shalt  }
0x42: {  	_ =	shalt  }
0x43: {  	_ =	shalt  }
0x44: {  	_ =	shalt  }
0x45: {  	_ =	shalt  }
0x46: {  	_ =	shalt  }
0x47: {  	_ =	shalt  }
0x48: {  	_ =	shalt  }
0x49: {  	_ =	shalt  }
0x4a: {  	_ =	shalt  }
0x4b: {  	_ =	shalt  }
0x4c: {  	_ =	shalt  }
0x4d: {  	_ =	shalt  }
0x4e: {  	_ =	shalt  }
0x4f: {  	_ =	shalt  }
0x50: {  	_ =	shalt  }
0x51: {  	_ =	shalt  }
0x52: {  	_ =	shalt  }
0x53: {  	_ =	shalt  }
0x54: {  	_ =	shalt  }
0x55: {  	_ =	shalt  }
0x56: {  	_ =	shalt  }
0x57: {  	_ =	shalt  }
0x58: {  	_ =	shalt  }
0x59: {  	_ =	shalt  }
0x5a: {  	_ =	shalt  }
0x5b: {  	_ =	shalt  }
0x5c: {  	_ =	shalt  }
0x5d: {  	_ =	shalt  }
0x5e: {  	_ =	shalt  }
0x5f: {  	_ =	shalt  }
0x60: {  	_ =	shalt  }
0x61: {  	_ =	shalt  }
0x62: {  	_ =	shalt  }
0x63: {  	_ =	shalt  }
0x64: {  	_ =	shalt  }
0x65: {  	_ =	shalt  }
0x66: {  	_ =	shalt  }
0x67: {  	_ =	shalt  }
0x68: {  	_ =	shalt  }
0x69: {  	_ =	shalt  }
0x6a: {  	_ =	shalt  }
0x6b: {  	_ =	shalt  }
0x6c: {  	_ =	shalt  }
0x6d: {  	_ =	shalt  }
0x6e: {  	_ =	shalt  }
0x6f: {  	_ =	shalt  }
0x70: {  	_ =	shalt  }
0x71: {  	_ =	shalt  }
0x72: {  	_ =	shalt  }
0x73: {  	_ =	shalt  }
0x74: {  	_ =	shalt  }
0x75: {  	_ =	shalt  }
0x76: {  	_ =	shalt  }
0x77: {  	_ =	shalt  }
0x78: {  	_ =	shalt  }
0x79: {  	_ =	shalt  }
0x7a: {  	_ =	shalt  }
0x7b: {  	_ =	shalt  }
0x7c: {  	_ =	shalt  }
0x7d: {  	_ =	shalt  }
0x7e: {  	_ =	shalt  }
0x7f: {  	_ =	shalt  }
0x80: {  	_ =	shalt  }
0x81: {  	_ =	shalt  }
0x82: {  	_ =	shalt  }
0x83: {  	_ =	shalt  }
0x84: {  	_ =	shalt  }
0x85: {  	_ =	shalt  }
0x86: {  	_ =	shalt  }
0x87: {  	_ =	shalt  }
.Lfunc_end0:
.L_simem_size_0:
called_computation.2_lowered:
.L_overlay_start_0:
0x88: {  	s2 =	sld [smem:$0x3FD9]  }
0x89: {  	s3 =	sld [smem:$0x3FFE];
	_ =	sdelay $0x1  }
0x8a: {  	s1 =	srdreg.scid  }
0x8b: {  	s0 =	sand.u32 $0x1, s1  }
0x8c: {  	s14 =	sshll.u32 s0, $0xA;
	s2 =	sadd.s32 s3, s2  }
0x8d: {  	s2 =	sadd.s32 s2, s14  }
0x8e: {  	[smem:$0x3FBE] =	sst s2  }
0x8f: {  	_ = 	snop  }
0x90: {  	s2 =	sld [smem:$0x3FD0];
	_ =	sdelay $0x2  }
0x91: {  	s15 =	simm.s32 $0xB;
	s4 =	simm.s32 $0x10  }
0x92: {  	[smem:s4], [sflag:s15] =	dma.local [hbm:s2], $0x1  }
0x93: {  	_ =	swait.eq [sflag:s15], $0x1  }
0x94: {  	[sflag:s15] =	ssyncset.done $0x0  }
0x95: {  	s16 =	sld [smem:$0x10];
	[sflag:s15] =	ssyncadd.s32 $0xFFFFFFFF  }
0x96: {  	s17 =	sld [smem:$0x11];
	(tm) =	ssettm $0x1  }
0x97: {  	s18 =	sld [smem:$0x3FFB];
	_ =	sdelay $0x3  }
0x98: {  	_ =	strace s18  }
0x99: {  	s4 =	sld [smem:$0x3FFC];
	_ =	sdelay $0x3  }
0x9a: {  	_ =	strace s4  }
0x9b: {  	s4 =	sld [smem:$0x3FFD];
	_ =	sdelay $0x3  }
0x9c: {  	_ =	strace s4  }
0x9d: {  	_ =	strace $0x8FFFFFFF  }
0x9e: {  	s19 =	sld [smem:$0x3FDB];
	_ =	sdelay $0x1  }
0x9f: {  	s5 =	simm.s32 $_scs_section_size  }
0xa0: {  	s6 =	simm.s32 $_size__tile_overlayer_lowered;
	s7 =	simm.s32 $_tile_overlayer_lowered  }
0xa1: {  	s22 =	simm.s32 $0x1BFF;
	s21 =	sshll.u32 s7, $0x1;
	s4 =	sadd.s32 s5, s19  }
0xa2: {  	s8 =	simm.s32 $0x0;
	s20 =	sshll.u32 s6, $0x1;
	s6 =	sadd.s32 s21, s4  }
0xa3: {  	[timem:s8], [sflag:s22] =	dma.local [hbm:s6], s20  }
0xa4: {  	_ =	swait.ge [sflag:s22], s20  }
0xa5: {  	s5 =	ssub.s32 $0x0, s20;
	[sflag:s22] =	ssyncset.done $0x0  }
0xa6: {  	[sflag:s22] =	ssyncadd.s32 s5;
	_ =	sdelay $0x1  }
0xa7: {  	s23 =	simm.s32 $0x1B8B  }
0xa8: {  	_ =	swait.ge [sflag:s23], $0x1  }
0xa9: {  	[sflag:s23] =	ssyncset.done $0x0  }
0xaa: {  	s25 =	simm.s32 $0x1B8E;
	s24 =	sld [smem:$0x3FFE];
	[sflag:s23] =	ssyncadd.s32 $0xFFFFFFFF  }
0xab: {  	s26 =	simm.s32 $execute0_lowered;
	[smem:$0x3FD2] =	sst s25  }
0xac: {  	s6 =	sshll.u32 s26, $0x1;
	_ =	strace $0x8000004C;
	[dreg:$0x1] =	wrdreg $0xFFFFFFFF  }
0xad: {  	s28 =	simm.s32 $_size_execute0_lowered;
	s4 =	sadd.s32 s4, s6;
	[dreg:$0x0] =	wrdreg $0x0  }
0xae: {  	s6 =	sshll.u32 s28, $0x1;
	[dreg:$0x2] =	wrdreg s4  }
0xaf: {  	[dreg:$0x3] =	wrdreg s6  }
0xb0: {  	[dreg:$0x4] =	wrdreg $0xC0  }
0xb1: {  	_ =	task [dreg:s8], $0x5FFFF  }
0xb2: {  	[dreg:$0x1] =	wrdreg $0xFFFFFFFF  }
0xb3: {  	[dreg:$0x0] =	wrdreg $0x60  }
0xb4: {  	[dreg:$0x2] =	wrdreg s17  }
0xb5: {  	[dreg:$0x3] =	wrdreg s16  }
0xb6: {  	[dreg:$0x4] =	wrdreg s24  }
0xb7: {  	[dreg:$0x5] =	wrdreg $0x0  }
0xb8: {  	[dreg:$0x6] =	wrdreg $0x9  }
0xb9: {  	_ =	task.clear_ibuf [dreg:s8], $0x7FFFF;
	_ =	strace $0x9000004C  }
0xba: {  	s29 =	simm.s32 $0x9;
	_ =	strace $0x8000004E  }
0xbb: {  	_ =	swait.ge [sflag:s29], $0x1  }
0xbc: {  	[sflag:s29] =	ssyncadd.s32 $0xFFFFFFFF  }
0xbd: {  	_ =	strace $0x9000004E  }
0xbe: {  	_ =	sfence  }
0xbf: {  	s30 =	sld [smem:$0x0];
	_ =	sdelay $0x2  }
0xc0: {  	s31 =	sshll.u32 s1, $0xD;
	s1 =	sshrl.u32 s1, $0x2  }
0xc1: {  	s3 =	sand.u32 $0x4000, s31;
	s1 =	sadd.s32 s1, s30  }
0xc2: {  	s0 =	sor.u32 s3, s0;
	s1 =	sshll.u32 s1, $0x11  }
0xc3: {  	s0 =	sor.u32 s1, s0  }
0xc4: {  	s0 =	sadd.s32 $0x8F2B, s0  }
0xc5: {  	[sflag:s0] =	ssyncadd.remote.s32 $0x1  }
0xc6: {  	_ =	sfence.sel $0xFFFF  }
0xc7: {  	[dreg:$0x0] =	wrdreg $0xFFFFFFFF;
	(pc) =	sbr.abs _section_cstart, $3  }
0xc8: {  	[dreg:$0x1] =	wrdreg $0xFFFFFFFF  }
0xc9: {  	_ =	task.clear_ibuf [dreg:s8], $0x2FFFF;
	_ =	strace $0x9FFFFFFF  }
0xca: {  	(tm) =	ssettm $0x7FFFFFFF  }
0xcb: {  	_ =	shalt  }
tec
execute0_lowered:
.L_overlay_start_1:
0x0: {  	(tag) =	ssettag $0x1  }
0x1: {  	s1 =	rddreg [dreg:$0x0]  }
0x2: {  	s0 =	rddreg [dreg:$0x1]  }
0x3: {  	s2 =	rddreg [dreg:$0x2];
	s4 =	srdreg.scid  }
0x4: {  	s12 =	stileid.u32;
	s3 =	rddreg [dreg:$0x3]  }
0x5: {  	s31 =	simm.s32 $0x2;
	s5 =	sand.u32 $0x1, s4;
	s6 =	smul.u32 $0x288, s12  }
0x6: {  	s4 =	simm.s32 $0x0;
	s8 =	sadd.s32 $0x2400, s2;
	s10 =	smul.u32 $0x51000, s12  }
0x7: {  	s17 =	sadd.s32 $0xC400, s2;
	s18 =	sshll.u32 s12, $0x1;
	s21 =	smul.u32 $0x5000, s12  }
0x8: {  	s13 =	sadd.s32 $0x12FC00, s3;
	p0 =	seq.s32 s12, $0xF;
	[smem:$0x7FF] =	sst s4  }
0x9: {  	s30 =	sadd.s32 $0x13BC00, s3;
	_ =	strace $0x8000004D;
	[dreg:$0x5] =	wrdreg s17  }
0xa: {  	s29 =	sadd.s32 $0x137C00, s3;
	s12 =	sadd.s32 $0x13FC00, s3;
	[dreg:$0x19] =	wrdreg s30  }
0xb: {  	s7 =	smul.u32 $0x2808, s5;
	s20 =	sshrl.u32 s10, $0x2;
	[dreg:$0x1a] =	wrdreg s29  }
0xc: {  	s9 =	ssub.s32 $0x2, s5;
	[dreg:$0x1d] =	wrdreg s13;
	s16 =	sadd.s32 s20, s3  }
0xd: {  	s19 =	sshrl.u32 s9, $0x1;
	s23 =	sadd.s32 $0xC000, s16;
	[dreg:$0x18] =	wrdreg s16  }
0xe: {  	s6 =	sadd.s32 s6, s7;
	s25 =	sadd.s32 $0x10000, s16;
	[dreg:$0x7] =	wrdreg s23  }
0xf: {  	s7 =	sor.u32 s5, s18;
	s15 =	sadd.s32 $0x14000, s16;
	[dreg:$0x8] =	wrdreg s25  }
0x10: {  	s11 =	smul.u32 $0x500, s7;
	s18 =	sadd.s32 $0x8000, s16;
	[dreg:$0x9] =	wrdreg s15  }
0x11: {  	s6 =	sshll.u32 s6, $0x4;
	s17 =	sadd.s32 $0x4000, s16;
	[dreg:$0xa] =	wrdreg s18  }
0x12: {  	s2 =	sadd.s32 s6, s2;
	[dreg:$0x16] =	wrdreg s17;
	s0 =	sadd.s32 s0, s11  }
0x13: {  	s5 =	smul.u32 $0x2800, s5;
	s22 =	sadd.s32 $0xCC00, s2;
	[dreg:$0x6] =	wrdreg s0  }
0x14: {  	s7 =	smul.u32 $0x2800, s7;
	s26 =	sadd.s32 $0xD400, s2;
	[dreg:$0xc] =	wrdreg s22  }
0x15: {  	s6 =	ssub.s32 s9, s19;
	s28 =	sadd.s32 $0xDC00, s2;
	[dreg:$0xd] =	wrdreg s26  }
0x16: {  	s7 =	sshrl.u32 s7, $0x3;
	s10 =	sadd.s32 $0xE400, s2;
	[dreg:$0xe] =	wrdreg s28  }
0x17: {  	s20 =	sadd.s32 $0xEC00, s2;
	s0 =	sadd.s32 s5, s21;
	[dreg:$0xf] =	wrdreg s10  }
0x18: {  	s9 =	sadd.s32 s8, s7;
	[dreg:$0x14] =	wrdreg s20;
	s21 =	sadd.s32 $0xF400, s2  }
0x19: {  	s22 =	sadd.s32 $0x133C00, s3;
	s20 =	simm.s32 $0x168C0;
	s2 =	simm.s32 $0x4  }
0x1a: {  	s10 =	simm.s32 $0x8;
	s24 =	sor.u32 $0x300, s0;
	[dreg:$0x15] =	wrdreg s21  }
0x1b: {  	s11 =	sor.u32 $0x280, s0;
	s14 =	sor.u32 $0x200, s0;
	[dreg:$0x1e] =	wrdreg s22  }
0x1c: {  	s0 =	sor.u32 $0x180, s0;
	s26 =	sadd.s32 $0x10, s9;
	[dreg:$0xb] =	wrdreg s9  }
0x1d: {  	s28 =	sadd.s32 $0x20, s9;
	s21 =	simm.s32 $0x16940;
	s22 =	simm.s32 $0x3  }
0x1e: {  	s9 =	simm.s32 $0x5;
	s5 =	sshrl.u32 s24, $0x3;
	s19 =	sshrl.u32 s14, $0x3  }
0x1f: {  	s0 =	sshrl.u32 s0, $0x3;
	s24 =	smax.u32 s6, $0x1;
	[dreg:$0x1b] =	wrdreg s26  }
0x20: {  	[dreg:$0x1c] =	wrdreg s28;
	s6 =	simm.s32 $0x16A40;
	s14 =	simm.s32 $0x1  }
0x21: {  	s26 =	simm.s32 $0x1AA40;
	s5 =	sadd.s32 s5, s8;
	[dreg:$0x17] =	wrdreg s24  }
.Ltmp0:
0x22: {  	s0 =	sadd.s32 s0, s8;
	[dreg:$0x10] =	wrdreg s5;
	(pc) =	sbr.rel .LBB2_1-.Ltmp0, $4  }
0x23: {  	s24 =	simm.s32 $0x80;
	s5 =	sshrl.u32 s11, $0x3;
	[dreg:$0x13] =	wrdreg s0  }
0x24: {  	s0 =	simm.s32 $0x169C0;
	s11 =	simm.s32 $0x6;
	s5 =	sadd.s32 s5, s8  }
0x25: {  	[dreg:$0x11] =	wrdreg s5;
	s5 =	sadd.s32 s19, s8;
	s19 =	simm.s32 $0x16840  }
0x26: {  	s8 =	simm.s32 $0x7;
	[dreg:$0x12] =	wrdreg s5;
	s5 =	simm.s32 $0x0  }
.LBB2_4:
0x27: {  	_ =	swait.ge [sflag:s31], $0x4000  }
0x28: {  	[sflag:s31] =	ssyncset.done $0x0  }
0x29: {  	[sflag:s31] =	ssyncadd.s32 $0xFFFFC000  }
0x2a: {  	_ =	swait.ge [sflag:s11], $0x80  }
0x2b: {  	[sflag:s11] =	ssyncset.done $0x0  }
0x2c: {  	[sflag:s11] =	ssyncadd.s32 $0xFFFFFF80  }
0x2d: {  	[spmem:s3] =	stream.indirect.scatter.add.f32 [tilespmem:s26], [sflag:$0x8], $0x80, s0, s24, $0xb8;
	[tilespmem:$0x1EA40] =	vst v63  }
0x2e: {  	_ =	swait.ge [sflag:s8], $0x4000  }
0x2f: {  	[sflag:s8] =	ssyncset.done $0x0  }
0x30: {  	[sflag:s8] =	ssyncadd.s32 $0xFFFFC000  }
0x31: {  	_ =	swait.ge [sflag:s10], $0x4000  }
0x32: {  	[sflag:s10] =	ssyncset.done $0x0  }
0x33: {  	[sflag:s10] =	ssyncadd.s32 $0xFFFFC000  }
0x34: {  	[bflag:$0x0] =	sbarrier.arrive $0xFFFF  }
0x35: {  	s7 =	simm.s32 @p0 $0x16A40;
	s13 =	simm.s32 @p0 $0x9;
	s5 =	rddreg [dreg:$0x1d]  }
0x36: {  	[tilespmem:s7], [sflag:$0x9] =	stream.linear.gather @p0 [spmem:s5], $0x4000, $0x38;
	[tilespmem:$0x1EA40] =	vst v63  }
0x37: {  	_ =	swait.ge @p0 [sflag:s13], $0x4000  }
0x38: {  	[sflag:s13] =	ssyncset.done @p0 $0x0  }
0x39: {  	s15 =	simm.s32 @p0 $0x0;
	s17 =	rddreg [dreg:$0xc];
	[sflag:s13] =	ssyncadd.s32 @p0 $0xFFFFC000  }
0x3a: {  	[hbm4b:s17+s15] =	stream.linear.scatter @p0 [tilespmem:s7], [sflag:$0x9], $0x4000, $0x38;
	[tilespmem:$0x1EA40] =	vst v63  }
0x3b: {  	_ =	swait.ge @p0 [sflag:s13], $0x4000  }
0x3c: {  	[sflag:s13] =	ssyncset.done @p0 $0x0  }
0x3d: {  	s5 =	rddreg [dreg:$0x1e];
	[sflag:s13] =	ssyncadd.s32 @p0 $0xFFFFC000  }
0x3e: {  	[tilespmem:s7], [sflag:$0x9] =	stream.linear.gather @p0 [spmem:s5], $0x4000, $0x38;
	[tilespmem:$0x1EA40] =	vst v63  }
0x3f: {  	_ =	swait.ge @p0 [sflag:s13], $0x4000  }
0x40: {  	[sflag:s13] =	ssyncset.done @p0 $0x0  }
0x41: {  	s18 =	rddreg [dreg:$0xd];
	[sflag:s13] =	ssyncadd.s32 @p0 $0xFFFFC000  }
0x42: {  	[hbm4b:s18+s15] =	stream.linear.scatter @p0 [tilespmem:s7], [sflag:$0x9], $0x4000, $0x38;
	[tilespmem:$0x1EA40] =	vst v63  }
0x43: {  	_ =	swait.ge @p0 [sflag:s13], $0x4000  }
0x44: {  	[sflag:s13] =	ssyncset.done @p0 $0x0  }
0x45: {  	[sflag:s13] =	ssyncadd.s32 @p0 $0xFFFFC000  }
0x46: {  	[tilespmem:s7], [sflag:$0x9] =	stream.linear.gather @p0 [spmem:s29], $0x4000, $0x38;
	[tilespmem:$0x1EA40] =	vst v63  }
0x47: {  	_ =	swait.ge @p0 [sflag:s13], $0x4000  }
0x48: {  	[sflag:s13] =	ssyncset.done @p0 $0x0  }
0x49: {  	s23 =	rddreg [dreg:$0xe];
	[sflag:s13] =	ssyncadd.s32 @p0 $0xFFFFC000  }
0x4a: {  	[hbm4b:s23+s15] =	stream.linear.scatter @p0 [tilespmem:s7], [sflag:$0x9], $0x4000, $0x38;
	[tilespmem:$0x1EA40] =	vst v63  }
0x4b: {  	_ =	swait.ge @p0 [sflag:s13], $0x4000  }
0x4c: {  	[sflag:s13] =	ssyncset.done @p0 $0x0  }
0x4d: {  	s30 =	rddreg [dreg:$0x19];
	[sflag:s13] =	ssyncadd.s32 @p0 $0xFFFFC000  }
0x4e: {  	[tilespmem:s7], [sflag:$0x9] =	stream.linear.gather @p0 [spmem:s30], $0x4000, $0x38;
	[tilespmem:$0x1EA40] =	vst v63  }
0x4f: {  	_ =	swait.ge @p0 [sflag:s13], $0x4000  }
0x50: {  	[sflag:s13] =	ssyncset.done @p0 $0x0  }
0x51: {  	s25 =	rddreg [dreg:$0xf];
	[sflag:s13] =	ssyncadd.s32 @p0 $0xFFFFC000  }
0x52: {  	[hbm4b:s25+s15] =	stream.linear.scatter @p0 [tilespmem:s7], [sflag:$0x9], $0x4000, $0x38;
	[tilespmem:$0x1EA40] =	vst v63  }
0x53: {  	_ =	swait.ge @p0 [sflag:s13], $0x4000  }
0x54: {  	[sflag:s13] =	ssyncset.done @p0 $0x0  }
0x55: {  	[sflag:s13] =	ssyncadd.s32 @p0 $0xFFFFC000  }
0x56: {  	[tilespmem:s7], [sflag:$0x9] =	stream.linear.gather @p0 [spmem:s12], $0x800, $0x38;
	[tilespmem:$0x1EA40] =	vst v63  }
0x57: {  	_ =	swait.ge @p0 [sflag:s13], $0x800  }
0x58: {  	[sflag:s13] =	ssyncset.done @p0 $0x0  }
0x59: {  	s5 =	rddreg [dreg:$0x14];
	[sflag:s13] =	ssyncadd.s32 @p0 $0xFFFFF800  }
0x5a: {  	[hbm4b:s5+s15] =	stream.linear.scatter @p0 [tilespmem:s7], [sflag:$0x9], $0x800, $0x38;
	[tilespmem:$0x1EA40] =	vst v63  }
0x5b: {  	_ =	swait.ge @p0 [sflag:s13], $0x800  }
0x5c: {  	s7 =	simm.s32 @!p0 $0x16A40;
	[sflag:s13] =	ssyncset.done @p0 $0x0  }
0x5d: {  	s16 =	rddreg [dreg:$0x18];
	[sflag:s13] =	ssyncadd.s32 @p0 $0xFFFFF800;
	s13 =	simm.s32 @!p0 $0x9  }
0x5e: {  	[tilespmem:s7], [sflag:$0x9] =	stream.linear.gather @!p0 [spmem:s16], $0x4000, $0x38;
	[tilespmem:$0x1EA40] =	vst v63  }
0x5f: {  	_ =	swait.ge @!p0 [sflag:s13], $0x4000  }
0x60: {  	[sflag:s13] =	ssyncset.done @!p0 $0x0  }
0x61: {  	s15 =	simm.s32 @!p0 $0x0;
	[sflag:s13] =	ssyncadd.s32 @!p0 $0xFFFFC000  }
0x62: {  	[hbm4b:s17+s15] =	stream.linear.scatter @!p0 [tilespmem:s7], [sflag:$0x9], $0x4000, $0x38;
	[tilespmem:$0x1EA40] =	vst v63  }
0x63: {  	_ =	swait.ge @!p0 [sflag:s13], $0x4000  }
0x64: {  	[sflag:s13] =	ssyncset.done @!p0 $0x0  }
0x65: {  	s17 =	rddreg [dreg:$0x16];
	[sflag:s13] =	ssyncadd.s32 @!p0 $0xFFFFC000  }
0x66: {  	[tilespmem:s7], [sflag:$0x9] =	stream.linear.gather @!p0 [spmem:s17], $0x4000, $0x38;
	[tilespmem:$0x1EA40] =	vst v63  }
0x67: {  	_ =	swait.ge @!p0 [sflag:s13], $0x4000  }
0x68: {  	[sflag:s13] =	ssyncset.done @!p0 $0x0  }
0x69: {  	[sflag:s13] =	ssyncadd.s32 @!p0 $0xFFFFC000  }
0x6a: {  	[hbm4b:s18+s15] =	stream.linear.scatter @!p0 [tilespmem:s7], [sflag:$0x9], $0x4000, $0x38;
	[tilespmem:$0x1EA40] =	vst v63  }
0x6b: {  	_ =	swait.ge @!p0 [sflag:s13], $0x4000  }
0x6c: {  	[sflag:s13] =	ssyncset.done @!p0 $0x0  }
0x6d: {  	s18 =	rddreg [dreg:$0xa];
	[sflag:s13] =	ssyncadd.s32 @!p0 $0xFFFFC000  }
0x6e: {  	[tilespmem:s7], [sflag:$0x9] =	stream.linear.gather @!p0 [spmem:s18], $0x4000, $0x38;
	[tilespmem:$0x1EA40] =	vst v63  }
0x6f: {  	_ =	swait.ge @!p0 [sflag:s13], $0x4000  }
0x70: {  	[sflag:s13] =	ssyncset.done @!p0 $0x0  }
0x71: {  	[sflag:s13] =	ssyncadd.s32 @!p0 $0xFFFFC000  }
0x72: {  	[hbm4b:s23+s15] =	stream.linear.scatter @!p0 [tilespmem:s7], [sflag:$0x9], $0x4000, $0x38;
	[tilespmem:$0x1EA40] =	vst v63  }
0x73: {  	_ =	swait.ge @!p0 [sflag:s13], $0x4000  }
0x74: {  	[sflag:s13] =	ssyncset.done @!p0 $0x0  }
0x75: {  	s23 =	rddreg [dreg:$0x7];
	[sflag:s13] =	ssyncadd.s32 @!p0 $0xFFFFC000  }
0x76: {  	[tilespmem:s7], [sflag:$0x9] =	stream.linear.gather @!p0 [spmem:s23], $0x4000, $0x38;
	[tilespmem:$0x1EA40] =	vst v63  }
0x77: {  	_ =	swait.ge @!p0 [sflag:s13], $0x4000  }
0x78: {  	[sflag:s13] =	ssyncset.done @!p0 $0x0  }
0x79: {  	[sflag:s13] =	ssyncadd.s32 @!p0 $0xFFFFC000  }
0x7a: {  	[hbm4b:s25+s15] =	stream.linear.scatter @!p0 [tilespmem:s7], [sflag:$0x9], $0x4000, $0x38;
	[tilespmem:$0x1EA40] =	vst v63  }
0x7b: {  	_ =	swait.ge @!p0 [sflag:s13], $0x4000  }
0x7c: {  	[sflag:s13] =	ssyncset.done @!p0 $0x0  }
0x7d: {  	s25 =	rddreg [dreg:$0x8];
	[sflag:s13] =	ssyncadd.s32 @!p0 $0xFFFFC000  }
0x7e: {  	[tilespmem:s7], [sflag:$0x9] =	stream.linear.gather @!p0 [spmem:s25], $0x4000, $0x38;
	[tilespmem:$0x1EA40] =	vst v63  }
0x7f: {  	_ =	swait.ge @!p0 [sflag:s13], $0x4000  }
0x80: {  	[sflag:s13] =	ssyncset.done @!p0 $0x0  }
0x81: {  	[sflag:s13] =	ssyncadd.s32 @!p0 $0xFFFFC000  }
0x82: {  	[hbm4b:s5+s15] =	stream.linear.scatter @!p0 [tilespmem:s7], [sflag:$0x9], $0x4000, $0x38;
	[tilespmem:$0x1EA40] =	vst v63  }
0x83: {  	_ =	swait.ge @!p0 [sflag:s13], $0x4000  }
0x84: {  	[sflag:s13] =	ssyncset.done @!p0 $0x0  }
0x85: {  	s28 =	rddreg [dreg:$0x9];
	[sflag:s13] =	ssyncadd.s32 @!p0 $0xFFFFC000  }
0x86: {  	[tilespmem:s7], [sflag:$0x9] =	stream.linear.gather @!p0 [spmem:s28], $0x400, $0x38;
	[tilespmem:$0x1EA40] =	vst v63  }
0x87: {  	_ =	swait.ge @!p0 [sflag:s13], $0x400  }
0x88: {  	[sflag:s13] =	ssyncset.done @!p0 $0x0  }
0x89: {  	s5 =	rddreg [dreg:$0x15];
	[sflag:s13] =	ssyncadd.s32 @!p0 $0xFFFFFC00  }
0x8a: {  	[hbm4b:s5+s15] =	stream.linear.scatter @!p0 [tilespmem:s7], [sflag:$0x9], $0x400, $0x38;
	[tilespmem:$0x1EA40] =	vst v63  }
0x8b: {  	s29 =	rddreg [dreg:$0x1a];
	_ =	swait.ge @!p0 [sflag:s13], $0x400  }
0x8c: {  	s7 =	rddreg [dreg:$0x1f]  }
0x8d: {  	s15 =	smov.u32 s28;
	s28 =	rddreg [dreg:$0x17];
	s5 =	sadd.s32 $0x1, s7  }
0x8e: {  	p1 =	sne.s32 s5, s28  }
.Ltmp1:
0x8f: {  	_ = 	snop;
	(pc) =	sbr.rel @!p1 .LBB2_5-.Ltmp1, $3  }
0x90: {  	_ =	sdelay $0x1  }
0x91: {  	[sflag:s13] =	ssyncset.done @!p0 $0x0  }
0x92: {  	[sflag:s13] =	ssyncadd.s32 @!p0 $0xFFFFFC00;
	s13 =	rddreg [dreg:$0x1d]  }
.LBB2_1:
0x93: {  	[dreg:$0x1f] =	wrdreg s5  }
0x94: {  	s7 =	rddreg [dreg:$0x6];
	s28 =	simm.s32 $0x14040;
	s5 =	simm.s32 $0x9  }
0x95: {  	[tilespmem:s28], [sflag:$0x9] =	stream.linear.gather [hbm4b:s7+s4], $0x2800, $0x38;
	[tilespmem:$0x1EA40] =	vst v63  }
0x96: {  	_ =	swait.ge [sflag:s5], $0x2800  }
0x97: {  	[sflag:s5] =	ssyncset.done $0x0  }
0x98: {  	s7 =	rddreg [dreg:$0x5];
	[sflag:s5] =	ssyncadd.s32 $0xFFFFD800  }
0x99: {  	[tilespmem:s6], [sflag:$0x9] =	stream.linear.gather [hbm4b:s7+s4], $0x4000, $0x38;
	[tilespmem:$0x1EA40] =	vst v63  }
0x9a: {  	_ =	swait.ge [sflag:s5], $0x4000  }
0x9b: {  	[sflag:s5] =	ssyncset.done $0x0  }
0x9c: {  	s7 =	simm.s32 @p0 $0x16A40;
	[sflag:s5] =	ssyncadd.s32 $0xFFFFC000  }
0x9d: {  	[spmem:s13] =	stream.linear.scatter @p0 [tilespmem:s7], [sflag:$0x9], $0x4000, $0x38;
	[tilespmem:$0x1EA40] =	vst v63  }
0x9e: {  	s13 =	simm.s32 @p0 $0x9  }
0x9f: {  	_ =	swait.ge @p0 [sflag:s13], $0x4000  }
0xa0: {  	[sflag:s13] =	ssyncset.done @p0 $0x0  }
0xa1: {  	s5 =	rddreg [dreg:$0x1e];
	[sflag:s13] =	ssyncadd.s32 @p0 $0xFFFFC000  }
0xa2: {  	[spmem:s5] =	stream.linear.scatter @p0 [tilespmem:s7], [sflag:$0x9], $0x4000, $0x38;
	[tilespmem:$0x1EA40] =	vst v63  }
0xa3: {  	_ =	swait.ge @p0 [sflag:s13], $0x4000  }
0xa4: {  	[sflag:s13] =	ssyncset.done @p0 $0x0  }
0xa5: {  	[sflag:s13] =	ssyncadd.s32 @p0 $0xFFFFC000  }
0xa6: {  	[spmem:s29] =	stream.linear.scatter @p0 [tilespmem:s7], [sflag:$0x9], $0x4000, $0x38;
	[tilespmem:$0x1EA40] =	vst v63  }
0xa7: {  	_ =	swait.ge @p0 [sflag:s13], $0x4000  }
0xa8: {  	[sflag:s13] =	ssyncset.done @p0 $0x0  }
0xa9: {  	[sflag:s13] =	ssyncadd.s32 @p0 $0xFFFFC000  }
0xaa: {  	[spmem:s30] =	stream.linear.scatter @p0 [tilespmem:s7], [sflag:$0x9], $0x4000, $0x38;
	[tilespmem:$0x1EA40] =	vst v63  }
0xab: {  	_ =	swait.ge @p0 [sflag:s13], $0x4000  }
0xac: {  	[sflag:s13] =	ssyncset.done @p0 $0x0  }
0xad: {  	[sflag:s13] =	ssyncadd.s32 @p0 $0xFFFFC000  }
0xae: {  	[spmem:s12] =	stream.linear.scatter @p0 [tilespmem:s7], [sflag:$0x9], $0x800, $0x38;
	[tilespmem:$0x1EA40] =	vst v63  }
0xaf: {  	_ =	swait.ge @p0 [sflag:s13], $0x800  }
0xb0: {  	[sflag:s13] =	ssyncset.done @p0 $0x0  }
0xb1: {  	s7 =	simm.s32 @!p0 $0x16A40;
	[sflag:s13] =	ssyncadd.s32 @p0 $0xFFFFF800;
	s13 =	simm.s32 @!p0 $0x9  }
0xb2: {  	[spmem:s16] =	stream.linear.scatter @!p0 [tilespmem:s7], [sflag:$0x9], $0x4000, $0x38;
	[tilespmem:$0x1EA40] =	vst v63  }
0xb3: {  	_ =	swait.ge @!p0 [sflag:s13], $0x4000  }
0xb4: {  	[sflag:s13] =	ssyncset.done @!p0 $0x0  }
0xb5: {  	[sflag:s13] =	ssyncadd.s32 @!p0 $0xFFFFC000  }
0xb6: {  	[spmem:s17] =	stream.linear.scatter @!p0 [tilespmem:s7], [sflag:$0x9], $0x4000, $0x38;
	[tilespmem:$0x1EA40] =	vst v63  }
0xb7: {  	_ =	swait.ge @!p0 [sflag:s13], $0x4000  }
0xb8: {  	[sflag:s13] =	ssyncset.done @!p0 $0x0  }
0xb9: {  	[sflag:s13] =	ssyncadd.s32 @!p0 $0xFFFFC000  }
0xba: {  	[spmem:s18] =	stream.linear.scatter @!p0 [tilespmem:s7], [sflag:$0x9], $0x4000, $0x38;
	[tilespmem:$0x1EA40] =	vst v63  }
0xbb: {  	_ =	swait.ge @!p0 [sflag:s13], $0x4000  }
0xbc: {  	[sflag:s13] =	ssyncset.done @!p0 $0x0  }
0xbd: {  	[sflag:s13] =	ssyncadd.s32 @!p0 $0xFFFFC000  }
0xbe: {  	[spmem:s23] =	stream.linear.scatter @!p0 [tilespmem:s7], [sflag:$0x9], $0x4000, $0x38;
	[tilespmem:$0x1EA40] =	vst v63  }
0xbf: {  	_ =	swait.ge @!p0 [sflag:s13], $0x4000  }
0xc0: {  	[sflag:s13] =	ssyncset.done @!p0 $0x0  }
0xc1: {  	[sflag:s13] =	ssyncadd.s32 @!p0 $0xFFFFC000  }
0xc2: {  	[spmem:s25] =	stream.linear.scatter @!p0 [tilespmem:s7], [sflag:$0x9], $0x4000, $0x38;
	[tilespmem:$0x1EA40] =	vst v63  }
0xc3: {  	_ =	swait.ge @!p0 [sflag:s13], $0x4000  }
0xc4: {  	[sflag:s13] =	ssyncset.done @!p0 $0x0  }
0xc5: {  	[sflag:s13] =	ssyncadd.s32 @!p0 $0xFFFFC000  }
0xc6: {  	[spmem:s15] =	stream.linear.scatter @!p0 [tilespmem:s7], [sflag:$0x9], $0x400, $0x38;
	[tilespmem:$0x1EA40] =	vst v63  }
0xc7: {  	_ =	swait.ge @!p0 [sflag:s13], $0x400  }
0xc8: {  	[sflag:s13] =	ssyncset.done @!p0 $0x0  }
0xc9: {  	[sflag:s13] =	ssyncadd.s32 @!p0 $0xFFFFFC00  }
0xca: {  	[bflag:$0x0] =	sbarrier.arrive $0xFFFF  }
0xcb: {  	s23 =	rddreg [dreg:$0xb]  }
0xcc: {  	s25 =	rddreg [dreg:$0x1b]  }
0xcd: {  	s30 =	rddreg [dreg:$0x1c]  }
0xce: {  	s13 =	rddreg [dreg:$0x13]  }
0xcf: {  	[tilespmem:s19], [sflag:$0x3] =	stream.linear.gather [hbm4b:s23+s4], $0x80, $0x38;
	[tilespmem:$0x1EA40] =	vst v63  }
0xd0: {  	s15 =	rddreg [dreg:$0x12]  }
0xd1: {  	[tilespmem:s20], [sflag:$0x4] =	stream.linear.gather [hbm4b:s25+s4], $0x80, $0x38;
	[tilespmem:$0x1EA40] =	vst v63  }
0xd2: {  	s16 =	rddreg [dreg:$0x11]  }
0xd3: {  	[tilespmem:s21], [sflag:$0x5] =	stream.linear.gather [hbm4b:s30+s4], $0x80, $0x38;
	[tilespmem:$0x1EA40] =	vst v63  }
0xd4: {  	s18 =	simm.s32 $0x0;
	s17 =	rddreg [dreg:$0x10]  }
0xd5: {  	[tilespmem:s6], [sflag:$0x1] =	stream.indirect.gather [hbm4b:s1+s24], $0x80, s28, s24, $0xb8;
	[tilespmem:$0x1EA40] =	vst v63  }
.LBB2_2:
0xd6: {  	_ =	swait.ge [sflag:s14], $0x4000  }
0xd7: {  	[sflag:s14] =	ssyncset.done $0x0  }
0xd8: {  	[sflag:s14] =	ssyncadd.s32 $0xFFFFC000  }
0xd9: {  	_ =	swait.ge [sflag:s22], $0x80  }
0xda: {  	p1 =	seq.s32 s18, $0x0;
	[sflag:s22] =	ssyncset.done $0x0  }
0xdb: {  	s23 =	simm.s32 @!p1 $0x8;
	[sflag:s22] =	ssyncadd.s32 $0xFFFFFF80  }
0xdc: {  	[spmem:s3] =	stream.indirect.scatter.add.f32 [tilespmem:s6], [sflag:$0x7], $0x80, s19, s24, $0xb8;
	[tilespmem:$0x1EA40] =	vst v63  }
0xdd: {  	_ =	swait.ge @!p1 [sflag:s23], $0x4000  }
0xde: {  	s7 =	sshra.s32 s18, $0x2;
	[sflag:s23] =	ssyncset.done @!p1 $0x0  }
0xdf: {  	s25 =	sadd.s32 $0x140C0, s7;
	[sflag:s23] =	ssyncadd.s32 @!p1 $0xFFFFC000  }
0xe0: {  	[tilespmem:s26], [sflag:$0x2] =	stream.indirect.gather [hbm4b:s1+s24], $0x80, s25, s24, $0xb8;
	[tilespmem:$0x1EA40] =	vst v63  }
0xe1: {  	_ = 	snop  }
0xe2: {  	[tilespmem:s0], [sflag:$0x6] =	stream.linear.gather [hbm4b:s13+s4], $0x80, $0x38;
	[tilespmem:$0x1EA40] =	vst v63  }
0xe3: {  	_ =	swait.ge [sflag:s31], $0x4000  }
0xe4: {  	[sflag:s31] =	ssyncset.done $0x0  }
0xe5: {  	[sflag:s31] =	ssyncadd.s32 $0xFFFFC000  }
0xe6: {  	_ =	swait.ge [sflag:s2], $0x80  }
0xe7: {  	[sflag:s2] =	ssyncset.done $0x0  }
0xe8: {  	[sflag:s2] =	ssyncadd.s32 $0xFFFFFF80  }
0xe9: {  	[spmem:s3] =	stream.indirect.scatter.add.f32 [tilespmem:s26], [sflag:$0x8], $0x80, s20, s24, $0xb8;
	[tilespmem:$0x1EA40] =	vst v63  }
0xea: {  	_ =	swait.ge [sflag:s8], $0x4000  }
0xeb: {  	[sflag:s8] =	ssyncset.done $0x0  }
0xec: {  	s28 =	sadd.s32 $0x14140, s7;
	p1 =	seq.s32 s18, $0x9800;
	[sflag:s8] =	ssyncadd.s32 $0xFFFFC000  }
0xed: {  	[tilespmem:s6], [sflag:$0x1] =	stream.indirect.gather [hbm4b:s1+s24], $0x80, s28, s24, $0xb8;
	[tilespmem:$0x1EA40] =	vst v63  }
0xee: {  	s23 =	simm.s32 @!p1 $0x0;
	s25 =	simm.s32 @!p1 $0x16840  }
0xef: {  	[tilespmem:s25], [sflag:$0x3] =	stream.linear.gather @!p1 [hbm4b:s15+s23], $0x80, $0x38;
	[tilespmem:$0x1EA40] =	vst v63  }
0xf0: {  	_ =	swait.ge [sflag:s14], $0x4000  }
0xf1: {  	[sflag:s14] =	ssyncset.done $0x0  }
0xf2: {  	[sflag:s14] =	ssyncadd.s32 $0xFFFFC000  }
0xf3: {  	_ =	swait.ge [sflag:s9], $0x80  }
0xf4: {  	[sflag:s9] =	ssyncset.done $0x0  }
0xf5: {  	[sflag:s9] =	ssyncadd.s32 $0xFFFFFF80  }
0xf6: {  	[spmem:s3] =	stream.indirect.scatter.add.f32 [tilespmem:s6], [sflag:$0x7], $0x80, s21, s24, $0xb8;
	[tilespmem:$0x1EA40] =	vst v63  }
.Ltmp2:
0xf7: {  	_ = 	snop;
	(pc) =	sbr.rel @p1 .LBB2_4-.Ltmp2, $4  }
0xf8: {  	_ =	swait.ge [sflag:s10], $0x4000  }
0xf9: {  	[sflag:s10] =	ssyncset.done $0x0  }
0xfa: {  	s30 =	sadd.s32 $0x141C0, s7;
	[sflag:s10] =	ssyncadd.s32 $0xFFFFC000  }
0xfb: {  	[tilespmem:s26], [sflag:$0x2] =	stream.indirect.gather [hbm4b:s1+s24], $0x80, s30, s24, $0xb8;
	[tilespmem:$0x1EA40] =	vst v63  }
0xfc: {  	[tilespmem:s20], [sflag:$0x4] =	stream.linear.gather [hbm4b:s16+s4], $0x80, $0x38;
	[tilespmem:$0x1EA40] =	vst v63  }
0xfd: {  	_ =	swait.ge [sflag:s31], $0x4000  }
0xfe: {  	[sflag:s31] =	ssyncset.done $0x0  }
0xff: {  	[sflag:s31] =	ssyncadd.s32 $0xFFFFC000  }
0x100: {  	_ =	swait.ge [sflag:s11], $0x80  }
0x101: {  	[sflag:s11] =	ssyncset.done $0x0  }
0x102: {  	[sflag:s11] =	ssyncadd.s32 $0xFFFFFF80  }
0x103: {  	[spmem:s3] =	stream.indirect.scatter.add.f32 [tilespmem:s26], [sflag:$0x8], $0x80, s0, s24, $0xb8;
	[tilespmem:$0x1EA40] =	vst v63  }
0x104: {  	_ =	swait.ge [sflag:s8], $0x4000  }
0x105: {  	[sflag:s8] =	ssyncset.done $0x0  }
.Ltmp3:
0x106: {  	s7 =	sadd.s32 $0x14240, s7;
	[sflag:s8] =	ssyncadd.s32 $0xFFFFC000;
	(pc) =	sbr.rel .LBB2_2-.Ltmp3, $4  }
0x107: {  	[tilespmem:s6], [sflag:$0x1] =	stream.indirect.gather [hbm4b:s1+s24], $0x80, s7, s24, $0xb8;
	[tilespmem:$0x1EA40] =	vst v63  }
0x108: {  	s18 =	sadd.s32 $0x800, s18;
	s16 =	sadd.s32 $0x40, s16  }
0x109: {  	[tilespmem:s21], [sflag:$0x5] =	stream.linear.gather [hbm4b:s17+s4], $0x80, $0x38;
	[tilespmem:$0x1EA40] =	vst v63  }
0x10a: {  	s15 =	sadd.s32 $0x40, s15;
	s13 =	sadd.s32 $0x40, s13;
	s17 =	sadd.s32 $0x40, s17  }
.LBB2_5:
0x10b: {  	_ =	sfence.sel $0x180000  }
0x10c: {  	[bflag:$0x0] =	sbarrier.arrive $0xFFFF  }
0x10d: {  	_ =	strace $0x9000004D  }
0x10e: {  	s0 =	stileid.u32;
	[bflag:$0x2] =	sbarrier.arrive $0xFFFF  }
0x10f: {  	p0 =	sne.s32 s0, $0x0;
	s0 =	rddreg [dreg:$0x4]  }
0x110: {  	s0 =	sadd.s32 @!p0 $0x100000, s0  }
0x111: {  	[sflag:s0] =	ssyncadd.tile.s32 @!p0 $0x1;
	_ =	shalt  }
.Lfunc_end2:
_tile_overlayer_lowered:
.L_overlay_start_2:
0x112: {  	(tag) =	ssettag $0x2  }
0x113: {  	s0 =	rddreg [dreg:$0x0];
	s2 =	stileid.u32  }
0x114: {  	s1 =	rddreg [dreg:$0x1];
	p0 =	sne.s32 s2, $0x0  }
0x115: {  	s3 =	rddreg [dreg:$0x2];
	[bflag:$0x3] =	sbarrier.arrive $0xFFFF;
	s2 =	simm.s32 @!p0 $0x1C09  }
0x116: {  	[timem:s3], [sflag:s2] =	dma.local @!p0 [hbm:s0], s1  }
0x117: {  	s0 =	simm.s32 @!p0 $0x9  }
0x118: {  	_ =	swait.ge @!p0 [sflag:s0], s1  }
0x119: {  	s1 =	ssub.s32 @!p0 $0x0, s1;
	[sflag:s0] =	ssyncset.done @!p0 $0x0  }
0x11a: {  	[sflag:s0] =	ssyncadd.s32 @!p0 s1  }
0x11b: {  	[bflag:$0x3] =	sbarrier.arrive $0xFFFF  }
0x11c: {  	_ =	shalt  }

// kernel: kernel.7.cloned.1.call-start
scs
__scs_entry_jumppad:
0x0: {  	(pc) =	sbr.rel $0x88, $3  }
0x1: {  	(tag) =	ssettag $0x0;
	lr =	simm.s32 $0x1  }
0x2: {  	[smem:$0x3F97] =	sst lr;
	_ =	strace $0xD0000000  }
0x3: {  	_ = 	snop  }
0x4: {  	_ = 	snop  }
0x5: {  	_ = 	snop  }
0x6: {  	_ = 	snop  }
0x7: {  	_ = 	snop  }
__scs_overlays_trampoline_lowered:
0x8: {  	[smem:$0x3FA6] =	sst s0  }
0x9: {  	[smem:$0x3FA7] =	sst s1  }
0xa: {  	[smem:$0x3FA8] =	sst s2  }
0xb: {  	[smem:$0x3FA9] =	sst s3  }
0xc: {  	[smem:$0x3FAA] =	sst s4  }
0xd: {  	[smem:$0x3FAB] =	sst s5  }
0xe: {  	[smem:$0x3FAC] =	sst s6  }
0xf: {  	[smem:$0x3FAD] =	sst s7  }
0x10: {  	[smem:$0x3FAE] =	sst s8  }
0x11: {  	[smem:$0x3FAF] =	sst s9;
	s0 =	simm.s32 @!p0 $0x0  }
0x12: {  	s1 =	sld [smem:$0x3F95];
	s0 =	simm.s32 @p0 $0x1  }
0x13: {  	[smem:$0x3FB0] =	sst s0;
	s0 =	simm.s32 @!p1 $0x0  }
0x14: {  	s2 =	sld [smem:$0x3F94];
	s0 =	simm.s32 @p1 $0x1  }
0x15: {  	[smem:$0x3FB1] =	sst s0;
	s0 =	simm.s32 @!p2 $0x0  }
0x16: {  	s3 =	sld [smem:$0x3FDB];
	s0 =	simm.s32 @p2 $0x1  }
0x17: {  	s4 =	simm.s32 $0x1BF5;
	[smem:$0x3FB3] =	sst s0  }
0x18: {  	s0 =	sld [smem:$0x3F96];
	_ =	swait.ge [sflag:s4], $0x0  }
0x19: {  	s7 =	sld [smem:$0x3F97]  }
0x1a: {  	s8 =	sadd.s32 $0xFFFFE003, lr  }
0x1b: {  	s9 =	sadd.s32 $0xFFFFFEF7, lr;
	s5 =	simm.s32 $0xFFFFFFFF;
	p2 =	slt.u32 s8, $0xFFFFF086  }
0x1c: {  	p1 =	slt.u32 s9, $0xF7A;
	s5 =	simm.s32 @!p2 $0x0  }
0x1d: {  	s5 =	simm.s32 @p1 $0x1;
	p0 =	seq.s32 s7, s2  }
0x1e: {  	s7 =	smul.u32 @!p0 $0xF7A, s2;
	p2 =	seq.s32 @!p0 s5, $0x0  }
0x1f: {  	s9 =	smul.u32 $0xF7A, s1;
	s8 =	simm.s32 @!p0 $0x1BF5;
	p2 =	por !p2, p0  }
0x20: {  	[sflag:s8] =	ssyncset.s32 @!p0 $0xFFFFF086;
	s6 =	sadd.s32 @!p0 s3, s7;
	s7 =	simm.s32 @!p0 $0x108  }
0x21: {  	s3 =	sadd.s32 s3, s9;
	s6 =	sadd.s32 @!p0 $0x88, s6;
	s7 =	simm.s32 @p2 $0x1082  }
0x22: {  	[simem:s7], [sflag:s8] =	dma.local @!p0 [hbm:s6], $0xF7A  }
0x23: {  	s9 =	sor.u32 $0xD0000000, s2;
	s6 =	simm.s32 $0x108;
	_ =	swait.ge @!p0 [sflag:s8], $0x0  }
0x24: {  	s3 =	sadd.s32 $0x88, s3;
	s6 =	simm.s32 @!p1 $0x1082;
	[sflag:s4] =	ssyncset.s32 $0xFFFFF086  }
0x25: {  	[simem:s6], [sflag:s4] =	dma.local [hbm:s3], $0xF7A  }
0x26: {  	[smem:$0x3F97] =	sst s1;
	(tag) =	ssettag s2;
	_ =	strace s9  }
0x27: {  	s1 =	sld [smem:$0x3FA7]  }
0x28: {  	s2 =	sld [smem:$0x3FA8]  }
0x29: {  	s4 =	sld [smem:$0x3FAA]  }
0x2a: {  	p0 =	seq.s32 s5, $0x0;
	s5 =	sld [smem:$0x3FAB]  }
0x2b: {  	s6 =	sld [smem:$0x3FAC]  }
0x2c: {  	s7 =	sld [smem:$0x3FAD]  }
0x2d: {  	s3 =	simm.s32 $0x108;
	s8 =	sld [smem:$0x3FAE]  }
0x2e: {  	s3 =	simm.s32 @!p0 $0x1082;
	s9 =	sld [smem:$0x3FAF]  }
0x2f: {  	lr =	sadd.s32 s0, s3;
	s0 =	sld [smem:$0x3FA6]  }
0x30: {  	s3 =	sld [smem:$0x3FA9]  }
0x31: {  	[smem:$0x3FB2] =	sst s10  }
0x32: {  	s10 =	sld [smem:$0x3FB0];
	_ =	sdelay $0x3  }
0x33: {  	p0 =	seq.s32 s10, $0x1;
	s10 =	sld [smem:$0x3FB2];
	_ =	sdelay $0x3  }
0x34: {  	[smem:$0x3FB2] =	sst s10  }
0x35: {  	s10 =	sld [smem:$0x3FB1];
	_ =	sdelay $0x3  }
0x36: {  	p1 =	seq.s32 s10, $0x1;
	s10 =	sld [smem:$0x3FB2];
	_ =	sdelay $0x3  }
0x37: {  	[smem:$0x3FB2] =	sst s10  }
0x38: {  	s10 =	sld [smem:$0x3FB3]  }
0x39: {  	_ = 	snop;
	(pc) =	sbr.ind lr, $3  }
0x3a: {  	_ = 	snop  }
0x3b: {  	_ = 	snop  }
0x3c: {  	p2 =	seq.s32 s10, $0x1;
	s10 =	sld [smem:$0x3FB2]  }
0x3d: {  	_ =	shalt  }
0x3e: {  	_ =	shalt  }
0x3f: {  	_ =	shalt  }
0x40: {  	_ =	shalt  }
0x41: {  	_ =	shalt  }
0x42: {  	_ =	shalt  }
0x43: {  	_ =	shalt  }
0x44: {  	_ =	shalt  }
0x45: {  	_ =	shalt  }
0x46: {  	_ =	shalt  }
0x47: {  	_ =	shalt  }
0x48: {  	_ =	shalt  }
0x49: {  	_ =	shalt  }
0x4a: {  	_ =	shalt  }
0x4b: {  	_ =	shalt  }
0x4c: {  	_ =	shalt  }
0x4d: {  	_ =	shalt  }
0x4e: {  	_ =	shalt  }
0x4f: {  	_ =	shalt  }
0x50: {  	_ =	shalt  }
0x51: {  	_ =	shalt  }
0x52: {  	_ =	shalt  }
0x53: {  	_ =	shalt  }
0x54: {  	_ =	shalt  }
0x55: {  	_ =	shalt  }
0x56: {  	_ =	shalt  }
0x57: {  	_ =	shalt  }
0x58: {  	_ =	shalt  }
0x59: {  	_ =	shalt  }
0x5a: {  	_ =	shalt  }
0x5b: {  	_ =	shalt  }
0x5c: {  	_ =	shalt  }
0x5d: {  	_ =	shalt  }
0x5e: {  	_ =	shalt  }
0x5f: {  	_ =	shalt  }
0x60: {  	_ =	shalt  }
0x61: {  	_ =	shalt  }
0x62: {  	_ =	shalt  }
0x63: {  	_ =	shalt  }
0x64: {  	_ =	shalt  }
0x65: {  	_ =	shalt  }
0x66: {  	_ =	shalt  }
0x67: {  	_ =	shalt  }
0x68: {  	_ =	shalt  }
0x69: {  	_ =	shalt  }
0x6a: {  	_ =	shalt  }
0x6b: {  	_ =	shalt  }
0x6c: {  	_ =	shalt  }
0x6d: {  	_ =	shalt  }
0x6e: {  	_ =	shalt  }
0x6f: {  	_ =	shalt  }
0x70: {  	_ =	shalt  }
0x71: {  	_ =	shalt  }
0x72: {  	_ =	shalt  }
0x73: {  	_ =	shalt  }
0x74: {  	_ =	shalt  }
0x75: {  	_ =	shalt  }
0x76: {  	_ =	shalt  }
0x77: {  	_ =	shalt  }
0x78: {  	_ =	shalt  }
0x79: {  	_ =	shalt  }
0x7a: {  	_ =	shalt  }
0x7b: {  	_ =	shalt  }
0x7c: {  	_ =	shalt  }
0x7d: {  	_ =	shalt  }
0x7e: {  	_ =	shalt  }
0x7f: {  	_ =	shalt  }
0x80: {  	_ =	shalt  }
0x81: {  	_ =	shalt  }
0x82: {  	_ =	shalt  }
0x83: {  	_ =	shalt  }
0x84: {  	_ =	shalt  }
0x85: {  	_ =	shalt  }
0x86: {  	_ =	shalt  }
0x87: {  	_ =	shalt  }
.Lfunc_end0:
.L_simem_size_0:
called_computation_lowered:
.L_overlay_start_0:
0x88: {  	s2 =	sld [smem:$0x3FD9]  }
0x89: {  	s3 =	sld [smem:$0x3FFE];
	_ =	sdelay $0x1  }
0x8a: {  	s1 =	srdreg.scid  }
0x8b: {  	s0 =	sand.u32 $0x1, s1  }
0x8c: {  	s14 =	sshll.u32 s0, $0xA;
	s2 =	sadd.s32 s3, s2  }
0x8d: {  	s2 =	sadd.s32 s2, s14  }
0x8e: {  	[smem:$0x3FBE] =	sst s2  }
0x8f: {  	_ = 	snop  }
0x90: {  	s2 =	sld [smem:$0x3FD0];
	_ =	sdelay $0x2  }
0x91: {  	s4 =	simm.s32 $0xB;
	s5 =	simm.s32 $0x10;
	s15 =	sld [smem:$0x3FC9]  }
0x92: {  	[smem:s5], [sflag:s4] =	dma.local [hbm:s2], $0x1  }
0x93: {  	_ =	swait.eq [sflag:s4], $0x1  }
0x94: {  	[sflag:s4] =	ssyncset.done $0x0  }
0x95: {  	[sflag:s4] =	ssyncadd.s32 $0xFFFFFFFF  }
0x96: {  	s16 =	sld [smem:$0x10];
	(tm) =	ssettm $0x1  }
0x97: {  	s17 =	sld [smem:$0x3FFB];
	_ =	sdelay $0x3  }
0x98: {  	_ =	strace s17  }
0x99: {  	s4 =	sld [smem:$0x3FFC];
	_ =	sdelay $0x3  }
0x9a: {  	_ =	strace s4  }
0x9b: {  	s4 =	sld [smem:$0x3FFD];
	_ =	sdelay $0x3  }
0x9c: {  	_ =	strace s4  }
0x9d: {  	_ =	strace $0x8FFFFFFF  }
0x9e: {  	s18 =	sld [smem:$0x3FDB];
	_ =	sdelay $0x1  }
0x9f: {  	s19 =	simm.s32 $_scs_section_size  }
0xa0: {  	s6 =	simm.s32 $_size__tile_overlayer_lowered;
	s7 =	simm.s32 $_tile_overlayer_lowered  }
0xa1: {  	s22 =	simm.s32 $0x1BFF;
	s21 =	sshll.u32 s7, $0x1;
	s4 =	sadd.s32 s19, s18  }
0xa2: {  	s8 =	simm.s32 $0x0;
	s20 =	sshll.u32 s6, $0x1;
	s6 =	sadd.s32 s21, s4  }
0xa3: {  	[timem:s8], [sflag:s22] =	dma.local [hbm:s6], s20  }
0xa4: {  	_ =	swait.ge [sflag:s22], s20  }
0xa5: {  	s5 =	ssub.s32 $0x0, s20;
	[sflag:s22] =	ssyncset.done $0x0  }
0xa6: {  	[sflag:s22] =	ssyncadd.s32 s5;
	_ =	sdelay $0x1  }
0xa7: {  	s23 =	simm.s32 $0x1B8B  }
0xa8: {  	_ =	swait.ge [sflag:s23], $0x1  }
0xa9: {  	[sflag:s23] =	ssyncset.done $0x0  }
0xaa: {  	s25 =	simm.s32 $0x1B8E;
	s24 =	sld [smem:$0x3FFE];
	[sflag:s23] =	ssyncadd.s32 $0xFFFFFFFF  }
0xab: {  	s26 =	simm.s32 $execute0_lowered;
	[smem:$0x3FD2] =	sst s25  }
0xac: {  	s6 =	sshll.u32 s26, $0x1;
	_ =	strace $0x80000046;
	[dreg:$0x1] =	wrdreg $0xFFFFFFFF  }
0xad: {  	s28 =	simm.s32 $_size_execute0_lowered;
	s4 =	sadd.s32 s4, s6;
	[dreg:$0x0] =	wrdreg $0x0  }
0xae: {  	s6 =	sshll.u32 s28, $0x1;
	[dreg:$0x2] =	wrdreg s4  }
0xaf: {  	[dreg:$0x3] =	wrdreg s6  }
0xb0: {  	[dreg:$0x4] =	wrdreg $0xC0  }
0xb1: {  	_ =	task [dreg:s8], $0x5FFFF  }
0xb2: {  	[dreg:$0x1] =	wrdreg $0xFFFFFFFF  }
0xb3: {  	[dreg:$0x0] =	wrdreg $0x60  }
0xb4: {  	[dreg:$0x2] =	wrdreg s15  }
0xb5: {  	[dreg:$0x3] =	wrdreg s16  }
0xb6: {  	[dreg:$0x4] =	wrdreg s24  }
0xb7: {  	[dreg:$0x5] =	wrdreg $0x0  }
0xb8: {  	[dreg:$0x6] =	wrdreg $0x9  }
0xb9: {  	_ =	task.clear_ibuf [dreg:s8], $0x7FFFF;
	_ =	strace $0x90000046  }
0xba: {  	s29 =	simm.s32 $0x9;
	_ =	strace $0x80000048  }
0xbb: {  	_ =	swait.ge [sflag:s29], $0x1  }
0xbc: {  	[sflag:s29] =	ssyncadd.s32 $0xFFFFFFFF  }
0xbd: {  	_ =	strace $0x90000048  }
0xbe: {  	_ =	sfence  }
0xbf: {  	s30 =	sld [smem:$0x0];
	_ =	sdelay $0x2  }
0xc0: {  	s31 =	sshll.u32 s1, $0xD;
	s1 =	sshrl.u32 s1, $0x2  }
0xc1: {  	s3 =	sand.u32 $0x4000, s31;
	s1 =	sadd.s32 s1, s30  }
0xc2: {  	s0 =	sor.u32 s3, s0;
	s1 =	sshll.u32 s1, $0x11  }
0xc3: {  	s0 =	sor.u32 s1, s0  }
0xc4: {  	s0 =	sadd.s32 $0x8F2B, s0  }
0xc5: {  	[sflag:s0] =	ssyncadd.remote.s32 $0x1  }
0xc6: {  	_ =	sfence.sel $0xFFFF  }
0xc7: {  	[dreg:$0x0] =	wrdreg $0xFFFFFFFF;
	(pc) =	sbr.abs _section_cstart, $3  }
0xc8: {  	[dreg:$0x1] =	wrdreg $0xFFFFFFFF  }
0xc9: {  	_ =	task.clear_ibuf [dreg:s8], $0x2FFFF;
	_ =	strace $0x9FFFFFFF  }
0xca: {  	(tm) =	ssettm $0x7FFFFFFF  }
0xcb: {  	_ =	shalt  }
tec
execute0_lowered:
.L_overlay_start_1:
0x0: {  	(tag) =	ssettag $0x1  }
0x1: {  	s1 =	rddreg [dreg:$0x0]  }
0x2: {  	s0 =	rddreg [dreg:$0x1]  }
0x3: {  	s2 =	rddreg [dreg:$0x2];
	s4 =	srdreg.scid  }
0x4: {  	s12 =	stileid.u32;
	s3 =	rddreg [dreg:$0x3]  }
0x5: {  	s31 =	simm.s32 $0x2;
	s5 =	sand.u32 $0x1, s4;
	s6 =	smul.u32 $0x288, s12  }
0x6: {  	s4 =	simm.s32 $0x0;
	s8 =	sadd.s32 $0x2400, s2;
	s10 =	smul.u32 $0x51000, s12  }
0x7: {  	s17 =	sadd.s32 $0xC400, s2;
	s18 =	sshll.u32 s12, $0x1;
	s21 =	smul.u32 $0x5000, s12  }
0x8: {  	s13 =	sadd.s32 $0x12FC00, s3;
	p0 =	seq.s32 s12, $0xF;
	[smem:$0x7FF] =	sst s4  }
0x9: {  	s30 =	sadd.s32 $0x13BC00, s3;
	_ =	strace $0x80000047;
	[dreg:$0x5] =	wrdreg s17  }
0xa: {  	s29 =	sadd.s32 $0x137C00, s3;
	s12 =	sadd.s32 $0x13FC00, s3;
	[dreg:$0x19] =	wrdreg s30  }
0xb: {  	s7 =	smul.u32 $0x2808, s5;
	s20 =	sshrl.u32 s10, $0x2;
	[dreg:$0x1a] =	wrdreg s29  }
0xc: {  	s9 =	ssub.s32 $0x2, s5;
	[dreg:$0x1d] =	wrdreg s13;
	s16 =	sadd.s32 s20, s3  }
0xd: {  	s19 =	sshrl.u32 s9, $0x1;
	s23 =	sadd.s32 $0xC000, s16;
	[dreg:$0x18] =	wrdreg s16  }
0xe: {  	s6 =	sadd.s32 s6, s7;
	s25 =	sadd.s32 $0x10000, s16;
	[dreg:$0x7] =	wrdreg s23  }
0xf: {  	s7 =	sor.u32 s5, s18;
	s15 =	sadd.s32 $0x14000, s16;
	[dreg:$0x8] =	wrdreg s25  }
0x10: {  	s11 =	smul.u32 $0x500, s7;
	s18 =	sadd.s32 $0x8000, s16;
	[dreg:$0x9] =	wrdreg s15  }
0x11: {  	s6 =	sshll.u32 s6, $0x4;
	s17 =	sadd.s32 $0x4000, s16;
	[dreg:$0xa] =	wrdreg s18  }
0x12: {  	s2 =	sadd.s32 s6, s2;
	[dreg:$0x16] =	wrdreg s17;
	s0 =	sadd.s32 s0, s11  }
0x13: {  	s5 =	smul.u32 $0x2800, s5;
	s22 =	sadd.s32 $0xCC00, s2;
	[dreg:$0x6] =	wrdreg s0  }
0x14: {  	s7 =	smul.u32 $0x2800, s7;
	s26 =	sadd.s32 $0xD400, s2;
	[dreg:$0xc] =	wrdreg s22  }
0x15: {  	s6 =	ssub.s32 s9, s19;
	s28 =	sadd.s32 $0xDC00, s2;
	[dreg:$0xd] =	wrdreg s26  }
0x16: {  	s7 =	sshrl.u32 s7, $0x3;
	s10 =	sadd.s32 $0xE400, s2;
	[dreg:$0xe] =	wrdreg s28  }
0x17: {  	s20 =	sadd.s32 $0xEC00, s2;
	s0 =	sadd.s32 s5, s21;
	[dreg:$0xf] =	wrdreg s10  }
0x18: {  	s9 =	sadd.s32 s8, s7;
	[dreg:$0x14] =	wrdreg s20;
	s21 =	sadd.s32 $0xF400, s2  }
0x19: {  	s22 =	sadd.s32 $0x133C00, s3;
	s20 =	simm.s32 $0x168C0;
	s2 =	simm.s32 $0x4  }
0x1a: {  	s10 =	simm.s32 $0x8;
	s24 =	sor.u32 $0x300, s0;
	[dreg:$0x15] =	wrdreg s21  }
0x1b: {  	s11 =	sor.u32 $0x280, s0;
	s14 =	sor.u32 $0x200, s0;
	[dreg:$0x1e] =	wrdreg s22  }
0x1c: {  	s0 =	sor.u32 $0x180, s0;
	s26 =	sadd.s32 $0x10, s9;
	[dreg:$0xb] =	wrdreg s9  }
0x1d: {  	s28 =	sadd.s32 $0x20, s9;
	s21 =	simm.s32 $0x16940;
	s22 =	simm.s32 $0x3  }
0x1e: {  	s9 =	simm.s32 $0x5;
	s5 =	sshrl.u32 s24, $0x3;
	s19 =	sshrl.u32 s14, $0x3  }
0x1f: {  	s0 =	sshrl.u32 s0, $0x3;
	s24 =	smax.u32 s6, $0x1;
	[dreg:$0x1b] =	wrdreg s26  }
0x20: {  	[dreg:$0x1c] =	wrdreg s28;
	s6 =	simm.s32 $0x16A40;
	s14 =	simm.s32 $0x1  }
0x21: {  	s26 =	simm.s32 $0x1AA40;
	s5 =	sadd.s32 s5, s8;
	[dreg:$0x17] =	wrdreg s24  }
.Ltmp0:
0x22: {  	s0 =	sadd.s32 s0, s8;
	[dreg:$0x10] =	wrdreg s5;
	(pc) =	sbr.rel .LBB2_1-.Ltmp0, $4  }
0x23: {  	s24 =	simm.s32 $0x80;
	s5 =	sshrl.u32 s11, $0x3;
	[dreg:$0x13] =	wrdreg s0  }
0x24: {  	s0 =	simm.s32 $0x169C0;
	s11 =	simm.s32 $0x6;
	s5 =	sadd.s32 s5, s8  }
0x25: {  	[dreg:$0x11] =	wrdreg s5;
	s5 =	sadd.s32 s19, s8;
	s19 =	simm.s32 $0x16840  }
0x26: {  	s8 =	simm.s32 $0x7;
	[dreg:$0x12] =	wrdreg s5;
	s5 =	simm.s32 $0x0  }
.LBB2_4:
0x27: {  	_ =	swait.ge [sflag:s31], $0x4000  }
0x28: {  	[sflag:s31] =	ssyncset.done $0x0  }
0x29: {  	[sflag:s31] =	ssyncadd.s32 $0xFFFFC000  }
0x2a: {  	_ =	swait.ge [sflag:s11], $0x80  }
0x2b: {  	[sflag:s11] =	ssyncset.done $0x0  }
0x2c: {  	[sflag:s11] =	ssyncadd.s32 $0xFFFFFF80  }
0x2d: {  	[spmem:s3] =	stream.indirect.scatter.add.f32 [tilespmem:s26], [sflag:$0x8], $0x80, s0, s24, $0xb8;
	[tilespmem:$0x1EA40] =	vst v63  }
0x2e: {  	_ =	swait.ge [sflag:s8], $0x4000  }
0x2f: {  	[sflag:s8] =	ssyncset.done $0x0  }
0x30: {  	[sflag:s8] =	ssyncadd.s32 $0xFFFFC000  }
0x31: {  	_ =	swait.ge [sflag:s10], $0x4000  }
0x32: {  	[sflag:s10] =	ssyncset.done $0x0  }
0x33: {  	[sflag:s10] =	ssyncadd.s32 $0xFFFFC000  }
0x34: {  	[bflag:$0x0] =	sbarrier.arrive $0xFFFF  }
0x35: {  	s7 =	simm.s32 @p0 $0x16A40;
	s13 =	simm.s32 @p0 $0x9;
	s5 =	rddreg [dreg:$0x1d]  }
0x36: {  	[tilespmem:s7], [sflag:$0x9] =	stream.linear.gather @p0 [spmem:s5], $0x4000, $0x38;
	[tilespmem:$0x1EA40] =	vst v63  }
0x37: {  	_ =	swait.ge @p0 [sflag:s13], $0x4000  }
0x38: {  	[sflag:s13] =	ssyncset.done @p0 $0x0  }
0x39: {  	s15 =	simm.s32 @p0 $0x0;
	s17 =	rddreg [dreg:$0xc];
	[sflag:s13] =	ssyncadd.s32 @p0 $0xFFFFC000  }
0x3a: {  	[hbm4b:s17+s15] =	stream.linear.scatter @p0 [tilespmem:s7], [sflag:$0x9], $0x4000, $0x38;
	[tilespmem:$0x1EA40] =	vst v63  }
0x3b: {  	_ =	swait.ge @p0 [sflag:s13], $0x4000  }
0x3c: {  	[sflag:s13] =	ssyncset.done @p0 $0x0  }
0x3d: {  	s5 =	rddreg [dreg:$0x1e];
	[sflag:s13] =	ssyncadd.s32 @p0 $0xFFFFC000  }
0x3e: {  	[tilespmem:s7], [sflag:$0x9] =	stream.linear.gather @p0 [spmem:s5], $0x4000, $0x38;
	[tilespmem:$0x1EA40] =	vst v63  }
0x3f: {  	_ =	swait.ge @p0 [sflag:s13], $0x4000  }
0x40: {  	[sflag:s13] =	ssyncset.done @p0 $0x0  }
0x41: {  	s18 =	rddreg [dreg:$0xd];
	[sflag:s13] =	ssyncadd.s32 @p0 $0xFFFFC000  }
0x42: {  	[hbm4b:s18+s15] =	stream.linear.scatter @p0 [tilespmem:s7], [sflag:$0x9], $0x4000, $0x38;
	[tilespmem:$0x1EA40] =	vst v63  }
0x43: {  	_ =	swait.ge @p0 [sflag:s13], $0x4000  }
0x44: {  	[sflag:s13] =	ssyncset.done @p0 $0x0  }
0x45: {  	[sflag:s13] =	ssyncadd.s32 @p0 $0xFFFFC000  }
0x46: {  	[tilespmem:s7], [sflag:$0x9] =	stream.linear.gather @p0 [spmem:s29], $0x4000, $0x38;
	[tilespmem:$0x1EA40] =	vst v63  }
0x47: {  	_ =	swait.ge @p0 [sflag:s13], $0x4000  }
0x48: {  	[sflag:s13] =	ssyncset.done @p0 $0x0  }
0x49: {  	s23 =	rddreg [dreg:$0xe];
	[sflag:s13] =	ssyncadd.s32 @p0 $0xFFFFC000  }
0x4a: {  	[hbm4b:s23+s15] =	stream.linear.scatter @p0 [tilespmem:s7], [sflag:$0x9], $0x4000, $0x38;
	[tilespmem:$0x1EA40] =	vst v63  }
0x4b: {  	_ =	swait.ge @p0 [sflag:s13], $0x4000  }
0x4c: {  	[sflag:s13] =	ssyncset.done @p0 $0x0  }
0x4d: {  	s30 =	rddreg [dreg:$0x19];
	[sflag:s13] =	ssyncadd.s32 @p0 $0xFFFFC000  }
0x4e: {  	[tilespmem:s7], [sflag:$0x9] =	stream.linear.gather @p0 [spmem:s30], $0x4000, $0x38;
	[tilespmem:$0x1EA40] =	vst v63  }
0x4f: {  	_ =	swait.ge @p0 [sflag:s13], $0x4000  }
0x50: {  	[sflag:s13] =	ssyncset.done @p0 $0x0  }
0x51: {  	s25 =	rddreg [dreg:$0xf];
	[sflag:s13] =	ssyncadd.s32 @p0 $0xFFFFC000  }
0x52: {  	[hbm4b:s25+s15] =	stream.linear.scatter @p0 [tilespmem:s7], [sflag:$0x9], $0x4000, $0x38;
	[tilespmem:$0x1EA40] =	vst v63  }
0x53: {  	_ =	swait.ge @p0 [sflag:s13], $0x4000  }
0x54: {  	[sflag:s13] =	ssyncset.done @p0 $0x0  }
0x55: {  	[sflag:s13] =	ssyncadd.s32 @p0 $0xFFFFC000  }
0x56: {  	[tilespmem:s7], [sflag:$0x9] =	stream.linear.gather @p0 [spmem:s12], $0x800, $0x38;
	[tilespmem:$0x1EA40] =	vst v63  }
0x57: {  	_ =	swait.ge @p0 [sflag:s13], $0x800  }
0x58: {  	[sflag:s13] =	ssyncset.done @p0 $0x0  }
0x59: {  	s5 =	rddreg [dreg:$0x14];
	[sflag:s13] =	ssyncadd.s32 @p0 $0xFFFFF800  }
0x5a: {  	[hbm4b:s5+s15] =	stream.linear.scatter @p0 [tilespmem:s7], [sflag:$0x9], $0x800, $0x38;
	[tilespmem:$0x1EA40] =	vst v63  }
0x5b: {  	_ =	swait.ge @p0 [sflag:s13], $0x800  }
0x5c: {  	s7 =	simm.s32 @!p0 $0x16A40;
	[sflag:s13] =	ssyncset.done @p0 $0x0  }
0x5d: {  	s16 =	rddreg [dreg:$0x18];
	[sflag:s13] =	ssyncadd.s32 @p0 $0xFFFFF800;
	s13 =	simm.s32 @!p0 $0x9  }
0x5e: {  	[tilespmem:s7], [sflag:$0x9] =	stream.linear.gather @!p0 [spmem:s16], $0x4000, $0x38;
	[tilespmem:$0x1EA40] =	vst v63  }
0x5f: {  	_ =	swait.ge @!p0 [sflag:s13], $0x4000  }
0x60: {  	[sflag:s13] =	ssyncset.done @!p0 $0x0  }
0x61: {  	s15 =	simm.s32 @!p0 $0x0;
	[sflag:s13] =	ssyncadd.s32 @!p0 $0xFFFFC000  }
0x62: {  	[hbm4b:s17+s15] =	stream.linear.scatter @!p0 [tilespmem:s7], [sflag:$0x9], $0x4000, $0x38;
	[tilespmem:$0x1EA40] =	vst v63  }
0x63: {  	_ =	swait.ge @!p0 [sflag:s13], $0x4000  }
0x64: {  	[sflag:s13] =	ssyncset.done @!p0 $0x0  }
0x65: {  	s17 =	rddreg [dreg:$0x16];
	[sflag:s13] =	ssyncadd.s32 @!p0 $0xFFFFC000  }
0x66: {  	[tilespmem:s7], [sflag:$0x9] =	stream.linear.gather @!p0 [spmem:s17], $0x4000, $0x38;
	[tilespmem:$0x1EA40] =	vst v63  }
0x67: {  	_ =	swait.ge @!p0 [sflag:s13], $0x4000  }
0x68: {  	[sflag:s13] =	ssyncset.done @!p0 $0x0  }
0x69: {  	[sflag:s13] =	ssyncadd.s32 @!p0 $0xFFFFC000  }
0x6a: {  	[hbm4b:s18+s15] =	stream.linear.scatter @!p0 [tilespmem:s7], [sflag:$0x9], $0x4000, $0x38;
	[tilespmem:$0x1EA40] =	vst v63  }
0x6b: {  	_ =	swait.ge @!p0 [sflag:s13], $0x4000  }
0x6c: {  	[sflag:s13] =	ssyncset.done @!p0 $0x0  }
0x6d: {  	s18 =	rddreg [dreg:$0xa];
	[sflag:s13] =	ssyncadd.s32 @!p0 $0xFFFFC000  }
0x6e: {  	[tilespmem:s7], [sflag:$0x9] =	stream.linear.gather @!p0 [spmem:s18], $0x4000, $0x38;
	[tilespmem:$0x1EA40] =	vst v63  }
0x6f: {  	_ =	swait.ge @!p0 [sflag:s13], $0x4000  }
0x70: {  	[sflag:s13] =	ssyncset.done @!p0 $0x0  }
0x71: {  	[sflag:s13] =	ssyncadd.s32 @!p0 $0xFFFFC000  }
0x72: {  	[hbm4b:s23+s15] =	stream.linear.scatter @!p0 [tilespmem:s7], [sflag:$0x9], $0x4000, $0x38;
	[tilespmem:$0x1EA40] =	vst v63  }
0x73: {  	_ =	swait.ge @!p0 [sflag:s13], $0x4000  }
0x74: {  	[sflag:s13] =	ssyncset.done @!p0 $0x0  }
0x75: {  	s23 =	rddreg [dreg:$0x7];
	[sflag:s13] =	ssyncadd.s32 @!p0 $0xFFFFC000  }
0x76: {  	[tilespmem:s7], [sflag:$0x9] =	stream.linear.gather @!p0 [spmem:s23], $0x4000, $0x38;
	[tilespmem:$0x1EA40] =	vst v63  }
0x77: {  	_ =	swait.ge @!p0 [sflag:s13], $0x4000  }
0x78: {  	[sflag:s13] =	ssyncset.done @!p0 $0x0  }
0x79: {  	[sflag:s13] =	ssyncadd.s32 @!p0 $0xFFFFC000  }
0x7a: {  	[hbm4b:s25+s15] =	stream.linear.scatter @!p0 [tilespmem:s7], [sflag:$0x9], $0x4000, $0x38;
	[tilespmem:$0x1EA40] =	vst v63  }
0x7b: {  	_ =	swait.ge @!p0 [sflag:s13], $0x4000  }
0x7c: {  	[sflag:s13] =	ssyncset.done @!p0 $0x0  }
0x7d: {  	s25 =	rddreg [dreg:$0x8];
	[sflag:s13] =	ssyncadd.s32 @!p0 $0xFFFFC000  }
0x7e: {  	[tilespmem:s7], [sflag:$0x9] =	stream.linear.gather @!p0 [spmem:s25], $0x4000, $0x38;
	[tilespmem:$0x1EA40] =	vst v63  }
0x7f: {  	_ =	swait.ge @!p0 [sflag:s13], $0x4000  }
0x80: {  	[sflag:s13] =	ssyncset.done @!p0 $0x0  }
0x81: {  	[sflag:s13] =	ssyncadd.s32 @!p0 $0xFFFFC000  }
0x82: {  	[hbm4b:s5+s15] =	stream.linear.scatter @!p0 [tilespmem:s7], [sflag:$0x9], $0x4000, $0x38;
	[tilespmem:$0x1EA40] =	vst v63  }
0x83: {  	_ =	swait.ge @!p0 [sflag:s13], $0x4000  }
0x84: {  	[sflag:s13] =	ssyncset.done @!p0 $0x0  }
0x85: {  	s28 =	rddreg [dreg:$0x9];
	[sflag:s13] =	ssyncadd.s32 @!p0 $0xFFFFC000  }
0x86: {  	[tilespmem:s7], [sflag:$0x9] =	stream.linear.gather @!p0 [spmem:s28], $0x400, $0x38;
	[tilespmem:$0x1EA40] =	vst v63  }
0x87: {  	_ =	swait.ge @!p0 [sflag:s13], $0x400  }
0x88: {  	[sflag:s13] =	ssyncset.done @!p0 $0x0  }
0x89: {  	s5 =	rddreg [dreg:$0x15];
	[sflag:s13] =	ssyncadd.s32 @!p0 $0xFFFFFC00  }
0x8a: {  	[hbm4b:s5+s15] =	stream.linear.scatter @!p0 [tilespmem:s7], [sflag:$0x9], $0x400, $0x38;
	[tilespmem:$0x1EA40] =	vst v63  }
0x8b: {  	s29 =	rddreg [dreg:$0x1a];
	_ =	swait.ge @!p0 [sflag:s13], $0x400  }
0x8c: {  	s7 =	rddreg [dreg:$0x1f]  }
0x8d: {  	s15 =	smov.u32 s28;
	s28 =	rddreg [dreg:$0x17];
	s5 =	sadd.s32 $0x1, s7  }
0x8e: {  	p1 =	sne.s32 s5, s28  }
.Ltmp1:
0x8f: {  	_ = 	snop;
	(pc) =	sbr.rel @!p1 .LBB2_5-.Ltmp1, $3  }
0x90: {  	_ =	sdelay $0x1  }
0x91: {  	[sflag:s13] =	ssyncset.done @!p0 $0x0  }
0x92: {  	[sflag:s13] =	ssyncadd.s32 @!p0 $0xFFFFFC00;
	s13 =	rddreg [dreg:$0x1d]  }
.LBB2_1:
0x93: {  	[dreg:$0x1f] =	wrdreg s5  }
0x94: {  	s7 =	rddreg [dreg:$0x6];
	s28 =	simm.s32 $0x14040;
	s5 =	simm.s32 $0x9  }
0x95: {  	[tilespmem:s28], [sflag:$0x9] =	stream.linear.gather [hbm4b:s7+s4], $0x2800, $0x38;
	[tilespmem:$0x1EA40] =	vst v63  }
0x96: {  	_ =	swait.ge [sflag:s5], $0x2800  }
0x97: {  	[sflag:s5] =	ssyncset.done $0x0  }
0x98: {  	s7 =	rddreg [dreg:$0x5];
	[sflag:s5] =	ssyncadd.s32 $0xFFFFD800  }
0x99: {  	[tilespmem:s6], [sflag:$0x9] =	stream.linear.gather [hbm4b:s7+s4], $0x4000, $0x38;
	[tilespmem:$0x1EA40] =	vst v63  }
0x9a: {  	_ =	swait.ge [sflag:s5], $0x4000  }
0x9b: {  	[sflag:s5] =	ssyncset.done $0x0  }
0x9c: {  	s7 =	simm.s32 @p0 $0x16A40;
	[sflag:s5] =	ssyncadd.s32 $0xFFFFC000  }
0x9d: {  	[spmem:s13] =	stream.linear.scatter @p0 [tilespmem:s7], [sflag:$0x9], $0x4000, $0x38;
	[tilespmem:$0x1EA40] =	vst v63  }
0x9e: {  	s13 =	simm.s32 @p0 $0x9  }
0x9f: {  	_ =	swait.ge @p0 [sflag:s13], $0x4000  }
0xa0: {  	[sflag:s13] =	ssyncset.done @p0 $0x0  }
0xa1: {  	s5 =	rddreg [dreg:$0x1e];
	[sflag:s13] =	ssyncadd.s32 @p0 $0xFFFFC000  }
0xa2: {  	[spmem:s5] =	stream.linear.scatter @p0 [tilespmem:s7], [sflag:$0x9], $0x4000, $0x38;
	[tilespmem:$0x1EA40] =	vst v63  }
0xa3: {  	_ =	swait.ge @p0 [sflag:s13], $0x4000  }
0xa4: {  	[sflag:s13] =	ssyncset.done @p0 $0x0  }
0xa5: {  	[sflag:s13] =	ssyncadd.s32 @p0 $0xFFFFC000  }
0xa6: {  	[spmem:s29] =	stream.linear.scatter @p0 [tilespmem:s7], [sflag:$0x9], $0x4000, $0x38;
	[tilespmem:$0x1EA40] =	vst v63  }
0xa7: {  	_ =	swait.ge @p0 [sflag:s13], $0x4000  }
0xa8: {  	[sflag:s13] =	ssyncset.done @p0 $0x0  }
0xa9: {  	[sflag:s13] =	ssyncadd.s32 @p0 $0xFFFFC000  }
0xaa: {  	[spmem:s30] =	stream.linear.scatter @p0 [tilespmem:s7], [sflag:$0x9], $0x4000, $0x38;
	[tilespmem:$0x1EA40] =	vst v63  }
0xab: {  	_ =	swait.ge @p0 [sflag:s13], $0x4000  }
0xac: {  	[sflag:s13] =	ssyncset.done @p0 $0x0  }
0xad: {  	[sflag:s13] =	ssyncadd.s32 @p0 $0xFFFFC000  }
0xae: {  	[spmem:s12] =	stream.linear.scatter @p0 [tilespmem:s7], [sflag:$0x9], $0x800, $0x38;
	[tilespmem:$0x1EA40] =	vst v63  }
0xaf: {  	_ =	swait.ge @p0 [sflag:s13], $0x800  }
0xb0: {  	[sflag:s13] =	ssyncset.done @p0 $0x0  }
0xb1: {  	s7 =	simm.s32 @!p0 $0x16A40;
	[sflag:s13] =	ssyncadd.s32 @p0 $0xFFFFF800;
	s13 =	simm.s32 @!p0 $0x9  }
0xb2: {  	[spmem:s16] =	stream.linear.scatter @!p0 [tilespmem:s7], [sflag:$0x9], $0x4000, $0x38;
	[tilespmem:$0x1EA40] =	vst v63  }
0xb3: {  	_ =	swait.ge @!p0 [sflag:s13], $0x4000  }
0xb4: {  	[sflag:s13] =	ssyncset.done @!p0 $0x0  }
0xb5: {  	[sflag:s13] =	ssyncadd.s32 @!p0 $0xFFFFC000  }
0xb6: {  	[spmem:s17] =	stream.linear.scatter @!p0 [tilespmem:s7], [sflag:$0x9], $0x4000, $0x38;
	[tilespmem:$0x1EA40] =	vst v63  }
0xb7: {  	_ =	swait.ge @!p0 [sflag:s13], $0x4000  }
0xb8: {  	[sflag:s13] =	ssyncset.done @!p0 $0x0  }
0xb9: {  	[sflag:s13] =	ssyncadd.s32 @!p0 $0xFFFFC000  }
0xba: {  	[spmem:s18] =	stream.linear.scatter @!p0 [tilespmem:s7], [sflag:$0x9], $0x4000, $0x38;
	[tilespmem:$0x1EA40] =	vst v63  }
0xbb: {  	_ =	swait.ge @!p0 [sflag:s13], $0x4000  }
0xbc: {  	[sflag:s13] =	ssyncset.done @!p0 $0x0  }
0xbd: {  	[sflag:s13] =	ssyncadd.s32 @!p0 $0xFFFFC000  }
0xbe: {  	[spmem:s23] =	stream.linear.scatter @!p0 [tilespmem:s7], [sflag:$0x9], $0x4000, $0x38;
	[tilespmem:$0x1EA40] =	vst v63  }
0xbf: {  	_ =	swait.ge @!p0 [sflag:s13], $0x4000  }
0xc0: {  	[sflag:s13] =	ssyncset.done @!p0 $0x0  }
0xc1: {  	[sflag:s13] =	ssyncadd.s32 @!p0 $0xFFFFC000  }
0xc2: {  	[spmem:s25] =	stream.linear.scatter @!p0 [tilespmem:s7], [sflag:$0x9], $0x4000, $0x38;
	[tilespmem:$0x1EA40] =	vst v63  }
0xc3: {  	_ =	swait.ge @!p0 [sflag:s13], $0x4000  }
0xc4: {  	[sflag:s13] =	ssyncset.done @!p0 $0x0  }
0xc5: {  	[sflag:s13] =	ssyncadd.s32 @!p0 $0xFFFFC000  }
0xc6: {  	[spmem:s15] =	stream.linear.scatter @!p0 [tilespmem:s7], [sflag:$0x9], $0x400, $0x38;
	[tilespmem:$0x1EA40] =	vst v63  }
0xc7: {  	_ =	swait.ge @!p0 [sflag:s13], $0x400  }
0xc8: {  	[sflag:s13] =	ssyncset.done @!p0 $0x0  }
0xc9: {  	[sflag:s13] =	ssyncadd.s32 @!p0 $0xFFFFFC00  }
0xca: {  	[bflag:$0x0] =	sbarrier.arrive $0xFFFF  }
0xcb: {  	s23 =	rddreg [dreg:$0xb]  }
0xcc: {  	s25 =	rddreg [dreg:$0x1b]  }
0xcd: {  	s30 =	rddreg [dreg:$0x1c]  }
0xce: {  	s13 =	rddreg [dreg:$0x13]  }
0xcf: {  	[tilespmem:s19], [sflag:$0x3] =	stream.linear.gather [hbm4b:s23+s4], $0x80, $0x38;
	[tilespmem:$0x1EA40] =	vst v63  }
0xd0: {  	s15 =	rddreg [dreg:$0x12]  }
0xd1: {  	[tilespmem:s20], [sflag:$0x4] =	stream.linear.gather [hbm4b:s25+s4], $0x80, $0x38;
	[tilespmem:$0x1EA40] =	vst v63  }
0xd2: {  	s16 =	rddreg [dreg:$0x11]  }
0xd3: {  	[tilespmem:s21], [sflag:$0x5] =	stream.linear.gather [hbm4b:s30+s4], $0x80, $0x38;
	[tilespmem:$0x1EA40] =	vst v63  }
0xd4: {  	s18 =	simm.s32 $0x0;
	s17 =	rddreg [dreg:$0x10]  }
0xd5: {  	[tilespmem:s6], [sflag:$0x1] =	stream.indirect.gather [hbm4b:s1+s24], $0x80, s28, s24, $0xb8;
	[tilespmem:$0x1EA40] =	vst v63  }
.LBB2_2:
0xd6: {  	_ =	swait.ge [sflag:s14], $0x4000  }
0xd7: {  	[sflag:s14] =	ssyncset.done $0x0  }
0xd8: {  	[sflag:s14] =	ssyncadd.s32 $0xFFFFC000  }
0xd9: {  	_ =	swait.ge [sflag:s22], $0x80  }
0xda: {  	p1 =	seq.s32 s18, $0x0;
	[sflag:s22] =	ssyncset.done $0x0  }
0xdb: {  	s23 =	simm.s32 @!p1 $0x8;
	[sflag:s22] =	ssyncadd.s32 $0xFFFFFF80  }
0xdc: {  	[spmem:s3] =	stream.indirect.scatter.add.f32 [tilespmem:s6], [sflag:$0x7], $0x80, s19, s24, $0xb8;
	[tilespmem:$0x1EA40] =	vst v63  }
0xdd: {  	_ =	swait.ge @!p1 [sflag:s23], $0x4000  }
0xde: {  	s7 =	sshra.s32 s18, $0x2;
	[sflag:s23] =	ssyncset.done @!p1 $0x0  }
0xdf: {  	s25 =	sadd.s32 $0x140C0, s7;
	[sflag:s23] =	ssyncadd.s32 @!p1 $0xFFFFC000  }
0xe0: {  	[tilespmem:s26], [sflag:$0x2] =	stream.indirect.gather [hbm4b:s1+s24], $0x80, s25, s24, $0xb8;
	[tilespmem:$0x1EA40] =	vst v63  }
0xe1: {  	_ = 	snop  }
0xe2: {  	[tilespmem:s0], [sflag:$0x6] =	stream.linear.gather [hbm4b:s13+s4], $0x80, $0x38;
	[tilespmem:$0x1EA40] =	vst v63  }
0xe3: {  	_ =	swait.ge [sflag:s31], $0x4000  }
0xe4: {  	[sflag:s31] =	ssyncset.done $0x0  }
0xe5: {  	[sflag:s31] =	ssyncadd.s32 $0xFFFFC000  }
0xe6: {  	_ =	swait.ge [sflag:s2], $0x80  }
0xe7: {  	[sflag:s2] =	ssyncset.done $0x0  }
0xe8: {  	[sflag:s2] =	ssyncadd.s32 $0xFFFFFF80  }
0xe9: {  	[spmem:s3] =	stream.indirect.scatter.add.f32 [tilespmem:s26], [sflag:$0x8], $0x80, s20, s24, $0xb8;
	[tilespmem:$0x1EA40] =	vst v63  }
0xea: {  	_ =	swait.ge [sflag:s8], $0x4000  }
0xeb: {  	[sflag:s8] =	ssyncset.done $0x0  }
0xec: {  	s28 =	sadd.s32 $0x14140, s7;
	p1 =	seq.s32 s18, $0x9800;
	[sflag:s8] =	ssyncadd.s32 $0xFFFFC000  }
0xed: {  	[tilespmem:s6], [sflag:$0x1] =	stream.indirect.gather [hbm4b:s1+s24], $0x80, s28, s24, $0xb8;
	[tilespmem:$0x1EA40] =	vst v63  }
0xee: {  	s23 =	simm.s32 @!p1 $0x0;
	s25 =	simm.s32 @!p1 $0x16840  }
0xef: {  	[tilespmem:s25], [sflag:$0x3] =	stream.linear.gather @!p1 [hbm4b:s15+s23], $0x80, $0x38;
	[tilespmem:$0x1EA40] =	vst v63  }
0xf0: {  	_ =	swait.ge [sflag:s14], $0x4000  }
0xf1: {  	[sflag:s14] =	ssyncset.done $0x0  }
0xf2: {  	[sflag:s14] =	ssyncadd.s32 $0xFFFFC000  }
0xf3: {  	_ =	swait.ge [sflag:s9], $0x80  }
0xf4: {  	[sflag:s9] =	ssyncset.done $0x0  }
0xf5: {  	[sflag:s9] =	ssyncadd.s32 $0xFFFFFF80  }
0xf6: {  	[spmem:s3] =	stream.indirect.scatter.add.f32 [tilespmem:s6], [sflag:$0x7], $0x80, s21, s24, $0xb8;
	[tilespmem:$0x1EA40] =	vst v63  }
.Ltmp2:
0xf7: {  	_ = 	snop;
	(pc) =	sbr.rel @p1 .LBB2_4-.Ltmp2, $4  }
0xf8: {  	_ =	swait.ge [sflag:s10], $0x4000  }
0xf9: {  	[sflag:s10] =	ssyncset.done $0x0  }
0xfa: {  	s30 =	sadd.s32 $0x141C0, s7;
	[sflag:s10] =	ssyncadd.s32 $0xFFFFC000  }
0xfb: {  	[tilespmem:s26], [sflag:$0x2] =	stream.indirect.gather [hbm4b:s1+s24], $0x80, s30, s24, $0xb8;
	[tilespmem:$0x1EA40] =	vst v63  }
0xfc: {  	[tilespmem:s20], [sflag:$0x4] =	stream.linear.gather [hbm4b:s16+s4], $0x80, $0x38;
	[tilespmem:$0x1EA40] =	vst v63  }
0xfd: {  	_ =	swait.ge [sflag:s31], $0x4000  }
0xfe: {  	[sflag:s31] =	ssyncset.done $0x0  }
0xff: {  	[sflag:s31] =	ssyncadd.s32 $0xFFFFC000  }
0x100: {  	_ =	swait.ge [sflag:s11], $0x80  }
0x101: {  	[sflag:s11] =	ssyncset.done $0x0  }
0x102: {  	[sflag:s11] =	ssyncadd.s32 $0xFFFFFF80  }
0x103: {  	[spmem:s3] =	stream.indirect.scatter.add.f32 [tilespmem:s26], [sflag:$0x8], $0x80, s0, s24, $0xb8;
	[tilespmem:$0x1EA40] =	vst v63  }
0x104: {  	_ =	swait.ge [sflag:s8], $0x4000  }
0x105: {  	[sflag:s8] =	ssyncset.done $0x0  }
.Ltmp3:
0x106: {  	s7 =	sadd.s32 $0x14240, s7;
	[sflag:s8] =	ssyncadd.s32 $0xFFFFC000;
	(pc) =	sbr.rel .LBB2_2-.Ltmp3, $4  }
0x107: {  	[tilespmem:s6], [sflag:$0x1] =	stream.indirect.gather [hbm4b:s1+s24], $0x80, s7, s24, $0xb8;
	[tilespmem:$0x1EA40] =	vst v63  }
0x108: {  	s18 =	sadd.s32 $0x800, s18;
	s16 =	sadd.s32 $0x40, s16  }
0x109: {  	[tilespmem:s21], [sflag:$0x5] =	stream.linear.gather [hbm4b:s17+s4], $0x80, $0x38;
	[tilespmem:$0x1EA40] =	vst v63  }
0x10a: {  	s15 =	sadd.s32 $0x40, s15;
	s13 =	sadd.s32 $0x40, s13;
	s17 =	sadd.s32 $0x40, s17  }
.LBB2_5:
0x10b: {  	_ =	sfence.sel $0x180000  }
0x10c: {  	[bflag:$0x0] =	sbarrier.arrive $0xFFFF  }
0x10d: {  	_ =	strace $0x90000047  }
0x10e: {  	s0 =	stileid.u32;
	[bflag:$0x2] =	sbarrier.arrive $0xFFFF  }
0x10f: {  	p0 =	sne.s32 s0, $0x0;
	s0 =	rddreg [dreg:$0x4]  }
0x110: {  	s0 =	sadd.s32 @!p0 $0x100000, s0  }
0x111: {  	[sflag:s0] =	ssyncadd.tile.s32 @!p0 $0x1;
	_ =	shalt  }
.Lfunc_end2:
_tile_overlayer_lowered:
.L_overlay_start_2:
0x112: {  	(tag) =	ssettag $0x2  }
0x113: {  	s0 =	rddreg [dreg:$0x0];
	s2 =	stileid.u32  }
0x114: {  	s1 =	rddreg [dreg:$0x1];
	p0 =	sne.s32 s2, $0x0  }
0x115: {  	s3 =	rddreg [dreg:$0x2];
	[bflag:$0x3] =	sbarrier.arrive $0xFFFF;
	s2 =	simm.s32 @!p0 $0x1C09  }
0x116: {  	[timem:s3], [sflag:s2] =	dma.local @!p0 [hbm:s0], s1  }
0x117: {  	s0 =	simm.s32 @!p0 $0x9  }
0x118: {  	_ =	swait.ge @!p0 [sflag:s0], s1  }
0x119: {  	s1 =	ssub.s32 @!p0 $0x0, s1;
	[sflag:s0] =	ssyncset.done @!p0 $0x0  }
0x11a: {  	[sflag:s0] =	ssyncadd.s32 @!p0 s1  }
0x11b: {  	[bflag:$0x3] =	sbarrier.arrive $0xFFFF  }
0x11c: {  	_ =	shalt  }

</sc_bundles>
